<compile_context>
chip_gen: v7x
topology: tpu7x:2x2x1
jax: 0.10.2.dev20260603
libtpu: 0.0.44.dev20260713+nightly
codegen_flags: <defaults>
</compile_context>

<pallas_src>
import functools

import jax
import jax.numpy as jnp
from jax import lax
from jax.experimental import pallas as pl
from jax.experimental.pallas import tpu as pltpu
from jax.experimental.pallas import tpu_sc as plsc

VOCAB = 100000
EMBED = 128
BATCH = 4096
SEQ = 50

NC = 2
NS = 16
NW = NC * NS
BPW = BATCH // NW
L = 16
NCH = EMBED // L
NBUF = 6

_mesh = plsc.VectorSubcoreMesh(core_axis_name="c", subcore_axis_name="s")


def _sc_body(xcat_hbm, emb_hbm, wb_hbm, o0_hbm, o1_hbm, *refs):
  idx_v = refs[0]
  rows = list(refs[1:1 + NBUF])
  dots_v, ss1_v, ss2_v, out0_v, out1_v, wb_v = refs[1 + NBUF:7 + NBUF]
  sems = list(refs[7 + NBUF:7 + 2 * NBUF])

  wid = lax.axis_index("s") * NC + lax.axis_index("c")
  base = wid * BPW

  pltpu.sync_copy(xcat_hbm.at[pl.ds(base, BPW)], idx_v)
  pltpu.sync_copy(wb_hbm, wb_v)

  def gather(b, j):
    return pltpu.make_async_copy(emb_hbm.at[idx_v.at[b]], rows[j], sems[j])

  def accumulate(rows_v, b):
    def rbody(r, accs):
      new = []
      for c in range(NCH):
        new.append(accs[c] + rows_v[r, pl.ds(c * L, L)])
      for c in range(NCH):
        new.append(accs[NCH + c] + rows_v[SEQ + r, pl.ds(c * L, L)])
      return tuple(new)

    init = tuple(
        [rows_v[0, pl.ds(c * L, L)] for c in range(NCH)]
        + [rows_v[SEQ, pl.ds(c * L, L)] for c in range(NCH)])
    accs = lax.fori_loop(1, SEQ, rbody, init, unroll=2)
    dotv = accs[0] * accs[NCH]
    ss1v = accs[0] * accs[0]
    ss2v = accs[NCH] * accs[NCH]
    for c in range(1, NCH):
      dotv += accs[c] * accs[NCH + c]
      ss1v += accs[c] * accs[c]
      ss2v += accs[NCH + c] * accs[NCH + c]
    lastmask = lax.iota(jnp.int32, 16) == 15
    bvec = jnp.full((L,), b, jnp.int32)
    plsc.store_scatter(dots_v, [bvec], jnp.cumsum(dotv), mask=lastmask)
    plsc.store_scatter(ss1_v, [bvec], jnp.cumsum(ss1v), mask=lastmask)
    plsc.store_scatter(ss2_v, [bvec], jnp.cumsum(ss2v), mask=lastmask)

  for j in range(NBUF - 1):
    gather(j, j).start()

  def group(i, carry):
    b0 = NBUF * i
    for j in range(NBUF):
      b = b0 + j
      gather(b, j).wait()

      @pl.when(b + NBUF - 1 < BPW)
      def _():
        gather(b + NBUF - 1, (j + NBUF - 1) % NBUF).start()

      accumulate(rows[j], b)

    return carry

  n_groups = BPW // NBUF
  lax.fori_loop(0, n_groups, group, 0)
  for b in range(n_groups * NBUF, BPW):
    gather(b, b % NBUF).wait()
    accumulate(rows[b % NBUF], b)

  wv = wb_v[...]
  w0 = wv[0]
  w1 = wv[1]
  b0_ = wv[2]
  b1_ = wv[3]
  inv2 = 1.0 / (SEQ * SEQ)
  for g in range(BPW // L):
    sl = pl.ds(g * L, L)
    dot = dots_v[sl] * inv2
    m1 = jnp.maximum(ss1_v[sl] * inv2, 1e-16)
    m2 = jnp.maximum(ss2_v[sl] * inv2, 1e-16)
    y = m1 * m2
    xi = jnp.int32(0x5F3759DF) - (lax.bitcast_convert_type(y, jnp.int32) >> 1)
    r = lax.bitcast_convert_type(xi, jnp.float32)
    for _ in range(3):
      r = r * (1.5 - 0.5 * y * r * r)
    cos = dot * r
    out0_v[sl] = cos * w0 + b0_
    out1_v[sl] = cos * w1 + b1_

  pltpu.sync_copy(out0_v, o0_hbm.at[pl.ds(base, BPW)])
  pltpu.sync_copy(out1_v, o1_hbm.at[pl.ds(base, BPW)])


_sc_pool = functools.partial(
    pl.kernel,
    out_type=(
        jax.ShapeDtypeStruct((BATCH,), jnp.float32),
        jax.ShapeDtypeStruct((BATCH,), jnp.float32),
    ),
    mesh=_mesh,
    compiler_params=pltpu.CompilerParams(needs_layout_passes=False),
    scratch_types=(
        [pltpu.VMEM((BPW, 2 * SEQ), jnp.int32)]
        + [pltpu.VMEM((2 * SEQ, EMBED), jnp.float32) for _ in range(NBUF)]
        + [pltpu.VMEM((BPW,), jnp.float32) for _ in range(5)]
        + [pltpu.VMEM((L,), jnp.float32)]
        + [pltpu.SemaphoreType.DMA for _ in range(NBUF)]
    ),
)(_sc_body)


def kernel(x1, x2, embedding, fc_w, fc_b):
  xcat = jnp.concatenate(
      [x1.astype(jnp.int32), x2.astype(jnp.int32)], axis=1)
  wb = jnp.concatenate(
      [fc_w.reshape(-1), fc_b, jnp.zeros((12,), jnp.float32)])
  o0, o1 = _sc_pool(xcat, embedding, wb)
  return jnp.stack([o0, o1], axis=1)

# --- scband reference (transcript-rebuilt; emitter-appended) ---
"""Pipeline reference for scband-question-pair-cosine-similarity-343597384329 (READ-ONLY COPY).

The authoritative reference and input builder live on the scoring server;
editing this copy changes nothing except your own understanding.
"""

import jax, jax.numpy as jnp
import numpy as np

VOCAB = 100000
EMBED = 128
BATCH = 4096
SEQ = 50

def setup_inputs(seed: int = 0) -> dict:
    key = jax.random.key(seed)
    k1, k2, k3, k4 = jax.random.split(key, 4)
    x1 = jax.random.randint(k1, (BATCH, SEQ), 0, VOCAB, dtype=jnp.int64 if jax.config.jax_enable_x64 else jnp.int32)
    x2 = jax.random.randint(k2, (BATCH, SEQ), 0, VOCAB, dtype=jnp.int64 if jax.config.jax_enable_x64 else jnp.int32)
    embedding = jax.random.normal(k3, (VOCAB, EMBED), dtype=jnp.float32)
    fc_w = jax.random.normal(k4, (2, 1), dtype=jnp.float32) * 0.1
    fc_b = jnp.zeros((2,), dtype=jnp.float32)
    return {"x1": x1, "x2": x2, "embedding": embedding, "fc_w": fc_w, "fc_b": fc_b}

def reference(x1, x2, embedding, fc_w, fc_b):
    # nn.Embedding lookup -> gather rows, then mean over sequence dim
    q1 = jnp.take(embedding, x1, axis=0).mean(axis=1)  # [B, E]
    q2 = jnp.take(embedding, x2, axis=0).mean(axis=1)  # [B, E]
    # nn.CosineSimilarity(dim=1, eps=1e-8)
    eps = 1e-8
    n1 = jnp.maximum(jnp.linalg.norm(q1, axis=1), eps)
    n2 = jnp.maximum(jnp.linalg.norm(q2, axis=1), eps)
    cos = jnp.sum(q1 * q2, axis=1) / (n1 * n2)
    cos = cos[:, None]  # unsqueeze(1) -> [B, 1]
    # nn.Linear(1, 2)
    return cos @ fc_w.T + fc_b

if __name__ == "__main__":
    import jax
    _d = setup_inputs()
    print(jax.jit(kernel)(*tuple(_d.values())))

</pallas_src>

<mosaic_0001>
#map = affine_map<(d0, d1) -> (0, 0)>
#map1 = affine_map<(d0, d1) -> (0)>
module attributes {stable_mosaic.version = 14 : i64} {
  func.func @_sc_body(%arg0: i32, %arg1: i32, %arg2: memref<4096x100xi32, #tpu.memory_space<hbm>>, %arg3: memref<100000x128xf32, #tpu.memory_space<hbm>>, %arg4: memref<16xf32, #tpu.memory_space<hbm>>, %arg5: memref<4096xf32, #tpu.memory_space<hbm>>, %arg6: memref<4096xf32, #tpu.memory_space<hbm>>, %arg7: memref<128x100xi32, #tpu.memory_space<vmem>>, %arg8: memref<100x128xf32, #tpu.memory_space<vmem>>, %arg9: memref<100x128xf32, #tpu.memory_space<vmem>>, %arg10: memref<100x128xf32, #tpu.memory_space<vmem>>, %arg11: memref<100x128xf32, #tpu.memory_space<vmem>>, %arg12: memref<100x128xf32, #tpu.memory_space<vmem>>, %arg13: memref<100x128xf32, #tpu.memory_space<vmem>>, %arg14: memref<128xf32, #tpu.memory_space<vmem>>, %arg15: memref<128xf32, #tpu.memory_space<vmem>>, %arg16: memref<128xf32, #tpu.memory_space<vmem>>, %arg17: memref<128xf32, #tpu.memory_space<vmem>>, %arg18: memref<128xf32, #tpu.memory_space<vmem>>, %arg19: memref<16xf32, #tpu.memory_space<vmem>>, %arg20: memref<!tpu.dma_semaphore, #tpu.memory_space<semaphore_mem>>, %arg21: memref<!tpu.dma_semaphore, #tpu.memory_space<semaphore_mem>>, %arg22: memref<!tpu.dma_semaphore, #tpu.memory_space<semaphore_mem>>, %arg23: memref<!tpu.dma_semaphore, #tpu.memory_space<semaphore_mem>>, %arg24: memref<!tpu.dma_semaphore, #tpu.memory_space<semaphore_mem>>, %arg25: memref<!tpu.dma_semaphore, #tpu.memory_space<semaphore_mem>>) attributes {dimension_semantics = [#tpu.dimension_semantics<core_parallel>, #tpu.dimension_semantics<subcore_parallel>], iteration_bounds = array<i64: 2, 16>, scalar_prefetch = 0 : i64, scratch_operands = 19 : i64, tpu.core_type = #tpu.core_type<sc_vector_subcore>, window_params = [{transform_indices = #map}, {transform_indices = #map}, {transform_indices = #map1}, {transform_indices = #map1}, {transform_indices = #map1}]} {
    %mul3A = arith.constant 2 : i32
    %mul3A_0 = arith.muli %arg1, %mul3A : i32
    %add3A = arith.addi %mul3A_0, %arg0 : i32
    %mul3A_1 = arith.constant 128 : i32
    %mul3A_2 = arith.muli %add3A, %mul3A_1 : i32
    "tpu.region"() ({
      %run_scoped3A = tpu.sem_alloc : memref<!tpu.dma_semaphore, #tpu.memory_space<semaphore_mem>>
      %dma_start3A_1037 = arith.constant 0 : i32
      %dma_start3A_1038 = tpu.memref_slice %arg2[%mul3A_2, %dma_start3A_1037] : memref<4096x100xi32, #tpu.memory_space<hbm>> -> memref<128x100xi32, #tpu.memory_space<hbm>>
      %dma_start3A_1039 = arith.constant 0 : i32
      %dma_start3A_1040 = tpu.memref_slice %arg2[%mul3A_2, %dma_start3A_1039] : memref<4096x100xi32, #tpu.memory_space<hbm>> -> memref<128x100xi32, #tpu.memory_space<hbm>>
      tpu.enqueue_dma source(%dma_start3A_1040 : memref<128x100xi32, #tpu.memory_space<hbm>>) target(%arg7 : memref<128x100xi32, #tpu.memory_space<vmem>>) target_semaphore(%run_scoped3A : memref<!tpu.dma_semaphore, #tpu.memory_space<semaphore_mem>>)
      %dma_wait3A_1041 = arith.constant 0 : i32
      %dma_wait3A_1042 = tpu.memref_slice %arg2[%mul3A_2, %dma_wait3A_1041] : memref<4096x100xi32, #tpu.memory_space<hbm>> -> memref<128x100xi32, #tpu.memory_space<hbm>>
      %dma_wait3A_1043 = arith.constant 0 : i32
      %dma_wait3A_1044 = tpu.memref_slice %arg2[%mul3A_2, %dma_wait3A_1043] : memref<4096x100xi32, #tpu.memory_space<hbm>> -> memref<128x100xi32, #tpu.memory_space<hbm>>
      tpu.wait_dma2 semaphore(%run_scoped3A : memref<!tpu.dma_semaphore, #tpu.memory_space<semaphore_mem>>) src(%dma_wait3A_1044 : memref<128x100xi32, #tpu.memory_space<hbm>>) dst(%arg7 : memref<128x100xi32, #tpu.memory_space<vmem>>)
      tpu.yield
    }) : () -> ()
    "tpu.region"() ({
      %run_scoped3A = tpu.sem_alloc : memref<!tpu.dma_semaphore, #tpu.memory_space<semaphore_mem>>
      tpu.enqueue_dma source(%arg4 : memref<16xf32, #tpu.memory_space<hbm>>) target(%arg19 : memref<16xf32, #tpu.memory_space<vmem>>) target_semaphore(%run_scoped3A : memref<!tpu.dma_semaphore, #tpu.memory_space<semaphore_mem>>)
      tpu.wait_dma2 semaphore(%run_scoped3A : memref<!tpu.dma_semaphore, #tpu.memory_space<semaphore_mem>>) src(%arg4 : memref<16xf32, #tpu.memory_space<hbm>>) dst(%arg19 : memref<16xf32, #tpu.memory_space<vmem>>)
      tpu.yield
    }) : () -> ()
    %dma_start3A = arith.constant 0 : i32
    %dma_start3A_3 = arith.constant 0 : i32
    %dma_start3A_4 = tpu.memref_slice %arg7[%dma_start3A, %dma_start3A_3] : memref<128x100xi32, #tpu.memory_space<vmem>> -> memref<1x100xi32, #tpu.memory_space<vmem>>
    %dma_start3A_5 = tpu.memref_squeeze %dma_start3A_4 : memref<1x100xi32, #tpu.memory_space<vmem>> -> memref<100xi32, #tpu.memory_space<vmem>>
    %dma_start3A_6 = arith.constant 0 : i32
    %dma_start3A_7 = arith.constant 0 : i32
    %dma_start3A_8 = tpu.memref_slice %arg3[%dma_start3A_6, %dma_start3A_7] : memref<100000x128xf32, #tpu.memory_space<hbm>> -> memref<100000x128xf32, #tpu.memory_space<hbm>>
    tpu.enqueue_indirect_dma source(%dma_start3A_8 : memref<100000x128xf32, #tpu.memory_space<hbm>>) target(%arg8 : memref<100x128xf32, #tpu.memory_space<vmem>>) offsets(%dma_start3A_5 : memref<100xi32, #tpu.memory_space<vmem>>) semaphore(%arg20 : memref<!tpu.dma_semaphore, #tpu.memory_space<semaphore_mem>>)
    %dma_start3A_9 = arith.constant 1 : i32
    %dma_start3A_10 = arith.constant 0 : i32
    %dma_start3A_11 = tpu.memref_slice %arg7[%dma_start3A_9, %dma_start3A_10] : memref<128x100xi32, #tpu.memory_space<vmem>> -> memref<1x100xi32, #tpu.memory_space<vmem>>
    %dma_start3A_12 = tpu.memref_squeeze %dma_start3A_11 : memref<1x100xi32, #tpu.memory_space<vmem>> -> memref<100xi32, #tpu.memory_space<vmem>>
    %dma_start3A_13 = arith.constant 0 : i32
    %dma_start3A_14 = arith.constant 0 : i32
    %dma_start3A_15 = tpu.memref_slice %arg3[%dma_start3A_13, %dma_start3A_14] : memref<100000x128xf32, #tpu.memory_space<hbm>> -> memref<100000x128xf32, #tpu.memory_space<hbm>>
    tpu.enqueue_indirect_dma source(%dma_start3A_15 : memref<100000x128xf32, #tpu.memory_space<hbm>>) target(%arg9 : memref<100x128xf32, #tpu.memory_space<vmem>>) offsets(%dma_start3A_12 : memref<100xi32, #tpu.memory_space<vmem>>) semaphore(%arg21 : memref<!tpu.dma_semaphore, #tpu.memory_space<semaphore_mem>>)
    %dma_start3A_16 = arith.constant 2 : i32
    %dma_start3A_17 = arith.constant 0 : i32
    %dma_start3A_18 = tpu.memref_slice %arg7[%dma_start3A_16, %dma_start3A_17] : memref<128x100xi32, #tpu.memory_space<vmem>> -> memref<1x100xi32, #tpu.memory_space<vmem>>
    %dma_start3A_19 = tpu.memref_squeeze %dma_start3A_18 : memref<1x100xi32, #tpu.memory_space<vmem>> -> memref<100xi32, #tpu.memory_space<vmem>>
    %dma_start3A_20 = arith.constant 0 : i32
    %dma_start3A_21 = arith.constant 0 : i32
    %dma_start3A_22 = tpu.memref_slice %arg3[%dma_start3A_20, %dma_start3A_21] : memref<100000x128xf32, #tpu.memory_space<hbm>> -> memref<100000x128xf32, #tpu.memory_space<hbm>>
    tpu.enqueue_indirect_dma source(%dma_start3A_22 : memref<100000x128xf32, #tpu.memory_space<hbm>>) target(%arg10 : memref<100x128xf32, #tpu.memory_space<vmem>>) offsets(%dma_start3A_19 : memref<100xi32, #tpu.memory_space<vmem>>) semaphore(%arg22 : memref<!tpu.dma_semaphore, #tpu.memory_space<semaphore_mem>>)
    %dma_start3A_23 = arith.constant 3 : i32
    %dma_start3A_24 = arith.constant 0 : i32
    %dma_start3A_25 = tpu.memref_slice %arg7[%dma_start3A_23, %dma_start3A_24] : memref<128x100xi32, #tpu.memory_space<vmem>> -> memref<1x100xi32, #tpu.memory_space<vmem>>
    %dma_start3A_26 = tpu.memref_squeeze %dma_start3A_25 : memref<1x100xi32, #tpu.memory_space<vmem>> -> memref<100xi32, #tpu.memory_space<vmem>>
    %dma_start3A_27 = arith.constant 0 : i32
    %dma_start3A_28 = arith.constant 0 : i32
    %dma_start3A_29 = tpu.memref_slice %arg3[%dma_start3A_27, %dma_start3A_28] : memref<100000x128xf32, #tpu.memory_space<hbm>> -> memref<100000x128xf32, #tpu.memory_space<hbm>>
    tpu.enqueue_indirect_dma source(%dma_start3A_29 : memref<100000x128xf32, #tpu.memory_space<hbm>>) target(%arg11 : memref<100x128xf32, #tpu.memory_space<vmem>>) offsets(%dma_start3A_26 : memref<100xi32, #tpu.memory_space<vmem>>) semaphore(%arg23 : memref<!tpu.dma_semaphore, #tpu.memory_space<semaphore_mem>>)
    %dma_start3A_30 = arith.constant 4 : i32
    %dma_start3A_31 = arith.constant 0 : i32
    %dma_start3A_32 = tpu.memref_slice %arg7[%dma_start3A_30, %dma_start3A_31] : memref<128x100xi32, #tpu.memory_space<vmem>> -> memref<1x100xi32, #tpu.memory_space<vmem>>
    %dma_start3A_33 = tpu.memref_squeeze %dma_start3A_32 : memref<1x100xi32, #tpu.memory_space<vmem>> -> memref<100xi32, #tpu.memory_space<vmem>>
    %dma_start3A_34 = arith.constant 0 : i32
    %dma_start3A_35 = arith.constant 0 : i32
    %dma_start3A_36 = tpu.memref_slice %arg3[%dma_start3A_34, %dma_start3A_35] : memref<100000x128xf32, #tpu.memory_space<hbm>> -> memref<100000x128xf32, #tpu.memory_space<hbm>>
    tpu.enqueue_indirect_dma source(%dma_start3A_36 : memref<100000x128xf32, #tpu.memory_space<hbm>>) target(%arg12 : memref<100x128xf32, #tpu.memory_space<vmem>>) offsets(%dma_start3A_33 : memref<100xi32, #tpu.memory_space<vmem>>) semaphore(%arg24 : memref<!tpu.dma_semaphore, #tpu.memory_space<semaphore_mem>>)
    %scan3A = arith.constant 0 : i32
    %scan3A_37 = arith.constant 0 : i32
    %scan3A_38 = arith.constant 21 : i32
    %scan3A_39 = arith.addi %scan3A_37, %scan3A_38 : i32
    %scan3A_40 = arith.constant 1 : i32
    scf.for %scan3A_1037 = %scan3A_37 to %scan3A_39 step %scan3A_40  : i32 {
      %mul3A_1038 = arith.constant 6 : i32
      %mul3A_1039 = arith.muli %mul3A_1038, %scan3A_1037 : i32
      %add3A_1040 = arith.constant 0 : i32
      %add3A_1041 = arith.addi %mul3A_1039, %add3A_1040 : i32
      %dma_wait3A_1042 = arith.constant 0 : i32
      %dma_wait3A_1043 = tpu.memref_slice %arg7[%add3A_1041, %dma_wait3A_1042] : memref<128x100xi32, #tpu.memory_space<vmem>> -> memref<1x100xi32, #tpu.memory_space<vmem>>
      %dma_wait3A_1044 = tpu.memref_squeeze %dma_wait3A_1043 : memref<1x100xi32, #tpu.memory_space<vmem>> -> memref<100xi32, #tpu.memory_space<vmem>>
      %dma_wait3A_1045 = arith.constant 0 : i32
      %dma_wait3A_1046 = arith.constant 0 : i32
      %dma_wait3A_1047 = tpu.memref_slice %arg3[%dma_wait3A_1045, %dma_wait3A_1046] : memref<100000x128xf32, #tpu.memory_space<hbm>> -> memref<100000x128xf32, #tpu.memory_space<hbm>>
      tpu.wait_indirect_dma semaphore(%arg20 : memref<!tpu.dma_semaphore, #tpu.memory_space<semaphore_mem>>) src(%dma_wait3A_1047 : memref<100000x128xf32, #tpu.memory_space<hbm>>) dst(%arg8 : memref<100x128xf32, #tpu.memory_space<vmem>>)
      %add3A_1048 = arith.constant 6 : i32
      %add3A_1049 = arith.addi %add3A_1041, %add3A_1048 : i32
      %sub3A_1050 = arith.constant 1 : i32
      %sub3A_1051 = arith.subi %add3A_1049, %sub3A_1050 : i32
      %lt3A = arith.constant 128 : i32
      %lt3A_1052 = arith.cmpi slt, %sub3A_1051, %lt3A : i32
      %convert_element_type3A = arith.extui %lt3A_1052 : i1 to i32
      %cond3A = arith.constant 0 : i32
      %cond3A_1053 = arith.cmpi ne, %convert_element_type3A, %cond3A : i32
      scf.if %cond3A_1053 {
        %add3A_2405 = arith.constant 6 : i32
        %add3A_2406 = arith.addi %add3A_1041, %add3A_2405 : i32
        %sub3A_2407 = arith.constant 1 : i32
        %sub3A_2408 = arith.subi %add3A_2406, %sub3A_2407 : i32
        %dma_start3A_2409 = arith.constant 0 : i32
        %dma_start3A_2410 = tpu.memref_slice %arg7[%sub3A_2408, %dma_start3A_2409] : memref<128x100xi32, #tpu.memory_space<vmem>> -> memref<1x100xi32, #tpu.memory_space<vmem>>
        %dma_start3A_2411 = tpu.memref_squeeze %dma_start3A_2410 : memref<1x100xi32, #tpu.memory_space<vmem>> -> memref<100xi32, #tpu.memory_space<vmem>>
        %dma_start3A_2412 = arith.constant 0 : i32
        %dma_start3A_2413 = arith.constant 0 : i32
        %dma_start3A_2414 = tpu.memref_slice %arg3[%dma_start3A_2412, %dma_start3A_2413] : memref<100000x128xf32, #tpu.memory_space<hbm>> -> memref<100000x128xf32, #tpu.memory_space<hbm>>
        tpu.enqueue_indirect_dma source(%dma_start3A_2414 : memref<100000x128xf32, #tpu.memory_space<hbm>>) target(%arg13 : memref<100x128xf32, #tpu.memory_space<vmem>>) offsets(%dma_start3A_2411 : memref<100xi32, #tpu.memory_space<vmem>>) semaphore(%arg25 : memref<!tpu.dma_semaphore, #tpu.memory_space<semaphore_mem>>)
      } else {
      }
      %get3A_1054 = arith.constant 0 : i32
      %get3A_1055 = arith.index_cast %get3A_1054 : i32 to index
      %get3A_1056 = arith.constant 0 : index
      %get3A_1057 = tpu.vector_load %arg8[%get3A_1055, %get3A_1056] {strides = array<i32>} : memref<100x128xf32, #tpu.memory_space<vmem>>, vector<16xf32>,
      %get3A_1058 = arith.constant 0 : i32
      %get3A_1059 = arith.index_cast %get3A_1058 : i32 to index
      %get3A_1060 = arith.constant 16 : index
      %get3A_1061 = tpu.vector_load %arg8[%get3A_1059, %get3A_1060] {strides = array<i32>} : memref<100x128xf32, #tpu.memory_space<vmem>>, vector<16xf32>,
      %get3A_1062 = arith.constant 0 : i32
      %get3A_1063 = arith.index_cast %get3A_1062 : i32 to index
      %get3A_1064 = arith.constant 32 : index
      %get3A_1065 = tpu.vector_load %arg8[%get3A_1063, %get3A_1064] {strides = array<i32>} : memref<100x128xf32, #tpu.memory_space<vmem>>, vector<16xf32>,
      %get3A_1066 = arith.constant 0 : i32
      %get3A_1067 = arith.index_cast %get3A_1066 : i32 to index
      %get3A_1068 = arith.constant 48 : index
      %get3A_1069 = tpu.vector_load %arg8[%get3A_1067, %get3A_1068] {strides = array<i32>} : memref<100x128xf32, #tpu.memory_space<vmem>>, vector<16xf32>,
      %get3A_1070 = arith.constant 0 : i32
      %get3A_1071 = arith.index_cast %get3A_1070 : i32 to index
      %get3A_1072 = arith.constant 64 : index
      %get3A_1073 = tpu.vector_load %arg8[%get3A_1071, %get3A_1072] {strides = array<i32>} : memref<100x128xf32, #tpu.memory_space<vmem>>, vector<16xf32>,
      %get3A_1074 = arith.constant 0 : i32
      %get3A_1075 = arith.index_cast %get3A_1074 : i32 to index
      %get3A_1076 = arith.constant 80 : index
      %get3A_1077 = tpu.vector_load %arg8[%get3A_1075, %get3A_1076] {strides = array<i32>} : memref<100x128xf32, #tpu.memory_space<vmem>>, vector<16xf32>,
      %get3A_1078 = arith.constant 0 : i32
      %get3A_1079 = arith.index_cast %get3A_1078 : i32 to index
      %get3A_1080 = arith.constant 96 : index
      %get3A_1081 = tpu.vector_load %arg8[%get3A_1079, %get3A_1080] {strides = array<i32>} : memref<100x128xf32, #tpu.memory_space<vmem>>, vector<16xf32>,
      %get3A_1082 = arith.constant 0 : i32
      %get3A_1083 = arith.index_cast %get3A_1082 : i32 to index
      %get3A_1084 = arith.constant 112 : index
      %get3A_1085 = tpu.vector_load %arg8[%get3A_1083, %get3A_1084] {strides = array<i32>} : memref<100x128xf32, #tpu.memory_space<vmem>>, vector<16xf32>,
      %get3A_1086 = arith.constant 50 : i32
      %get3A_1087 = arith.index_cast %get3A_1086 : i32 to index
      %get3A_1088 = arith.constant 0 : index
      %get3A_1089 = tpu.vector_load %arg8[%get3A_1087, %get3A_1088] {strides = array<i32>} : memref<100x128xf32, #tpu.memory_space<vmem>>, vector<16xf32>,
      %get3A_1090 = arith.constant 50 : i32
      %get3A_1091 = arith.index_cast %get3A_1090 : i32 to index
      %get3A_1092 = arith.constant 16 : index
      %get3A_1093 = tpu.vector_load %arg8[%get3A_1091, %get3A_1092] {strides = array<i32>} : memref<100x128xf32, #tpu.memory_space<vmem>>, vector<16xf32>,
      %get3A_1094 = arith.constant 50 : i32
      %get3A_1095 = arith.index_cast %get3A_1094 : i32 to index
      %get3A_1096 = arith.constant 32 : index
      %get3A_1097 = tpu.vector_load %arg8[%get3A_1095, %get3A_1096] {strides = array<i32>} : memref<100x128xf32, #tpu.memory_space<vmem>>, vector<16xf32>,
      %get3A_1098 = arith.constant 50 : i32
      %get3A_1099 = arith.index_cast %get3A_1098 : i32 to index
      %get3A_1100 = arith.constant 48 : index
      %get3A_1101 = tpu.vector_load %arg8[%get3A_1099, %get3A_1100] {strides = array<i32>} : memref<100x128xf32, #tpu.memory_space<vmem>>, vector<16xf32>,
      %get3A_1102 = arith.constant 50 : i32
      %get3A_1103 = arith.index_cast %get3A_1102 : i32 to index
      %get3A_1104 = arith.constant 64 : index
      %get3A_1105 = tpu.vector_load %arg8[%get3A_1103, %get3A_1104] {strides = array<i32>} : memref<100x128xf32, #tpu.memory_space<vmem>>, vector<16xf32>,
      %get3A_1106 = arith.constant 50 : i32
      %get3A_1107 = arith.index_cast %get3A_1106 : i32 to index
      %get3A_1108 = arith.constant 80 : index
      %get3A_1109 = tpu.vector_load %arg8[%get3A_1107, %get3A_1108] {strides = array<i32>} : memref<100x128xf32, #tpu.memory_space<vmem>>, vector<16xf32>,
      %get3A_1110 = arith.constant 50 : i32
      %get3A_1111 = arith.index_cast %get3A_1110 : i32 to index
      %get3A_1112 = arith.constant 96 : index
      %get3A_1113 = tpu.vector_load %arg8[%get3A_1111, %get3A_1112] {strides = array<i32>} : memref<100x128xf32, #tpu.memory_space<vmem>>, vector<16xf32>,
      %get3A_1114 = arith.constant 50 : i32
      %get3A_1115 = arith.index_cast %get3A_1114 : i32 to index
      %get3A_1116 = arith.constant 112 : index
      %get3A_1117 = tpu.vector_load %arg8[%get3A_1115, %get3A_1116] {strides = array<i32>} : memref<100x128xf32, #tpu.memory_space<vmem>>, vector<16xf32>,
      %scan3A_1118 = arith.constant 1 : i32
      %scan3A_1119 = arith.constant 48 : i32
      %scan3A_1120 = arith.addi %scan3A_1118, %scan3A_1119 : i32
      %scan3A_1121 = arith.constant 2 : i32
      %scan3A_1122:16 = scf.for %scan3A_2405 = %scan3A_1118 to %scan3A_1120 step %scan3A_1121 iter_args(%scan3A_2406 = %get3A_1057, %scan3A_2407 = %get3A_1061, %scan3A_2408 = %get3A_1065, %scan3A_2409 = %get3A_1069, %scan3A_2410 = %get3A_1073, %scan3A_2411 = %get3A_1077, %scan3A_2412 = %get3A_1081, %scan3A_2413 = %get3A_1085, %scan3A_2414 = %get3A_1089, %scan3A_2415 = %get3A_1093, %scan3A_2416 = %get3A_1097, %scan3A_2417 = %get3A_1101, %scan3A_2418 = %get3A_1105, %scan3A_2419 = %get3A_1109, %scan3A_2420 = %get3A_1113, %scan3A_2421 = %get3A_1117) -> (vector<16xf32>, vector<16xf32>, vector<16xf32>, vector<16xf32>, vector<16xf32>, vector<16xf32>, vector<16xf32>, vector<16xf32>, vector<16xf32>, vector<16xf32>, vector<16xf32>, vector<16xf32>, vector<16xf32>, vector<16xf32>, vector<16xf32>, vector<16xf32>)  : i32 {
        %get3A_2422 = arith.index_cast %scan3A_2405 : i32 to index
        %get3A_2423 = arith.constant 0 : index
        %get3A_2424 = tpu.vector_load %arg8[%get3A_2422, %get3A_2423] {strides = array<i32>} : memref<100x128xf32, #tpu.memory_space<vmem>>, vector<16xf32>,
        %add3A_2425 = arith.addf %scan3A_2406, %get3A_2424 : vector<16xf32>
        %get3A_2426 = arith.index_cast %scan3A_2405 : i32 to index
        %get3A_2427 = arith.constant 16 : index
        %get3A_2428 = tpu.vector_load %arg8[%get3A_2426, %get3A_2427] {strides = array<i32>} : memref<100x128xf32, #tpu.memory_space<vmem>>, vector<16xf32>,
        %add3A_2429 = arith.addf %scan3A_2407, %get3A_2428 : vector<16xf32>
        %get3A_2430 = arith.index_cast %scan3A_2405 : i32 to index
        %get3A_2431 = arith.constant 32 : index
        %get3A_2432 = tpu.vector_load %arg8[%get3A_2430, %get3A_2431] {strides = array<i32>} : memref<100x128xf32, #tpu.memory_space<vmem>>, vector<16xf32>,
        %add3A_2433 = arith.addf %scan3A_2408, %get3A_2432 : vector<16xf32>
        %get3A_2434 = arith.index_cast %scan3A_2405 : i32 to index
        %get3A_2435 = arith.constant 48 : index
        %get3A_2436 = tpu.vector_load %arg8[%get3A_2434, %get3A_2435] {strides = array<i32>} : memref<100x128xf32, #tpu.memory_space<vmem>>, vector<16xf32>,
        %add3A_2437 = arith.addf %scan3A_2409, %get3A_2436 : vector<16xf32>
        %get3A_2438 = arith.index_cast %scan3A_2405 : i32 to index
        %get3A_2439 = arith.constant 64 : index
        %get3A_2440 = tpu.vector_load %arg8[%get3A_2438, %get3A_2439] {strides = array<i32>} : memref<100x128xf32, #tpu.memory_space<vmem>>, vector<16xf32>,
        %add3A_2441 = arith.addf %scan3A_2410, %get3A_2440 : vector<16xf32>
        %get3A_2442 = arith.index_cast %scan3A_2405 : i32 to index
        %get3A_2443 = arith.constant 80 : index
        %get3A_2444 = tpu.vector_load %arg8[%get3A_2442, %get3A_2443] {strides = array<i32>} : memref<100x128xf32, #tpu.memory_space<vmem>>, vector<16xf32>,
        %add3A_2445 = arith.addf %scan3A_2411, %get3A_2444 : vector<16xf32>
        %get3A_2446 = arith.index_cast %scan3A_2405 : i32 to index
        %get3A_2447 = arith.constant 96 : index
        %get3A_2448 = tpu.vector_load %arg8[%get3A_2446, %get3A_2447] {strides = array<i32>} : memref<100x128xf32, #tpu.memory_space<vmem>>, vector<16xf32>,
        %add3A_2449 = arith.addf %scan3A_2412, %get3A_2448 : vector<16xf32>
        %get3A_2450 = arith.index_cast %scan3A_2405 : i32 to index
        %get3A_2451 = arith.constant 112 : index
        %get3A_2452 = tpu.vector_load %arg8[%get3A_2450, %get3A_2451] {strides = array<i32>} : memref<100x128xf32, #tpu.memory_space<vmem>>, vector<16xf32>,
        %add3A_2453 = arith.addf %scan3A_2413, %get3A_2452 : vector<16xf32>
        %add3A_2454 = arith.constant 50 : i32
        %add3A_2455 = arith.addi %add3A_2454, %scan3A_2405 : i32
        %get3A_2456 = arith.index_cast %add3A_2455 : i32 to index
        %get3A_2457 = arith.constant 0 : index
        %get3A_2458 = tpu.vector_load %arg8[%get3A_2456, %get3A_2457] {strides = array<i32>} : memref<100x128xf32, #tpu.memory_space<vmem>>, vector<16xf32>,
        %add3A_2459 = arith.addf %scan3A_2414, %get3A_2458 : vector<16xf32>
        %add3A_2460 = arith.constant 50 : i32
        %add3A_2461 = arith.addi %add3A_2460, %scan3A_2405 : i32
        %get3A_2462 = arith.index_cast %add3A_2461 : i32 to index
        %get3A_2463 = arith.constant 16 : index
        %get3A_2464 = tpu.vector_load %arg8[%get3A_2462, %get3A_2463] {strides = array<i32>} : memref<100x128xf32, #tpu.memory_space<vmem>>, vector<16xf32>,
        %add3A_2465 = arith.addf %scan3A_2415, %get3A_2464 : vector<16xf32>
        %add3A_2466 = arith.constant 50 : i32
        %add3A_2467 = arith.addi %add3A_2466, %scan3A_2405 : i32
        %get3A_2468 = arith.index_cast %add3A_2467 : i32 to index
        %get3A_2469 = arith.constant 32 : index
        %get3A_2470 = tpu.vector_load %arg8[%get3A_2468, %get3A_2469] {strides = array<i32>} : memref<100x128xf32, #tpu.memory_space<vmem>>, vector<16xf32>,
        %add3A_2471 = arith.addf %scan3A_2416, %get3A_2470 : vector<16xf32>
        %add3A_2472 = arith.constant 50 : i32
        %add3A_2473 = arith.addi %add3A_2472, %scan3A_2405 : i32
        %get3A_2474 = arith.index_cast %add3A_2473 : i32 to index
        %get3A_2475 = arith.constant 48 : index
        %get3A_2476 = tpu.vector_load %arg8[%get3A_2474, %get3A_2475] {strides = array<i32>} : memref<100x128xf32, #tpu.memory_space<vmem>>, vector<16xf32>,
        %add3A_2477 = arith.addf %scan3A_2417, %get3A_2476 : vector<16xf32>
        %add3A_2478 = arith.constant 50 : i32
        %add3A_2479 = arith.addi %add3A_2478, %scan3A_2405 : i32
        %get3A_2480 = arith.index_cast %add3A_2479 : i32 to index
        %get3A_2481 = arith.constant 64 : index
        %get3A_2482 = tpu.vector_load %arg8[%get3A_2480, %get3A_2481] {strides = array<i32>} : memref<100x128xf32, #tpu.memory_space<vmem>>, vector<16xf32>,
        %add3A_2483 = arith.addf %scan3A_2418, %get3A_2482 : vector<16xf32>
        %add3A_2484 = arith.constant 50 : i32
        %add3A_2485 = arith.addi %add3A_2484, %scan3A_2405 : i32
        %get3A_2486 = arith.index_cast %add3A_2485 : i32 to index
        %get3A_2487 = arith.constant 80 : index
        %get3A_2488 = tpu.vector_load %arg8[%get3A_2486, %get3A_2487] {strides = array<i32>} : memref<100x128xf32, #tpu.memory_space<vmem>>, vector<16xf32>,
        %add3A_2489 = arith.addf %scan3A_2419, %get3A_2488 : vector<16xf32>
        %add3A_2490 = arith.constant 50 : i32
        %add3A_2491 = arith.addi %add3A_2490, %scan3A_2405 : i32
        %get3A_2492 = arith.index_cast %add3A_2491 : i32 to index
        %get3A_2493 = arith.constant 96 : index
        %get3A_2494 = tpu.vector_load %arg8[%get3A_2492, %get3A_2493] {strides = array<i32>} : memref<100x128xf32, #tpu.memory_space<vmem>>, vector<16xf32>,
        %add3A_2495 = arith.addf %scan3A_2420, %get3A_2494 : vector<16xf32>
        %add3A_2496 = arith.constant 50 : i32
        %add3A_2497 = arith.addi %add3A_2496, %scan3A_2405 : i32
        %get3A_2498 = arith.index_cast %add3A_2497 : i32 to index
        %get3A_2499 = arith.constant 112 : index
        %get3A_2500 = tpu.vector_load %arg8[%get3A_2498, %get3A_2499] {strides = array<i32>} : memref<100x128xf32, #tpu.memory_space<vmem>>, vector<16xf32>,
        %add3A_2501 = arith.addf %scan3A_2421, %get3A_2500 : vector<16xf32>
        %scan3A_2502 = arith.constant 1 : i32
        %scan3A_2503 = arith.addi %scan3A_2405, %scan3A_2502 : i32
        %get3A_2504 = arith.index_cast %scan3A_2503 : i32 to index
        %get3A_2505 = arith.constant 0 : index
        %get3A_2506 = tpu.vector_load %arg8[%get3A_2504, %get3A_2505] {strides = array<i32>} : memref<100x128xf32, #tpu.memory_space<vmem>>, vector<16xf32>,
        %add3A_2507 = arith.addf %add3A_2425, %get3A_2506 : vector<16xf32>
        %get3A_2508 = arith.index_cast %scan3A_2503 : i32 to index
        %get3A_2509 = arith.constant 16 : index
        %get3A_2510 = tpu.vector_load %arg8[%get3A_2508, %get3A_2509] {strides = array<i32>} : memref<100x128xf32, #tpu.memory_space<vmem>>, vector<16xf32>,
        %add3A_2511 = arith.addf %add3A_2429, %get3A_2510 : vector<16xf32>
        %get3A_2512 = arith.index_cast %scan3A_2503 : i32 to index
        %get3A_2513 = arith.constant 32 : index
        %get3A_2514 = tpu.vector_load %arg8[%get3A_2512, %get3A_2513] {strides = array<i32>} : memref<100x128xf32, #tpu.memory_space<vmem>>, vector<16xf32>,
        %add3A_2515 = arith.addf %add3A_2433, %get3A_2514 : vector<16xf32>
        %get3A_2516 = arith.index_cast %scan3A_2503 : i32 to index
        %get3A_2517 = arith.constant 48 : index
        %get3A_2518 = tpu.vector_load %arg8[%get3A_2516, %get3A_2517] {strides = array<i32>} : memref<100x128xf32, #tpu.memory_space<vmem>>, vector<16xf32>,
        %add3A_2519 = arith.addf %add3A_2437, %get3A_2518 : vector<16xf32>
        %get3A_2520 = arith.index_cast %scan3A_2503 : i32 to index
        %get3A_2521 = arith.constant 64 : index
        %get3A_2522 = tpu.vector_load %arg8[%get3A_2520, %get3A_2521] {strides = array<i32>} : memref<100x128xf32, #tpu.memory_space<vmem>>, vector<16xf32>,
        %add3A_2523 = arith.addf %add3A_2441, %get3A_2522 : vector<16xf32>
        %get3A_2524 = arith.index_cast %scan3A_2503 : i32 to index
        %get3A_2525 = arith.constant 80 : index
        %get3A_2526 = tpu.vector_load %arg8[%get3A_2524, %get3A_2525] {strides = array<i32>} : memref<100x128xf32, #tpu.memory_space<vmem>>, vector<16xf32>,
        %add3A_2527 = arith.addf %add3A_2445, %get3A_2526 : vector<16xf32>
        %get3A_2528 = arith.index_cast %scan3A_2503 : i32 to index
        %get3A_2529 = arith.constant 96 : index
        %get3A_2530 = tpu.vector_load %arg8[%get3A_2528, %get3A_2529] {strides = array<i32>} : memref<100x128xf32, #tpu.memory_space<vmem>>, vector<16xf32>,
        %add3A_2531 = arith.addf %add3A_2449, %get3A_2530 : vector<16xf32>
        %get3A_2532 = arith.index_cast %scan3A_2503 : i32 to index
        %get3A_2533 = arith.constant 112 : index
        %get3A_2534 = tpu.vector_load %arg8[%get3A_2532, %get3A_2533] {strides = array<i32>} : memref<100x128xf32, #tpu.memory_space<vmem>>, vector<16xf32>,
        %add3A_2535 = arith.addf %add3A_2453, %get3A_2534 : vector<16xf32>
        %add3A_2536 = arith.constant 50 : i32
        %add3A_2537 = arith.addi %add3A_2536, %scan3A_2503 : i32
        %get3A_2538 = arith.index_cast %add3A_2537 : i32 to index
        %get3A_2539 = arith.constant 0 : index
        %get3A_2540 = tpu.vector_load %arg8[%get3A_2538, %get3A_2539] {strides = array<i32>} : memref<100x128xf32, #tpu.memory_space<vmem>>, vector<16xf32>,
        %add3A_2541 = arith.addf %add3A_2459, %get3A_2540 : vector<16xf32>
        %add3A_2542 = arith.constant 50 : i32
        %add3A_2543 = arith.addi %add3A_2542, %scan3A_2503 : i32
        %get3A_2544 = arith.index_cast %add3A_2543 : i32 to index
        %get3A_2545 = arith.constant 16 : index
        %get3A_2546 = tpu.vector_load %arg8[%get3A_2544, %get3A_2545] {strides = array<i32>} : memref<100x128xf32, #tpu.memory_space<vmem>>, vector<16xf32>,
        %add3A_2547 = arith.addf %add3A_2465, %get3A_2546 : vector<16xf32>
        %add3A_2548 = arith.constant 50 : i32
        %add3A_2549 = arith.addi %add3A_2548, %scan3A_2503 : i32
        %get3A_2550 = arith.index_cast %add3A_2549 : i32 to index
        %get3A_2551 = arith.constant 32 : index
        %get3A_2552 = tpu.vector_load %arg8[%get3A_2550, %get3A_2551] {strides = array<i32>} : memref<100x128xf32, #tpu.memory_space<vmem>>, vector<16xf32>,
        %add3A_2553 = arith.addf %add3A_2471, %get3A_2552 : vector<16xf32>
        %add3A_2554 = arith.constant 50 : i32
        %add3A_2555 = arith.addi %add3A_2554, %scan3A_2503 : i32
        %get3A_2556 = arith.index_cast %add3A_2555 : i32 to index
        %get3A_2557 = arith.constant 48 : index
        %get3A_2558 = tpu.vector_load %arg8[%get3A_2556, %get3A_2557] {strides = array<i32>} : memref<100x128xf32, #tpu.memory_space<vmem>>, vector<16xf32>,
        %add3A_2559 = arith.addf %add3A_2477, %get3A_2558 : vector<16xf32>
        %add3A_2560 = arith.constant 50 : i32
        %add3A_2561 = arith.addi %add3A_2560, %scan3A_2503 : i32
        %get3A_2562 = arith.index_cast %add3A_2561 : i32 to index
        %get3A_2563 = arith.constant 64 : index
        %get3A_2564 = tpu.vector_load %arg8[%get3A_2562, %get3A_2563] {strides = array<i32>} : memref<100x128xf32, #tpu.memory_space<vmem>>, vector<16xf32>,
        %add3A_2565 = arith.addf %add3A_2483, %get3A_2564 : vector<16xf32>
        %add3A_2566 = arith.constant 50 : i32
        %add3A_2567 = arith.addi %add3A_2566, %scan3A_2503 : i32
        %get3A_2568 = arith.index_cast %add3A_2567 : i32 to index
        %get3A_2569 = arith.constant 80 : index
        %get3A_2570 = tpu.vector_load %arg8[%get3A_2568, %get3A_2569] {strides = array<i32>} : memref<100x128xf32, #tpu.memory_space<vmem>>, vector<16xf32>,
        %add3A_2571 = arith.addf %add3A_2489, %get3A_2570 : vector<16xf32>
        %add3A_2572 = arith.constant 50 : i32
        %add3A_2573 = arith.addi %add3A_2572, %scan3A_2503 : i32
        %get3A_2574 = arith.index_cast %add3A_2573 : i32 to index
        %get3A_2575 = arith.constant 96 : index
        %get3A_2576 = tpu.vector_load %arg8[%get3A_2574, %get3A_2575] {strides = array<i32>} : memref<100x128xf32, #tpu.memory_space<vmem>>, vector<16xf32>,
        %add3A_2577 = arith.addf %add3A_2495, %get3A_2576 : vector<16xf32>
        %add3A_2578 = arith.constant 50 : i32
        %add3A_2579 = arith.addi %add3A_2578, %scan3A_2503 : i32
        %get3A_2580 = arith.index_cast %add3A_2579 : i32 to index
        %get3A_2581 = arith.constant 112 : index
        %get3A_2582 = tpu.vector_load %arg8[%get3A_2580, %get3A_2581] {strides = array<i32>} : memref<100x128xf32, #tpu.memory_space<vmem>>, vector<16xf32>,
        %add3A_2583 = arith.addf %add3A_2501, %get3A_2582 : vector<16xf32>
        scf.yield %add3A_2507, %add3A_2511, %add3A_2515, %add3A_2519, %add3A_2523, %add3A_2527, %add3A_2531, %add3A_2535, %add3A_2541, %add3A_2547, %add3A_2553, %add3A_2559, %add3A_2565, %add3A_2571, %add3A_2577, %add3A_2583 : vector<16xf32>, vector<16xf32>, vector<16xf32>, vector<16xf32>, vector<16xf32>, vector<16xf32>, vector<16xf32>, vector<16xf32>, vector<16xf32>, vector<16xf32>, vector<16xf32>, vector<16xf32>, vector<16xf32>, vector<16xf32>, vector<16xf32>, vector<16xf32>
      }
      %scan3A_1123 = arith.constant 48 : i32
      %scan3A_1124 = arith.addi %scan3A_1118, %scan3A_1123 : i32
      %get3A_1125 = arith.index_cast %scan3A_1124 : i32 to index
      %get3A_1126 = arith.constant 0 : index
      %get3A_1127 = tpu.vector_load %arg8[%get3A_1125, %get3A_1126] {strides = array<i32>} : memref<100x128xf32, #tpu.memory_space<vmem>>, vector<16xf32>,
      %add3A_1128 = arith.addf %scan3A_1122#0, %get3A_1127 : vector<16xf32>
      %get3A_1129 = arith.index_cast %scan3A_1124 : i32 to index
      %get3A_1130 = arith.constant 16 : index
      %get3A_1131 = tpu.vector_load %arg8[%get3A_1129, %get3A_1130] {strides = array<i32>} : memref<100x128xf32, #tpu.memory_space<vmem>>, vector<16xf32>,
      %add3A_1132 = arith.addf %scan3A_1122#1, %get3A_1131 : vector<16xf32>
      %get3A_1133 = arith.index_cast %scan3A_1124 : i32 to index
      %get3A_1134 = arith.constant 32 : index
      %get3A_1135 = tpu.vector_load %arg8[%get3A_1133, %get3A_1134] {strides = array<i32>} : memref<100x128xf32, #tpu.memory_space<vmem>>, vector<16xf32>,
      %add3A_1136 = arith.addf %scan3A_1122#2, %get3A_1135 : vector<16xf32>
      %get3A_1137 = arith.index_cast %scan3A_1124 : i32 to index
      %get3A_1138 = arith.constant 48 : index
      %get3A_1139 = tpu.vector_load %arg8[%get3A_1137, %get3A_1138] {strides = array<i32>} : memref<100x128xf32, #tpu.memory_space<vmem>>, vector<16xf32>,
      %add3A_1140 = arith.addf %scan3A_1122#3, %get3A_1139 : vector<16xf32>
      %get3A_1141 = arith.index_cast %scan3A_1124 : i32 to index
      %get3A_1142 = arith.constant 64 : index
      %get3A_1143 = tpu.vector_load %arg8[%get3A_1141, %get3A_1142] {strides = array<i32>} : memref<100x128xf32, #tpu.memory_space<vmem>>, vector<16xf32>,
      %add3A_1144 = arith.addf %scan3A_1122#4, %get3A_1143 : vector<16xf32>
      %get3A_1145 = arith.index_cast %scan3A_1124 : i32 to index
      %get3A_1146 = arith.constant 80 : index
      %get3A_1147 = tpu.vector_load %arg8[%get3A_1145, %get3A_1146] {strides = array<i32>} : memref<100x128xf32, #tpu.memory_space<vmem>>, vector<16xf32>,
      %add3A_1148 = arith.addf %scan3A_1122#5, %get3A_1147 : vector<16xf32>
      %get3A_1149 = arith.index_cast %scan3A_1124 : i32 to index
      %get3A_1150 = arith.constant 96 : index
      %get3A_1151 = tpu.vector_load %arg8[%get3A_1149, %get3A_1150] {strides = array<i32>} : memref<100x128xf32, #tpu.memory_space<vmem>>, vector<16xf32>,
      %add3A_1152 = arith.addf %scan3A_1122#6, %get3A_1151 : vector<16xf32>
      %get3A_1153 = arith.index_cast %scan3A_1124 : i32 to index
      %get3A_1154 = arith.constant 112 : index
      %get3A_1155 = tpu.vector_load %arg8[%get3A_1153, %get3A_1154] {strides = array<i32>} : memref<100x128xf32, #tpu.memory_space<vmem>>, vector<16xf32>,
      %add3A_1156 = arith.addf %scan3A_1122#7, %get3A_1155 : vector<16xf32>
      %add3A_1157 = arith.constant 50 : i32
      %add3A_1158 = arith.addi %add3A_1157, %scan3A_1124 : i32
      %get3A_1159 = arith.index_cast %add3A_1158 : i32 to index
      %get3A_1160 = arith.constant 0 : index
      %get3A_1161 = tpu.vector_load %arg8[%get3A_1159, %get3A_1160] {strides = array<i32>} : memref<100x128xf32, #tpu.memory_space<vmem>>, vector<16xf32>,
      %add3A_1162 = arith.addf %scan3A_1122#8, %get3A_1161 : vector<16xf32>
      %add3A_1163 = arith.constant 50 : i32
      %add3A_1164 = arith.addi %add3A_1163, %scan3A_1124 : i32
      %get3A_1165 = arith.index_cast %add3A_1164 : i32 to index
      %get3A_1166 = arith.constant 16 : index
      %get3A_1167 = tpu.vector_load %arg8[%get3A_1165, %get3A_1166] {strides = array<i32>} : memref<100x128xf32, #tpu.memory_space<vmem>>, vector<16xf32>,
      %add3A_1168 = arith.addf %scan3A_1122#9, %get3A_1167 : vector<16xf32>
      %add3A_1169 = arith.constant 50 : i32
      %add3A_1170 = arith.addi %add3A_1169, %scan3A_1124 : i32
      %get3A_1171 = arith.index_cast %add3A_1170 : i32 to index
      %get3A_1172 = arith.constant 32 : index
      %get3A_1173 = tpu.vector_load %arg8[%get3A_1171, %get3A_1172] {strides = array<i32>} : memref<100x128xf32, #tpu.memory_space<vmem>>, vector<16xf32>,
      %add3A_1174 = arith.addf %scan3A_1122#10, %get3A_1173 : vector<16xf32>
      %add3A_1175 = arith.constant 50 : i32
      %add3A_1176 = arith.addi %add3A_1175, %scan3A_1124 : i32
      %get3A_1177 = arith.index_cast %add3A_1176 : i32 to index
      %get3A_1178 = arith.constant 48 : index
      %get3A_1179 = tpu.vector_load %arg8[%get3A_1177, %get3A_1178] {strides = array<i32>} : memref<100x128xf32, #tpu.memory_space<vmem>>, vector<16xf32>,
      %add3A_1180 = arith.addf %scan3A_1122#11, %get3A_1179 : vector<16xf32>
      %add3A_1181 = arith.constant 50 : i32
      %add3A_1182 = arith.addi %add3A_1181, %scan3A_1124 : i32
      %get3A_1183 = arith.index_cast %add3A_1182 : i32 to index
      %get3A_1184 = arith.constant 64 : index
      %get3A_1185 = tpu.vector_load %arg8[%get3A_1183, %get3A_1184] {strides = array<i32>} : memref<100x128xf32, #tpu.memory_space<vmem>>, vector<16xf32>,
      %add3A_1186 = arith.addf %scan3A_1122#12, %get3A_1185 : vector<16xf32>
      %add3A_1187 = arith.constant 50 : i32
      %add3A_1188 = arith.addi %add3A_1187, %scan3A_1124 : i32
      %get3A_1189 = arith.index_cast %add3A_1188 : i32 to index
      %get3A_1190 = arith.constant 80 : index
      %get3A_1191 = tpu.vector_load %arg8[%get3A_1189, %get3A_1190] {strides = array<i32>} : memref<100x128xf32, #tpu.memory_space<vmem>>, vector<16xf32>,
      %add3A_1192 = arith.addf %scan3A_1122#13, %get3A_1191 : vector<16xf32>
      %add3A_1193 = arith.constant 50 : i32
      %add3A_1194 = arith.addi %add3A_1193, %scan3A_1124 : i32
      %get3A_1195 = arith.index_cast %add3A_1194 : i32 to index
      %get3A_1196 = arith.constant 96 : index
      %get3A_1197 = tpu.vector_load %arg8[%get3A_1195, %get3A_1196] {strides = array<i32>} : memref<100x128xf32, #tpu.memory_space<vmem>>, vector<16xf32>,
      %add3A_1198 = arith.addf %scan3A_1122#14, %get3A_1197 : vector<16xf32>
      %add3A_1199 = arith.constant 50 : i32
      %add3A_1200 = arith.addi %add3A_1199, %scan3A_1124 : i32
      %get3A_1201 = arith.index_cast %add3A_1200 : i32 to index
      %get3A_1202 = arith.constant 112 : index
      %get3A_1203 = tpu.vector_load %arg8[%get3A_1201, %get3A_1202] {strides = array<i32>} : memref<100x128xf32, #tpu.memory_space<vmem>>, vector<16xf32>,
      %add3A_1204 = arith.addf %scan3A_1122#15, %get3A_1203 : vector<16xf32>
      %scan3A_1205 = arith.constant 49 : i32
      %mul3A_1206 = arith.mulf %add3A_1128, %add3A_1162 : vector<16xf32>
      %mul3A_1207 = arith.mulf %add3A_1128, %add3A_1128 : vector<16xf32>
      %mul3A_1208 = arith.mulf %add3A_1162, %add3A_1162 : vector<16xf32>
      %mul3A_1209 = arith.mulf %add3A_1132, %add3A_1168 : vector<16xf32>
      %add3A_1210 = arith.addf %mul3A_1206, %mul3A_1209 : vector<16xf32>
      %mul3A_1211 = arith.mulf %add3A_1132, %add3A_1132 : vector<16xf32>
      %add3A_1212 = arith.addf %mul3A_1207, %mul3A_1211 : vector<16xf32>
      %mul3A_1213 = arith.mulf %add3A_1168, %add3A_1168 : vector<16xf32>
      %add3A_1214 = arith.addf %mul3A_1208, %mul3A_1213 : vector<16xf32>
      %mul3A_1215 = arith.mulf %add3A_1136, %add3A_1174 : vector<16xf32>
      %add3A_1216 = arith.addf %add3A_1210, %mul3A_1215 : vector<16xf32>
      %mul3A_1217 = arith.mulf %add3A_1136, %add3A_1136 : vector<16xf32>
      %add3A_1218 = arith.addf %add3A_1212, %mul3A_1217 : vector<16xf32>
      %mul3A_1219 = arith.mulf %add3A_1174, %add3A_1174 : vector<16xf32>
      %add3A_1220 = arith.addf %add3A_1214, %mul3A_1219 : vector<16xf32>
      %mul3A_1221 = arith.mulf %add3A_1140, %add3A_1180 : vector<16xf32>
      %add3A_1222 = arith.addf %add3A_1216, %mul3A_1221 : vector<16xf32>
      %mul3A_1223 = arith.mulf %add3A_1140, %add3A_1140 : vector<16xf32>
      %add3A_1224 = arith.addf %add3A_1218, %mul3A_1223 : vector<16xf32>
      %mul3A_1225 = arith.mulf %add3A_1180, %add3A_1180 : vector<16xf32>
      %add3A_1226 = arith.addf %add3A_1220, %mul3A_1225 : vector<16xf32>
      %mul3A_1227 = arith.mulf %add3A_1144, %add3A_1186 : vector<16xf32>
      %add3A_1228 = arith.addf %add3A_1222, %mul3A_1227 : vector<16xf32>
      %mul3A_1229 = arith.mulf %add3A_1144, %add3A_1144 : vector<16xf32>
      %add3A_1230 = arith.addf %add3A_1224, %mul3A_1229 : vector<16xf32>
      %mul3A_1231 = arith.mulf %add3A_1186, %add3A_1186 : vector<16xf32>
      %add3A_1232 = arith.addf %add3A_1226, %mul3A_1231 : vector<16xf32>
      %mul3A_1233 = arith.mulf %add3A_1148, %add3A_1192 : vector<16xf32>
      %add3A_1234 = arith.addf %add3A_1228, %mul3A_1233 : vector<16xf32>
      %mul3A_1235 = arith.mulf %add3A_1148, %add3A_1148 : vector<16xf32>
      %add3A_1236 = arith.addf %add3A_1230, %mul3A_1235 : vector<16xf32>
      %mul3A_1237 = arith.mulf %add3A_1192, %add3A_1192 : vector<16xf32>
      %add3A_1238 = arith.addf %add3A_1232, %mul3A_1237 : vector<16xf32>
      %mul3A_1239 = arith.mulf %add3A_1152, %add3A_1198 : vector<16xf32>
      %add3A_1240 = arith.addf %add3A_1234, %mul3A_1239 : vector<16xf32>
      %mul3A_1241 = arith.mulf %add3A_1152, %add3A_1152 : vector<16xf32>
      %add3A_1242 = arith.addf %add3A_1236, %mul3A_1241 : vector<16xf32>
      %mul3A_1243 = arith.mulf %add3A_1198, %add3A_1198 : vector<16xf32>
      %add3A_1244 = arith.addf %add3A_1238, %mul3A_1243 : vector<16xf32>
      %mul3A_1245 = arith.mulf %add3A_1156, %add3A_1204 : vector<16xf32>
      %add3A_1246 = arith.addf %add3A_1240, %mul3A_1245 : vector<16xf32>
      %mul3A_1247 = arith.mulf %add3A_1156, %add3A_1156 : vector<16xf32>
      %add3A_1248 = arith.addf %add3A_1242, %mul3A_1247 : vector<16xf32>
      %mul3A_1249 = arith.mulf %add3A_1204, %add3A_1204 : vector<16xf32>
      %add3A_1250 = arith.addf %add3A_1244, %mul3A_1249 : vector<16xf32>
      %iota3A_1251 = tpu.iota {dimensions = array<i32: 0>} : vector<16xi32>
      %eq3A_1252 = arith.constant 15 : i32
      %eq3A_1253 = vector.broadcast %eq3A_1252 : i32 to vector<16xi32>
      %eq3A_1254 = arith.cmpi eq, %iota3A_1251, %eq3A_1253 : vector<16xi32>
      %broadcast_in_dim3A_1255 = vector.broadcast %add3A_1041 : i32 to vector<16xi32>
      %cumsum3A_1256 = arith.constant true
      %cumsum3A_1257 = vector.broadcast %cumsum3A_1256 : i1 to vector<16xi1>
      %cumsum3A_1258 = tpu.scan <sum>, %add3A_1246 masked %cumsum3A_1257 : vector<16xf32>, vector<16xi1> -> vector<16xf32>
      tpu.vector_store_idx %arg14[%broadcast_in_dim3A_1255], %cumsum3A_1258 masked %eq3A_1254 : memref<128xf32, #tpu.memory_space<vmem>>[vector<16xi32>], vector<16xf32>, vector<16xi1>
      %cumsum3A_1259 = arith.constant true
      %cumsum3A_1260 = vector.broadcast %cumsum3A_1259 : i1 to vector<16xi1>
      %cumsum3A_1261 = tpu.scan <sum>, %add3A_1248 masked %cumsum3A_1260 : vector<16xf32>, vector<16xi1> -> vector<16xf32>
      tpu.vector_store_idx %arg15[%broadcast_in_dim3A_1255], %cumsum3A_1261 masked %eq3A_1254 : memref<128xf32, #tpu.memory_space<vmem>>[vector<16xi32>], vector<16xf32>, vector<16xi1>
      %cumsum3A_1262 = arith.constant true
      %cumsum3A_1263 = vector.broadcast %cumsum3A_1262 : i1 to vector<16xi1>
      %cumsum3A_1264 = tpu.scan <sum>, %add3A_1250 masked %cumsum3A_1263 : vector<16xf32>, vector<16xi1> -> vector<16xf32>
      tpu.vector_store_idx %arg16[%broadcast_in_dim3A_1255], %cumsum3A_1264 masked %eq3A_1254 : memref<128xf32, #tpu.memory_space<vmem>>[vector<16xi32>], vector<16xf32>, vector<16xi1>
      %add3A_1265 = arith.constant 1 : i32
      %add3A_1266 = arith.addi %mul3A_1039, %add3A_1265 : i32
      %dma_wait3A_1267 = arith.constant 0 : i32
      %dma_wait3A_1268 = tpu.memref_slice %arg7[%add3A_1266, %dma_wait3A_1267] : memref<128x100xi32, #tpu.memory_space<vmem>> -> memref<1x100xi32, #tpu.memory_space<vmem>>
      %dma_wait3A_1269 = tpu.memref_squeeze %dma_wait3A_1268 : memref<1x100xi32, #tpu.memory_space<vmem>> -> memref<100xi32, #tpu.memory_space<vmem>>
      %dma_wait3A_1270 = arith.constant 0 : i32
      %dma_wait3A_1271 = arith.constant 0 : i32
      %dma_wait3A_1272 = tpu.memref_slice %arg3[%dma_wait3A_1270, %dma_wait3A_1271] : memref<100000x128xf32, #tpu.memory_space<hbm>> -> memref<100000x128xf32, #tpu.memory_space<hbm>>
      tpu.wait_indirect_dma semaphore(%arg21 : memref<!tpu.dma_semaphore, #tpu.memory_space<semaphore_mem>>) src(%dma_wait3A_1272 : memref<100000x128xf32, #tpu.memory_space<hbm>>) dst(%arg9 : memref<100x128xf32, #tpu.memory_space<vmem>>)
      %add3A_1273 = arith.constant 6 : i32
      %add3A_1274 = arith.addi %add3A_1266, %add3A_1273 : i32
      %sub3A_1275 = arith.constant 1 : i32
      %sub3A_1276 = arith.subi %add3A_1274, %sub3A_1275 : i32
      %lt3A_1277 = arith.constant 128 : i32
      %lt3A_1278 = arith.cmpi slt, %sub3A_1276, %lt3A_1277 : i32
      %convert_element_type3A_1279 = arith.extui %lt3A_1278 : i1 to i32
      %cond3A_1280 = arith.constant 0 : i32
      %cond3A_1281 = arith.cmpi ne, %convert_element_type3A_1279, %cond3A_1280 : i32
      scf.if %cond3A_1281 {
        %add3A_2405 = arith.constant 6 : i32
        %add3A_2406 = arith.addi %add3A_1266, %add3A_2405 : i32
        %sub3A_2407 = arith.constant 1 : i32
        %sub3A_2408 = arith.subi %add3A_2406, %sub3A_2407 : i32
        %dma_start3A_2409 = arith.constant 0 : i32
        %dma_start3A_2410 = tpu.memref_slice %arg7[%sub3A_2408, %dma_start3A_2409] : memref<128x100xi32, #tpu.memory_space<vmem>> -> memref<1x100xi32, #tpu.memory_space<vmem>>
        %dma_start3A_2411 = tpu.memref_squeeze %dma_start3A_2410 : memref<1x100xi32, #tpu.memory_space<vmem>> -> memref<100xi32, #tpu.memory_space<vmem>>
        %dma_start3A_2412 = arith.constant 0 : i32
        %dma_start3A_2413 = arith.constant 0 : i32
        %dma_start3A_2414 = tpu.memref_slice %arg3[%dma_start3A_2412, %dma_start3A_2413] : memref<100000x128xf32, #tpu.memory_space<hbm>> -> memref<100000x128xf32, #tpu.memory_space<hbm>>
        tpu.enqueue_indirect_dma source(%dma_start3A_2414 : memref<100000x128xf32, #tpu.memory_space<hbm>>) target(%arg8 : memref<100x128xf32, #tpu.memory_space<vmem>>) offsets(%dma_start3A_2411 : memref<100xi32, #tpu.memory_space<vmem>>) semaphore(%arg20 : memref<!tpu.dma_semaphore, #tpu.memory_space<semaphore_mem>>)
      } else {
      }
      %get3A_1282 = arith.constant 0 : i32
      %get3A_1283 = arith.index_cast %get3A_1282 : i32 to index
      %get3A_1284 = arith.constant 0 : index
      %get3A_1285 = tpu.vector_load %arg9[%get3A_1283, %get3A_1284] {strides = array<i32>} : memref<100x128xf32, #tpu.memory_space<vmem>>, vector<16xf32>,
      %get3A_1286 = arith.constant 0 : i32
      %get3A_1287 = arith.index_cast %get3A_1286 : i32 to index
      %get3A_1288 = arith.constant 16 : index
      %get3A_1289 = tpu.vector_load %arg9[%get3A_1287, %get3A_1288] {strides = array<i32>} : memref<100x128xf32, #tpu.memory_space<vmem>>, vector<16xf32>,
      %get3A_1290 = arith.constant 0 : i32
      %get3A_1291 = arith.index_cast %get3A_1290 : i32 to index
      %get3A_1292 = arith.constant 32 : index
      %get3A_1293 = tpu.vector_load %arg9[%get3A_1291, %get3A_1292] {strides = array<i32>} : memref<100x128xf32, #tpu.memory_space<vmem>>, vector<16xf32>,
      %get3A_1294 = arith.constant 0 : i32
      %get3A_1295 = arith.index_cast %get3A_1294 : i32 to index
      %get3A_1296 = arith.constant 48 : index
      %get3A_1297 = tpu.vector_load %arg9[%get3A_1295, %get3A_1296] {strides = array<i32>} : memref<100x128xf32, #tpu.memory_space<vmem>>, vector<16xf32>,
      %get3A_1298 = arith.constant 0 : i32
      %get3A_1299 = arith.index_cast %get3A_1298 : i32 to index
      %get3A_1300 = arith.constant 64 : index
      %get3A_1301 = tpu.vector_load %arg9[%get3A_1299, %get3A_1300] {strides = array<i32>} : memref<100x128xf32, #tpu.memory_space<vmem>>, vector<16xf32>,
      %get3A_1302 = arith.constant 0 : i32
      %get3A_1303 = arith.index_cast %get3A_1302 : i32 to index
      %get3A_1304 = arith.constant 80 : index
      %get3A_1305 = tpu.vector_load %arg9[%get3A_1303, %get3A_1304] {strides = array<i32>} : memref<100x128xf32, #tpu.memory_space<vmem>>, vector<16xf32>,
      %get3A_1306 = arith.constant 0 : i32
      %get3A_1307 = arith.index_cast %get3A_1306 : i32 to index
      %get3A_1308 = arith.constant 96 : index
      %get3A_1309 = tpu.vector_load %arg9[%get3A_1307, %get3A_1308] {strides = array<i32>} : memref<100x128xf32, #tpu.memory_space<vmem>>, vector<16xf32>,
      %get3A_1310 = arith.constant 0 : i32
      %get3A_1311 = arith.index_cast %get3A_1310 : i32 to index
      %get3A_1312 = arith.constant 112 : index
      %get3A_1313 = tpu.vector_load %arg9[%get3A_1311, %get3A_1312] {strides = array<i32>} : memref<100x128xf32, #tpu.memory_space<vmem>>, vector<16xf32>,
      %get3A_1314 = arith.constant 50 : i32
      %get3A_1315 = arith.index_cast %get3A_1314 : i32 to index
      %get3A_1316 = arith.constant 0 : index
      %get3A_1317 = tpu.vector_load %arg9[%get3A_1315, %get3A_1316] {strides = array<i32>} : memref<100x128xf32, #tpu.memory_space<vmem>>, vector<16xf32>,
      %get3A_1318 = arith.constant 50 : i32
      %get3A_1319 = arith.index_cast %get3A_1318 : i32 to index
      %get3A_1320 = arith.constant 16 : index
      %get3A_1321 = tpu.vector_load %arg9[%get3A_1319, %get3A_1320] {strides = array<i32>} : memref<100x128xf32, #tpu.memory_space<vmem>>, vector<16xf32>,
      %get3A_1322 = arith.constant 50 : i32
      %get3A_1323 = arith.index_cast %get3A_1322 : i32 to index
      %get3A_1324 = arith.constant 32 : index
      %get3A_1325 = tpu.vector_load %arg9[%get3A_1323, %get3A_1324] {strides = array<i32>} : memref<100x128xf32, #tpu.memory_space<vmem>>, vector<16xf32>,
      %get3A_1326 = arith.constant 50 : i32
      %get3A_1327 = arith.index_cast %get3A_1326 : i32 to index
      %get3A_1328 = arith.constant 48 : index
      %get3A_1329 = tpu.vector_load %arg9[%get3A_1327, %get3A_1328] {strides = array<i32>} : memref<100x128xf32, #tpu.memory_space<vmem>>, vector<16xf32>,
      %get3A_1330 = arith.constant 50 : i32
      %get3A_1331 = arith.index_cast %get3A_1330 : i32 to index
      %get3A_1332 = arith.constant 64 : index
      %get3A_1333 = tpu.vector_load %arg9[%get3A_1331, %get3A_1332] {strides = array<i32>} : memref<100x128xf32, #tpu.memory_space<vmem>>, vector<16xf32>,
      %get3A_1334 = arith.constant 50 : i32
      %get3A_1335 = arith.index_cast %get3A_1334 : i32 to index
      %get3A_1336 = arith.constant 80 : index
      %get3A_1337 = tpu.vector_load %arg9[%get3A_1335, %get3A_1336] {strides = array<i32>} : memref<100x128xf32, #tpu.memory_space<vmem>>, vector<16xf32>,
      %get3A_1338 = arith.constant 50 : i32
      %get3A_1339 = arith.index_cast %get3A_1338 : i32 to index
      %get3A_1340 = arith.constant 96 : index
      %get3A_1341 = tpu.vector_load %arg9[%get3A_1339, %get3A_1340] {strides = array<i32>} : memref<100x128xf32, #tpu.memory_space<vmem>>, vector<16xf32>,
      %get3A_1342 = arith.constant 50 : i32
      %get3A_1343 = arith.index_cast %get3A_1342 : i32 to index
      %get3A_1344 = arith.constant 112 : index
      %get3A_1345 = tpu.vector_load %arg9[%get3A_1343, %get3A_1344] {strides = array<i32>} : memref<100x128xf32, #tpu.memory_space<vmem>>, vector<16xf32>,
      %scan3A_1346 = arith.constant 1 : i32
      %scan3A_1347 = arith.constant 48 : i32
      %scan3A_1348 = arith.addi %scan3A_1346, %scan3A_1347 : i32
      %scan3A_1349 = arith.constant 2 : i32
      %scan3A_1350:16 = scf.for %scan3A_2405 = %scan3A_1346 to %scan3A_1348 step %scan3A_1349 iter_args(%scan3A_2406 = %get3A_1285, %scan3A_2407 = %get3A_1289, %scan3A_2408 = %get3A_1293, %scan3A_2409 = %get3A_1297, %scan3A_2410 = %get3A_1301, %scan3A_2411 = %get3A_1305, %scan3A_2412 = %get3A_1309, %scan3A_2413 = %get3A_1313, %scan3A_2414 = %get3A_1317, %scan3A_2415 = %get3A_1321, %scan3A_2416 = %get3A_1325, %scan3A_2417 = %get3A_1329, %scan3A_2418 = %get3A_1333, %scan3A_2419 = %get3A_1337, %scan3A_2420 = %get3A_1341, %scan3A_2421 = %get3A_1345) -> (vector<16xf32>, vector<16xf32>, vector<16xf32>, vector<16xf32>, vector<16xf32>, vector<16xf32>, vector<16xf32>, vector<16xf32>, vector<16xf32>, vector<16xf32>, vector<16xf32>, vector<16xf32>, vector<16xf32>, vector<16xf32>, vector<16xf32>, vector<16xf32>)  : i32 {
        %get3A_2422 = arith.index_cast %scan3A_2405 : i32 to index
        %get3A_2423 = arith.constant 0 : index
        %get3A_2424 = tpu.vector_load %arg9[%get3A_2422, %get3A_2423] {strides = array<i32>} : memref<100x128xf32, #tpu.memory_space<vmem>>, vector<16xf32>,
        %add3A_2425 = arith.addf %scan3A_2406, %get3A_2424 : vector<16xf32>
        %get3A_2426 = arith.index_cast %scan3A_2405 : i32 to index
        %get3A_2427 = arith.constant 16 : index
        %get3A_2428 = tpu.vector_load %arg9[%get3A_2426, %get3A_2427] {strides = array<i32>} : memref<100x128xf32, #tpu.memory_space<vmem>>, vector<16xf32>,
        %add3A_2429 = arith.addf %scan3A_2407, %get3A_2428 : vector<16xf32>
        %get3A_2430 = arith.index_cast %scan3A_2405 : i32 to index
        %get3A_2431 = arith.constant 32 : index
        %get3A_2432 = tpu.vector_load %arg9[%get3A_2430, %get3A_2431] {strides = array<i32>} : memref<100x128xf32, #tpu.memory_space<vmem>>, vector<16xf32>,
        %add3A_2433 = arith.addf %scan3A_2408, %get3A_2432 : vector<16xf32>
        %get3A_2434 = arith.index_cast %scan3A_2405 : i32 to index
        %get3A_2435 = arith.constant 48 : index
        %get3A_2436 = tpu.vector_load %arg9[%get3A_2434, %get3A_2435] {strides = array<i32>} : memref<100x128xf32, #tpu.memory_space<vmem>>, vector<16xf32>,
        %add3A_2437 = arith.addf %scan3A_2409, %get3A_2436 : vector<16xf32>
        %get3A_2438 = arith.index_cast %scan3A_2405 : i32 to index
        %get3A_2439 = arith.constant 64 : index
        %get3A_2440 = tpu.vector_load %arg9[%get3A_2438, %get3A_2439] {strides = array<i32>} : memref<100x128xf32, #tpu.memory_space<vmem>>, vector<16xf32>,
        %add3A_2441 = arith.addf %scan3A_2410, %get3A_2440 : vector<16xf32>
        %get3A_2442 = arith.index_cast %scan3A_2405 : i32 to index
        %get3A_2443 = arith.constant 80 : index
        %get3A_2444 = tpu.vector_load %arg9[%get3A_2442, %get3A_2443] {strides = array<i32>} : memref<100x128xf32, #tpu.memory_space<vmem>>, vector<16xf32>,
        %add3A_2445 = arith.addf %scan3A_2411, %get3A_2444 : vector<16xf32>
        %get3A_2446 = arith.index_cast %scan3A_2405 : i32 to index
        %get3A_2447 = arith.constant 96 : index
        %get3A_2448 = tpu.vector_load %arg9[%get3A_2446, %get3A_2447] {strides = array<i32>} : memref<100x128xf32, #tpu.memory_space<vmem>>, vector<16xf32>,
        %add3A_2449 = arith.addf %scan3A_2412, %get3A_2448 : vector<16xf32>
        %get3A_2450 = arith.index_cast %scan3A_2405 : i32 to index
        %get3A_2451 = arith.constant 112 : index
        %get3A_2452 = tpu.vector_load %arg9[%get3A_2450, %get3A_2451] {strides = array<i32>} : memref<100x128xf32, #tpu.memory_space<vmem>>, vector<16xf32>,
        %add3A_2453 = arith.addf %scan3A_2413, %get3A_2452 : vector<16xf32>
        %add3A_2454 = arith.constant 50 : i32
        %add3A_2455 = arith.addi %add3A_2454, %scan3A_2405 : i32
        %get3A_2456 = arith.index_cast %add3A_2455 : i32 to index
        %get3A_2457 = arith.constant 0 : index
        %get3A_2458 = tpu.vector_load %arg9[%get3A_2456, %get3A_2457] {strides = array<i32>} : memref<100x128xf32, #tpu.memory_space<vmem>>, vector<16xf32>,
        %add3A_2459 = arith.addf %scan3A_2414, %get3A_2458 : vector<16xf32>
        %add3A_2460 = arith.constant 50 : i32
        %add3A_2461 = arith.addi %add3A_2460, %scan3A_2405 : i32
        %get3A_2462 = arith.index_cast %add3A_2461 : i32 to index
        %get3A_2463 = arith.constant 16 : index
        %get3A_2464 = tpu.vector_load %arg9[%get3A_2462, %get3A_2463] {strides = array<i32>} : memref<100x128xf32, #tpu.memory_space<vmem>>, vector<16xf32>,
        %add3A_2465 = arith.addf %scan3A_2415, %get3A_2464 : vector<16xf32>
        %add3A_2466 = arith.constant 50 : i32
        %add3A_2467 = arith.addi %add3A_2466, %scan3A_2405 : i32
        %get3A_2468 = arith.index_cast %add3A_2467 : i32 to index
        %get3A_2469 = arith.constant 32 : index
        %get3A_2470 = tpu.vector_load %arg9[%get3A_2468, %get3A_2469] {strides = array<i32>} : memref<100x128xf32, #tpu.memory_space<vmem>>, vector<16xf32>,
        %add3A_2471 = arith.addf %scan3A_2416, %get3A_2470 : vector<16xf32>
        %add3A_2472 = arith.constant 50 : i32
        %add3A_2473 = arith.addi %add3A_2472, %scan3A_2405 : i32
        %get3A_2474 = arith.index_cast %add3A_2473 : i32 to index
        %get3A_2475 = arith.constant 48 : index
        %get3A_2476 = tpu.vector_load %arg9[%get3A_2474, %get3A_2475] {strides = array<i32>} : memref<100x128xf32, #tpu.memory_space<vmem>>, vector<16xf32>,
        %add3A_2477 = arith.addf %scan3A_2417, %get3A_2476 : vector<16xf32>
        %add3A_2478 = arith.constant 50 : i32
        %add3A_2479 = arith.addi %add3A_2478, %scan3A_2405 : i32
        %get3A_2480 = arith.index_cast %add3A_2479 : i32 to index
        %get3A_2481 = arith.constant 64 : index
        %get3A_2482 = tpu.vector_load %arg9[%get3A_2480, %get3A_2481] {strides = array<i32>} : memref<100x128xf32, #tpu.memory_space<vmem>>, vector<16xf32>,
        %add3A_2483 = arith.addf %scan3A_2418, %get3A_2482 : vector<16xf32>
        %add3A_2484 = arith.constant 50 : i32
        %add3A_2485 = arith.addi %add3A_2484, %scan3A_2405 : i32
        %get3A_2486 = arith.index_cast %add3A_2485 : i32 to index
        %get3A_2487 = arith.constant 80 : index
        %get3A_2488 = tpu.vector_load %arg9[%get3A_2486, %get3A_2487] {strides = array<i32>} : memref<100x128xf32, #tpu.memory_space<vmem>>, vector<16xf32>,
        %add3A_2489 = arith.addf %scan3A_2419, %get3A_2488 : vector<16xf32>
        %add3A_2490 = arith.constant 50 : i32
        %add3A_2491 = arith.addi %add3A_2490, %scan3A_2405 : i32
        %get3A_2492 = arith.index_cast %add3A_2491 : i32 to index
        %get3A_2493 = arith.constant 96 : index
        %get3A_2494 = tpu.vector_load %arg9[%get3A_2492, %get3A_2493] {strides = array<i32>} : memref<100x128xf32, #tpu.memory_space<vmem>>, vector<16xf32>,
        %add3A_2495 = arith.addf %scan3A_2420, %get3A_2494 : vector<16xf32>
        %add3A_2496 = arith.constant 50 : i32
        %add3A_2497 = arith.addi %add3A_2496, %scan3A_2405 : i32
        %get3A_2498 = arith.index_cast %add3A_2497 : i32 to index
        %get3A_2499 = arith.constant 112 : index
        %get3A_2500 = tpu.vector_load %arg9[%get3A_2498, %get3A_2499] {strides = array<i32>} : memref<100x128xf32, #tpu.memory_space<vmem>>, vector<16xf32>,
        %add3A_2501 = arith.addf %scan3A_2421, %get3A_2500 : vector<16xf32>
        %scan3A_2502 = arith.constant 1 : i32
        %scan3A_2503 = arith.addi %scan3A_2405, %scan3A_2502 : i32
        %get3A_2504 = arith.index_cast %scan3A_2503 : i32 to index
        %get3A_2505 = arith.constant 0 : index
        %get3A_2506 = tpu.vector_load %arg9[%get3A_2504, %get3A_2505] {strides = array<i32>} : memref<100x128xf32, #tpu.memory_space<vmem>>, vector<16xf32>,
        %add3A_2507 = arith.addf %add3A_2425, %get3A_2506 : vector<16xf32>
        %get3A_2508 = arith.index_cast %scan3A_2503 : i32 to index
        %get3A_2509 = arith.constant 16 : index
        %get3A_2510 = tpu.vector_load %arg9[%get3A_2508, %get3A_2509] {strides = array<i32>} : memref<100x128xf32, #tpu.memory_space<vmem>>, vector<16xf32>,
        %add3A_2511 = arith.addf %add3A_2429, %get3A_2510 : vector<16xf32>
        %get3A_2512 = arith.index_cast %scan3A_2503 : i32 to index
        %get3A_2513 = arith.constant 32 : index
        %get3A_2514 = tpu.vector_load %arg9[%get3A_2512, %get3A_2513] {strides = array<i32>} : memref<100x128xf32, #tpu.memory_space<vmem>>, vector<16xf32>,
        %add3A_2515 = arith.addf %add3A_2433, %get3A_2514 : vector<16xf32>
        %get3A_2516 = arith.index_cast %scan3A_2503 : i32 to index
        %get3A_2517 = arith.constant 48 : index
        %get3A_2518 = tpu.vector_load %arg9[%get3A_2516, %get3A_2517] {strides = array<i32>} : memref<100x128xf32, #tpu.memory_space<vmem>>, vector<16xf32>,
        %add3A_2519 = arith.addf %add3A_2437, %get3A_2518 : vector<16xf32>
        %get3A_2520 = arith.index_cast %scan3A_2503 : i32 to index
        %get3A_2521 = arith.constant 64 : index
        %get3A_2522 = tpu.vector_load %arg9[%get3A_2520, %get3A_2521] {strides = array<i32>} : memref<100x128xf32, #tpu.memory_space<vmem>>, vector<16xf32>,
        %add3A_2523 = arith.addf %add3A_2441, %get3A_2522 : vector<16xf32>
        %get3A_2524 = arith.index_cast %scan3A_2503 : i32 to index
        %get3A_2525 = arith.constant 80 : index
        %get3A_2526 = tpu.vector_load %arg9[%get3A_2524, %get3A_2525] {strides = array<i32>} : memref<100x128xf32, #tpu.memory_space<vmem>>, vector<16xf32>,
        %add3A_2527 = arith.addf %add3A_2445, %get3A_2526 : vector<16xf32>
        %get3A_2528 = arith.index_cast %scan3A_2503 : i32 to index
        %get3A_2529 = arith.constant 96 : index
        %get3A_2530 = tpu.vector_load %arg9[%get3A_2528, %get3A_2529] {strides = array<i32>} : memref<100x128xf32, #tpu.memory_space<vmem>>, vector<16xf32>,
        %add3A_2531 = arith.addf %add3A_2449, %get3A_2530 : vector<16xf32>
        %get3A_2532 = arith.index_cast %scan3A_2503 : i32 to index
        %get3A_2533 = arith.constant 112 : index
        %get3A_2534 = tpu.vector_load %arg9[%get3A_2532, %get3A_2533] {strides = array<i32>} : memref<100x128xf32, #tpu.memory_space<vmem>>, vector<16xf32>,
        %add3A_2535 = arith.addf %add3A_2453, %get3A_2534 : vector<16xf32>
        %add3A_2536 = arith.constant 50 : i32
        %add3A_2537 = arith.addi %add3A_2536, %scan3A_2503 : i32
        %get3A_2538 = arith.index_cast %add3A_2537 : i32 to index
        %get3A_2539 = arith.constant 0 : index
        %get3A_2540 = tpu.vector_load %arg9[%get3A_2538, %get3A_2539] {strides = array<i32>} : memref<100x128xf32, #tpu.memory_space<vmem>>, vector<16xf32>,
        %add3A_2541 = arith.addf %add3A_2459, %get3A_2540 : vector<16xf32>
        %add3A_2542 = arith.constant 50 : i32
        %add3A_2543 = arith.addi %add3A_2542, %scan3A_2503 : i32
        %get3A_2544 = arith.index_cast %add3A_2543 : i32 to index
        %get3A_2545 = arith.constant 16 : index
        %get3A_2546 = tpu.vector_load %arg9[%get3A_2544, %get3A_2545] {strides = array<i32>} : memref<100x128xf32, #tpu.memory_space<vmem>>, vector<16xf32>,
        %add3A_2547 = arith.addf %add3A_2465, %get3A_2546 : vector<16xf32>
        %add3A_2548 = arith.constant 50 : i32
        %add3A_2549 = arith.addi %add3A_2548, %scan3A_2503 : i32
        %get3A_2550 = arith.index_cast %add3A_2549 : i32 to index
        %get3A_2551 = arith.constant 32 : index
        %get3A_2552 = tpu.vector_load %arg9[%get3A_2550, %get3A_2551] {strides = array<i32>} : memref<100x128xf32, #tpu.memory_space<vmem>>, vector<16xf32>,
        %add3A_2553 = arith.addf %add3A_2471, %get3A_2552 : vector<16xf32>
        %add3A_2554 = arith.constant 50 : i32
        %add3A_2555 = arith.addi %add3A_2554, %scan3A_2503 : i32
        %get3A_2556 = arith.index_cast %add3A_2555 : i32 to index
        %get3A_2557 = arith.constant 48 : index
        %get3A_2558 = tpu.vector_load %arg9[%get3A_2556, %get3A_2557] {strides = array<i32>} : memref<100x128xf32, #tpu.memory_space<vmem>>, vector<16xf32>,
        %add3A_2559 = arith.addf %add3A_2477, %get3A_2558 : vector<16xf32>
        %add3A_2560 = arith.constant 50 : i32
        %add3A_2561 = arith.addi %add3A_2560, %scan3A_2503 : i32
        %get3A_2562 = arith.index_cast %add3A_2561 : i32 to index
        %get3A_2563 = arith.constant 64 : index
        %get3A_2564 = tpu.vector_load %arg9[%get3A_2562, %get3A_2563] {strides = array<i32>} : memref<100x128xf32, #tpu.memory_space<vmem>>, vector<16xf32>,
        %add3A_2565 = arith.addf %add3A_2483, %get3A_2564 : vector<16xf32>
        %add3A_2566 = arith.constant 50 : i32
        %add3A_2567 = arith.addi %add3A_2566, %scan3A_2503 : i32
        %get3A_2568 = arith.index_cast %add3A_2567 : i32 to index
        %get3A_2569 = arith.constant 80 : index
        %get3A_2570 = tpu.vector_load %arg9[%get3A_2568, %get3A_2569] {strides = array<i32>} : memref<100x128xf32, #tpu.memory_space<vmem>>, vector<16xf32>,
        %add3A_2571 = arith.addf %add3A_2489, %get3A_2570 : vector<16xf32>
        %add3A_2572 = arith.constant 50 : i32
        %add3A_2573 = arith.addi %add3A_2572, %scan3A_2503 : i32
        %get3A_2574 = arith.index_cast %add3A_2573 : i32 to index
        %get3A_2575 = arith.constant 96 : index
        %get3A_2576 = tpu.vector_load %arg9[%get3A_2574, %get3A_2575] {strides = array<i32>} : memref<100x128xf32, #tpu.memory_space<vmem>>, vector<16xf32>,
        %add3A_2577 = arith.addf %add3A_2495, %get3A_2576 : vector<16xf32>
        %add3A_2578 = arith.constant 50 : i32
        %add3A_2579 = arith.addi %add3A_2578, %scan3A_2503 : i32
        %get3A_2580 = arith.index_cast %add3A_2579 : i32 to index
        %get3A_2581 = arith.constant 112 : index
        %get3A_2582 = tpu.vector_load %arg9[%get3A_2580, %get3A_2581] {strides = array<i32>} : memref<100x128xf32, #tpu.memory_space<vmem>>, vector<16xf32>,
        %add3A_2583 = arith.addf %add3A_2501, %get3A_2582 : vector<16xf32>
        scf.yield %add3A_2507, %add3A_2511, %add3A_2515, %add3A_2519, %add3A_2523, %add3A_2527, %add3A_2531, %add3A_2535, %add3A_2541, %add3A_2547, %add3A_2553, %add3A_2559, %add3A_2565, %add3A_2571, %add3A_2577, %add3A_2583 : vector<16xf32>, vector<16xf32>, vector<16xf32>, vector<16xf32>, vector<16xf32>, vector<16xf32>, vector<16xf32>, vector<16xf32>, vector<16xf32>, vector<16xf32>, vector<16xf32>, vector<16xf32>, vector<16xf32>, vector<16xf32>, vector<16xf32>, vector<16xf32>
      }
      %scan3A_1351 = arith.constant 48 : i32
      %scan3A_1352 = arith.addi %scan3A_1346, %scan3A_1351 : i32
      %get3A_1353 = arith.index_cast %scan3A_1352 : i32 to index
      %get3A_1354 = arith.constant 0 : index
      %get3A_1355 = tpu.vector_load %arg9[%get3A_1353, %get3A_1354] {strides = array<i32>} : memref<100x128xf32, #tpu.memory_space<vmem>>, vector<16xf32>,
      %add3A_1356 = arith.addf %scan3A_1350#0, %get3A_1355 : vector<16xf32>
      %get3A_1357 = arith.index_cast %scan3A_1352 : i32 to index
      %get3A_1358 = arith.constant 16 : index
      %get3A_1359 = tpu.vector_load %arg9[%get3A_1357, %get3A_1358] {strides = array<i32>} : memref<100x128xf32, #tpu.memory_space<vmem>>, vector<16xf32>,
      %add3A_1360 = arith.addf %scan3A_1350#1, %get3A_1359 : vector<16xf32>
      %get3A_1361 = arith.index_cast %scan3A_1352 : i32 to index
      %get3A_1362 = arith.constant 32 : index
      %get3A_1363 = tpu.vector_load %arg9[%get3A_1361, %get3A_1362] {strides = array<i32>} : memref<100x128xf32, #tpu.memory_space<vmem>>, vector<16xf32>,
      %add3A_1364 = arith.addf %scan3A_1350#2, %get3A_1363 : vector<16xf32>
      %get3A_1365 = arith.index_cast %scan3A_1352 : i32 to index
      %get3A_1366 = arith.constant 48 : index
      %get3A_1367 = tpu.vector_load %arg9[%get3A_1365, %get3A_1366] {strides = array<i32>} : memref<100x128xf32, #tpu.memory_space<vmem>>, vector<16xf32>,
      %add3A_1368 = arith.addf %scan3A_1350#3, %get3A_1367 : vector<16xf32>
      %get3A_1369 = arith.index_cast %scan3A_1352 : i32 to index
      %get3A_1370 = arith.constant 64 : index
      %get3A_1371 = tpu.vector_load %arg9[%get3A_1369, %get3A_1370] {strides = array<i32>} : memref<100x128xf32, #tpu.memory_space<vmem>>, vector<16xf32>,
      %add3A_1372 = arith.addf %scan3A_1350#4, %get3A_1371 : vector<16xf32>
      %get3A_1373 = arith.index_cast %scan3A_1352 : i32 to index
      %get3A_1374 = arith.constant 80 : index
      %get3A_1375 = tpu.vector_load %arg9[%get3A_1373, %get3A_1374] {strides = array<i32>} : memref<100x128xf32, #tpu.memory_space<vmem>>, vector<16xf32>,
      %add3A_1376 = arith.addf %scan3A_1350#5, %get3A_1375 : vector<16xf32>
      %get3A_1377 = arith.index_cast %scan3A_1352 : i32 to index
      %get3A_1378 = arith.constant 96 : index
      %get3A_1379 = tpu.vector_load %arg9[%get3A_1377, %get3A_1378] {strides = array<i32>} : memref<100x128xf32, #tpu.memory_space<vmem>>, vector<16xf32>,
      %add3A_1380 = arith.addf %scan3A_1350#6, %get3A_1379 : vector<16xf32>
      %get3A_1381 = arith.index_cast %scan3A_1352 : i32 to index
      %get3A_1382 = arith.constant 112 : index
      %get3A_1383 = tpu.vector_load %arg9[%get3A_1381, %get3A_1382] {strides = array<i32>} : memref<100x128xf32, #tpu.memory_space<vmem>>, vector<16xf32>,
      %add3A_1384 = arith.addf %scan3A_1350#7, %get3A_1383 : vector<16xf32>
      %add3A_1385 = arith.constant 50 : i32
      %add3A_1386 = arith.addi %add3A_1385, %scan3A_1352 : i32
      %get3A_1387 = arith.index_cast %add3A_1386 : i32 to index
      %get3A_1388 = arith.constant 0 : index
      %get3A_1389 = tpu.vector_load %arg9[%get3A_1387, %get3A_1388] {strides = array<i32>} : memref<100x128xf32, #tpu.memory_space<vmem>>, vector<16xf32>,
      %add3A_1390 = arith.addf %scan3A_1350#8, %get3A_1389 : vector<16xf32>
      %add3A_1391 = arith.constant 50 : i32
      %add3A_1392 = arith.addi %add3A_1391, %scan3A_1352 : i32
      %get3A_1393 = arith.index_cast %add3A_1392 : i32 to index
      %get3A_1394 = arith.constant 16 : index
      %get3A_1395 = tpu.vector_load %arg9[%get3A_1393, %get3A_1394] {strides = array<i32>} : memref<100x128xf32, #tpu.memory_space<vmem>>, vector<16xf32>,
      %add3A_1396 = arith.addf %scan3A_1350#9, %get3A_1395 : vector<16xf32>
      %add3A_1397 = arith.constant 50 : i32
      %add3A_1398 = arith.addi %add3A_1397, %scan3A_1352 : i32
      %get3A_1399 = arith.index_cast %add3A_1398 : i32 to index
      %get3A_1400 = arith.constant 32 : index
      %get3A_1401 = tpu.vector_load %arg9[%get3A_1399, %get3A_1400] {strides = array<i32>} : memref<100x128xf32, #tpu.memory_space<vmem>>, vector<16xf32>,
      %add3A_1402 = arith.addf %scan3A_1350#10, %get3A_1401 : vector<16xf32>
      %add3A_1403 = arith.constant 50 : i32
      %add3A_1404 = arith.addi %add3A_1403, %scan3A_1352 : i32
      %get3A_1405 = arith.index_cast %add3A_1404 : i32 to index
      %get3A_1406 = arith.constant 48 : index
      %get3A_1407 = tpu.vector_load %arg9[%get3A_1405, %get3A_1406] {strides = array<i32>} : memref<100x128xf32, #tpu.memory_space<vmem>>, vector<16xf32>,
      %add3A_1408 = arith.addf %scan3A_1350#11, %get3A_1407 : vector<16xf32>
      %add3A_1409 = arith.constant 50 : i32
      %add3A_1410 = arith.addi %add3A_1409, %scan3A_1352 : i32
      %get3A_1411 = arith.index_cast %add3A_1410 : i32 to index
      %get3A_1412 = arith.constant 64 : index
      %get3A_1413 = tpu.vector_load %arg9[%get3A_1411, %get3A_1412] {strides = array<i32>} : memref<100x128xf32, #tpu.memory_space<vmem>>, vector<16xf32>,
      %add3A_1414 = arith.addf %scan3A_1350#12, %get3A_1413 : vector<16xf32>
      %add3A_1415 = arith.constant 50 : i32
      %add3A_1416 = arith.addi %add3A_1415, %scan3A_1352 : i32
      %get3A_1417 = arith.index_cast %add3A_1416 : i32 to index
      %get3A_1418 = arith.constant 80 : index
      %get3A_1419 = tpu.vector_load %arg9[%get3A_1417, %get3A_1418] {strides = array<i32>} : memref<100x128xf32, #tpu.memory_space<vmem>>, vector<16xf32>,
      %add3A_1420 = arith.addf %scan3A_1350#13, %get3A_1419 : vector<16xf32>
      %add3A_1421 = arith.constant 50 : i32
      %add3A_1422 = arith.addi %add3A_1421, %scan3A_1352 : i32
      %get3A_1423 = arith.index_cast %add3A_1422 : i32 to index
      %get3A_1424 = arith.constant 96 : index
      %get3A_1425 = tpu.vector_load %arg9[%get3A_1423, %get3A_1424] {strides = array<i32>} : memref<100x128xf32, #tpu.memory_space<vmem>>, vector<16xf32>,
      %add3A_1426 = arith.addf %scan3A_1350#14, %get3A_1425 : vector<16xf32>
      %add3A_1427 = arith.constant 50 : i32
      %add3A_1428 = arith.addi %add3A_1427, %scan3A_1352 : i32
      %get3A_1429 = arith.index_cast %add3A_1428 : i32 to index
      %get3A_1430 = arith.constant 112 : index
      %get3A_1431 = tpu.vector_load %arg9[%get3A_1429, %get3A_1430] {strides = array<i32>} : memref<100x128xf32, #tpu.memory_space<vmem>>, vector<16xf32>,
      %add3A_1432 = arith.addf %scan3A_1350#15, %get3A_1431 : vector<16xf32>
      %scan3A_1433 = arith.constant 49 : i32
      %mul3A_1434 = arith.mulf %add3A_1356, %add3A_1390 : vector<16xf32>
      %mul3A_1435 = arith.mulf %add3A_1356, %add3A_1356 : vector<16xf32>
      %mul3A_1436 = arith.mulf %add3A_1390, %add3A_1390 : vector<16xf32>
      %mul3A_1437 = arith.mulf %add3A_1360, %add3A_1396 : vector<16xf32>
      %add3A_1438 = arith.addf %mul3A_1434, %mul3A_1437 : vector<16xf32>
      %mul3A_1439 = arith.mulf %add3A_1360, %add3A_1360 : vector<16xf32>
      %add3A_1440 = arith.addf %mul3A_1435, %mul3A_1439 : vector<16xf32>
      %mul3A_1441 = arith.mulf %add3A_1396, %add3A_1396 : vector<16xf32>
      %add3A_1442 = arith.addf %mul3A_1436, %mul3A_1441 : vector<16xf32>
      %mul3A_1443 = arith.mulf %add3A_1364, %add3A_1402 : vector<16xf32>
      %add3A_1444 = arith.addf %add3A_1438, %mul3A_1443 : vector<16xf32>
      %mul3A_1445 = arith.mulf %add3A_1364, %add3A_1364 : vector<16xf32>
      %add3A_1446 = arith.addf %add3A_1440, %mul3A_1445 : vector<16xf32>
      %mul3A_1447 = arith.mulf %add3A_1402, %add3A_1402 : vector<16xf32>
      %add3A_1448 = arith.addf %add3A_1442, %mul3A_1447 : vector<16xf32>
      %mul3A_1449 = arith.mulf %add3A_1368, %add3A_1408 : vector<16xf32>
      %add3A_1450 = arith.addf %add3A_1444, %mul3A_1449 : vector<16xf32>
      %mul3A_1451 = arith.mulf %add3A_1368, %add3A_1368 : vector<16xf32>
      %add3A_1452 = arith.addf %add3A_1446, %mul3A_1451 : vector<16xf32>
      %mul3A_1453 = arith.mulf %add3A_1408, %add3A_1408 : vector<16xf32>
      %add3A_1454 = arith.addf %add3A_1448, %mul3A_1453 : vector<16xf32>
      %mul3A_1455 = arith.mulf %add3A_1372, %add3A_1414 : vector<16xf32>
      %add3A_1456 = arith.addf %add3A_1450, %mul3A_1455 : vector<16xf32>
      %mul3A_1457 = arith.mulf %add3A_1372, %add3A_1372 : vector<16xf32>
      %add3A_1458 = arith.addf %add3A_1452, %mul3A_1457 : vector<16xf32>
      %mul3A_1459 = arith.mulf %add3A_1414, %add3A_1414 : vector<16xf32>
      %add3A_1460 = arith.addf %add3A_1454, %mul3A_1459 : vector<16xf32>
      %mul3A_1461 = arith.mulf %add3A_1376, %add3A_1420 : vector<16xf32>
      %add3A_1462 = arith.addf %add3A_1456, %mul3A_1461 : vector<16xf32>
      %mul3A_1463 = arith.mulf %add3A_1376, %add3A_1376 : vector<16xf32>
      %add3A_1464 = arith.addf %add3A_1458, %mul3A_1463 : vector<16xf32>
      %mul3A_1465 = arith.mulf %add3A_1420, %add3A_1420 : vector<16xf32>
      %add3A_1466 = arith.addf %add3A_1460, %mul3A_1465 : vector<16xf32>
      %mul3A_1467 = arith.mulf %add3A_1380, %add3A_1426 : vector<16xf32>
      %add3A_1468 = arith.addf %add3A_1462, %mul3A_1467 : vector<16xf32>
      %mul3A_1469 = arith.mulf %add3A_1380, %add3A_1380 : vector<16xf32>
      %add3A_1470 = arith.addf %add3A_1464, %mul3A_1469 : vector<16xf32>
      %mul3A_1471 = arith.mulf %add3A_1426, %add3A_1426 : vector<16xf32>
      %add3A_1472 = arith.addf %add3A_1466, %mul3A_1471 : vector<16xf32>
      %mul3A_1473 = arith.mulf %add3A_1384, %add3A_1432 : vector<16xf32>
      %add3A_1474 = arith.addf %add3A_1468, %mul3A_1473 : vector<16xf32>
      %mul3A_1475 = arith.mulf %add3A_1384, %add3A_1384 : vector<16xf32>
      %add3A_1476 = arith.addf %add3A_1470, %mul3A_1475 : vector<16xf32>
      %mul3A_1477 = arith.mulf %add3A_1432, %add3A_1432 : vector<16xf32>
      %add3A_1478 = arith.addf %add3A_1472, %mul3A_1477 : vector<16xf32>
      %iota3A_1479 = tpu.iota {dimensions = array<i32: 0>} : vector<16xi32>
      %eq3A_1480 = arith.constant 15 : i32
      %eq3A_1481 = vector.broadcast %eq3A_1480 : i32 to vector<16xi32>
      %eq3A_1482 = arith.cmpi eq, %iota3A_1479, %eq3A_1481 : vector<16xi32>
      %broadcast_in_dim3A_1483 = vector.broadcast %add3A_1266 : i32 to vector<16xi32>
      %cumsum3A_1484 = arith.constant true
      %cumsum3A_1485 = vector.broadcast %cumsum3A_1484 : i1 to vector<16xi1>
      %cumsum3A_1486 = tpu.scan <sum>, %add3A_1474 masked %cumsum3A_1485 : vector<16xf32>, vector<16xi1> -> vector<16xf32>
      tpu.vector_store_idx %arg14[%broadcast_in_dim3A_1483], %cumsum3A_1486 masked %eq3A_1482 : memref<128xf32, #tpu.memory_space<vmem>>[vector<16xi32>], vector<16xf32>, vector<16xi1>
      %cumsum3A_1487 = arith.constant true
      %cumsum3A_1488 = vector.broadcast %cumsum3A_1487 : i1 to vector<16xi1>
      %cumsum3A_1489 = tpu.scan <sum>, %add3A_1476 masked %cumsum3A_1488 : vector<16xf32>, vector<16xi1> -> vector<16xf32>
      tpu.vector_store_idx %arg15[%broadcast_in_dim3A_1483], %cumsum3A_1489 masked %eq3A_1482 : memref<128xf32, #tpu.memory_space<vmem>>[vector<16xi32>], vector<16xf32>, vector<16xi1>
      %cumsum3A_1490 = arith.constant true
      %cumsum3A_1491 = vector.broadcast %cumsum3A_1490 : i1 to vector<16xi1>
      %cumsum3A_1492 = tpu.scan <sum>, %add3A_1478 masked %cumsum3A_1491 : vector<16xf32>, vector<16xi1> -> vector<16xf32>
      tpu.vector_store_idx %arg16[%broadcast_in_dim3A_1483], %cumsum3A_1492 masked %eq3A_1482 : memref<128xf32, #tpu.memory_space<vmem>>[vector<16xi32>], vector<16xf32>, vector<16xi1>
      %add3A_1493 = arith.constant 2 : i32
      %add3A_1494 = arith.addi %mul3A_1039, %add3A_1493 : i32
      %dma_wait3A_1495 = arith.constant 0 : i32
      %dma_wait3A_1496 = tpu.memref_slice %arg7[%add3A_1494, %dma_wait3A_1495] : memref<128x100xi32, #tpu.memory_space<vmem>> -> memref<1x100xi32, #tpu.memory_space<vmem>>
      %dma_wait3A_1497 = tpu.memref_squeeze %dma_wait3A_1496 : memref<1x100xi32, #tpu.memory_space<vmem>> -> memref<100xi32, #tpu.memory_space<vmem>>
      %dma_wait3A_1498 = arith.constant 0 : i32
      %dma_wait3A_1499 = arith.constant 0 : i32
      %dma_wait3A_1500 = tpu.memref_slice %arg3[%dma_wait3A_1498, %dma_wait3A_1499] : memref<100000x128xf32, #tpu.memory_space<hbm>> -> memref<100000x128xf32, #tpu.memory_space<hbm>>
      tpu.wait_indirect_dma semaphore(%arg22 : memref<!tpu.dma_semaphore, #tpu.memory_space<semaphore_mem>>) src(%dma_wait3A_1500 : memref<100000x128xf32, #tpu.memory_space<hbm>>) dst(%arg10 : memref<100x128xf32, #tpu.memory_space<vmem>>)
      %add3A_1501 = arith.constant 6 : i32
      %add3A_1502 = arith.addi %add3A_1494, %add3A_1501 : i32
      %sub3A_1503 = arith.constant 1 : i32
      %sub3A_1504 = arith.subi %add3A_1502, %sub3A_1503 : i32
      %lt3A_1505 = arith.constant 128 : i32
      %lt3A_1506 = arith.cmpi slt, %sub3A_1504, %lt3A_1505 : i32
      %convert_element_type3A_1507 = arith.extui %lt3A_1506 : i1 to i32
      %cond3A_1508 = arith.constant 0 : i32
      %cond3A_1509 = arith.cmpi ne, %convert_element_type3A_1507, %cond3A_1508 : i32
      scf.if %cond3A_1509 {
        %add3A_2405 = arith.constant 6 : i32
        %add3A_2406 = arith.addi %add3A_1494, %add3A_2405 : i32
        %sub3A_2407 = arith.constant 1 : i32
        %sub3A_2408 = arith.subi %add3A_2406, %sub3A_2407 : i32
        %dma_start3A_2409 = arith.constant 0 : i32
        %dma_start3A_2410 = tpu.memref_slice %arg7[%sub3A_2408, %dma_start3A_2409] : memref<128x100xi32, #tpu.memory_space<vmem>> -> memref<1x100xi32, #tpu.memory_space<vmem>>
        %dma_start3A_2411 = tpu.memref_squeeze %dma_start3A_2410 : memref<1x100xi32, #tpu.memory_space<vmem>> -> memref<100xi32, #tpu.memory_space<vmem>>
        %dma_start3A_2412 = arith.constant 0 : i32
        %dma_start3A_2413 = arith.constant 0 : i32
        %dma_start3A_2414 = tpu.memref_slice %arg3[%dma_start3A_2412, %dma_start3A_2413] : memref<100000x128xf32, #tpu.memory_space<hbm>> -> memref<100000x128xf32, #tpu.memory_space<hbm>>
        tpu.enqueue_indirect_dma source(%dma_start3A_2414 : memref<100000x128xf32, #tpu.memory_space<hbm>>) target(%arg9 : memref<100x128xf32, #tpu.memory_space<vmem>>) offsets(%dma_start3A_2411 : memref<100xi32, #tpu.memory_space<vmem>>) semaphore(%arg21 : memref<!tpu.dma_semaphore, #tpu.memory_space<semaphore_mem>>)
      } else {
      }
      %get3A_1510 = arith.constant 0 : i32
      %get3A_1511 = arith.index_cast %get3A_1510 : i32 to index
      %get3A_1512 = arith.constant 0 : index
      %get3A_1513 = tpu.vector_load %arg10[%get3A_1511, %get3A_1512] {strides = array<i32>} : memref<100x128xf32, #tpu.memory_space<vmem>>, vector<16xf32>,
      %get3A_1514 = arith.constant 0 : i32
      %get3A_1515 = arith.index_cast %get3A_1514 : i32 to index
      %get3A_1516 = arith.constant 16 : index
      %get3A_1517 = tpu.vector_load %arg10[%get3A_1515, %get3A_1516] {strides = array<i32>} : memref<100x128xf32, #tpu.memory_space<vmem>>, vector<16xf32>,
      %get3A_1518 = arith.constant 0 : i32
      %get3A_1519 = arith.index_cast %get3A_1518 : i32 to index
      %get3A_1520 = arith.constant 32 : index
      %get3A_1521 = tpu.vector_load %arg10[%get3A_1519, %get3A_1520] {strides = array<i32>} : memref<100x128xf32, #tpu.memory_space<vmem>>, vector<16xf32>,
      %get3A_1522 = arith.constant 0 : i32
      %get3A_1523 = arith.index_cast %get3A_1522 : i32 to index
      %get3A_1524 = arith.constant 48 : index
      %get3A_1525 = tpu.vector_load %arg10[%get3A_1523, %get3A_1524] {strides = array<i32>} : memref<100x128xf32, #tpu.memory_space<vmem>>, vector<16xf32>,
      %get3A_1526 = arith.constant 0 : i32
      %get3A_1527 = arith.index_cast %get3A_1526 : i32 to index
      %get3A_1528 = arith.constant 64 : index
      %get3A_1529 = tpu.vector_load %arg10[%get3A_1527, %get3A_1528] {strides = array<i32>} : memref<100x128xf32, #tpu.memory_space<vmem>>, vector<16xf32>,
      %get3A_1530 = arith.constant 0 : i32
      %get3A_1531 = arith.index_cast %get3A_1530 : i32 to index
      %get3A_1532 = arith.constant 80 : index
      %get3A_1533 = tpu.vector_load %arg10[%get3A_1531, %get3A_1532] {strides = array<i32>} : memref<100x128xf32, #tpu.memory_space<vmem>>, vector<16xf32>,
      %get3A_1534 = arith.constant 0 : i32
      %get3A_1535 = arith.index_cast %get3A_1534 : i32 to index
      %get3A_1536 = arith.constant 96 : index
      %get3A_1537 = tpu.vector_load %arg10[%get3A_1535, %get3A_1536] {strides = array<i32>} : memref<100x128xf32, #tpu.memory_space<vmem>>, vector<16xf32>,
      %get3A_1538 = arith.constant 0 : i32
      %get3A_1539 = arith.index_cast %get3A_1538 : i32 to index
      %get3A_1540 = arith.constant 112 : index
      %get3A_1541 = tpu.vector_load %arg10[%get3A_1539, %get3A_1540] {strides = array<i32>} : memref<100x128xf32, #tpu.memory_space<vmem>>, vector<16xf32>,
      %get3A_1542 = arith.constant 50 : i32
      %get3A_1543 = arith.index_cast %get3A_1542 : i32 to index
      %get3A_1544 = arith.constant 0 : index
      %get3A_1545 = tpu.vector_load %arg10[%get3A_1543, %get3A_1544] {strides = array<i32>} : memref<100x128xf32, #tpu.memory_space<vmem>>, vector<16xf32>,
      %get3A_1546 = arith.constant 50 : i32
      %get3A_1547 = arith.index_cast %get3A_1546 : i32 to index
      %get3A_1548 = arith.constant 16 : index
      %get3A_1549 = tpu.vector_load %arg10[%get3A_1547, %get3A_1548] {strides = array<i32>} : memref<100x128xf32, #tpu.memory_space<vmem>>, vector<16xf32>,
      %get3A_1550 = arith.constant 50 : i32
      %get3A_1551 = arith.index_cast %get3A_1550 : i32 to index
      %get3A_1552 = arith.constant 32 : index
      %get3A_1553 = tpu.vector_load %arg10[%get3A_1551, %get3A_1552] {strides = array<i32>} : memref<100x128xf32, #tpu.memory_space<vmem>>, vector<16xf32>,
      %get3A_1554 = arith.constant 50 : i32
      %get3A_1555 = arith.index_cast %get3A_1554 : i32 to index
      %get3A_1556 = arith.constant 48 : index
      %get3A_1557 = tpu.vector_load %arg10[%get3A_1555, %get3A_1556] {strides = array<i32>} : memref<100x128xf32, #tpu.memory_space<vmem>>, vector<16xf32>,
      %get3A_1558 = arith.constant 50 : i32
      %get3A_1559 = arith.index_cast %get3A_1558 : i32 to index
      %get3A_1560 = arith.constant 64 : index
      %get3A_1561 = tpu.vector_load %arg10[%get3A_1559, %get3A_1560] {strides = array<i32>} : memref<100x128xf32, #tpu.memory_space<vmem>>, vector<16xf32>,
      %get3A_1562 = arith.constant 50 : i32
      %get3A_1563 = arith.index_cast %get3A_1562 : i32 to index
      %get3A_1564 = arith.constant 80 : index
      %get3A_1565 = tpu.vector_load %arg10[%get3A_1563, %get3A_1564] {strides = array<i32>} : memref<100x128xf32, #tpu.memory_space<vmem>>, vector<16xf32>,
      %get3A_1566 = arith.constant 50 : i32
      %get3A_1567 = arith.index_cast %get3A_1566 : i32 to index
      %get3A_1568 = arith.constant 96 : index
      %get3A_1569 = tpu.vector_load %arg10[%get3A_1567, %get3A_1568] {strides = array<i32>} : memref<100x128xf32, #tpu.memory_space<vmem>>, vector<16xf32>,
      %get3A_1570 = arith.constant 50 : i32
      %get3A_1571 = arith.index_cast %get3A_1570 : i32 to index
      %get3A_1572 = arith.constant 112 : index
      %get3A_1573 = tpu.vector_load %arg10[%get3A_1571, %get3A_1572] {strides = array<i32>} : memref<100x128xf32, #tpu.memory_space<vmem>>, vector<16xf32>,
      %scan3A_1574 = arith.constant 1 : i32
      %scan3A_1575 = arith.constant 48 : i32
      %scan3A_1576 = arith.addi %scan3A_1574, %scan3A_1575 : i32
      %scan3A_1577 = arith.constant 2 : i32
      %scan3A_1578:16 = scf.for %scan3A_2405 = %scan3A_1574 to %scan3A_1576 step %scan3A_1577 iter_args(%scan3A_2406 = %get3A_1513, %scan3A_2407 = %get3A_1517, %scan3A_2408 = %get3A_1521, %scan3A_2409 = %get3A_1525, %scan3A_2410 = %get3A_1529, %scan3A_2411 = %get3A_1533, %scan3A_2412 = %get3A_1537, %scan3A_2413 = %get3A_1541, %scan3A_2414 = %get3A_1545, %scan3A_2415 = %get3A_1549, %scan3A_2416 = %get3A_1553, %scan3A_2417 = %get3A_1557, %scan3A_2418 = %get3A_1561, %scan3A_2419 = %get3A_1565, %scan3A_2420 = %get3A_1569, %scan3A_2421 = %get3A_1573) -> (vector<16xf32>, vector<16xf32>, vector<16xf32>, vector<16xf32>, vector<16xf32>, vector<16xf32>, vector<16xf32>, vector<16xf32>, vector<16xf32>, vector<16xf32>, vector<16xf32>, vector<16xf32>, vector<16xf32>, vector<16xf32>, vector<16xf32>, vector<16xf32>)  : i32 {
        %get3A_2422 = arith.index_cast %scan3A_2405 : i32 to index
        %get3A_2423 = arith.constant 0 : index
        %get3A_2424 = tpu.vector_load %arg10[%get3A_2422, %get3A_2423] {strides = array<i32>} : memref<100x128xf32, #tpu.memory_space<vmem>>, vector<16xf32>,
        %add3A_2425 = arith.addf %scan3A_2406, %get3A_2424 : vector<16xf32>
        %get3A_2426 = arith.index_cast %scan3A_2405 : i32 to index
        %get3A_2427 = arith.constant 16 : index
        %get3A_2428 = tpu.vector_load %arg10[%get3A_2426, %get3A_2427] {strides = array<i32>} : memref<100x128xf32, #tpu.memory_space<vmem>>, vector<16xf32>,
        %add3A_2429 = arith.addf %scan3A_2407, %get3A_2428 : vector<16xf32>
        %get3A_2430 = arith.index_cast %scan3A_2405 : i32 to index
        %get3A_2431 = arith.constant 32 : index
        %get3A_2432 = tpu.vector_load %arg10[%get3A_2430, %get3A_2431] {strides = array<i32>} : memref<100x128xf32, #tpu.memory_space<vmem>>, vector<16xf32>,
        %add3A_2433 = arith.addf %scan3A_2408, %get3A_2432 : vector<16xf32>
        %get3A_2434 = arith.index_cast %scan3A_2405 : i32 to index
        %get3A_2435 = arith.constant 48 : index
        %get3A_2436 = tpu.vector_load %arg10[%get3A_2434, %get3A_2435] {strides = array<i32>} : memref<100x128xf32, #tpu.memory_space<vmem>>, vector<16xf32>,
        %add3A_2437 = arith.addf %scan3A_2409, %get3A_2436 : vector<16xf32>
        %get3A_2438 = arith.index_cast %scan3A_2405 : i32 to index
        %get3A_2439 = arith.constant 64 : index
        %get3A_2440 = tpu.vector_load %arg10[%get3A_2438, %get3A_2439] {strides = array<i32>} : memref<100x128xf32, #tpu.memory_space<vmem>>, vector<16xf32>,
        %add3A_2441 = arith.addf %scan3A_2410, %get3A_2440 : vector<16xf32>
        %get3A_2442 = arith.index_cast %scan3A_2405 : i32 to index
        %get3A_2443 = arith.constant 80 : index
        %get3A_2444 = tpu.vector_load %arg10[%get3A_2442, %get3A_2443] {strides = array<i32>} : memref<100x128xf32, #tpu.memory_space<vmem>>, vector<16xf32>,
        %add3A_2445 = arith.addf %scan3A_2411, %get3A_2444 : vector<16xf32>
        %get3A_2446 = arith.index_cast %scan3A_2405 : i32 to index
        %get3A_2447 = arith.constant 96 : index
        %get3A_2448 = tpu.vector_load %arg10[%get3A_2446, %get3A_2447] {strides = array<i32>} : memref<100x128xf32, #tpu.memory_space<vmem>>, vector<16xf32>,
        %add3A_2449 = arith.addf %scan3A_2412, %get3A_2448 : vector<16xf32>
        %get3A_2450 = arith.index_cast %scan3A_2405 : i32 to index
        %get3A_2451 = arith.constant 112 : index
        %get3A_2452 = tpu.vector_load %arg10[%get3A_2450, %get3A_2451] {strides = array<i32>} : memref<100x128xf32, #tpu.memory_space<vmem>>, vector<16xf32>,
        %add3A_2453 = arith.addf %scan3A_2413, %get3A_2452 : vector<16xf32>
        %add3A_2454 = arith.constant 50 : i32
        %add3A_2455 = arith.addi %add3A_2454, %scan3A_2405 : i32
        %get3A_2456 = arith.index_cast %add3A_2455 : i32 to index
        %get3A_2457 = arith.constant 0 : index
        %get3A_2458 = tpu.vector_load %arg10[%get3A_2456, %get3A_2457] {strides = array<i32>} : memref<100x128xf32, #tpu.memory_space<vmem>>, vector<16xf32>,
        %add3A_2459 = arith.addf %scan3A_2414, %get3A_2458 : vector<16xf32>
        %add3A_2460 = arith.constant 50 : i32
        %add3A_2461 = arith.addi %add3A_2460, %scan3A_2405 : i32
        %get3A_2462 = arith.index_cast %add3A_2461 : i32 to index
        %get3A_2463 = arith.constant 16 : index
        %get3A_2464 = tpu.vector_load %arg10[%get3A_2462, %get3A_2463] {strides = array<i32>} : memref<100x128xf32, #tpu.memory_space<vmem>>, vector<16xf32>,
        %add3A_2465 = arith.addf %scan3A_2415, %get3A_2464 : vector<16xf32>
        %add3A_2466 = arith.constant 50 : i32
        %add3A_2467 = arith.addi %add3A_2466, %scan3A_2405 : i32
        %get3A_2468 = arith.index_cast %add3A_2467 : i32 to index
        %get3A_2469 = arith.constant 32 : index
        %get3A_2470 = tpu.vector_load %arg10[%get3A_2468, %get3A_2469] {strides = array<i32>} : memref<100x128xf32, #tpu.memory_space<vmem>>, vector<16xf32>,
        %add3A_2471 = arith.addf %scan3A_2416, %get3A_2470 : vector<16xf32>
        %add3A_2472 = arith.constant 50 : i32
        %add3A_2473 = arith.addi %add3A_2472, %scan3A_2405 : i32
        %get3A_2474 = arith.index_cast %add3A_2473 : i32 to index
        %get3A_2475 = arith.constant 48 : index
        %get3A_2476 = tpu.vector_load %arg10[%get3A_2474, %get3A_2475] {strides = array<i32>} : memref<100x128xf32, #tpu.memory_space<vmem>>, vector<16xf32>,
        %add3A_2477 = arith.addf %scan3A_2417, %get3A_2476 : vector<16xf32>
        %add3A_2478 = arith.constant 50 : i32
        %add3A_2479 = arith.addi %add3A_2478, %scan3A_2405 : i32
        %get3A_2480 = arith.index_cast %add3A_2479 : i32 to index
        %get3A_2481 = arith.constant 64 : index
        %get3A_2482 = tpu.vector_load %arg10[%get3A_2480, %get3A_2481] {strides = array<i32>} : memref<100x128xf32, #tpu.memory_space<vmem>>, vector<16xf32>,
        %add3A_2483 = arith.addf %scan3A_2418, %get3A_2482 : vector<16xf32>
        %add3A_2484 = arith.constant 50 : i32
        %add3A_2485 = arith.addi %add3A_2484, %scan3A_2405 : i32
        %get3A_2486 = arith.index_cast %add3A_2485 : i32 to index
        %get3A_2487 = arith.constant 80 : index
        %get3A_2488 = tpu.vector_load %arg10[%get3A_2486, %get3A_2487] {strides = array<i32>} : memref<100x128xf32, #tpu.memory_space<vmem>>, vector<16xf32>,
        %add3A_2489 = arith.addf %scan3A_2419, %get3A_2488 : vector<16xf32>
        %add3A_2490 = arith.constant 50 : i32
        %add3A_2491 = arith.addi %add3A_2490, %scan3A_2405 : i32
        %get3A_2492 = arith.index_cast %add3A_2491 : i32 to index
        %get3A_2493 = arith.constant 96 : index
        %get3A_2494 = tpu.vector_load %arg10[%get3A_2492, %get3A_2493] {strides = array<i32>} : memref<100x128xf32, #tpu.memory_space<vmem>>, vector<16xf32>,
        %add3A_2495 = arith.addf %scan3A_2420, %get3A_2494 : vector<16xf32>
        %add3A_2496 = arith.constant 50 : i32
        %add3A_2497 = arith.addi %add3A_2496, %scan3A_2405 : i32
        %get3A_2498 = arith.index_cast %add3A_2497 : i32 to index
        %get3A_2499 = arith.constant 112 : index
        %get3A_2500 = tpu.vector_load %arg10[%get3A_2498, %get3A_2499] {strides = array<i32>} : memref<100x128xf32, #tpu.memory_space<vmem>>, vector<16xf32>,
        %add3A_2501 = arith.addf %scan3A_2421, %get3A_2500 : vector<16xf32>
        %scan3A_2502 = arith.constant 1 : i32
        %scan3A_2503 = arith.addi %scan3A_2405, %scan3A_2502 : i32
        %get3A_2504 = arith.index_cast %scan3A_2503 : i32 to index
        %get3A_2505 = arith.constant 0 : index
        %get3A_2506 = tpu.vector_load %arg10[%get3A_2504, %get3A_2505] {strides = array<i32>} : memref<100x128xf32, #tpu.memory_space<vmem>>, vector<16xf32>,
        %add3A_2507 = arith.addf %add3A_2425, %get3A_2506 : vector<16xf32>
        %get3A_2508 = arith.index_cast %scan3A_2503 : i32 to index
        %get3A_2509 = arith.constant 16 : index
        %get3A_2510 = tpu.vector_load %arg10[%get3A_2508, %get3A_2509] {strides = array<i32>} : memref<100x128xf32, #tpu.memory_space<vmem>>, vector<16xf32>,
        %add3A_2511 = arith.addf %add3A_2429, %get3A_2510 : vector<16xf32>
        %get3A_2512 = arith.index_cast %scan3A_2503 : i32 to index
        %get3A_2513 = arith.constant 32 : index
        %get3A_2514 = tpu.vector_load %arg10[%get3A_2512, %get3A_2513] {strides = array<i32>} : memref<100x128xf32, #tpu.memory_space<vmem>>, vector<16xf32>,
        %add3A_2515 = arith.addf %add3A_2433, %get3A_2514 : vector<16xf32>
        %get3A_2516 = arith.index_cast %scan3A_2503 : i32 to index
        %get3A_2517 = arith.constant 48 : index
        %get3A_2518 = tpu.vector_load %arg10[%get3A_2516, %get3A_2517] {strides = array<i32>} : memref<100x128xf32, #tpu.memory_space<vmem>>, vector<16xf32>,
        %add3A_2519 = arith.addf %add3A_2437, %get3A_2518 : vector<16xf32>
        %get3A_2520 = arith.index_cast %scan3A_2503 : i32 to index
        %get3A_2521 = arith.constant 64 : index
        %get3A_2522 = tpu.vector_load %arg10[%get3A_2520, %get3A_2521] {strides = array<i32>} : memref<100x128xf32, #tpu.memory_space<vmem>>, vector<16xf32>,
        %add3A_2523 = arith.addf %add3A_2441, %get3A_2522 : vector<16xf32>
        %get3A_2524 = arith.index_cast %scan3A_2503 : i32 to index
        %get3A_2525 = arith.constant 80 : index
        %get3A_2526 = tpu.vector_load %arg10[%get3A_2524, %get3A_2525] {strides = array<i32>} : memref<100x128xf32, #tpu.memory_space<vmem>>, vector<16xf32>,
        %add3A_2527 = arith.addf %add3A_2445, %get3A_2526 : vector<16xf32>
        %get3A_2528 = arith.index_cast %scan3A_2503 : i32 to index
        %get3A_2529 = arith.constant 96 : index
        %get3A_2530 = tpu.vector_load %arg10[%get3A_2528, %get3A_2529] {strides = array<i32>} : memref<100x128xf32, #tpu.memory_space<vmem>>, vector<16xf32>,
        %add3A_2531 = arith.addf %add3A_2449, %get3A_2530 : vector<16xf32>
        %get3A_2532 = arith.index_cast %scan3A_2503 : i32 to index
        %get3A_2533 = arith.constant 112 : index
        %get3A_2534 = tpu.vector_load %arg10[%get3A_2532, %get3A_2533] {strides = array<i32>} : memref<100x128xf32, #tpu.memory_space<vmem>>, vector<16xf32>,
        %add3A_2535 = arith.addf %add3A_2453, %get3A_2534 : vector<16xf32>
        %add3A_2536 = arith.constant 50 : i32
        %add3A_2537 = arith.addi %add3A_2536, %scan3A_2503 : i32
        %get3A_2538 = arith.index_cast %add3A_2537 : i32 to index
        %get3A_2539 = arith.constant 0 : index
        %get3A_2540 = tpu.vector_load %arg10[%get3A_2538, %get3A_2539] {strides = array<i32>} : memref<100x128xf32, #tpu.memory_space<vmem>>, vector<16xf32>,
        %add3A_2541 = arith.addf %add3A_2459, %get3A_2540 : vector<16xf32>
        %add3A_2542 = arith.constant 50 : i32
        %add3A_2543 = arith.addi %add3A_2542, %scan3A_2503 : i32
        %get3A_2544 = arith.index_cast %add3A_2543 : i32 to index
        %get3A_2545 = arith.constant 16 : index
        %get3A_2546 = tpu.vector_load %arg10[%get3A_2544, %get3A_2545] {strides = array<i32>} : memref<100x128xf32, #tpu.memory_space<vmem>>, vector<16xf32>,
        %add3A_2547 = arith.addf %add3A_2465, %get3A_2546 : vector<16xf32>
        %add3A_2548 = arith.constant 50 : i32
        %add3A_2549 = arith.addi %add3A_2548, %scan3A_2503 : i32
        %get3A_2550 = arith.index_cast %add3A_2549 : i32 to index
        %get3A_2551 = arith.constant 32 : index
        %get3A_2552 = tpu.vector_load %arg10[%get3A_2550, %get3A_2551] {strides = array<i32>} : memref<100x128xf32, #tpu.memory_space<vmem>>, vector<16xf32>,
        %add3A_2553 = arith.addf %add3A_2471, %get3A_2552 : vector<16xf32>
        %add3A_2554 = arith.constant 50 : i32
        %add3A_2555 = arith.addi %add3A_2554, %scan3A_2503 : i32
        %get3A_2556 = arith.index_cast %add3A_2555 : i32 to index
        %get3A_2557 = arith.constant 48 : index
        %get3A_2558 = tpu.vector_load %arg10[%get3A_2556, %get3A_2557] {strides = array<i32>} : memref<100x128xf32, #tpu.memory_space<vmem>>, vector<16xf32>,
        %add3A_2559 = arith.addf %add3A_2477, %get3A_2558 : vector<16xf32>
        %add3A_2560 = arith.constant 50 : i32
        %add3A_2561 = arith.addi %add3A_2560, %scan3A_2503 : i32
        %get3A_2562 = arith.index_cast %add3A_2561 : i32 to index
        %get3A_2563 = arith.constant 64 : index
        %get3A_2564 = tpu.vector_load %arg10[%get3A_2562, %get3A_2563] {strides = array<i32>} : memref<100x128xf32, #tpu.memory_space<vmem>>, vector<16xf32>,
        %add3A_2565 = arith.addf %add3A_2483, %get3A_2564 : vector<16xf32>
        %add3A_2566 = arith.constant 50 : i32
        %add3A_2567 = arith.addi %add3A_2566, %scan3A_2503 : i32
        %get3A_2568 = arith.index_cast %add3A_2567 : i32 to index
        %get3A_2569 = arith.constant 80 : index
        %get3A_2570 = tpu.vector_load %arg10[%get3A_2568, %get3A_2569] {strides = array<i32>} : memref<100x128xf32, #tpu.memory_space<vmem>>, vector<16xf32>,
        %add3A_2571 = arith.addf %add3A_2489, %get3A_2570 : vector<16xf32>
        %add3A_2572 = arith.constant 50 : i32
        %add3A_2573 = arith.addi %add3A_2572, %scan3A_2503 : i32
        %get3A_2574 = arith.index_cast %add3A_2573 : i32 to index
        %get3A_2575 = arith.constant 96 : index
        %get3A_2576 = tpu.vector_load %arg10[%get3A_2574, %get3A_2575] {strides = array<i32>} : memref<100x128xf32, #tpu.memory_space<vmem>>, vector<16xf32>,
        %add3A_2577 = arith.addf %add3A_2495, %get3A_2576 : vector<16xf32>
        %add3A_2578 = arith.constant 50 : i32
        %add3A_2579 = arith.addi %add3A_2578, %scan3A_2503 : i32
        %get3A_2580 = arith.index_cast %add3A_2579 : i32 to index
        %get3A_2581 = arith.constant 112 : index
        %get3A_2582 = tpu.vector_load %arg10[%get3A_2580, %get3A_2581] {strides = array<i32>} : memref<100x128xf32, #tpu.memory_space<vmem>>, vector<16xf32>,
        %add3A_2583 = arith.addf %add3A_2501, %get3A_2582 : vector<16xf32>
        scf.yield %add3A_2507, %add3A_2511, %add3A_2515, %add3A_2519, %add3A_2523, %add3A_2527, %add3A_2531, %add3A_2535, %add3A_2541, %add3A_2547, %add3A_2553, %add3A_2559, %add3A_2565, %add3A_2571, %add3A_2577, %add3A_2583 : vector<16xf32>, vector<16xf32>, vector<16xf32>, vector<16xf32>, vector<16xf32>, vector<16xf32>, vector<16xf32>, vector<16xf32>, vector<16xf32>, vector<16xf32>, vector<16xf32>, vector<16xf32>, vector<16xf32>, vector<16xf32>, vector<16xf32>, vector<16xf32>
      }
      %scan3A_1579 = arith.constant 48 : i32
      %scan3A_1580 = arith.addi %scan3A_1574, %scan3A_1579 : i32
      %get3A_1581 = arith.index_cast %scan3A_1580 : i32 to index
      %get3A_1582 = arith.constant 0 : index
      %get3A_1583 = tpu.vector_load %arg10[%get3A_1581, %get3A_1582] {strides = array<i32>} : memref<100x128xf32, #tpu.memory_space<vmem>>, vector<16xf32>,
      %add3A_1584 = arith.addf %scan3A_1578#0, %get3A_1583 : vector<16xf32>
      %get3A_1585 = arith.index_cast %scan3A_1580 : i32 to index
      %get3A_1586 = arith.constant 16 : index
      %get3A_1587 = tpu.vector_load %arg10[%get3A_1585, %get3A_1586] {strides = array<i32>} : memref<100x128xf32, #tpu.memory_space<vmem>>, vector<16xf32>,
      %add3A_1588 = arith.addf %scan3A_1578#1, %get3A_1587 : vector<16xf32>
      %get3A_1589 = arith.index_cast %scan3A_1580 : i32 to index
      %get3A_1590 = arith.constant 32 : index
      %get3A_1591 = tpu.vector_load %arg10[%get3A_1589, %get3A_1590] {strides = array<i32>} : memref<100x128xf32, #tpu.memory_space<vmem>>, vector<16xf32>,
      %add3A_1592 = arith.addf %scan3A_1578#2, %get3A_1591 : vector<16xf32>
      %get3A_1593 = arith.index_cast %scan3A_1580 : i32 to index
      %get3A_1594 = arith.constant 48 : index
      %get3A_1595 = tpu.vector_load %arg10[%get3A_1593, %get3A_1594] {strides = array<i32>} : memref<100x128xf32, #tpu.memory_space<vmem>>, vector<16xf32>,
      %add3A_1596 = arith.addf %scan3A_1578#3, %get3A_1595 : vector<16xf32>
      %get3A_1597 = arith.index_cast %scan3A_1580 : i32 to index
      %get3A_1598 = arith.constant 64 : index
      %get3A_1599 = tpu.vector_load %arg10[%get3A_1597, %get3A_1598] {strides = array<i32>} : memref<100x128xf32, #tpu.memory_space<vmem>>, vector<16xf32>,
      %add3A_1600 = arith.addf %scan3A_1578#4, %get3A_1599 : vector<16xf32>
      %get3A_1601 = arith.index_cast %scan3A_1580 : i32 to index
      %get3A_1602 = arith.constant 80 : index
      %get3A_1603 = tpu.vector_load %arg10[%get3A_1601, %get3A_1602] {strides = array<i32>} : memref<100x128xf32, #tpu.memory_space<vmem>>, vector<16xf32>,
      %add3A_1604 = arith.addf %scan3A_1578#5, %get3A_1603 : vector<16xf32>
      %get3A_1605 = arith.index_cast %scan3A_1580 : i32 to index
      %get3A_1606 = arith.constant 96 : index
      %get3A_1607 = tpu.vector_load %arg10[%get3A_1605, %get3A_1606] {strides = array<i32>} : memref<100x128xf32, #tpu.memory_space<vmem>>, vector<16xf32>,
      %add3A_1608 = arith.addf %scan3A_1578#6, %get3A_1607 : vector<16xf32>
      %get3A_1609 = arith.index_cast %scan3A_1580 : i32 to index
      %get3A_1610 = arith.constant 112 : index
      %get3A_1611 = tpu.vector_load %arg10[%get3A_1609, %get3A_1610] {strides = array<i32>} : memref<100x128xf32, #tpu.memory_space<vmem>>, vector<16xf32>,
      %add3A_1612 = arith.addf %scan3A_1578#7, %get3A_1611 : vector<16xf32>
      %add3A_1613 = arith.constant 50 : i32
      %add3A_1614 = arith.addi %add3A_1613, %scan3A_1580 : i32
      %get3A_1615 = arith.index_cast %add3A_1614 : i32 to index
      %get3A_1616 = arith.constant 0 : index
      %get3A_1617 = tpu.vector_load %arg10[%get3A_1615, %get3A_1616] {strides = array<i32>} : memref<100x128xf32, #tpu.memory_space<vmem>>, vector<16xf32>,
      %add3A_1618 = arith.addf %scan3A_1578#8, %get3A_1617 : vector<16xf32>
      %add3A_1619 = arith.constant 50 : i32
      %add3A_1620 = arith.addi %add3A_1619, %scan3A_1580 : i32
      %get3A_1621 = arith.index_cast %add3A_1620 : i32 to index
      %get3A_1622 = arith.constant 16 : index
      %get3A_1623 = tpu.vector_load %arg10[%get3A_1621, %get3A_1622] {strides = array<i32>} : memref<100x128xf32, #tpu.memory_space<vmem>>, vector<16xf32>,
      %add3A_1624 = arith.addf %scan3A_1578#9, %get3A_1623 : vector<16xf32>
      %add3A_1625 = arith.constant 50 : i32
      %add3A_1626 = arith.addi %add3A_1625, %scan3A_1580 : i32
      %get3A_1627 = arith.index_cast %add3A_1626 : i32 to index
      %get3A_1628 = arith.constant 32 : index
      %get3A_1629 = tpu.vector_load %arg10[%get3A_1627, %get3A_1628] {strides = array<i32>} : memref<100x128xf32, #tpu.memory_space<vmem>>, vector<16xf32>,
      %add3A_1630 = arith.addf %scan3A_1578#10, %get3A_1629 : vector<16xf32>
      %add3A_1631 = arith.constant 50 : i32
      %add3A_1632 = arith.addi %add3A_1631, %scan3A_1580 : i32
      %get3A_1633 = arith.index_cast %add3A_1632 : i32 to index
      %get3A_1634 = arith.constant 48 : index
      %get3A_1635 = tpu.vector_load %arg10[%get3A_1633, %get3A_1634] {strides = array<i32>} : memref<100x128xf32, #tpu.memory_space<vmem>>, vector<16xf32>,
      %add3A_1636 = arith.addf %scan3A_1578#11, %get3A_1635 : vector<16xf32>
      %add3A_1637 = arith.constant 50 : i32
      %add3A_1638 = arith.addi %add3A_1637, %scan3A_1580 : i32
      %get3A_1639 = arith.index_cast %add3A_1638 : i32 to index
      %get3A_1640 = arith.constant 64 : index
      %get3A_1641 = tpu.vector_load %arg10[%get3A_1639, %get3A_1640] {strides = array<i32>} : memref<100x128xf32, #tpu.memory_space<vmem>>, vector<16xf32>,
      %add3A_1642 = arith.addf %scan3A_1578#12, %get3A_1641 : vector<16xf32>
      %add3A_1643 = arith.constant 50 : i32
      %add3A_1644 = arith.addi %add3A_1643, %scan3A_1580 : i32
      %get3A_1645 = arith.index_cast %add3A_1644 : i32 to index
      %get3A_1646 = arith.constant 80 : index
      %get3A_1647 = tpu.vector_load %arg10[%get3A_1645, %get3A_1646] {strides = array<i32>} : memref<100x128xf32, #tpu.memory_space<vmem>>, vector<16xf32>,
      %add3A_1648 = arith.addf %scan3A_1578#13, %get3A_1647 : vector<16xf32>
      %add3A_1649 = arith.constant 50 : i32
      %add3A_1650 = arith.addi %add3A_1649, %scan3A_1580 : i32
      %get3A_1651 = arith.index_cast %add3A_1650 : i32 to index
      %get3A_1652 = arith.constant 96 : index
      %get3A_1653 = tpu.vector_load %arg10[%get3A_1651, %get3A_1652] {strides = array<i32>} : memref<100x128xf32, #tpu.memory_space<vmem>>, vector<16xf32>,
      %add3A_1654 = arith.addf %scan3A_1578#14, %get3A_1653 : vector<16xf32>
      %add3A_1655 = arith.constant 50 : i32
      %add3A_1656 = arith.addi %add3A_1655, %scan3A_1580 : i32
      %get3A_1657 = arith.index_cast %add3A_1656 : i32 to index
      %get3A_1658 = arith.constant 112 : index
      %get3A_1659 = tpu.vector_load %arg10[%get3A_1657, %get3A_1658] {strides = array<i32>} : memref<100x128xf32, #tpu.memory_space<vmem>>, vector<16xf32>,
      %add3A_1660 = arith.addf %scan3A_1578#15, %get3A_1659 : vector<16xf32>
      %scan3A_1661 = arith.constant 49 : i32
      %mul3A_1662 = arith.mulf %add3A_1584, %add3A_1618 : vector<16xf32>
      %mul3A_1663 = arith.mulf %add3A_1584, %add3A_1584 : vector<16xf32>
      %mul3A_1664 = arith.mulf %add3A_1618, %add3A_1618 : vector<16xf32>
      %mul3A_1665 = arith.mulf %add3A_1588, %add3A_1624 : vector<16xf32>
      %add3A_1666 = arith.addf %mul3A_1662, %mul3A_1665 : vector<16xf32>
      %mul3A_1667 = arith.mulf %add3A_1588, %add3A_1588 : vector<16xf32>
      %add3A_1668 = arith.addf %mul3A_1663, %mul3A_1667 : vector<16xf32>
      %mul3A_1669 = arith.mulf %add3A_1624, %add3A_1624 : vector<16xf32>
      %add3A_1670 = arith.addf %mul3A_1664, %mul3A_1669 : vector<16xf32>
      %mul3A_1671 = arith.mulf %add3A_1592, %add3A_1630 : vector<16xf32>
      %add3A_1672 = arith.addf %add3A_1666, %mul3A_1671 : vector<16xf32>
      %mul3A_1673 = arith.mulf %add3A_1592, %add3A_1592 : vector<16xf32>
      %add3A_1674 = arith.addf %add3A_1668, %mul3A_1673 : vector<16xf32>
      %mul3A_1675 = arith.mulf %add3A_1630, %add3A_1630 : vector<16xf32>
      %add3A_1676 = arith.addf %add3A_1670, %mul3A_1675 : vector<16xf32>
      %mul3A_1677 = arith.mulf %add3A_1596, %add3A_1636 : vector<16xf32>
      %add3A_1678 = arith.addf %add3A_1672, %mul3A_1677 : vector<16xf32>
      %mul3A_1679 = arith.mulf %add3A_1596, %add3A_1596 : vector<16xf32>
      %add3A_1680 = arith.addf %add3A_1674, %mul3A_1679 : vector<16xf32>
      %mul3A_1681 = arith.mulf %add3A_1636, %add3A_1636 : vector<16xf32>
      %add3A_1682 = arith.addf %add3A_1676, %mul3A_1681 : vector<16xf32>
      %mul3A_1683 = arith.mulf %add3A_1600, %add3A_1642 : vector<16xf32>
      %add3A_1684 = arith.addf %add3A_1678, %mul3A_1683 : vector<16xf32>
      %mul3A_1685 = arith.mulf %add3A_1600, %add3A_1600 : vector<16xf32>
      %add3A_1686 = arith.addf %add3A_1680, %mul3A_1685 : vector<16xf32>
      %mul3A_1687 = arith.mulf %add3A_1642, %add3A_1642 : vector<16xf32>
      %add3A_1688 = arith.addf %add3A_1682, %mul3A_1687 : vector<16xf32>
      %mul3A_1689 = arith.mulf %add3A_1604, %add3A_1648 : vector<16xf32>
      %add3A_1690 = arith.addf %add3A_1684, %mul3A_1689 : vector<16xf32>
      %mul3A_1691 = arith.mulf %add3A_1604, %add3A_1604 : vector<16xf32>
      %add3A_1692 = arith.addf %add3A_1686, %mul3A_1691 : vector<16xf32>
      %mul3A_1693 = arith.mulf %add3A_1648, %add3A_1648 : vector<16xf32>
      %add3A_1694 = arith.addf %add3A_1688, %mul3A_1693 : vector<16xf32>
      %mul3A_1695 = arith.mulf %add3A_1608, %add3A_1654 : vector<16xf32>
      %add3A_1696 = arith.addf %add3A_1690, %mul3A_1695 : vector<16xf32>
      %mul3A_1697 = arith.mulf %add3A_1608, %add3A_1608 : vector<16xf32>
      %add3A_1698 = arith.addf %add3A_1692, %mul3A_1697 : vector<16xf32>
      %mul3A_1699 = arith.mulf %add3A_1654, %add3A_1654 : vector<16xf32>
      %add3A_1700 = arith.addf %add3A_1694, %mul3A_1699 : vector<16xf32>
      %mul3A_1701 = arith.mulf %add3A_1612, %add3A_1660 : vector<16xf32>
      %add3A_1702 = arith.addf %add3A_1696, %mul3A_1701 : vector<16xf32>
      %mul3A_1703 = arith.mulf %add3A_1612, %add3A_1612 : vector<16xf32>
      %add3A_1704 = arith.addf %add3A_1698, %mul3A_1703 : vector<16xf32>
      %mul3A_1705 = arith.mulf %add3A_1660, %add3A_1660 : vector<16xf32>
      %add3A_1706 = arith.addf %add3A_1700, %mul3A_1705 : vector<16xf32>
      %iota3A_1707 = tpu.iota {dimensions = array<i32: 0>} : vector<16xi32>
      %eq3A_1708 = arith.constant 15 : i32
      %eq3A_1709 = vector.broadcast %eq3A_1708 : i32 to vector<16xi32>
      %eq3A_1710 = arith.cmpi eq, %iota3A_1707, %eq3A_1709 : vector<16xi32>
      %broadcast_in_dim3A_1711 = vector.broadcast %add3A_1494 : i32 to vector<16xi32>
      %cumsum3A_1712 = arith.constant true
      %cumsum3A_1713 = vector.broadcast %cumsum3A_1712 : i1 to vector<16xi1>
      %cumsum3A_1714 = tpu.scan <sum>, %add3A_1702 masked %cumsum3A_1713 : vector<16xf32>, vector<16xi1> -> vector<16xf32>
      tpu.vector_store_idx %arg14[%broadcast_in_dim3A_1711], %cumsum3A_1714 masked %eq3A_1710 : memref<128xf32, #tpu.memory_space<vmem>>[vector<16xi32>], vector<16xf32>, vector<16xi1>
      %cumsum3A_1715 = arith.constant true
      %cumsum3A_1716 = vector.broadcast %cumsum3A_1715 : i1 to vector<16xi1>
      %cumsum3A_1717 = tpu.scan <sum>, %add3A_1704 masked %cumsum3A_1716 : vector<16xf32>, vector<16xi1> -> vector<16xf32>
      tpu.vector_store_idx %arg15[%broadcast_in_dim3A_1711], %cumsum3A_1717 masked %eq3A_1710 : memref<128xf32, #tpu.memory_space<vmem>>[vector<16xi32>], vector<16xf32>, vector<16xi1>
      %cumsum3A_1718 = arith.constant true
      %cumsum3A_1719 = vector.broadcast %cumsum3A_1718 : i1 to vector<16xi1>
      %cumsum3A_1720 = tpu.scan <sum>, %add3A_1706 masked %cumsum3A_1719 : vector<16xf32>, vector<16xi1> -> vector<16xf32>
      tpu.vector_store_idx %arg16[%broadcast_in_dim3A_1711], %cumsum3A_1720 masked %eq3A_1710 : memref<128xf32, #tpu.memory_space<vmem>>[vector<16xi32>], vector<16xf32>, vector<16xi1>
      %add3A_1721 = arith.constant 3 : i32
      %add3A_1722 = arith.addi %mul3A_1039, %add3A_1721 : i32
      %dma_wait3A_1723 = arith.constant 0 : i32
      %dma_wait3A_1724 = tpu.memref_slice %arg7[%add3A_1722, %dma_wait3A_1723] : memref<128x100xi32, #tpu.memory_space<vmem>> -> memref<1x100xi32, #tpu.memory_space<vmem>>
      %dma_wait3A_1725 = tpu.memref_squeeze %dma_wait3A_1724 : memref<1x100xi32, #tpu.memory_space<vmem>> -> memref<100xi32, #tpu.memory_space<vmem>>
      %dma_wait3A_1726 = arith.constant 0 : i32
      %dma_wait3A_1727 = arith.constant 0 : i32
      %dma_wait3A_1728 = tpu.memref_slice %arg3[%dma_wait3A_1726, %dma_wait3A_1727] : memref<100000x128xf32, #tpu.memory_space<hbm>> -> memref<100000x128xf32, #tpu.memory_space<hbm>>
      tpu.wait_indirect_dma semaphore(%arg23 : memref<!tpu.dma_semaphore, #tpu.memory_space<semaphore_mem>>) src(%dma_wait3A_1728 : memref<100000x128xf32, #tpu.memory_space<hbm>>) dst(%arg11 : memref<100x128xf32, #tpu.memory_space<vmem>>)
      %add3A_1729 = arith.constant 6 : i32
      %add3A_1730 = arith.addi %add3A_1722, %add3A_1729 : i32
      %sub3A_1731 = arith.constant 1 : i32
      %sub3A_1732 = arith.subi %add3A_1730, %sub3A_1731 : i32
      %lt3A_1733 = arith.constant 128 : i32
      %lt3A_1734 = arith.cmpi slt, %sub3A_1732, %lt3A_1733 : i32
      %convert_element_type3A_1735 = arith.extui %lt3A_1734 : i1 to i32
      %cond3A_1736 = arith.constant 0 : i32
      %cond3A_1737 = arith.cmpi ne, %convert_element_type3A_1735, %cond3A_1736 : i32
      scf.if %cond3A_1737 {
        %add3A_2405 = arith.constant 6 : i32
        %add3A_2406 = arith.addi %add3A_1722, %add3A_2405 : i32
        %sub3A_2407 = arith.constant 1 : i32
        %sub3A_2408 = arith.subi %add3A_2406, %sub3A_2407 : i32
        %dma_start3A_2409 = arith.constant 0 : i32
        %dma_start3A_2410 = tpu.memref_slice %arg7[%sub3A_2408, %dma_start3A_2409] : memref<128x100xi32, #tpu.memory_space<vmem>> -> memref<1x100xi32, #tpu.memory_space<vmem>>
        %dma_start3A_2411 = tpu.memref_squeeze %dma_start3A_2410 : memref<1x100xi32, #tpu.memory_space<vmem>> -> memref<100xi32, #tpu.memory_space<vmem>>
        %dma_start3A_2412 = arith.constant 0 : i32
        %dma_start3A_2413 = arith.constant 0 : i32
        %dma_start3A_2414 = tpu.memref_slice %arg3[%dma_start3A_2412, %dma_start3A_2413] : memref<100000x128xf32, #tpu.memory_space<hbm>> -> memref<100000x128xf32, #tpu.memory_space<hbm>>
        tpu.enqueue_indirect_dma source(%dma_start3A_2414 : memref<100000x128xf32, #tpu.memory_space<hbm>>) target(%arg10 : memref<100x128xf32, #tpu.memory_space<vmem>>) offsets(%dma_start3A_2411 : memref<100xi32, #tpu.memory_space<vmem>>) semaphore(%arg22 : memref<!tpu.dma_semaphore, #tpu.memory_space<semaphore_mem>>)
      } else {
      }
      %get3A_1738 = arith.constant 0 : i32
      %get3A_1739 = arith.index_cast %get3A_1738 : i32 to index
      %get3A_1740 = arith.constant 0 : index
      %get3A_1741 = tpu.vector_load %arg11[%get3A_1739, %get3A_1740] {strides = array<i32>} : memref<100x128xf32, #tpu.memory_space<vmem>>, vector<16xf32>,
      %get3A_1742 = arith.constant 0 : i32
      %get3A_1743 = arith.index_cast %get3A_1742 : i32 to index
      %get3A_1744 = arith.constant 16 : index
      %get3A_1745 = tpu.vector_load %arg11[%get3A_1743, %get3A_1744] {strides = array<i32>} : memref<100x128xf32, #tpu.memory_space<vmem>>, vector<16xf32>,
      %get3A_1746 = arith.constant 0 : i32
      %get3A_1747 = arith.index_cast %get3A_1746 : i32 to index
      %get3A_1748 = arith.constant 32 : index
      %get3A_1749 = tpu.vector_load %arg11[%get3A_1747, %get3A_1748] {strides = array<i32>} : memref<100x128xf32, #tpu.memory_space<vmem>>, vector<16xf32>,
      %get3A_1750 = arith.constant 0 : i32
      %get3A_1751 = arith.index_cast %get3A_1750 : i32 to index
      %get3A_1752 = arith.constant 48 : index
      %get3A_1753 = tpu.vector_load %arg11[%get3A_1751, %get3A_1752] {strides = array<i32>} : memref<100x128xf32, #tpu.memory_space<vmem>>, vector<16xf32>,
      %get3A_1754 = arith.constant 0 : i32
      %get3A_1755 = arith.index_cast %get3A_1754 : i32 to index
      %get3A_1756 = arith.constant 64 : index
      %get3A_1757 = tpu.vector_load %arg11[%get3A_1755, %get3A_1756] {strides = array<i32>} : memref<100x128xf32, #tpu.memory_space<vmem>>, vector<16xf32>,
      %get3A_1758 = arith.constant 0 : i32
      %get3A_1759 = arith.index_cast %get3A_1758 : i32 to index
      %get3A_1760 = arith.constant 80 : index
      %get3A_1761 = tpu.vector_load %arg11[%get3A_1759, %get3A_1760] {strides = array<i32>} : memref<100x128xf32, #tpu.memory_space<vmem>>, vector<16xf32>,
      %get3A_1762 = arith.constant 0 : i32
      %get3A_1763 = arith.index_cast %get3A_1762 : i32 to index
      %get3A_1764 = arith.constant 96 : index
      %get3A_1765 = tpu.vector_load %arg11[%get3A_1763, %get3A_1764] {strides = array<i32>} : memref<100x128xf32, #tpu.memory_space<vmem>>, vector<16xf32>,
      %get3A_1766 = arith.constant 0 : i32
      %get3A_1767 = arith.index_cast %get3A_1766 : i32 to index
      %get3A_1768 = arith.constant 112 : index
      %get3A_1769 = tpu.vector_load %arg11[%get3A_1767, %get3A_1768] {strides = array<i32>} : memref<100x128xf32, #tpu.memory_space<vmem>>, vector<16xf32>,
      %get3A_1770 = arith.constant 50 : i32
      %get3A_1771 = arith.index_cast %get3A_1770 : i32 to index
      %get3A_1772 = arith.constant 0 : index
      %get3A_1773 = tpu.vector_load %arg11[%get3A_1771, %get3A_1772] {strides = array<i32>} : memref<100x128xf32, #tpu.memory_space<vmem>>, vector<16xf32>,
      %get3A_1774 = arith.constant 50 : i32
      %get3A_1775 = arith.index_cast %get3A_1774 : i32 to index
      %get3A_1776 = arith.constant 16 : index
      %get3A_1777 = tpu.vector_load %arg11[%get3A_1775, %get3A_1776] {strides = array<i32>} : memref<100x128xf32, #tpu.memory_space<vmem>>, vector<16xf32>,
      %get3A_1778 = arith.constant 50 : i32
      %get3A_1779 = arith.index_cast %get3A_1778 : i32 to index
      %get3A_1780 = arith.constant 32 : index
      %get3A_1781 = tpu.vector_load %arg11[%get3A_1779, %get3A_1780] {strides = array<i32>} : memref<100x128xf32, #tpu.memory_space<vmem>>, vector<16xf32>,
      %get3A_1782 = arith.constant 50 : i32
      %get3A_1783 = arith.index_cast %get3A_1782 : i32 to index
      %get3A_1784 = arith.constant 48 : index
      %get3A_1785 = tpu.vector_load %arg11[%get3A_1783, %get3A_1784] {strides = array<i32>} : memref<100x128xf32, #tpu.memory_space<vmem>>, vector<16xf32>,
      %get3A_1786 = arith.constant 50 : i32
      %get3A_1787 = arith.index_cast %get3A_1786 : i32 to index
      %get3A_1788 = arith.constant 64 : index
      %get3A_1789 = tpu.vector_load %arg11[%get3A_1787, %get3A_1788] {strides = array<i32>} : memref<100x128xf32, #tpu.memory_space<vmem>>, vector<16xf32>,
      %get3A_1790 = arith.constant 50 : i32
      %get3A_1791 = arith.index_cast %get3A_1790 : i32 to index
      %get3A_1792 = arith.constant 80 : index
      %get3A_1793 = tpu.vector_load %arg11[%get3A_1791, %get3A_1792] {strides = array<i32>} : memref<100x128xf32, #tpu.memory_space<vmem>>, vector<16xf32>,
      %get3A_1794 = arith.constant 50 : i32
      %get3A_1795 = arith.index_cast %get3A_1794 : i32 to index
      %get3A_1796 = arith.constant 96 : index
      %get3A_1797 = tpu.vector_load %arg11[%get3A_1795, %get3A_1796] {strides = array<i32>} : memref<100x128xf32, #tpu.memory_space<vmem>>, vector<16xf32>,
      %get3A_1798 = arith.constant 50 : i32
      %get3A_1799 = arith.index_cast %get3A_1798 : i32 to index
      %get3A_1800 = arith.constant 112 : index
      %get3A_1801 = tpu.vector_load %arg11[%get3A_1799, %get3A_1800] {strides = array<i32>} : memref<100x128xf32, #tpu.memory_space<vmem>>, vector<16xf32>,
      %scan3A_1802 = arith.constant 1 : i32
      %scan3A_1803 = arith.constant 48 : i32
      %scan3A_1804 = arith.addi %scan3A_1802, %scan3A_1803 : i32
      %scan3A_1805 = arith.constant 2 : i32
      %scan3A_1806:16 = scf.for %scan3A_2405 = %scan3A_1802 to %scan3A_1804 step %scan3A_1805 iter_args(%scan3A_2406 = %get3A_1741, %scan3A_2407 = %get3A_1745, %scan3A_2408 = %get3A_1749, %scan3A_2409 = %get3A_1753, %scan3A_2410 = %get3A_1757, %scan3A_2411 = %get3A_1761, %scan3A_2412 = %get3A_1765, %scan3A_2413 = %get3A_1769, %scan3A_2414 = %get3A_1773, %scan3A_2415 = %get3A_1777, %scan3A_2416 = %get3A_1781, %scan3A_2417 = %get3A_1785, %scan3A_2418 = %get3A_1789, %scan3A_2419 = %get3A_1793, %scan3A_2420 = %get3A_1797, %scan3A_2421 = %get3A_1801) -> (vector<16xf32>, vector<16xf32>, vector<16xf32>, vector<16xf32>, vector<16xf32>, vector<16xf32>, vector<16xf32>, vector<16xf32>, vector<16xf32>, vector<16xf32>, vector<16xf32>, vector<16xf32>, vector<16xf32>, vector<16xf32>, vector<16xf32>, vector<16xf32>)  : i32 {
        %get3A_2422 = arith.index_cast %scan3A_2405 : i32 to index
        %get3A_2423 = arith.constant 0 : index
        %get3A_2424 = tpu.vector_load %arg11[%get3A_2422, %get3A_2423] {strides = array<i32>} : memref<100x128xf32, #tpu.memory_space<vmem>>, vector<16xf32>,
        %add3A_2425 = arith.addf %scan3A_2406, %get3A_2424 : vector<16xf32>
        %get3A_2426 = arith.index_cast %scan3A_2405 : i32 to index
        %get3A_2427 = arith.constant 16 : index
        %get3A_2428 = tpu.vector_load %arg11[%get3A_2426, %get3A_2427] {strides = array<i32>} : memref<100x128xf32, #tpu.memory_space<vmem>>, vector<16xf32>,
        %add3A_2429 = arith.addf %scan3A_2407, %get3A_2428 : vector<16xf32>
        %get3A_2430 = arith.index_cast %scan3A_2405 : i32 to index
        %get3A_2431 = arith.constant 32 : index
        %get3A_2432 = tpu.vector_load %arg11[%get3A_2430, %get3A_2431] {strides = array<i32>} : memref<100x128xf32, #tpu.memory_space<vmem>>, vector<16xf32>,
        %add3A_2433 = arith.addf %scan3A_2408, %get3A_2432 : vector<16xf32>
        %get3A_2434 = arith.index_cast %scan3A_2405 : i32 to index
        %get3A_2435 = arith.constant 48 : index
        %get3A_2436 = tpu.vector_load %arg11[%get3A_2434, %get3A_2435] {strides = array<i32>} : memref<100x128xf32, #tpu.memory_space<vmem>>, vector<16xf32>,
        %add3A_2437 = arith.addf %scan3A_2409, %get3A_2436 : vector<16xf32>
        %get3A_2438 = arith.index_cast %scan3A_2405 : i32 to index
        %get3A_2439 = arith.constant 64 : index
        %get3A_2440 = tpu.vector_load %arg11[%get3A_2438, %get3A_2439] {strides = array<i32>} : memref<100x128xf32, #tpu.memory_space<vmem>>, vector<16xf32>,
        %add3A_2441 = arith.addf %scan3A_2410, %get3A_2440 : vector<16xf32>
        %get3A_2442 = arith.index_cast %scan3A_2405 : i32 to index
        %get3A_2443 = arith.constant 80 : index
        %get3A_2444 = tpu.vector_load %arg11[%get3A_2442, %get3A_2443] {strides = array<i32>} : memref<100x128xf32, #tpu.memory_space<vmem>>, vector<16xf32>,
        %add3A_2445 = arith.addf %scan3A_2411, %get3A_2444 : vector<16xf32>
        %get3A_2446 = arith.index_cast %scan3A_2405 : i32 to index
        %get3A_2447 = arith.constant 96 : index
        %get3A_2448 = tpu.vector_load %arg11[%get3A_2446, %get3A_2447] {strides = array<i32>} : memref<100x128xf32, #tpu.memory_space<vmem>>, vector<16xf32>,
        %add3A_2449 = arith.addf %scan3A_2412, %get3A_2448 : vector<16xf32>
        %get3A_2450 = arith.index_cast %scan3A_2405 : i32 to index
        %get3A_2451 = arith.constant 112 : index
        %get3A_2452 = tpu.vector_load %arg11[%get3A_2450, %get3A_2451] {strides = array<i32>} : memref<100x128xf32, #tpu.memory_space<vmem>>, vector<16xf32>,
        %add3A_2453 = arith.addf %scan3A_2413, %get3A_2452 : vector<16xf32>
        %add3A_2454 = arith.constant 50 : i32
        %add3A_2455 = arith.addi %add3A_2454, %scan3A_2405 : i32
        %get3A_2456 = arith.index_cast %add3A_2455 : i32 to index
        %get3A_2457 = arith.constant 0 : index
        %get3A_2458 = tpu.vector_load %arg11[%get3A_2456, %get3A_2457] {strides = array<i32>} : memref<100x128xf32, #tpu.memory_space<vmem>>, vector<16xf32>,
        %add3A_2459 = arith.addf %scan3A_2414, %get3A_2458 : vector<16xf32>
        %add3A_2460 = arith.constant 50 : i32
        %add3A_2461 = arith.addi %add3A_2460, %scan3A_2405 : i32
        %get3A_2462 = arith.index_cast %add3A_2461 : i32 to index
        %get3A_2463 = arith.constant 16 : index
        %get3A_2464 = tpu.vector_load %arg11[%get3A_2462, %get3A_2463] {strides = array<i32>} : memref<100x128xf32, #tpu.memory_space<vmem>>, vector<16xf32>,
        %add3A_2465 = arith.addf %scan3A_2415, %get3A_2464 : vector<16xf32>
        %add3A_2466 = arith.constant 50 : i32
        %add3A_2467 = arith.addi %add3A_2466, %scan3A_2405 : i32
        %get3A_2468 = arith.index_cast %add3A_2467 : i32 to index
        %get3A_2469 = arith.constant 32 : index
        %get3A_2470 = tpu.vector_load %arg11[%get3A_2468, %get3A_2469] {strides = array<i32>} : memref<100x128xf32, #tpu.memory_space<vmem>>, vector<16xf32>,
        %add3A_2471 = arith.addf %scan3A_2416, %get3A_2470 : vector<16xf32>
        %add3A_2472 = arith.constant 50 : i32
        %add3A_2473 = arith.addi %add3A_2472, %scan3A_2405 : i32
        %get3A_2474 = arith.index_cast %add3A_2473 : i32 to index
        %get3A_2475 = arith.constant 48 : index
        %get3A_2476 = tpu.vector_load %arg11[%get3A_2474, %get3A_2475] {strides = array<i32>} : memref<100x128xf32, #tpu.memory_space<vmem>>, vector<16xf32>,
        %add3A_2477 = arith.addf %scan3A_2417, %get3A_2476 : vector<16xf32>
        %add3A_2478 = arith.constant 50 : i32
        %add3A_2479 = arith.addi %add3A_2478, %scan3A_2405 : i32
        %get3A_2480 = arith.index_cast %add3A_2479 : i32 to index
        %get3A_2481 = arith.constant 64 : index
        %get3A_2482 = tpu.vector_load %arg11[%get3A_2480, %get3A_2481] {strides = array<i32>} : memref<100x128xf32, #tpu.memory_space<vmem>>, vector<16xf32>,
        %add3A_2483 = arith.addf %scan3A_2418, %get3A_2482 : vector<16xf32>
        %add3A_2484 = arith.constant 50 : i32
        %add3A_2485 = arith.addi %add3A_2484, %scan3A_2405 : i32
        %get3A_2486 = arith.index_cast %add3A_2485 : i32 to index
        %get3A_2487 = arith.constant 80 : index
        %get3A_2488 = tpu.vector_load %arg11[%get3A_2486, %get3A_2487] {strides = array<i32>} : memref<100x128xf32, #tpu.memory_space<vmem>>, vector<16xf32>,
        %add3A_2489 = arith.addf %scan3A_2419, %get3A_2488 : vector<16xf32>
        %add3A_2490 = arith.constant 50 : i32
        %add3A_2491 = arith.addi %add3A_2490, %scan3A_2405 : i32
        %get3A_2492 = arith.index_cast %add3A_2491 : i32 to index
        %get3A_2493 = arith.constant 96 : index
        %get3A_2494 = tpu.vector_load %arg11[%get3A_2492, %get3A_2493] {strides = array<i32>} : memref<100x128xf32, #tpu.memory_space<vmem>>, vector<16xf32>,
        %add3A_2495 = arith.addf %scan3A_2420, %get3A_2494 : vector<16xf32>
        %add3A_2496 = arith.constant 50 : i32
        %add3A_2497 = arith.addi %add3A_2496, %scan3A_2405 : i32
        %get3A_2498 = arith.index_cast %add3A_2497 : i32 to index
        %get3A_2499 = arith.constant 112 : index
        %get3A_2500 = tpu.vector_load %arg11[%get3A_2498, %get3A_2499] {strides = array<i32>} : memref<100x128xf32, #tpu.memory_space<vmem>>, vector<16xf32>,
        %add3A_2501 = arith.addf %scan3A_2421, %get3A_2500 : vector<16xf32>
        %scan3A_2502 = arith.constant 1 : i32
        %scan3A_2503 = arith.addi %scan3A_2405, %scan3A_2502 : i32
        %get3A_2504 = arith.index_cast %scan3A_2503 : i32 to index
        %get3A_2505 = arith.constant 0 : index
        %get3A_2506 = tpu.vector_load %arg11[%get3A_2504, %get3A_2505] {strides = array<i32>} : memref<100x128xf32, #tpu.memory_space<vmem>>, vector<16xf32>,
        %add3A_2507 = arith.addf %add3A_2425, %get3A_2506 : vector<16xf32>
        %get3A_2508 = arith.index_cast %scan3A_2503 : i32 to index
        %get3A_2509 = arith.constant 16 : index
        %get3A_2510 = tpu.vector_load %arg11[%get3A_2508, %get3A_2509] {strides = array<i32>} : memref<100x128xf32, #tpu.memory_space<vmem>>, vector<16xf32>,
        %add3A_2511 = arith.addf %add3A_2429, %get3A_2510 : vector<16xf32>
        %get3A_2512 = arith.index_cast %scan3A_2503 : i32 to index
        %get3A_2513 = arith.constant 32 : index
        %get3A_2514 = tpu.vector_load %arg11[%get3A_2512, %get3A_2513] {strides = array<i32>} : memref<100x128xf32, #tpu.memory_space<vmem>>, vector<16xf32>,
        %add3A_2515 = arith.addf %add3A_2433, %get3A_2514 : vector<16xf32>
        %get3A_2516 = arith.index_cast %scan3A_2503 : i32 to index
        %get3A_2517 = arith.constant 48 : index
        %get3A_2518 = tpu.vector_load %arg11[%get3A_2516, %get3A_2517] {strides = array<i32>} : memref<100x128xf32, #tpu.memory_space<vmem>>, vector<16xf32>,
        %add3A_2519 = arith.addf %add3A_2437, %get3A_2518 : vector<16xf32>
        %get3A_2520 = arith.index_cast %scan3A_2503 : i32 to index
        %get3A_2521 = arith.constant 64 : index
        %get3A_2522 = tpu.vector_load %arg11[%get3A_2520, %get3A_2521] {strides = array<i32>} : memref<100x128xf32, #tpu.memory_space<vmem>>, vector<16xf32>,
        %add3A_2523 = arith.addf %add3A_2441, %get3A_2522 : vector<16xf32>
        %get3A_2524 = arith.index_cast %scan3A_2503 : i32 to index
        %get3A_2525 = arith.constant 80 : index
        %get3A_2526 = tpu.vector_load %arg11[%get3A_2524, %get3A_2525] {strides = array<i32>} : memref<100x128xf32, #tpu.memory_space<vmem>>, vector<16xf32>,
        %add3A_2527 = arith.addf %add3A_2445, %get3A_2526 : vector<16xf32>
        %get3A_2528 = arith.index_cast %scan3A_2503 : i32 to index
        %get3A_2529 = arith.constant 96 : index
        %get3A_2530 = tpu.vector_load %arg11[%get3A_2528, %get3A_2529] {strides = array<i32>} : memref<100x128xf32, #tpu.memory_space<vmem>>, vector<16xf32>,
        %add3A_2531 = arith.addf %add3A_2449, %get3A_2530 : vector<16xf32>
        %get3A_2532 = arith.index_cast %scan3A_2503 : i32 to index
        %get3A_2533 = arith.constant 112 : index
        %get3A_2534 = tpu.vector_load %arg11[%get3A_2532, %get3A_2533] {strides = array<i32>} : memref<100x128xf32, #tpu.memory_space<vmem>>, vector<16xf32>,
        %add3A_2535 = arith.addf %add3A_2453, %get3A_2534 : vector<16xf32>
        %add3A_2536 = arith.constant 50 : i32
        %add3A_2537 = arith.addi %add3A_2536, %scan3A_2503 : i32
        %get3A_2538 = arith.index_cast %add3A_2537 : i32 to index
        %get3A_2539 = arith.constant 0 : index
        %get3A_2540 = tpu.vector_load %arg11[%get3A_2538, %get3A_2539] {strides = array<i32>} : memref<100x128xf32, #tpu.memory_space<vmem>>, vector<16xf32>,
        %add3A_2541 = arith.addf %add3A_2459, %get3A_2540 : vector<16xf32>
        %add3A_2542 = arith.constant 50 : i32
        %add3A_2543 = arith.addi %add3A_2542, %scan3A_2503 : i32
        %get3A_2544 = arith.index_cast %add3A_2543 : i32 to index
        %get3A_2545 = arith.constant 16 : index
        %get3A_2546 = tpu.vector_load %arg11[%get3A_2544, %get3A_2545] {strides = array<i32>} : memref<100x128xf32, #tpu.memory_space<vmem>>, vector<16xf32>,
        %add3A_2547 = arith.addf %add3A_2465, %get3A_2546 : vector<16xf32>
        %add3A_2548 = arith.constant 50 : i32
        %add3A_2549 = arith.addi %add3A_2548, %scan3A_2503 : i32
        %get3A_2550 = arith.index_cast %add3A_2549 : i32 to index
        %get3A_2551 = arith.constant 32 : index
        %get3A_2552 = tpu.vector_load %arg11[%get3A_2550, %get3A_2551] {strides = array<i32>} : memref<100x128xf32, #tpu.memory_space<vmem>>, vector<16xf32>,
        %add3A_2553 = arith.addf %add3A_2471, %get3A_2552 : vector<16xf32>
        %add3A_2554 = arith.constant 50 : i32
        %add3A_2555 = arith.addi %add3A_2554, %scan3A_2503 : i32
        %get3A_2556 = arith.index_cast %add3A_2555 : i32 to index
        %get3A_2557 = arith.constant 48 : index
        %get3A_2558 = tpu.vector_load %arg11[%get3A_2556, %get3A_2557] {strides = array<i32>} : memref<100x128xf32, #tpu.memory_space<vmem>>, vector<16xf32>,
        %add3A_2559 = arith.addf %add3A_2477, %get3A_2558 : vector<16xf32>
        %add3A_2560 = arith.constant 50 : i32
        %add3A_2561 = arith.addi %add3A_2560, %scan3A_2503 : i32
        %get3A_2562 = arith.index_cast %add3A_2561 : i32 to index
        %get3A_2563 = arith.constant 64 : index
        %get3A_2564 = tpu.vector_load %arg11[%get3A_2562, %get3A_2563] {strides = array<i32>} : memref<100x128xf32, #tpu.memory_space<vmem>>, vector<16xf32>,
        %add3A_2565 = arith.addf %add3A_2483, %get3A_2564 : vector<16xf32>
        %add3A_2566 = arith.constant 50 : i32
        %add3A_2567 = arith.addi %add3A_2566, %scan3A_2503 : i32
        %get3A_2568 = arith.index_cast %add3A_2567 : i32 to index
        %get3A_2569 = arith.constant 80 : index
        %get3A_2570 = tpu.vector_load %arg11[%get3A_2568, %get3A_2569] {strides = array<i32>} : memref<100x128xf32, #tpu.memory_space<vmem>>, vector<16xf32>,
        %add3A_2571 = arith.addf %add3A_2489, %get3A_2570 : vector<16xf32>
        %add3A_2572 = arith.constant 50 : i32
        %add3A_2573 = arith.addi %add3A_2572, %scan3A_2503 : i32
        %get3A_2574 = arith.index_cast %add3A_2573 : i32 to index
        %get3A_2575 = arith.constant 96 : index
        %get3A_2576 = tpu.vector_load %arg11[%get3A_2574, %get3A_2575] {strides = array<i32>} : memref<100x128xf32, #tpu.memory_space<vmem>>, vector<16xf32>,
        %add3A_2577 = arith.addf %add3A_2495, %get3A_2576 : vector<16xf32>
        %add3A_2578 = arith.constant 50 : i32
        %add3A_2579 = arith.addi %add3A_2578, %scan3A_2503 : i32
        %get3A_2580 = arith.index_cast %add3A_2579 : i32 to index
        %get3A_2581 = arith.constant 112 : index
        %get3A_2582 = tpu.vector_load %arg11[%get3A_2580, %get3A_2581] {strides = array<i32>} : memref<100x128xf32, #tpu.memory_space<vmem>>, vector<16xf32>,
        %add3A_2583 = arith.addf %add3A_2501, %get3A_2582 : vector<16xf32>
        scf.yield %add3A_2507, %add3A_2511, %add3A_2515, %add3A_2519, %add3A_2523, %add3A_2527, %add3A_2531, %add3A_2535, %add3A_2541, %add3A_2547, %add3A_2553, %add3A_2559, %add3A_2565, %add3A_2571, %add3A_2577, %add3A_2583 : vector<16xf32>, vector<16xf32>, vector<16xf32>, vector<16xf32>, vector<16xf32>, vector<16xf32>, vector<16xf32>, vector<16xf32>, vector<16xf32>, vector<16xf32>, vector<16xf32>, vector<16xf32>, vector<16xf32>, vector<16xf32>, vector<16xf32>, vector<16xf32>
      }
      %scan3A_1807 = arith.constant 48 : i32
      %scan3A_1808 = arith.addi %scan3A_1802, %scan3A_1807 : i32
      %get3A_1809 = arith.index_cast %scan3A_1808 : i32 to index
      %get3A_1810 = arith.constant 0 : index
      %get3A_1811 = tpu.vector_load %arg11[%get3A_1809, %get3A_1810] {strides = array<i32>} : memref<100x128xf32, #tpu.memory_space<vmem>>, vector<16xf32>,
      %add3A_1812 = arith.addf %scan3A_1806#0, %get3A_1811 : vector<16xf32>
      %get3A_1813 = arith.index_cast %scan3A_1808 : i32 to index
      %get3A_1814 = arith.constant 16 : index
      %get3A_1815 = tpu.vector_load %arg11[%get3A_1813, %get3A_1814] {strides = array<i32>} : memref<100x128xf32, #tpu.memory_space<vmem>>, vector<16xf32>,
      %add3A_1816 = arith.addf %scan3A_1806#1, %get3A_1815 : vector<16xf32>
      %get3A_1817 = arith.index_cast %scan3A_1808 : i32 to index
      %get3A_1818 = arith.constant 32 : index
      %get3A_1819 = tpu.vector_load %arg11[%get3A_1817, %get3A_1818] {strides = array<i32>} : memref<100x128xf32, #tpu.memory_space<vmem>>, vector<16xf32>,
      %add3A_1820 = arith.addf %scan3A_1806#2, %get3A_1819 : vector<16xf32>
      %get3A_1821 = arith.index_cast %scan3A_1808 : i32 to index
      %get3A_1822 = arith.constant 48 : index
      %get3A_1823 = tpu.vector_load %arg11[%get3A_1821, %get3A_1822] {strides = array<i32>} : memref<100x128xf32, #tpu.memory_space<vmem>>, vector<16xf32>,
      %add3A_1824 = arith.addf %scan3A_1806#3, %get3A_1823 : vector<16xf32>
      %get3A_1825 = arith.index_cast %scan3A_1808 : i32 to index
      %get3A_1826 = arith.constant 64 : index
      %get3A_1827 = tpu.vector_load %arg11[%get3A_1825, %get3A_1826] {strides = array<i32>} : memref<100x128xf32, #tpu.memory_space<vmem>>, vector<16xf32>,
      %add3A_1828 = arith.addf %scan3A_1806#4, %get3A_1827 : vector<16xf32>
      %get3A_1829 = arith.index_cast %scan3A_1808 : i32 to index
      %get3A_1830 = arith.constant 80 : index
      %get3A_1831 = tpu.vector_load %arg11[%get3A_1829, %get3A_1830] {strides = array<i32>} : memref<100x128xf32, #tpu.memory_space<vmem>>, vector<16xf32>,
      %add3A_1832 = arith.addf %scan3A_1806#5, %get3A_1831 : vector<16xf32>
      %get3A_1833 = arith.index_cast %scan3A_1808 : i32 to index
      %get3A_1834 = arith.constant 96 : index
      %get3A_1835 = tpu.vector_load %arg11[%get3A_1833, %get3A_1834] {strides = array<i32>} : memref<100x128xf32, #tpu.memory_space<vmem>>, vector<16xf32>,
      %add3A_1836 = arith.addf %scan3A_1806#6, %get3A_1835 : vector<16xf32>
      %get3A_1837 = arith.index_cast %scan3A_1808 : i32 to index
      %get3A_1838 = arith.constant 112 : index
      %get3A_1839 = tpu.vector_load %arg11[%get3A_1837, %get3A_1838] {strides = array<i32>} : memref<100x128xf32, #tpu.memory_space<vmem>>, vector<16xf32>,
      %add3A_1840 = arith.addf %scan3A_1806#7, %get3A_1839 : vector<16xf32>
      %add3A_1841 = arith.constant 50 : i32
      %add3A_1842 = arith.addi %add3A_1841, %scan3A_1808 : i32
      %get3A_1843 = arith.index_cast %add3A_1842 : i32 to index
      %get3A_1844 = arith.constant 0 : index
      %get3A_1845 = tpu.vector_load %arg11[%get3A_1843, %get3A_1844] {strides = array<i32>} : memref<100x128xf32, #tpu.memory_space<vmem>>, vector<16xf32>,
      %add3A_1846 = arith.addf %scan3A_1806#8, %get3A_1845 : vector<16xf32>
      %add3A_1847 = arith.constant 50 : i32
      %add3A_1848 = arith.addi %add3A_1847, %scan3A_1808 : i32
      %get3A_1849 = arith.index_cast %add3A_1848 : i32 to index
      %get3A_1850 = arith.constant 16 : index
      %get3A_1851 = tpu.vector_load %arg11[%get3A_1849, %get3A_1850] {strides = array<i32>} : memref<100x128xf32, #tpu.memory_space<vmem>>, vector<16xf32>,
      %add3A_1852 = arith.addf %scan3A_1806#9, %get3A_1851 : vector<16xf32>
      %add3A_1853 = arith.constant 50 : i32
      %add3A_1854 = arith.addi %add3A_1853, %scan3A_1808 : i32
      %get3A_1855 = arith.index_cast %add3A_1854 : i32 to index
      %get3A_1856 = arith.constant 32 : index
      %get3A_1857 = tpu.vector_load %arg11[%get3A_1855, %get3A_1856] {strides = array<i32>} : memref<100x128xf32, #tpu.memory_space<vmem>>, vector<16xf32>,
      %add3A_1858 = arith.addf %scan3A_1806#10, %get3A_1857 : vector<16xf32>
      %add3A_1859 = arith.constant 50 : i32
      %add3A_1860 = arith.addi %add3A_1859, %scan3A_1808 : i32
      %get3A_1861 = arith.index_cast %add3A_1860 : i32 to index
      %get3A_1862 = arith.constant 48 : index
      %get3A_1863 = tpu.vector_load %arg11[%get3A_1861, %get3A_1862] {strides = array<i32>} : memref<100x128xf32, #tpu.memory_space<vmem>>, vector<16xf32>,
      %add3A_1864 = arith.addf %scan3A_1806#11, %get3A_1863 : vector<16xf32>
      %add3A_1865 = arith.constant 50 : i32
      %add3A_1866 = arith.addi %add3A_1865, %scan3A_1808 : i32
      %get3A_1867 = arith.index_cast %add3A_1866 : i32 to index
      %get3A_1868 = arith.constant 64 : index
      %get3A_1869 = tpu.vector_load %arg11[%get3A_1867, %get3A_1868] {strides = array<i32>} : memref<100x128xf32, #tpu.memory_space<vmem>>, vector<16xf32>,
      %add3A_1870 = arith.addf %scan3A_1806#12, %get3A_1869 : vector<16xf32>
      %add3A_1871 = arith.constant 50 : i32
      %add3A_1872 = arith.addi %add3A_1871, %scan3A_1808 : i32
      %get3A_1873 = arith.index_cast %add3A_1872 : i32 to index
      %get3A_1874 = arith.constant 80 : index
      %get3A_1875 = tpu.vector_load %arg11[%get3A_1873, %get3A_1874] {strides = array<i32>} : memref<100x128xf32, #tpu.memory_space<vmem>>, vector<16xf32>,
      %add3A_1876 = arith.addf %scan3A_1806#13, %get3A_1875 : vector<16xf32>
      %add3A_1877 = arith.constant 50 : i32
      %add3A_1878 = arith.addi %add3A_1877, %scan3A_1808 : i32
      %get3A_1879 = arith.index_cast %add3A_1878 : i32 to index
      %get3A_1880 = arith.constant 96 : index
      %get3A_1881 = tpu.vector_load %arg11[%get3A_1879, %get3A_1880] {strides = array<i32>} : memref<100x128xf32, #tpu.memory_space<vmem>>, vector<16xf32>,
      %add3A_1882 = arith.addf %scan3A_1806#14, %get3A_1881 : vector<16xf32>
      %add3A_1883 = arith.constant 50 : i32
      %add3A_1884 = arith.addi %add3A_1883, %scan3A_1808 : i32
      %get3A_1885 = arith.index_cast %add3A_1884 : i32 to index
      %get3A_1886 = arith.constant 112 : index
      %get3A_1887 = tpu.vector_load %arg11[%get3A_1885, %get3A_1886] {strides = array<i32>} : memref<100x128xf32, #tpu.memory_space<vmem>>, vector<16xf32>,
      %add3A_1888 = arith.addf %scan3A_1806#15, %get3A_1887 : vector<16xf32>
      %scan3A_1889 = arith.constant 49 : i32
      %mul3A_1890 = arith.mulf %add3A_1812, %add3A_1846 : vector<16xf32>
      %mul3A_1891 = arith.mulf %add3A_1812, %add3A_1812 : vector<16xf32>
      %mul3A_1892 = arith.mulf %add3A_1846, %add3A_1846 : vector<16xf32>
      %mul3A_1893 = arith.mulf %add3A_1816, %add3A_1852 : vector<16xf32>
      %add3A_1894 = arith.addf %mul3A_1890, %mul3A_1893 : vector<16xf32>
      %mul3A_1895 = arith.mulf %add3A_1816, %add3A_1816 : vector<16xf32>
      %add3A_1896 = arith.addf %mul3A_1891, %mul3A_1895 : vector<16xf32>
      %mul3A_1897 = arith.mulf %add3A_1852, %add3A_1852 : vector<16xf32>
      %add3A_1898 = arith.addf %mul3A_1892, %mul3A_1897 : vector<16xf32>
      %mul3A_1899 = arith.mulf %add3A_1820, %add3A_1858 : vector<16xf32>
      %add3A_1900 = arith.addf %add3A_1894, %mul3A_1899 : vector<16xf32>
      %mul3A_1901 = arith.mulf %add3A_1820, %add3A_1820 : vector<16xf32>
      %add3A_1902 = arith.addf %add3A_1896, %mul3A_1901 : vector<16xf32>
      %mul3A_1903 = arith.mulf %add3A_1858, %add3A_1858 : vector<16xf32>
      %add3A_1904 = arith.addf %add3A_1898, %mul3A_1903 : vector<16xf32>
      %mul3A_1905 = arith.mulf %add3A_1824, %add3A_1864 : vector<16xf32>
      %add3A_1906 = arith.addf %add3A_1900, %mul3A_1905 : vector<16xf32>
      %mul3A_1907 = arith.mulf %add3A_1824, %add3A_1824 : vector<16xf32>
      %add3A_1908 = arith.addf %add3A_1902, %mul3A_1907 : vector<16xf32>
      %mul3A_1909 = arith.mulf %add3A_1864, %add3A_1864 : vector<16xf32>
      %add3A_1910 = arith.addf %add3A_1904, %mul3A_1909 : vector<16xf32>
      %mul3A_1911 = arith.mulf %add3A_1828, %add3A_1870 : vector<16xf32>
      %add3A_1912 = arith.addf %add3A_1906, %mul3A_1911 : vector<16xf32>
      %mul3A_1913 = arith.mulf %add3A_1828, %add3A_1828 : vector<16xf32>
      %add3A_1914 = arith.addf %add3A_1908, %mul3A_1913 : vector<16xf32>
      %mul3A_1915 = arith.mulf %add3A_1870, %add3A_1870 : vector<16xf32>
      %add3A_1916 = arith.addf %add3A_1910, %mul3A_1915 : vector<16xf32>
      %mul3A_1917 = arith.mulf %add3A_1832, %add3A_1876 : vector<16xf32>
      %add3A_1918 = arith.addf %add3A_1912, %mul3A_1917 : vector<16xf32>
      %mul3A_1919 = arith.mulf %add3A_1832, %add3A_1832 : vector<16xf32>
      %add3A_1920 = arith.addf %add3A_1914, %mul3A_1919 : vector<16xf32>
      %mul3A_1921 = arith.mulf %add3A_1876, %add3A_1876 : vector<16xf32>
      %add3A_1922 = arith.addf %add3A_1916, %mul3A_1921 : vector<16xf32>
      %mul3A_1923 = arith.mulf %add3A_1836, %add3A_1882 : vector<16xf32>
      %add3A_1924 = arith.addf %add3A_1918, %mul3A_1923 : vector<16xf32>
      %mul3A_1925 = arith.mulf %add3A_1836, %add3A_1836 : vector<16xf32>
      %add3A_1926 = arith.addf %add3A_1920, %mul3A_1925 : vector<16xf32>
      %mul3A_1927 = arith.mulf %add3A_1882, %add3A_1882 : vector<16xf32>
      %add3A_1928 = arith.addf %add3A_1922, %mul3A_1927 : vector<16xf32>
      %mul3A_1929 = arith.mulf %add3A_1840, %add3A_1888 : vector<16xf32>
      %add3A_1930 = arith.addf %add3A_1924, %mul3A_1929 : vector<16xf32>
      %mul3A_1931 = arith.mulf %add3A_1840, %add3A_1840 : vector<16xf32>
      %add3A_1932 = arith.addf %add3A_1926, %mul3A_1931 : vector<16xf32>
      %mul3A_1933 = arith.mulf %add3A_1888, %add3A_1888 : vector<16xf32>
      %add3A_1934 = arith.addf %add3A_1928, %mul3A_1933 : vector<16xf32>
      %iota3A_1935 = tpu.iota {dimensions = array<i32: 0>} : vector<16xi32>
      %eq3A_1936 = arith.constant 15 : i32
      %eq3A_1937 = vector.broadcast %eq3A_1936 : i32 to vector<16xi32>
      %eq3A_1938 = arith.cmpi eq, %iota3A_1935, %eq3A_1937 : vector<16xi32>
      %broadcast_in_dim3A_1939 = vector.broadcast %add3A_1722 : i32 to vector<16xi32>
      %cumsum3A_1940 = arith.constant true
      %cumsum3A_1941 = vector.broadcast %cumsum3A_1940 : i1 to vector<16xi1>
      %cumsum3A_1942 = tpu.scan <sum>, %add3A_1930 masked %cumsum3A_1941 : vector<16xf32>, vector<16xi1> -> vector<16xf32>
      tpu.vector_store_idx %arg14[%broadcast_in_dim3A_1939], %cumsum3A_1942 masked %eq3A_1938 : memref<128xf32, #tpu.memory_space<vmem>>[vector<16xi32>], vector<16xf32>, vector<16xi1>
      %cumsum3A_1943 = arith.constant true
      %cumsum3A_1944 = vector.broadcast %cumsum3A_1943 : i1 to vector<16xi1>
      %cumsum3A_1945 = tpu.scan <sum>, %add3A_1932 masked %cumsum3A_1944 : vector<16xf32>, vector<16xi1> -> vector<16xf32>
      tpu.vector_store_idx %arg15[%broadcast_in_dim3A_1939], %cumsum3A_1945 masked %eq3A_1938 : memref<128xf32, #tpu.memory_space<vmem>>[vector<16xi32>], vector<16xf32>, vector<16xi1>
      %cumsum3A_1946 = arith.constant true
      %cumsum3A_1947 = vector.broadcast %cumsum3A_1946 : i1 to vector<16xi1>
      %cumsum3A_1948 = tpu.scan <sum>, %add3A_1934 masked %cumsum3A_1947 : vector<16xf32>, vector<16xi1> -> vector<16xf32>
      tpu.vector_store_idx %arg16[%broadcast_in_dim3A_1939], %cumsum3A_1948 masked %eq3A_1938 : memref<128xf32, #tpu.memory_space<vmem>>[vector<16xi32>], vector<16xf32>, vector<16xi1>
      %add3A_1949 = arith.constant 4 : i32
      %add3A_1950 = arith.addi %mul3A_1039, %add3A_1949 : i32
      %dma_wait3A_1951 = arith.constant 0 : i32
      %dma_wait3A_1952 = tpu.memref_slice %arg7[%add3A_1950, %dma_wait3A_1951] : memref<128x100xi32, #tpu.memory_space<vmem>> -> memref<1x100xi32, #tpu.memory_space<vmem>>
      %dma_wait3A_1953 = tpu.memref_squeeze %dma_wait3A_1952 : memref<1x100xi32, #tpu.memory_space<vmem>> -> memref<100xi32, #tpu.memory_space<vmem>>
      %dma_wait3A_1954 = arith.constant 0 : i32
      %dma_wait3A_1955 = arith.constant 0 : i32
      %dma_wait3A_1956 = tpu.memref_slice %arg3[%dma_wait3A_1954, %dma_wait3A_1955] : memref<100000x128xf32, #tpu.memory_space<hbm>> -> memref<100000x128xf32, #tpu.memory_space<hbm>>
      tpu.wait_indirect_dma semaphore(%arg24 : memref<!tpu.dma_semaphore, #tpu.memory_space<semaphore_mem>>) src(%dma_wait3A_1956 : memref<100000x128xf32, #tpu.memory_space<hbm>>) dst(%arg12 : memref<100x128xf32, #tpu.memory_space<vmem>>)
      %add3A_1957 = arith.constant 6 : i32
      %add3A_1958 = arith.addi %add3A_1950, %add3A_1957 : i32
      %sub3A_1959 = arith.constant 1 : i32
      %sub3A_1960 = arith.subi %add3A_1958, %sub3A_1959 : i32
      %lt3A_1961 = arith.constant 128 : i32
      %lt3A_1962 = arith.cmpi slt, %sub3A_1960, %lt3A_1961 : i32
      %convert_element_type3A_1963 = arith.extui %lt3A_1962 : i1 to i32
      %cond3A_1964 = arith.constant 0 : i32
      %cond3A_1965 = arith.cmpi ne, %convert_element_type3A_1963, %cond3A_1964 : i32
      scf.if %cond3A_1965 {
        %add3A_2405 = arith.constant 6 : i32
        %add3A_2406 = arith.addi %add3A_1950, %add3A_2405 : i32
        %sub3A_2407 = arith.constant 1 : i32
        %sub3A_2408 = arith.subi %add3A_2406, %sub3A_2407 : i32
        %dma_start3A_2409 = arith.constant 0 : i32
        %dma_start3A_2410 = tpu.memref_slice %arg7[%sub3A_2408, %dma_start3A_2409] : memref<128x100xi32, #tpu.memory_space<vmem>> -> memref<1x100xi32, #tpu.memory_space<vmem>>
        %dma_start3A_2411 = tpu.memref_squeeze %dma_start3A_2410 : memref<1x100xi32, #tpu.memory_space<vmem>> -> memref<100xi32, #tpu.memory_space<vmem>>
        %dma_start3A_2412 = arith.constant 0 : i32
        %dma_start3A_2413 = arith.constant 0 : i32
        %dma_start3A_2414 = tpu.memref_slice %arg3[%dma_start3A_2412, %dma_start3A_2413] : memref<100000x128xf32, #tpu.memory_space<hbm>> -> memref<100000x128xf32, #tpu.memory_space<hbm>>
        tpu.enqueue_indirect_dma source(%dma_start3A_2414 : memref<100000x128xf32, #tpu.memory_space<hbm>>) target(%arg11 : memref<100x128xf32, #tpu.memory_space<vmem>>) offsets(%dma_start3A_2411 : memref<100xi32, #tpu.memory_space<vmem>>) semaphore(%arg23 : memref<!tpu.dma_semaphore, #tpu.memory_space<semaphore_mem>>)
      } else {
      }
      %get3A_1966 = arith.constant 0 : i32
      %get3A_1967 = arith.index_cast %get3A_1966 : i32 to index
      %get3A_1968 = arith.constant 0 : index
      %get3A_1969 = tpu.vector_load %arg12[%get3A_1967, %get3A_1968] {strides = array<i32>} : memref<100x128xf32, #tpu.memory_space<vmem>>, vector<16xf32>,
      %get3A_1970 = arith.constant 0 : i32
      %get3A_1971 = arith.index_cast %get3A_1970 : i32 to index
      %get3A_1972 = arith.constant 16 : index
      %get3A_1973 = tpu.vector_load %arg12[%get3A_1971, %get3A_1972] {strides = array<i32>} : memref<100x128xf32, #tpu.memory_space<vmem>>, vector<16xf32>,
      %get3A_1974 = arith.constant 0 : i32
      %get3A_1975 = arith.index_cast %get3A_1974 : i32 to index
      %get3A_1976 = arith.constant 32 : index
      %get3A_1977 = tpu.vector_load %arg12[%get3A_1975, %get3A_1976] {strides = array<i32>} : memref<100x128xf32, #tpu.memory_space<vmem>>, vector<16xf32>,
      %get3A_1978 = arith.constant 0 : i32
      %get3A_1979 = arith.index_cast %get3A_1978 : i32 to index
      %get3A_1980 = arith.constant 48 : index
      %get3A_1981 = tpu.vector_load %arg12[%get3A_1979, %get3A_1980] {strides = array<i32>} : memref<100x128xf32, #tpu.memory_space<vmem>>, vector<16xf32>,
      %get3A_1982 = arith.constant 0 : i32
      %get3A_1983 = arith.index_cast %get3A_1982 : i32 to index
      %get3A_1984 = arith.constant 64 : index
      %get3A_1985 = tpu.vector_load %arg12[%get3A_1983, %get3A_1984] {strides = array<i32>} : memref<100x128xf32, #tpu.memory_space<vmem>>, vector<16xf32>,
      %get3A_1986 = arith.constant 0 : i32
      %get3A_1987 = arith.index_cast %get3A_1986 : i32 to index
      %get3A_1988 = arith.constant 80 : index
      %get3A_1989 = tpu.vector_load %arg12[%get3A_1987, %get3A_1988] {strides = array<i32>} : memref<100x128xf32, #tpu.memory_space<vmem>>, vector<16xf32>,
      %get3A_1990 = arith.constant 0 : i32
      %get3A_1991 = arith.index_cast %get3A_1990 : i32 to index
      %get3A_1992 = arith.constant 96 : index
      %get3A_1993 = tpu.vector_load %arg12[%get3A_1991, %get3A_1992] {strides = array<i32>} : memref<100x128xf32, #tpu.memory_space<vmem>>, vector<16xf32>,
      %get3A_1994 = arith.constant 0 : i32
      %get3A_1995 = arith.index_cast %get3A_1994 : i32 to index
      %get3A_1996 = arith.constant 112 : index
      %get3A_1997 = tpu.vector_load %arg12[%get3A_1995, %get3A_1996] {strides = array<i32>} : memref<100x128xf32, #tpu.memory_space<vmem>>, vector<16xf32>,
      %get3A_1998 = arith.constant 50 : i32
      %get3A_1999 = arith.index_cast %get3A_1998 : i32 to index
      %get3A_2000 = arith.constant 0 : index
      %get3A_2001 = tpu.vector_load %arg12[%get3A_1999, %get3A_2000] {strides = array<i32>} : memref<100x128xf32, #tpu.memory_space<vmem>>, vector<16xf32>,
      %get3A_2002 = arith.constant 50 : i32
      %get3A_2003 = arith.index_cast %get3A_2002 : i32 to index
      %get3A_2004 = arith.constant 16 : index
      %get3A_2005 = tpu.vector_load %arg12[%get3A_2003, %get3A_2004] {strides = array<i32>} : memref<100x128xf32, #tpu.memory_space<vmem>>, vector<16xf32>,
      %get3A_2006 = arith.constant 50 : i32
      %get3A_2007 = arith.index_cast %get3A_2006 : i32 to index
      %get3A_2008 = arith.constant 32 : index
      %get3A_2009 = tpu.vector_load %arg12[%get3A_2007, %get3A_2008] {strides = array<i32>} : memref<100x128xf32, #tpu.memory_space<vmem>>, vector<16xf32>,
      %get3A_2010 = arith.constant 50 : i32
      %get3A_2011 = arith.index_cast %get3A_2010 : i32 to index
      %get3A_2012 = arith.constant 48 : index
      %get3A_2013 = tpu.vector_load %arg12[%get3A_2011, %get3A_2012] {strides = array<i32>} : memref<100x128xf32, #tpu.memory_space<vmem>>, vector<16xf32>,
      %get3A_2014 = arith.constant 50 : i32
      %get3A_2015 = arith.index_cast %get3A_2014 : i32 to index
      %get3A_2016 = arith.constant 64 : index
      %get3A_2017 = tpu.vector_load %arg12[%get3A_2015, %get3A_2016] {strides = array<i32>} : memref<100x128xf32, #tpu.memory_space<vmem>>, vector<16xf32>,
      %get3A_2018 = arith.constant 50 : i32
      %get3A_2019 = arith.index_cast %get3A_2018 : i32 to index
      %get3A_2020 = arith.constant 80 : index
      %get3A_2021 = tpu.vector_load %arg12[%get3A_2019, %get3A_2020] {strides = array<i32>} : memref<100x128xf32, #tpu.memory_space<vmem>>, vector<16xf32>,
      %get3A_2022 = arith.constant 50 : i32
      %get3A_2023 = arith.index_cast %get3A_2022 : i32 to index
      %get3A_2024 = arith.constant 96 : index
      %get3A_2025 = tpu.vector_load %arg12[%get3A_2023, %get3A_2024] {strides = array<i32>} : memref<100x128xf32, #tpu.memory_space<vmem>>, vector<16xf32>,
      %get3A_2026 = arith.constant 50 : i32
      %get3A_2027 = arith.index_cast %get3A_2026 : i32 to index
      %get3A_2028 = arith.constant 112 : index
      %get3A_2029 = tpu.vector_load %arg12[%get3A_2027, %get3A_2028] {strides = array<i32>} : memref<100x128xf32, #tpu.memory_space<vmem>>, vector<16xf32>,
      %scan3A_2030 = arith.constant 1 : i32
      %scan3A_2031 = arith.constant 48 : i32
      %scan3A_2032 = arith.addi %scan3A_2030, %scan3A_2031 : i32
      %scan3A_2033 = arith.constant 2 : i32
      %scan3A_2034:16 = scf.for %scan3A_2405 = %scan3A_2030 to %scan3A_2032 step %scan3A_2033 iter_args(%scan3A_2406 = %get3A_1969, %scan3A_2407 = %get3A_1973, %scan3A_2408 = %get3A_1977, %scan3A_2409 = %get3A_1981, %scan3A_2410 = %get3A_1985, %scan3A_2411 = %get3A_1989, %scan3A_2412 = %get3A_1993, %scan3A_2413 = %get3A_1997, %scan3A_2414 = %get3A_2001, %scan3A_2415 = %get3A_2005, %scan3A_2416 = %get3A_2009, %scan3A_2417 = %get3A_2013, %scan3A_2418 = %get3A_2017, %scan3A_2419 = %get3A_2021, %scan3A_2420 = %get3A_2025, %scan3A_2421 = %get3A_2029) -> (vector<16xf32>, vector<16xf32>, vector<16xf32>, vector<16xf32>, vector<16xf32>, vector<16xf32>, vector<16xf32>, vector<16xf32>, vector<16xf32>, vector<16xf32>, vector<16xf32>, vector<16xf32>, vector<16xf32>, vector<16xf32>, vector<16xf32>, vector<16xf32>)  : i32 {
        %get3A_2422 = arith.index_cast %scan3A_2405 : i32 to index
        %get3A_2423 = arith.constant 0 : index
        %get3A_2424 = tpu.vector_load %arg12[%get3A_2422, %get3A_2423] {strides = array<i32>} : memref<100x128xf32, #tpu.memory_space<vmem>>, vector<16xf32>,
        %add3A_2425 = arith.addf %scan3A_2406, %get3A_2424 : vector<16xf32>
        %get3A_2426 = arith.index_cast %scan3A_2405 : i32 to index
        %get3A_2427 = arith.constant 16 : index
        %get3A_2428 = tpu.vector_load %arg12[%get3A_2426, %get3A_2427] {strides = array<i32>} : memref<100x128xf32, #tpu.memory_space<vmem>>, vector<16xf32>,
        %add3A_2429 = arith.addf %scan3A_2407, %get3A_2428 : vector<16xf32>
        %get3A_2430 = arith.index_cast %scan3A_2405 : i32 to index
        %get3A_2431 = arith.constant 32 : index
        %get3A_2432 = tpu.vector_load %arg12[%get3A_2430, %get3A_2431] {strides = array<i32>} : memref<100x128xf32, #tpu.memory_space<vmem>>, vector<16xf32>,
        %add3A_2433 = arith.addf %scan3A_2408, %get3A_2432 : vector<16xf32>
        %get3A_2434 = arith.index_cast %scan3A_2405 : i32 to index
        %get3A_2435 = arith.constant 48 : index
        %get3A_2436 = tpu.vector_load %arg12[%get3A_2434, %get3A_2435] {strides = array<i32>} : memref<100x128xf32, #tpu.memory_space<vmem>>, vector<16xf32>,
        %add3A_2437 = arith.addf %scan3A_2409, %get3A_2436 : vector<16xf32>
        %get3A_2438 = arith.index_cast %scan3A_2405 : i32 to index
        %get3A_2439 = arith.constant 64 : index
        %get3A_2440 = tpu.vector_load %arg12[%get3A_2438, %get3A_2439] {strides = array<i32>} : memref<100x128xf32, #tpu.memory_space<vmem>>, vector<16xf32>,
        %add3A_2441 = arith.addf %scan3A_2410, %get3A_2440 : vector<16xf32>
        %get3A_2442 = arith.index_cast %scan3A_2405 : i32 to index
        %get3A_2443 = arith.constant 80 : index
        %get3A_2444 = tpu.vector_load %arg12[%get3A_2442, %get3A_2443] {strides = array<i32>} : memref<100x128xf32, #tpu.memory_space<vmem>>, vector<16xf32>,
        %add3A_2445 = arith.addf %scan3A_2411, %get3A_2444 : vector<16xf32>
        %get3A_2446 = arith.index_cast %scan3A_2405 : i32 to index
        %get3A_2447 = arith.constant 96 : index
        %get3A_2448 = tpu.vector_load %arg12[%get3A_2446, %get3A_2447] {strides = array<i32>} : memref<100x128xf32, #tpu.memory_space<vmem>>, vector<16xf32>,
        %add3A_2449 = arith.addf %scan3A_2412, %get3A_2448 : vector<16xf32>
        %get3A_2450 = arith.index_cast %scan3A_2405 : i32 to index
        %get3A_2451 = arith.constant 112 : index
        %get3A_2452 = tpu.vector_load %arg12[%get3A_2450, %get3A_2451] {strides = array<i32>} : memref<100x128xf32, #tpu.memory_space<vmem>>, vector<16xf32>,
        %add3A_2453 = arith.addf %scan3A_2413, %get3A_2452 : vector<16xf32>
        %add3A_2454 = arith.constant 50 : i32
        %add3A_2455 = arith.addi %add3A_2454, %scan3A_2405 : i32
        %get3A_2456 = arith.index_cast %add3A_2455 : i32 to index
        %get3A_2457 = arith.constant 0 : index
        %get3A_2458 = tpu.vector_load %arg12[%get3A_2456, %get3A_2457] {strides = array<i32>} : memref<100x128xf32, #tpu.memory_space<vmem>>, vector<16xf32>,
        %add3A_2459 = arith.addf %scan3A_2414, %get3A_2458 : vector<16xf32>
        %add3A_2460 = arith.constant 50 : i32
        %add3A_2461 = arith.addi %add3A_2460, %scan3A_2405 : i32
        %get3A_2462 = arith.index_cast %add3A_2461 : i32 to index
        %get3A_2463 = arith.constant 16 : index
        %get3A_2464 = tpu.vector_load %arg12[%get3A_2462, %get3A_2463] {strides = array<i32>} : memref<100x128xf32, #tpu.memory_space<vmem>>, vector<16xf32>,
        %add3A_2465 = arith.addf %scan3A_2415, %get3A_2464 : vector<16xf32>
        %add3A_2466 = arith.constant 50 : i32
        %add3A_2467 = arith.addi %add3A_2466, %scan3A_2405 : i32
        %get3A_2468 = arith.index_cast %add3A_2467 : i32 to index
        %get3A_2469 = arith.constant 32 : index
        %get3A_2470 = tpu.vector_load %arg12[%get3A_2468, %get3A_2469] {strides = array<i32>} : memref<100x128xf32, #tpu.memory_space<vmem>>, vector<16xf32>,
        %add3A_2471 = arith.addf %scan3A_2416, %get3A_2470 : vector<16xf32>
        %add3A_2472 = arith.constant 50 : i32
        %add3A_2473 = arith.addi %add3A_2472, %scan3A_2405 : i32
        %get3A_2474 = arith.index_cast %add3A_2473 : i32 to index
        %get3A_2475 = arith.constant 48 : index
        %get3A_2476 = tpu.vector_load %arg12[%get3A_2474, %get3A_2475] {strides = array<i32>} : memref<100x128xf32, #tpu.memory_space<vmem>>, vector<16xf32>,
        %add3A_2477 = arith.addf %scan3A_2417, %get3A_2476 : vector<16xf32>
        %add3A_2478 = arith.constant 50 : i32
        %add3A_2479 = arith.addi %add3A_2478, %scan3A_2405 : i32
        %get3A_2480 = arith.index_cast %add3A_2479 : i32 to index
        %get3A_2481 = arith.constant 64 : index
        %get3A_2482 = tpu.vector_load %arg12[%get3A_2480, %get3A_2481] {strides = array<i32>} : memref<100x128xf32, #tpu.memory_space<vmem>>, vector<16xf32>,
        %add3A_2483 = arith.addf %scan3A_2418, %get3A_2482 : vector<16xf32>
        %add3A_2484 = arith.constant 50 : i32
        %add3A_2485 = arith.addi %add3A_2484, %scan3A_2405 : i32
        %get3A_2486 = arith.index_cast %add3A_2485 : i32 to index
        %get3A_2487 = arith.constant 80 : index
        %get3A_2488 = tpu.vector_load %arg12[%get3A_2486, %get3A_2487] {strides = array<i32>} : memref<100x128xf32, #tpu.memory_space<vmem>>, vector<16xf32>,
        %add3A_2489 = arith.addf %scan3A_2419, %get3A_2488 : vector<16xf32>
        %add3A_2490 = arith.constant 50 : i32
        %add3A_2491 = arith.addi %add3A_2490, %scan3A_2405 : i32
        %get3A_2492 = arith.index_cast %add3A_2491 : i32 to index
        %get3A_2493 = arith.constant 96 : index
        %get3A_2494 = tpu.vector_load %arg12[%get3A_2492, %get3A_2493] {strides = array<i32>} : memref<100x128xf32, #tpu.memory_space<vmem>>, vector<16xf32>,
        %add3A_2495 = arith.addf %scan3A_2420, %get3A_2494 : vector<16xf32>
        %add3A_2496 = arith.constant 50 : i32
        %add3A_2497 = arith.addi %add3A_2496, %scan3A_2405 : i32
        %get3A_2498 = arith.index_cast %add3A_2497 : i32 to index
        %get3A_2499 = arith.constant 112 : index
        %get3A_2500 = tpu.vector_load %arg12[%get3A_2498, %get3A_2499] {strides = array<i32>} : memref<100x128xf32, #tpu.memory_space<vmem>>, vector<16xf32>,
        %add3A_2501 = arith.addf %scan3A_2421, %get3A_2500 : vector<16xf32>
        %scan3A_2502 = arith.constant 1 : i32
        %scan3A_2503 = arith.addi %scan3A_2405, %scan3A_2502 : i32
        %get3A_2504 = arith.index_cast %scan3A_2503 : i32 to index
        %get3A_2505 = arith.constant 0 : index
        %get3A_2506 = tpu.vector_load %arg12[%get3A_2504, %get3A_2505] {strides = array<i32>} : memref<100x128xf32, #tpu.memory_space<vmem>>, vector<16xf32>,
        %add3A_2507 = arith.addf %add3A_2425, %get3A_2506 : vector<16xf32>
        %get3A_2508 = arith.index_cast %scan3A_2503 : i32 to index
        %get3A_2509 = arith.constant 16 : index
        %get3A_2510 = tpu.vector_load %arg12[%get3A_2508, %get3A_2509] {strides = array<i32>} : memref<100x128xf32, #tpu.memory_space<vmem>>, vector<16xf32>,
        %add3A_2511 = arith.addf %add3A_2429, %get3A_2510 : vector<16xf32>
        %get3A_2512 = arith.index_cast %scan3A_2503 : i32 to index
        %get3A_2513 = arith.constant 32 : index
        %get3A_2514 = tpu.vector_load %arg12[%get3A_2512, %get3A_2513] {strides = array<i32>} : memref<100x128xf32, #tpu.memory_space<vmem>>, vector<16xf32>,
        %add3A_2515 = arith.addf %add3A_2433, %get3A_2514 : vector<16xf32>
        %get3A_2516 = arith.index_cast %scan3A_2503 : i32 to index
        %get3A_2517 = arith.constant 48 : index
        %get3A_2518 = tpu.vector_load %arg12[%get3A_2516, %get3A_2517] {strides = array<i32>} : memref<100x128xf32, #tpu.memory_space<vmem>>, vector<16xf32>,
        %add3A_2519 = arith.addf %add3A_2437, %get3A_2518 : vector<16xf32>
        %get3A_2520 = arith.index_cast %scan3A_2503 : i32 to index
        %get3A_2521 = arith.constant 64 : index
        %get3A_2522 = tpu.vector_load %arg12[%get3A_2520, %get3A_2521] {strides = array<i32>} : memref<100x128xf32, #tpu.memory_space<vmem>>, vector<16xf32>,
        %add3A_2523 = arith.addf %add3A_2441, %get3A_2522 : vector<16xf32>
        %get3A_2524 = arith.index_cast %scan3A_2503 : i32 to index
        %get3A_2525 = arith.constant 80 : index
        %get3A_2526 = tpu.vector_load %arg12[%get3A_2524, %get3A_2525] {strides = array<i32>} : memref<100x128xf32, #tpu.memory_space<vmem>>, vector<16xf32>,
        %add3A_2527 = arith.addf %add3A_2445, %get3A_2526 : vector<16xf32>
        %get3A_2528 = arith.index_cast %scan3A_2503 : i32 to index
        %get3A_2529 = arith.constant 96 : index
        %get3A_2530 = tpu.vector_load %arg12[%get3A_2528, %get3A_2529] {strides = array<i32>} : memref<100x128xf32, #tpu.memory_space<vmem>>, vector<16xf32>,
        %add3A_2531 = arith.addf %add3A_2449, %get3A_2530 : vector<16xf32>
        %get3A_2532 = arith.index_cast %scan3A_2503 : i32 to index
        %get3A_2533 = arith.constant 112 : index
        %get3A_2534 = tpu.vector_load %arg12[%get3A_2532, %get3A_2533] {strides = array<i32>} : memref<100x128xf32, #tpu.memory_space<vmem>>, vector<16xf32>,
        %add3A_2535 = arith.addf %add3A_2453, %get3A_2534 : vector<16xf32>
        %add3A_2536 = arith.constant 50 : i32
        %add3A_2537 = arith.addi %add3A_2536, %scan3A_2503 : i32
        %get3A_2538 = arith.index_cast %add3A_2537 : i32 to index
        %get3A_2539 = arith.constant 0 : index
        %get3A_2540 = tpu.vector_load %arg12[%get3A_2538, %get3A_2539] {strides = array<i32>} : memref<100x128xf32, #tpu.memory_space<vmem>>, vector<16xf32>,
        %add3A_2541 = arith.addf %add3A_2459, %get3A_2540 : vector<16xf32>
        %add3A_2542 = arith.constant 50 : i32
        %add3A_2543 = arith.addi %add3A_2542, %scan3A_2503 : i32
        %get3A_2544 = arith.index_cast %add3A_2543 : i32 to index
        %get3A_2545 = arith.constant 16 : index
        %get3A_2546 = tpu.vector_load %arg12[%get3A_2544, %get3A_2545] {strides = array<i32>} : memref<100x128xf32, #tpu.memory_space<vmem>>, vector<16xf32>,
        %add3A_2547 = arith.addf %add3A_2465, %get3A_2546 : vector<16xf32>
        %add3A_2548 = arith.constant 50 : i32
        %add3A_2549 = arith.addi %add3A_2548, %scan3A_2503 : i32
        %get3A_2550 = arith.index_cast %add3A_2549 : i32 to index
        %get3A_2551 = arith.constant 32 : index
        %get3A_2552 = tpu.vector_load %arg12[%get3A_2550, %get3A_2551] {strides = array<i32>} : memref<100x128xf32, #tpu.memory_space<vmem>>, vector<16xf32>,
        %add3A_2553 = arith.addf %add3A_2471, %get3A_2552 : vector<16xf32>
        %add3A_2554 = arith.constant 50 : i32
        %add3A_2555 = arith.addi %add3A_2554, %scan3A_2503 : i32
        %get3A_2556 = arith.index_cast %add3A_2555 : i32 to index
        %get3A_2557 = arith.constant 48 : index
        %get3A_2558 = tpu.vector_load %arg12[%get3A_2556, %get3A_2557] {strides = array<i32>} : memref<100x128xf32, #tpu.memory_space<vmem>>, vector<16xf32>,
        %add3A_2559 = arith.addf %add3A_2477, %get3A_2558 : vector<16xf32>
        %add3A_2560 = arith.constant 50 : i32
        %add3A_2561 = arith.addi %add3A_2560, %scan3A_2503 : i32
        %get3A_2562 = arith.index_cast %add3A_2561 : i32 to index
        %get3A_2563 = arith.constant 64 : index
        %get3A_2564 = tpu.vector_load %arg12[%get3A_2562, %get3A_2563] {strides = array<i32>} : memref<100x128xf32, #tpu.memory_space<vmem>>, vector<16xf32>,
        %add3A_2565 = arith.addf %add3A_2483, %get3A_2564 : vector<16xf32>
        %add3A_2566 = arith.constant 50 : i32
        %add3A_2567 = arith.addi %add3A_2566, %scan3A_2503 : i32
        %get3A_2568 = arith.index_cast %add3A_2567 : i32 to index
        %get3A_2569 = arith.constant 80 : index
        %get3A_2570 = tpu.vector_load %arg12[%get3A_2568, %get3A_2569] {strides = array<i32>} : memref<100x128xf32, #tpu.memory_space<vmem>>, vector<16xf32>,
        %add3A_2571 = arith.addf %add3A_2489, %get3A_2570 : vector<16xf32>
        %add3A_2572 = arith.constant 50 : i32
        %add3A_2573 = arith.addi %add3A_2572, %scan3A_2503 : i32
        %get3A_2574 = arith.index_cast %add3A_2573 : i32 to index
        %get3A_2575 = arith.constant 96 : index
        %get3A_2576 = tpu.vector_load %arg12[%get3A_2574, %get3A_2575] {strides = array<i32>} : memref<100x128xf32, #tpu.memory_space<vmem>>, vector<16xf32>,
        %add3A_2577 = arith.addf %add3A_2495, %get3A_2576 : vector<16xf32>
        %add3A_2578 = arith.constant 50 : i32
        %add3A_2579 = arith.addi %add3A_2578, %scan3A_2503 : i32
        %get3A_2580 = arith.index_cast %add3A_2579 : i32 to index
        %get3A_2581 = arith.constant 112 : index
        %get3A_2582 = tpu.vector_load %arg12[%get3A_2580, %get3A_2581] {strides = array<i32>} : memref<100x128xf32, #tpu.memory_space<vmem>>, vector<16xf32>,
        %add3A_2583 = arith.addf %add3A_2501, %get3A_2582 : vector<16xf32>
        scf.yield %add3A_2507, %add3A_2511, %add3A_2515, %add3A_2519, %add3A_2523, %add3A_2527, %add3A_2531, %add3A_2535, %add3A_2541, %add3A_2547, %add3A_2553, %add3A_2559, %add3A_2565, %add3A_2571, %add3A_2577, %add3A_2583 : vector<16xf32>, vector<16xf32>, vector<16xf32>, vector<16xf32>, vector<16xf32>, vector<16xf32>, vector<16xf32>, vector<16xf32>, vector<16xf32>, vector<16xf32>, vector<16xf32>, vector<16xf32>, vector<16xf32>, vector<16xf32>, vector<16xf32>, vector<16xf32>
      }
      %scan3A_2035 = arith.constant 48 : i32
      %scan3A_2036 = arith.addi %scan3A_2030, %scan3A_2035 : i32
      %get3A_2037 = arith.index_cast %scan3A_2036 : i32 to index
      %get3A_2038 = arith.constant 0 : index
      %get3A_2039 = tpu.vector_load %arg12[%get3A_2037, %get3A_2038] {strides = array<i32>} : memref<100x128xf32, #tpu.memory_space<vmem>>, vector<16xf32>,
      %add3A_2040 = arith.addf %scan3A_2034#0, %get3A_2039 : vector<16xf32>
      %get3A_2041 = arith.index_cast %scan3A_2036 : i32 to index
      %get3A_2042 = arith.constant 16 : index
      %get3A_2043 = tpu.vector_load %arg12[%get3A_2041, %get3A_2042] {strides = array<i32>} : memref<100x128xf32, #tpu.memory_space<vmem>>, vector<16xf32>,
      %add3A_2044 = arith.addf %scan3A_2034#1, %get3A_2043 : vector<16xf32>
      %get3A_2045 = arith.index_cast %scan3A_2036 : i32 to index
      %get3A_2046 = arith.constant 32 : index
      %get3A_2047 = tpu.vector_load %arg12[%get3A_2045, %get3A_2046] {strides = array<i32>} : memref<100x128xf32, #tpu.memory_space<vmem>>, vector<16xf32>,
      %add3A_2048 = arith.addf %scan3A_2034#2, %get3A_2047 : vector<16xf32>
      %get3A_2049 = arith.index_cast %scan3A_2036 : i32 to index
      %get3A_2050 = arith.constant 48 : index
      %get3A_2051 = tpu.vector_load %arg12[%get3A_2049, %get3A_2050] {strides = array<i32>} : memref<100x128xf32, #tpu.memory_space<vmem>>, vector<16xf32>,
      %add3A_2052 = arith.addf %scan3A_2034#3, %get3A_2051 : vector<16xf32>
      %get3A_2053 = arith.index_cast %scan3A_2036 : i32 to index
      %get3A_2054 = arith.constant 64 : index
      %get3A_2055 = tpu.vector_load %arg12[%get3A_2053, %get3A_2054] {strides = array<i32>} : memref<100x128xf32, #tpu.memory_space<vmem>>, vector<16xf32>,
      %add3A_2056 = arith.addf %scan3A_2034#4, %get3A_2055 : vector<16xf32>
      %get3A_2057 = arith.index_cast %scan3A_2036 : i32 to index
      %get3A_2058 = arith.constant 80 : index
      %get3A_2059 = tpu.vector_load %arg12[%get3A_2057, %get3A_2058] {strides = array<i32>} : memref<100x128xf32, #tpu.memory_space<vmem>>, vector<16xf32>,
      %add3A_2060 = arith.addf %scan3A_2034#5, %get3A_2059 : vector<16xf32>
      %get3A_2061 = arith.index_cast %scan3A_2036 : i32 to index
      %get3A_2062 = arith.constant 96 : index
      %get3A_2063 = tpu.vector_load %arg12[%get3A_2061, %get3A_2062] {strides = array<i32>} : memref<100x128xf32, #tpu.memory_space<vmem>>, vector<16xf32>,
      %add3A_2064 = arith.addf %scan3A_2034#6, %get3A_2063 : vector<16xf32>
      %get3A_2065 = arith.index_cast %scan3A_2036 : i32 to index
      %get3A_2066 = arith.constant 112 : index
      %get3A_2067 = tpu.vector_load %arg12[%get3A_2065, %get3A_2066] {strides = array<i32>} : memref<100x128xf32, #tpu.memory_space<vmem>>, vector<16xf32>,
      %add3A_2068 = arith.addf %scan3A_2034#7, %get3A_2067 : vector<16xf32>
      %add3A_2069 = arith.constant 50 : i32
      %add3A_2070 = arith.addi %add3A_2069, %scan3A_2036 : i32
      %get3A_2071 = arith.index_cast %add3A_2070 : i32 to index
      %get3A_2072 = arith.constant 0 : index
      %get3A_2073 = tpu.vector_load %arg12[%get3A_2071, %get3A_2072] {strides = array<i32>} : memref<100x128xf32, #tpu.memory_space<vmem>>, vector<16xf32>,
      %add3A_2074 = arith.addf %scan3A_2034#8, %get3A_2073 : vector<16xf32>
      %add3A_2075 = arith.constant 50 : i32
      %add3A_2076 = arith.addi %add3A_2075, %scan3A_2036 : i32
      %get3A_2077 = arith.index_cast %add3A_2076 : i32 to index
      %get3A_2078 = arith.constant 16 : index
      %get3A_2079 = tpu.vector_load %arg12[%get3A_2077, %get3A_2078] {strides = array<i32>} : memref<100x128xf32, #tpu.memory_space<vmem>>, vector<16xf32>,
      %add3A_2080 = arith.addf %scan3A_2034#9, %get3A_2079 : vector<16xf32>
      %add3A_2081 = arith.constant 50 : i32
      %add3A_2082 = arith.addi %add3A_2081, %scan3A_2036 : i32
      %get3A_2083 = arith.index_cast %add3A_2082 : i32 to index
      %get3A_2084 = arith.constant 32 : index
      %get3A_2085 = tpu.vector_load %arg12[%get3A_2083, %get3A_2084] {strides = array<i32>} : memref<100x128xf32, #tpu.memory_space<vmem>>, vector<16xf32>,
      %add3A_2086 = arith.addf %scan3A_2034#10, %get3A_2085 : vector<16xf32>
      %add3A_2087 = arith.constant 50 : i32
      %add3A_2088 = arith.addi %add3A_2087, %scan3A_2036 : i32
      %get3A_2089 = arith.index_cast %add3A_2088 : i32 to index
      %get3A_2090 = arith.constant 48 : index
      %get3A_2091 = tpu.vector_load %arg12[%get3A_2089, %get3A_2090] {strides = array<i32>} : memref<100x128xf32, #tpu.memory_space<vmem>>, vector<16xf32>,
      %add3A_2092 = arith.addf %scan3A_2034#11, %get3A_2091 : vector<16xf32>
      %add3A_2093 = arith.constant 50 : i32
      %add3A_2094 = arith.addi %add3A_2093, %scan3A_2036 : i32
      %get3A_2095 = arith.index_cast %add3A_2094 : i32 to index
      %get3A_2096 = arith.constant 64 : index
      %get3A_2097 = tpu.vector_load %arg12[%get3A_2095, %get3A_2096] {strides = array<i32>} : memref<100x128xf32, #tpu.memory_space<vmem>>, vector<16xf32>,
      %add3A_2098 = arith.addf %scan3A_2034#12, %get3A_2097 : vector<16xf32>
      %add3A_2099 = arith.constant 50 : i32
      %add3A_2100 = arith.addi %add3A_2099, %scan3A_2036 : i32
      %get3A_2101 = arith.index_cast %add3A_2100 : i32 to index
      %get3A_2102 = arith.constant 80 : index
      %get3A_2103 = tpu.vector_load %arg12[%get3A_2101, %get3A_2102] {strides = array<i32>} : memref<100x128xf32, #tpu.memory_space<vmem>>, vector<16xf32>,
      %add3A_2104 = arith.addf %scan3A_2034#13, %get3A_2103 : vector<16xf32>
      %add3A_2105 = arith.constant 50 : i32
      %add3A_2106 = arith.addi %add3A_2105, %scan3A_2036 : i32
      %get3A_2107 = arith.index_cast %add3A_2106 : i32 to index
      %get3A_2108 = arith.constant 96 : index
      %get3A_2109 = tpu.vector_load %arg12[%get3A_2107, %get3A_2108] {strides = array<i32>} : memref<100x128xf32, #tpu.memory_space<vmem>>, vector<16xf32>,
      %add3A_2110 = arith.addf %scan3A_2034#14, %get3A_2109 : vector<16xf32>
      %add3A_2111 = arith.constant 50 : i32
      %add3A_2112 = arith.addi %add3A_2111, %scan3A_2036 : i32
      %get3A_2113 = arith.index_cast %add3A_2112 : i32 to index
      %get3A_2114 = arith.constant 112 : index
      %get3A_2115 = tpu.vector_load %arg12[%get3A_2113, %get3A_2114] {strides = array<i32>} : memref<100x128xf32, #tpu.memory_space<vmem>>, vector<16xf32>,
      %add3A_2116 = arith.addf %scan3A_2034#15, %get3A_2115 : vector<16xf32>
      %scan3A_2117 = arith.constant 49 : i32
      %mul3A_2118 = arith.mulf %add3A_2040, %add3A_2074 : vector<16xf32>
      %mul3A_2119 = arith.mulf %add3A_2040, %add3A_2040 : vector<16xf32>
      %mul3A_2120 = arith.mulf %add3A_2074, %add3A_2074 : vector<16xf32>
      %mul3A_2121 = arith.mulf %add3A_2044, %add3A_2080 : vector<16xf32>
      %add3A_2122 = arith.addf %mul3A_2118, %mul3A_2121 : vector<16xf32>
      %mul3A_2123 = arith.mulf %add3A_2044, %add3A_2044 : vector<16xf32>
      %add3A_2124 = arith.addf %mul3A_2119, %mul3A_2123 : vector<16xf32>
      %mul3A_2125 = arith.mulf %add3A_2080, %add3A_2080 : vector<16xf32>
      %add3A_2126 = arith.addf %mul3A_2120, %mul3A_2125 : vector<16xf32>
      %mul3A_2127 = arith.mulf %add3A_2048, %add3A_2086 : vector<16xf32>
      %add3A_2128 = arith.addf %add3A_2122, %mul3A_2127 : vector<16xf32>
      %mul3A_2129 = arith.mulf %add3A_2048, %add3A_2048 : vector<16xf32>
      %add3A_2130 = arith.addf %add3A_2124, %mul3A_2129 : vector<16xf32>
      %mul3A_2131 = arith.mulf %add3A_2086, %add3A_2086 : vector<16xf32>
      %add3A_2132 = arith.addf %add3A_2126, %mul3A_2131 : vector<16xf32>
      %mul3A_2133 = arith.mulf %add3A_2052, %add3A_2092 : vector<16xf32>
      %add3A_2134 = arith.addf %add3A_2128, %mul3A_2133 : vector<16xf32>
      %mul3A_2135 = arith.mulf %add3A_2052, %add3A_2052 : vector<16xf32>
      %add3A_2136 = arith.addf %add3A_2130, %mul3A_2135 : vector<16xf32>
      %mul3A_2137 = arith.mulf %add3A_2092, %add3A_2092 : vector<16xf32>
      %add3A_2138 = arith.addf %add3A_2132, %mul3A_2137 : vector<16xf32>
      %mul3A_2139 = arith.mulf %add3A_2056, %add3A_2098 : vector<16xf32>
      %add3A_2140 = arith.addf %add3A_2134, %mul3A_2139 : vector<16xf32>
      %mul3A_2141 = arith.mulf %add3A_2056, %add3A_2056 : vector<16xf32>
      %add3A_2142 = arith.addf %add3A_2136, %mul3A_2141 : vector<16xf32>
      %mul3A_2143 = arith.mulf %add3A_2098, %add3A_2098 : vector<16xf32>
      %add3A_2144 = arith.addf %add3A_2138, %mul3A_2143 : vector<16xf32>
      %mul3A_2145 = arith.mulf %add3A_2060, %add3A_2104 : vector<16xf32>
      %add3A_2146 = arith.addf %add3A_2140, %mul3A_2145 : vector<16xf32>
      %mul3A_2147 = arith.mulf %add3A_2060, %add3A_2060 : vector<16xf32>
      %add3A_2148 = arith.addf %add3A_2142, %mul3A_2147 : vector<16xf32>
      %mul3A_2149 = arith.mulf %add3A_2104, %add3A_2104 : vector<16xf32>
      %add3A_2150 = arith.addf %add3A_2144, %mul3A_2149 : vector<16xf32>
      %mul3A_2151 = arith.mulf %add3A_2064, %add3A_2110 : vector<16xf32>
      %add3A_2152 = arith.addf %add3A_2146, %mul3A_2151 : vector<16xf32>
      %mul3A_2153 = arith.mulf %add3A_2064, %add3A_2064 : vector<16xf32>
      %add3A_2154 = arith.addf %add3A_2148, %mul3A_2153 : vector<16xf32>
      %mul3A_2155 = arith.mulf %add3A_2110, %add3A_2110 : vector<16xf32>
      %add3A_2156 = arith.addf %add3A_2150, %mul3A_2155 : vector<16xf32>
      %mul3A_2157 = arith.mulf %add3A_2068, %add3A_2116 : vector<16xf32>
      %add3A_2158 = arith.addf %add3A_2152, %mul3A_2157 : vector<16xf32>
      %mul3A_2159 = arith.mulf %add3A_2068, %add3A_2068 : vector<16xf32>
      %add3A_2160 = arith.addf %add3A_2154, %mul3A_2159 : vector<16xf32>
      %mul3A_2161 = arith.mulf %add3A_2116, %add3A_2116 : vector<16xf32>
      %add3A_2162 = arith.addf %add3A_2156, %mul3A_2161 : vector<16xf32>
      %iota3A_2163 = tpu.iota {dimensions = array<i32: 0>} : vector<16xi32>
      %eq3A_2164 = arith.constant 15 : i32
      %eq3A_2165 = vector.broadcast %eq3A_2164 : i32 to vector<16xi32>
      %eq3A_2166 = arith.cmpi eq, %iota3A_2163, %eq3A_2165 : vector<16xi32>
      %broadcast_in_dim3A_2167 = vector.broadcast %add3A_1950 : i32 to vector<16xi32>
      %cumsum3A_2168 = arith.constant true
      %cumsum3A_2169 = vector.broadcast %cumsum3A_2168 : i1 to vector<16xi1>
      %cumsum3A_2170 = tpu.scan <sum>, %add3A_2158 masked %cumsum3A_2169 : vector<16xf32>, vector<16xi1> -> vector<16xf32>
      tpu.vector_store_idx %arg14[%broadcast_in_dim3A_2167], %cumsum3A_2170 masked %eq3A_2166 : memref<128xf32, #tpu.memory_space<vmem>>[vector<16xi32>], vector<16xf32>, vector<16xi1>
      %cumsum3A_2171 = arith.constant true
      %cumsum3A_2172 = vector.broadcast %cumsum3A_2171 : i1 to vector<16xi1>
      %cumsum3A_2173 = tpu.scan <sum>, %add3A_2160 masked %cumsum3A_2172 : vector<16xf32>, vector<16xi1> -> vector<16xf32>
      tpu.vector_store_idx %arg15[%broadcast_in_dim3A_2167], %cumsum3A_2173 masked %eq3A_2166 : memref<128xf32, #tpu.memory_space<vmem>>[vector<16xi32>], vector<16xf32>, vector<16xi1>
      %cumsum3A_2174 = arith.constant true
      %cumsum3A_2175 = vector.broadcast %cumsum3A_2174 : i1 to vector<16xi1>
      %cumsum3A_2176 = tpu.scan <sum>, %add3A_2162 masked %cumsum3A_2175 : vector<16xf32>, vector<16xi1> -> vector<16xf32>
      tpu.vector_store_idx %arg16[%broadcast_in_dim3A_2167], %cumsum3A_2176 masked %eq3A_2166 : memref<128xf32, #tpu.memory_space<vmem>>[vector<16xi32>], vector<16xf32>, vector<16xi1>
      %add3A_2177 = arith.constant 5 : i32
      %add3A_2178 = arith.addi %mul3A_1039, %add3A_2177 : i32
      %dma_wait3A_2179 = arith.constant 0 : i32
      %dma_wait3A_2180 = tpu.memref_slice %arg7[%add3A_2178, %dma_wait3A_2179] : memref<128x100xi32, #tpu.memory_space<vmem>> -> memref<1x100xi32, #tpu.memory_space<vmem>>
      %dma_wait3A_2181 = tpu.memref_squeeze %dma_wait3A_2180 : memref<1x100xi32, #tpu.memory_space<vmem>> -> memref<100xi32, #tpu.memory_space<vmem>>
      %dma_wait3A_2182 = arith.constant 0 : i32
      %dma_wait3A_2183 = arith.constant 0 : i32
      %dma_wait3A_2184 = tpu.memref_slice %arg3[%dma_wait3A_2182, %dma_wait3A_2183] : memref<100000x128xf32, #tpu.memory_space<hbm>> -> memref<100000x128xf32, #tpu.memory_space<hbm>>
      tpu.wait_indirect_dma semaphore(%arg25 : memref<!tpu.dma_semaphore, #tpu.memory_space<semaphore_mem>>) src(%dma_wait3A_2184 : memref<100000x128xf32, #tpu.memory_space<hbm>>) dst(%arg13 : memref<100x128xf32, #tpu.memory_space<vmem>>)
      %add3A_2185 = arith.constant 6 : i32
      %add3A_2186 = arith.addi %add3A_2178, %add3A_2185 : i32
      %sub3A_2187 = arith.constant 1 : i32
      %sub3A_2188 = arith.subi %add3A_2186, %sub3A_2187 : i32
      %lt3A_2189 = arith.constant 128 : i32
      %lt3A_2190 = arith.cmpi slt, %sub3A_2188, %lt3A_2189 : i32
      %convert_element_type3A_2191 = arith.extui %lt3A_2190 : i1 to i32
      %cond3A_2192 = arith.constant 0 : i32
      %cond3A_2193 = arith.cmpi ne, %convert_element_type3A_2191, %cond3A_2192 : i32
      scf.if %cond3A_2193 {
        %add3A_2405 = arith.constant 6 : i32
        %add3A_2406 = arith.addi %add3A_2178, %add3A_2405 : i32
        %sub3A_2407 = arith.constant 1 : i32
        %sub3A_2408 = arith.subi %add3A_2406, %sub3A_2407 : i32
        %dma_start3A_2409 = arith.constant 0 : i32
        %dma_start3A_2410 = tpu.memref_slice %arg7[%sub3A_2408, %dma_start3A_2409] : memref<128x100xi32, #tpu.memory_space<vmem>> -> memref<1x100xi32, #tpu.memory_space<vmem>>
        %dma_start3A_2411 = tpu.memref_squeeze %dma_start3A_2410 : memref<1x100xi32, #tpu.memory_space<vmem>> -> memref<100xi32, #tpu.memory_space<vmem>>
        %dma_start3A_2412 = arith.constant 0 : i32
        %dma_start3A_2413 = arith.constant 0 : i32
        %dma_start3A_2414 = tpu.memref_slice %arg3[%dma_start3A_2412, %dma_start3A_2413] : memref<100000x128xf32, #tpu.memory_space<hbm>> -> memref<100000x128xf32, #tpu.memory_space<hbm>>
        tpu.enqueue_indirect_dma source(%dma_start3A_2414 : memref<100000x128xf32, #tpu.memory_space<hbm>>) target(%arg12 : memref<100x128xf32, #tpu.memory_space<vmem>>) offsets(%dma_start3A_2411 : memref<100xi32, #tpu.memory_space<vmem>>) semaphore(%arg24 : memref<!tpu.dma_semaphore, #tpu.memory_space<semaphore_mem>>)
      } else {
      }
      %get3A_2194 = arith.constant 0 : i32
      %get3A_2195 = arith.index_cast %get3A_2194 : i32 to index
      %get3A_2196 = arith.constant 0 : index
      %get3A_2197 = tpu.vector_load %arg13[%get3A_2195, %get3A_2196] {strides = array<i32>} : memref<100x128xf32, #tpu.memory_space<vmem>>, vector<16xf32>,
      %get3A_2198 = arith.constant 0 : i32
      %get3A_2199 = arith.index_cast %get3A_2198 : i32 to index
      %get3A_2200 = arith.constant 16 : index
      %get3A_2201 = tpu.vector_load %arg13[%get3A_2199, %get3A_2200] {strides = array<i32>} : memref<100x128xf32, #tpu.memory_space<vmem>>, vector<16xf32>,
      %get3A_2202 = arith.constant 0 : i32
      %get3A_2203 = arith.index_cast %get3A_2202 : i32 to index
      %get3A_2204 = arith.constant 32 : index
      %get3A_2205 = tpu.vector_load %arg13[%get3A_2203, %get3A_2204] {strides = array<i32>} : memref<100x128xf32, #tpu.memory_space<vmem>>, vector<16xf32>,
      %get3A_2206 = arith.constant 0 : i32
      %get3A_2207 = arith.index_cast %get3A_2206 : i32 to index
      %get3A_2208 = arith.constant 48 : index
      %get3A_2209 = tpu.vector_load %arg13[%get3A_2207, %get3A_2208] {strides = array<i32>} : memref<100x128xf32, #tpu.memory_space<vmem>>, vector<16xf32>,
      %get3A_2210 = arith.constant 0 : i32
      %get3A_2211 = arith.index_cast %get3A_2210 : i32 to index
      %get3A_2212 = arith.constant 64 : index
      %get3A_2213 = tpu.vector_load %arg13[%get3A_2211, %get3A_2212] {strides = array<i32>} : memref<100x128xf32, #tpu.memory_space<vmem>>, vector<16xf32>,
      %get3A_2214 = arith.constant 0 : i32
      %get3A_2215 = arith.index_cast %get3A_2214 : i32 to index
      %get3A_2216 = arith.constant 80 : index
      %get3A_2217 = tpu.vector_load %arg13[%get3A_2215, %get3A_2216] {strides = array<i32>} : memref<100x128xf32, #tpu.memory_space<vmem>>, vector<16xf32>,
      %get3A_2218 = arith.constant 0 : i32
      %get3A_2219 = arith.index_cast %get3A_2218 : i32 to index
      %get3A_2220 = arith.constant 96 : index
      %get3A_2221 = tpu.vector_load %arg13[%get3A_2219, %get3A_2220] {strides = array<i32>} : memref<100x128xf32, #tpu.memory_space<vmem>>, vector<16xf32>,
      %get3A_2222 = arith.constant 0 : i32
      %get3A_2223 = arith.index_cast %get3A_2222 : i32 to index
      %get3A_2224 = arith.constant 112 : index
      %get3A_2225 = tpu.vector_load %arg13[%get3A_2223, %get3A_2224] {strides = array<i32>} : memref<100x128xf32, #tpu.memory_space<vmem>>, vector<16xf32>,
      %get3A_2226 = arith.constant 50 : i32
      %get3A_2227 = arith.index_cast %get3A_2226 : i32 to index
      %get3A_2228 = arith.constant 0 : index
      %get3A_2229 = tpu.vector_load %arg13[%get3A_2227, %get3A_2228] {strides = array<i32>} : memref<100x128xf32, #tpu.memory_space<vmem>>, vector<16xf32>,
      %get3A_2230 = arith.constant 50 : i32
      %get3A_2231 = arith.index_cast %get3A_2230 : i32 to index
      %get3A_2232 = arith.constant 16 : index
      %get3A_2233 = tpu.vector_load %arg13[%get3A_2231, %get3A_2232] {strides = array<i32>} : memref<100x128xf32, #tpu.memory_space<vmem>>, vector<16xf32>,
      %get3A_2234 = arith.constant 50 : i32
      %get3A_2235 = arith.index_cast %get3A_2234 : i32 to index
      %get3A_2236 = arith.constant 32 : index
      %get3A_2237 = tpu.vector_load %arg13[%get3A_2235, %get3A_2236] {strides = array<i32>} : memref<100x128xf32, #tpu.memory_space<vmem>>, vector<16xf32>,
      %get3A_2238 = arith.constant 50 : i32
      %get3A_2239 = arith.index_cast %get3A_2238 : i32 to index
      %get3A_2240 = arith.constant 48 : index
      %get3A_2241 = tpu.vector_load %arg13[%get3A_2239, %get3A_2240] {strides = array<i32>} : memref<100x128xf32, #tpu.memory_space<vmem>>, vector<16xf32>,
      %get3A_2242 = arith.constant 50 : i32
      %get3A_2243 = arith.index_cast %get3A_2242 : i32 to index
      %get3A_2244 = arith.constant 64 : index
      %get3A_2245 = tpu.vector_load %arg13[%get3A_2243, %get3A_2244] {strides = array<i32>} : memref<100x128xf32, #tpu.memory_space<vmem>>, vector<16xf32>,
      %get3A_2246 = arith.constant 50 : i32
      %get3A_2247 = arith.index_cast %get3A_2246 : i32 to index
      %get3A_2248 = arith.constant 80 : index
      %get3A_2249 = tpu.vector_load %arg13[%get3A_2247, %get3A_2248] {strides = array<i32>} : memref<100x128xf32, #tpu.memory_space<vmem>>, vector<16xf32>,
      %get3A_2250 = arith.constant 50 : i32
      %get3A_2251 = arith.index_cast %get3A_2250 : i32 to index
      %get3A_2252 = arith.constant 96 : index
      %get3A_2253 = tpu.vector_load %arg13[%get3A_2251, %get3A_2252] {strides = array<i32>} : memref<100x128xf32, #tpu.memory_space<vmem>>, vector<16xf32>,
      %get3A_2254 = arith.constant 50 : i32
      %get3A_2255 = arith.index_cast %get3A_2254 : i32 to index
      %get3A_2256 = arith.constant 112 : index
      %get3A_2257 = tpu.vector_load %arg13[%get3A_2255, %get3A_2256] {strides = array<i32>} : memref<100x128xf32, #tpu.memory_space<vmem>>, vector<16xf32>,
      %scan3A_2258 = arith.constant 1 : i32
      %scan3A_2259 = arith.constant 48 : i32
      %scan3A_2260 = arith.addi %scan3A_2258, %scan3A_2259 : i32
      %scan3A_2261 = arith.constant 2 : i32
      %scan3A_2262:16 = scf.for %scan3A_2405 = %scan3A_2258 to %scan3A_2260 step %scan3A_2261 iter_args(%scan3A_2406 = %get3A_2197, %scan3A_2407 = %get3A_2201, %scan3A_2408 = %get3A_2205, %scan3A_2409 = %get3A_2209, %scan3A_2410 = %get3A_2213, %scan3A_2411 = %get3A_2217, %scan3A_2412 = %get3A_2221, %scan3A_2413 = %get3A_2225, %scan3A_2414 = %get3A_2229, %scan3A_2415 = %get3A_2233, %scan3A_2416 = %get3A_2237, %scan3A_2417 = %get3A_2241, %scan3A_2418 = %get3A_2245, %scan3A_2419 = %get3A_2249, %scan3A_2420 = %get3A_2253, %scan3A_2421 = %get3A_2257) -> (vector<16xf32>, vector<16xf32>, vector<16xf32>, vector<16xf32>, vector<16xf32>, vector<16xf32>, vector<16xf32>, vector<16xf32>, vector<16xf32>, vector<16xf32>, vector<16xf32>, vector<16xf32>, vector<16xf32>, vector<16xf32>, vector<16xf32>, vector<16xf32>)  : i32 {
        %get3A_2422 = arith.index_cast %scan3A_2405 : i32 to index
        %get3A_2423 = arith.constant 0 : index
        %get3A_2424 = tpu.vector_load %arg13[%get3A_2422, %get3A_2423] {strides = array<i32>} : memref<100x128xf32, #tpu.memory_space<vmem>>, vector<16xf32>,
        %add3A_2425 = arith.addf %scan3A_2406, %get3A_2424 : vector<16xf32>
        %get3A_2426 = arith.index_cast %scan3A_2405 : i32 to index
        %get3A_2427 = arith.constant 16 : index
        %get3A_2428 = tpu.vector_load %arg13[%get3A_2426, %get3A_2427] {strides = array<i32>} : memref<100x128xf32, #tpu.memory_space<vmem>>, vector<16xf32>,
        %add3A_2429 = arith.addf %scan3A_2407, %get3A_2428 : vector<16xf32>
        %get3A_2430 = arith.index_cast %scan3A_2405 : i32 to index
        %get3A_2431 = arith.constant 32 : index
        %get3A_2432 = tpu.vector_load %arg13[%get3A_2430, %get3A_2431] {strides = array<i32>} : memref<100x128xf32, #tpu.memory_space<vmem>>, vector<16xf32>,
        %add3A_2433 = arith.addf %scan3A_2408, %get3A_2432 : vector<16xf32>
        %get3A_2434 = arith.index_cast %scan3A_2405 : i32 to index
        %get3A_2435 = arith.constant 48 : index
        %get3A_2436 = tpu.vector_load %arg13[%get3A_2434, %get3A_2435] {strides = array<i32>} : memref<100x128xf32, #tpu.memory_space<vmem>>, vector<16xf32>,
        %add3A_2437 = arith.addf %scan3A_2409, %get3A_2436 : vector<16xf32>
        %get3A_2438 = arith.index_cast %scan3A_2405 : i32 to index
        %get3A_2439 = arith.constant 64 : index
        %get3A_2440 = tpu.vector_load %arg13[%get3A_2438, %get3A_2439] {strides = array<i32>} : memref<100x128xf32, #tpu.memory_space<vmem>>, vector<16xf32>,
        %add3A_2441 = arith.addf %scan3A_2410, %get3A_2440 : vector<16xf32>
        %get3A_2442 = arith.index_cast %scan3A_2405 : i32 to index
        %get3A_2443 = arith.constant 80 : index
        %get3A_2444 = tpu.vector_load %arg13[%get3A_2442, %get3A_2443] {strides = array<i32>} : memref<100x128xf32, #tpu.memory_space<vmem>>, vector<16xf32>,
        %add3A_2445 = arith.addf %scan3A_2411, %get3A_2444 : vector<16xf32>
        %get3A_2446 = arith.index_cast %scan3A_2405 : i32 to index
        %get3A_2447 = arith.constant 96 : index
        %get3A_2448 = tpu.vector_load %arg13[%get3A_2446, %get3A_2447] {strides = array<i32>} : memref<100x128xf32, #tpu.memory_space<vmem>>, vector<16xf32>,
        %add3A_2449 = arith.addf %scan3A_2412, %get3A_2448 : vector<16xf32>
        %get3A_2450 = arith.index_cast %scan3A_2405 : i32 to index
        %get3A_2451 = arith.constant 112 : index
        %get3A_2452 = tpu.vector_load %arg13[%get3A_2450, %get3A_2451] {strides = array<i32>} : memref<100x128xf32, #tpu.memory_space<vmem>>, vector<16xf32>,
        %add3A_2453 = arith.addf %scan3A_2413, %get3A_2452 : vector<16xf32>
        %add3A_2454 = arith.constant 50 : i32
        %add3A_2455 = arith.addi %add3A_2454, %scan3A_2405 : i32
        %get3A_2456 = arith.index_cast %add3A_2455 : i32 to index
        %get3A_2457 = arith.constant 0 : index
        %get3A_2458 = tpu.vector_load %arg13[%get3A_2456, %get3A_2457] {strides = array<i32>} : memref<100x128xf32, #tpu.memory_space<vmem>>, vector<16xf32>,
        %add3A_2459 = arith.addf %scan3A_2414, %get3A_2458 : vector<16xf32>
        %add3A_2460 = arith.constant 50 : i32
        %add3A_2461 = arith.addi %add3A_2460, %scan3A_2405 : i32
        %get3A_2462 = arith.index_cast %add3A_2461 : i32 to index
        %get3A_2463 = arith.constant 16 : index
        %get3A_2464 = tpu.vector_load %arg13[%get3A_2462, %get3A_2463] {strides = array<i32>} : memref<100x128xf32, #tpu.memory_space<vmem>>, vector<16xf32>,
        %add3A_2465 = arith.addf %scan3A_2415, %get3A_2464 : vector<16xf32>
        %add3A_2466 = arith.constant 50 : i32
        %add3A_2467 = arith.addi %add3A_2466, %scan3A_2405 : i32
        %get3A_2468 = arith.index_cast %add3A_2467 : i32 to index
        %get3A_2469 = arith.constant 32 : index
        %get3A_2470 = tpu.vector_load %arg13[%get3A_2468, %get3A_2469] {strides = array<i32>} : memref<100x128xf32, #tpu.memory_space<vmem>>, vector<16xf32>,
        %add3A_2471 = arith.addf %scan3A_2416, %get3A_2470 : vector<16xf32>
        %add3A_2472 = arith.constant 50 : i32
        %add3A_2473 = arith.addi %add3A_2472, %scan3A_2405 : i32
        %get3A_2474 = arith.index_cast %add3A_2473 : i32 to index
        %get3A_2475 = arith.constant 48 : index
        %get3A_2476 = tpu.vector_load %arg13[%get3A_2474, %get3A_2475] {strides = array<i32>} : memref<100x128xf32, #tpu.memory_space<vmem>>, vector<16xf32>,
        %add3A_2477 = arith.addf %scan3A_2417, %get3A_2476 : vector<16xf32>
        %add3A_2478 = arith.constant 50 : i32
        %add3A_2479 = arith.addi %add3A_2478, %scan3A_2405 : i32
        %get3A_2480 = arith.index_cast %add3A_2479 : i32 to index
        %get3A_2481 = arith.constant 64 : index
        %get3A_2482 = tpu.vector_load %arg13[%get3A_2480, %get3A_2481] {strides = array<i32>} : memref<100x128xf32, #tpu.memory_space<vmem>>, vector<16xf32>,
        %add3A_2483 = arith.addf %scan3A_2418, %get3A_2482 : vector<16xf32>
        %add3A_2484 = arith.constant 50 : i32
        %add3A_2485 = arith.addi %add3A_2484, %scan3A_2405 : i32
        %get3A_2486 = arith.index_cast %add3A_2485 : i32 to index
        %get3A_2487 = arith.constant 80 : index
        %get3A_2488 = tpu.vector_load %arg13[%get3A_2486, %get3A_2487] {strides = array<i32>} : memref<100x128xf32, #tpu.memory_space<vmem>>, vector<16xf32>,
        %add3A_2489 = arith.addf %scan3A_2419, %get3A_2488 : vector<16xf32>
        %add3A_2490 = arith.constant 50 : i32
        %add3A_2491 = arith.addi %add3A_2490, %scan3A_2405 : i32
        %get3A_2492 = arith.index_cast %add3A_2491 : i32 to index
        %get3A_2493 = arith.constant 96 : index
        %get3A_2494 = tpu.vector_load %arg13[%get3A_2492, %get3A_2493] {strides = array<i32>} : memref<100x128xf32, #tpu.memory_space<vmem>>, vector<16xf32>,
        %add3A_2495 = arith.addf %scan3A_2420, %get3A_2494 : vector<16xf32>
        %add3A_2496 = arith.constant 50 : i32
        %add3A_2497 = arith.addi %add3A_2496, %scan3A_2405 : i32
        %get3A_2498 = arith.index_cast %add3A_2497 : i32 to index
        %get3A_2499 = arith.constant 112 : index
        %get3A_2500 = tpu.vector_load %arg13[%get3A_2498, %get3A_2499] {strides = array<i32>} : memref<100x128xf32, #tpu.memory_space<vmem>>, vector<16xf32>,
        %add3A_2501 = arith.addf %scan3A_2421, %get3A_2500 : vector<16xf32>
        %scan3A_2502 = arith.constant 1 : i32
        %scan3A_2503 = arith.addi %scan3A_2405, %scan3A_2502 : i32
        %get3A_2504 = arith.index_cast %scan3A_2503 : i32 to index
        %get3A_2505 = arith.constant 0 : index
        %get3A_2506 = tpu.vector_load %arg13[%get3A_2504, %get3A_2505] {strides = array<i32>} : memref<100x128xf32, #tpu.memory_space<vmem>>, vector<16xf32>,
        %add3A_2507 = arith.addf %add3A_2425, %get3A_2506 : vector<16xf32>
        %get3A_2508 = arith.index_cast %scan3A_2503 : i32 to index
        %get3A_2509 = arith.constant 16 : index
        %get3A_2510 = tpu.vector_load %arg13[%get3A_2508, %get3A_2509] {strides = array<i32>} : memref<100x128xf32, #tpu.memory_space<vmem>>, vector<16xf32>,
        %add3A_2511 = arith.addf %add3A_2429, %get3A_2510 : vector<16xf32>
        %get3A_2512 = arith.index_cast %scan3A_2503 : i32 to index
        %get3A_2513 = arith.constant 32 : index
        %get3A_2514 = tpu.vector_load %arg13[%get3A_2512, %get3A_2513] {strides = array<i32>} : memref<100x128xf32, #tpu.memory_space<vmem>>, vector<16xf32>,
        %add3A_2515 = arith.addf %add3A_2433, %get3A_2514 : vector<16xf32>
        %get3A_2516 = arith.index_cast %scan3A_2503 : i32 to index
        %get3A_2517 = arith.constant 48 : index
        %get3A_2518 = tpu.vector_load %arg13[%get3A_2516, %get3A_2517] {strides = array<i32>} : memref<100x128xf32, #tpu.memory_space<vmem>>, vector<16xf32>,
        %add3A_2519 = arith.addf %add3A_2437, %get3A_2518 : vector<16xf32>
        %get3A_2520 = arith.index_cast %scan3A_2503 : i32 to index
        %get3A_2521 = arith.constant 64 : index
        %get3A_2522 = tpu.vector_load %arg13[%get3A_2520, %get3A_2521] {strides = array<i32>} : memref<100x128xf32, #tpu.memory_space<vmem>>, vector<16xf32>,
        %add3A_2523 = arith.addf %add3A_2441, %get3A_2522 : vector<16xf32>
        %get3A_2524 = arith.index_cast %scan3A_2503 : i32 to index
        %get3A_2525 = arith.constant 80 : index
        %get3A_2526 = tpu.vector_load %arg13[%get3A_2524, %get3A_2525] {strides = array<i32>} : memref<100x128xf32, #tpu.memory_space<vmem>>, vector<16xf32>,
        %add3A_2527 = arith.addf %add3A_2445, %get3A_2526 : vector<16xf32>
        %get3A_2528 = arith.index_cast %scan3A_2503 : i32 to index
        %get3A_2529 = arith.constant 96 : index
        %get3A_2530 = tpu.vector_load %arg13[%get3A_2528, %get3A_2529] {strides = array<i32>} : memref<100x128xf32, #tpu.memory_space<vmem>>, vector<16xf32>,
        %add3A_2531 = arith.addf %add3A_2449, %get3A_2530 : vector<16xf32>
        %get3A_2532 = arith.index_cast %scan3A_2503 : i32 to index
        %get3A_2533 = arith.constant 112 : index
        %get3A_2534 = tpu.vector_load %arg13[%get3A_2532, %get3A_2533] {strides = array<i32>} : memref<100x128xf32, #tpu.memory_space<vmem>>, vector<16xf32>,
        %add3A_2535 = arith.addf %add3A_2453, %get3A_2534 : vector<16xf32>
        %add3A_2536 = arith.constant 50 : i32
        %add3A_2537 = arith.addi %add3A_2536, %scan3A_2503 : i32
        %get3A_2538 = arith.index_cast %add3A_2537 : i32 to index
        %get3A_2539 = arith.constant 0 : index
        %get3A_2540 = tpu.vector_load %arg13[%get3A_2538, %get3A_2539] {strides = array<i32>} : memref<100x128xf32, #tpu.memory_space<vmem>>, vector<16xf32>,
        %add3A_2541 = arith.addf %add3A_2459, %get3A_2540 : vector<16xf32>
        %add3A_2542 = arith.constant 50 : i32
        %add3A_2543 = arith.addi %add3A_2542, %scan3A_2503 : i32
        %get3A_2544 = arith.index_cast %add3A_2543 : i32 to index
        %get3A_2545 = arith.constant 16 : index
        %get3A_2546 = tpu.vector_load %arg13[%get3A_2544, %get3A_2545] {strides = array<i32>} : memref<100x128xf32, #tpu.memory_space<vmem>>, vector<16xf32>,
        %add3A_2547 = arith.addf %add3A_2465, %get3A_2546 : vector<16xf32>
        %add3A_2548 = arith.constant 50 : i32
        %add3A_2549 = arith.addi %add3A_2548, %scan3A_2503 : i32
        %get3A_2550 = arith.index_cast %add3A_2549 : i32 to index
        %get3A_2551 = arith.constant 32 : index
        %get3A_2552 = tpu.vector_load %arg13[%get3A_2550, %get3A_2551] {strides = array<i32>} : memref<100x128xf32, #tpu.memory_space<vmem>>, vector<16xf32>,
        %add3A_2553 = arith.addf %add3A_2471, %get3A_2552 : vector<16xf32>
        %add3A_2554 = arith.constant 50 : i32
        %add3A_2555 = arith.addi %add3A_2554, %scan3A_2503 : i32
        %get3A_2556 = arith.index_cast %add3A_2555 : i32 to index
        %get3A_2557 = arith.constant 48 : index
        %get3A_2558 = tpu.vector_load %arg13[%get3A_2556, %get3A_2557] {strides = array<i32>} : memref<100x128xf32, #tpu.memory_space<vmem>>, vector<16xf32>,
        %add3A_2559 = arith.addf %add3A_2477, %get3A_2558 : vector<16xf32>
        %add3A_2560 = arith.constant 50 : i32
        %add3A_2561 = arith.addi %add3A_2560, %scan3A_2503 : i32
        %get3A_2562 = arith.index_cast %add3A_2561 : i32 to index
        %get3A_2563 = arith.constant 64 : index
        %get3A_2564 = tpu.vector_load %arg13[%get3A_2562, %get3A_2563] {strides = array<i32>} : memref<100x128xf32, #tpu.memory_space<vmem>>, vector<16xf32>,
        %add3A_2565 = arith.addf %add3A_2483, %get3A_2564 : vector<16xf32>
        %add3A_2566 = arith.constant 50 : i32
        %add3A_2567 = arith.addi %add3A_2566, %scan3A_2503 : i32
        %get3A_2568 = arith.index_cast %add3A_2567 : i32 to index
        %get3A_2569 = arith.constant 80 : index
        %get3A_2570 = tpu.vector_load %arg13[%get3A_2568, %get3A_2569] {strides = array<i32>} : memref<100x128xf32, #tpu.memory_space<vmem>>, vector<16xf32>,
        %add3A_2571 = arith.addf %add3A_2489, %get3A_2570 : vector<16xf32>
        %add3A_2572 = arith.constant 50 : i32
        %add3A_2573 = arith.addi %add3A_2572, %scan3A_2503 : i32
        %get3A_2574 = arith.index_cast %add3A_2573 : i32 to index
        %get3A_2575 = arith.constant 96 : index
        %get3A_2576 = tpu.vector_load %arg13[%get3A_2574, %get3A_2575] {strides = array<i32>} : memref<100x128xf32, #tpu.memory_space<vmem>>, vector<16xf32>,
        %add3A_2577 = arith.addf %add3A_2495, %get3A_2576 : vector<16xf32>
        %add3A_2578 = arith.constant 50 : i32
        %add3A_2579 = arith.addi %add3A_2578, %scan3A_2503 : i32
        %get3A_2580 = arith.index_cast %add3A_2579 : i32 to index
        %get3A_2581 = arith.constant 112 : index
        %get3A_2582 = tpu.vector_load %arg13[%get3A_2580, %get3A_2581] {strides = array<i32>} : memref<100x128xf32, #tpu.memory_space<vmem>>, vector<16xf32>,
        %add3A_2583 = arith.addf %add3A_2501, %get3A_2582 : vector<16xf32>
        scf.yield %add3A_2507, %add3A_2511, %add3A_2515, %add3A_2519, %add3A_2523, %add3A_2527, %add3A_2531, %add3A_2535, %add3A_2541, %add3A_2547, %add3A_2553, %add3A_2559, %add3A_2565, %add3A_2571, %add3A_2577, %add3A_2583 : vector<16xf32>, vector<16xf32>, vector<16xf32>, vector<16xf32>, vector<16xf32>, vector<16xf32>, vector<16xf32>, vector<16xf32>, vector<16xf32>, vector<16xf32>, vector<16xf32>, vector<16xf32>, vector<16xf32>, vector<16xf32>, vector<16xf32>, vector<16xf32>
      }
      %scan3A_2263 = arith.constant 48 : i32
      %scan3A_2264 = arith.addi %scan3A_2258, %scan3A_2263 : i32
      %get3A_2265 = arith.index_cast %scan3A_2264 : i32 to index
      %get3A_2266 = arith.constant 0 : index
      %get3A_2267 = tpu.vector_load %arg13[%get3A_2265, %get3A_2266] {strides = array<i32>} : memref<100x128xf32, #tpu.memory_space<vmem>>, vector<16xf32>,
      %add3A_2268 = arith.addf %scan3A_2262#0, %get3A_2267 : vector<16xf32>
      %get3A_2269 = arith.index_cast %scan3A_2264 : i32 to index
      %get3A_2270 = arith.constant 16 : index
      %get3A_2271 = tpu.vector_load %arg13[%get3A_2269, %get3A_2270] {strides = array<i32>} : memref<100x128xf32, #tpu.memory_space<vmem>>, vector<16xf32>,
      %add3A_2272 = arith.addf %scan3A_2262#1, %get3A_2271 : vector<16xf32>
      %get3A_2273 = arith.index_cast %scan3A_2264 : i32 to index
      %get3A_2274 = arith.constant 32 : index
      %get3A_2275 = tpu.vector_load %arg13[%get3A_2273, %get3A_2274] {strides = array<i32>} : memref<100x128xf32, #tpu.memory_space<vmem>>, vector<16xf32>,
      %add3A_2276 = arith.addf %scan3A_2262#2, %get3A_2275 : vector<16xf32>
      %get3A_2277 = arith.index_cast %scan3A_2264 : i32 to index
      %get3A_2278 = arith.constant 48 : index
      %get3A_2279 = tpu.vector_load %arg13[%get3A_2277, %get3A_2278] {strides = array<i32>} : memref<100x128xf32, #tpu.memory_space<vmem>>, vector<16xf32>,
      %add3A_2280 = arith.addf %scan3A_2262#3, %get3A_2279 : vector<16xf32>
      %get3A_2281 = arith.index_cast %scan3A_2264 : i32 to index
      %get3A_2282 = arith.constant 64 : index
      %get3A_2283 = tpu.vector_load %arg13[%get3A_2281, %get3A_2282] {strides = array<i32>} : memref<100x128xf32, #tpu.memory_space<vmem>>, vector<16xf32>,
      %add3A_2284 = arith.addf %scan3A_2262#4, %get3A_2283 : vector<16xf32>
      %get3A_2285 = arith.index_cast %scan3A_2264 : i32 to index
      %get3A_2286 = arith.constant 80 : index
      %get3A_2287 = tpu.vector_load %arg13[%get3A_2285, %get3A_2286] {strides = array<i32>} : memref<100x128xf32, #tpu.memory_space<vmem>>, vector<16xf32>,
      %add3A_2288 = arith.addf %scan3A_2262#5, %get3A_2287 : vector<16xf32>
      %get3A_2289 = arith.index_cast %scan3A_2264 : i32 to index
      %get3A_2290 = arith.constant 96 : index
      %get3A_2291 = tpu.vector_load %arg13[%get3A_2289, %get3A_2290] {strides = array<i32>} : memref<100x128xf32, #tpu.memory_space<vmem>>, vector<16xf32>,
      %add3A_2292 = arith.addf %scan3A_2262#6, %get3A_2291 : vector<16xf32>
      %get3A_2293 = arith.index_cast %scan3A_2264 : i32 to index
      %get3A_2294 = arith.constant 112 : index
      %get3A_2295 = tpu.vector_load %arg13[%get3A_2293, %get3A_2294] {strides = array<i32>} : memref<100x128xf32, #tpu.memory_space<vmem>>, vector<16xf32>,
      %add3A_2296 = arith.addf %scan3A_2262#7, %get3A_2295 : vector<16xf32>
      %add3A_2297 = arith.constant 50 : i32
      %add3A_2298 = arith.addi %add3A_2297, %scan3A_2264 : i32
      %get3A_2299 = arith.index_cast %add3A_2298 : i32 to index
      %get3A_2300 = arith.constant 0 : index
      %get3A_2301 = tpu.vector_load %arg13[%get3A_2299, %get3A_2300] {strides = array<i32>} : memref<100x128xf32, #tpu.memory_space<vmem>>, vector<16xf32>,
      %add3A_2302 = arith.addf %scan3A_2262#8, %get3A_2301 : vector<16xf32>
      %add3A_2303 = arith.constant 50 : i32
      %add3A_2304 = arith.addi %add3A_2303, %scan3A_2264 : i32
      %get3A_2305 = arith.index_cast %add3A_2304 : i32 to index
      %get3A_2306 = arith.constant 16 : index
      %get3A_2307 = tpu.vector_load %arg13[%get3A_2305, %get3A_2306] {strides = array<i32>} : memref<100x128xf32, #tpu.memory_space<vmem>>, vector<16xf32>,
      %add3A_2308 = arith.addf %scan3A_2262#9, %get3A_2307 : vector<16xf32>
      %add3A_2309 = arith.constant 50 : i32
      %add3A_2310 = arith.addi %add3A_2309, %scan3A_2264 : i32
      %get3A_2311 = arith.index_cast %add3A_2310 : i32 to index
      %get3A_2312 = arith.constant 32 : index
      %get3A_2313 = tpu.vector_load %arg13[%get3A_2311, %get3A_2312] {strides = array<i32>} : memref<100x128xf32, #tpu.memory_space<vmem>>, vector<16xf32>,
      %add3A_2314 = arith.addf %scan3A_2262#10, %get3A_2313 : vector<16xf32>
      %add3A_2315 = arith.constant 50 : i32
      %add3A_2316 = arith.addi %add3A_2315, %scan3A_2264 : i32
      %get3A_2317 = arith.index_cast %add3A_2316 : i32 to index
      %get3A_2318 = arith.constant 48 : index
      %get3A_2319 = tpu.vector_load %arg13[%get3A_2317, %get3A_2318] {strides = array<i32>} : memref<100x128xf32, #tpu.memory_space<vmem>>, vector<16xf32>,
      %add3A_2320 = arith.addf %scan3A_2262#11, %get3A_2319 : vector<16xf32>
      %add3A_2321 = arith.constant 50 : i32
      %add3A_2322 = arith.addi %add3A_2321, %scan3A_2264 : i32
      %get3A_2323 = arith.index_cast %add3A_2322 : i32 to index
      %get3A_2324 = arith.constant 64 : index
      %get3A_2325 = tpu.vector_load %arg13[%get3A_2323, %get3A_2324] {strides = array<i32>} : memref<100x128xf32, #tpu.memory_space<vmem>>, vector<16xf32>,
      %add3A_2326 = arith.addf %scan3A_2262#12, %get3A_2325 : vector<16xf32>
      %add3A_2327 = arith.constant 50 : i32
      %add3A_2328 = arith.addi %add3A_2327, %scan3A_2264 : i32
      %get3A_2329 = arith.index_cast %add3A_2328 : i32 to index
      %get3A_2330 = arith.constant 80 : index
      %get3A_2331 = tpu.vector_load %arg13[%get3A_2329, %get3A_2330] {strides = array<i32>} : memref<100x128xf32, #tpu.memory_space<vmem>>, vector<16xf32>,
      %add3A_2332 = arith.addf %scan3A_2262#13, %get3A_2331 : vector<16xf32>
      %add3A_2333 = arith.constant 50 : i32
      %add3A_2334 = arith.addi %add3A_2333, %scan3A_2264 : i32
      %get3A_2335 = arith.index_cast %add3A_2334 : i32 to index
      %get3A_2336 = arith.constant 96 : index
      %get3A_2337 = tpu.vector_load %arg13[%get3A_2335, %get3A_2336] {strides = array<i32>} : memref<100x128xf32, #tpu.memory_space<vmem>>, vector<16xf32>,
      %add3A_2338 = arith.addf %scan3A_2262#14, %get3A_2337 : vector<16xf32>
      %add3A_2339 = arith.constant 50 : i32
      %add3A_2340 = arith.addi %add3A_2339, %scan3A_2264 : i32
      %get3A_2341 = arith.index_cast %add3A_2340 : i32 to index
      %get3A_2342 = arith.constant 112 : index
      %get3A_2343 = tpu.vector_load %arg13[%get3A_2341, %get3A_2342] {strides = array<i32>} : memref<100x128xf32, #tpu.memory_space<vmem>>, vector<16xf32>,
      %add3A_2344 = arith.addf %scan3A_2262#15, %get3A_2343 : vector<16xf32>
      %scan3A_2345 = arith.constant 49 : i32
      %mul3A_2346 = arith.mulf %add3A_2268, %add3A_2302 : vector<16xf32>
      %mul3A_2347 = arith.mulf %add3A_2268, %add3A_2268 : vector<16xf32>
      %mul3A_2348 = arith.mulf %add3A_2302, %add3A_2302 : vector<16xf32>
      %mul3A_2349 = arith.mulf %add3A_2272, %add3A_2308 : vector<16xf32>
      %add3A_2350 = arith.addf %mul3A_2346, %mul3A_2349 : vector<16xf32>
      %mul3A_2351 = arith.mulf %add3A_2272, %add3A_2272 : vector<16xf32>
      %add3A_2352 = arith.addf %mul3A_2347, %mul3A_2351 : vector<16xf32>
      %mul3A_2353 = arith.mulf %add3A_2308, %add3A_2308 : vector<16xf32>
      %add3A_2354 = arith.addf %mul3A_2348, %mul3A_2353 : vector<16xf32>
      %mul3A_2355 = arith.mulf %add3A_2276, %add3A_2314 : vector<16xf32>
      %add3A_2356 = arith.addf %add3A_2350, %mul3A_2355 : vector<16xf32>
      %mul3A_2357 = arith.mulf %add3A_2276, %add3A_2276 : vector<16xf32>
      %add3A_2358 = arith.addf %add3A_2352, %mul3A_2357 : vector<16xf32>
      %mul3A_2359 = arith.mulf %add3A_2314, %add3A_2314 : vector<16xf32>
      %add3A_2360 = arith.addf %add3A_2354, %mul3A_2359 : vector<16xf32>
      %mul3A_2361 = arith.mulf %add3A_2280, %add3A_2320 : vector<16xf32>
      %add3A_2362 = arith.addf %add3A_2356, %mul3A_2361 : vector<16xf32>
      %mul3A_2363 = arith.mulf %add3A_2280, %add3A_2280 : vector<16xf32>
      %add3A_2364 = arith.addf %add3A_2358, %mul3A_2363 : vector<16xf32>
      %mul3A_2365 = arith.mulf %add3A_2320, %add3A_2320 : vector<16xf32>
      %add3A_2366 = arith.addf %add3A_2360, %mul3A_2365 : vector<16xf32>
      %mul3A_2367 = arith.mulf %add3A_2284, %add3A_2326 : vector<16xf32>
      %add3A_2368 = arith.addf %add3A_2362, %mul3A_2367 : vector<16xf32>
      %mul3A_2369 = arith.mulf %add3A_2284, %add3A_2284 : vector<16xf32>
      %add3A_2370 = arith.addf %add3A_2364, %mul3A_2369 : vector<16xf32>
      %mul3A_2371 = arith.mulf %add3A_2326, %add3A_2326 : vector<16xf32>
      %add3A_2372 = arith.addf %add3A_2366, %mul3A_2371 : vector<16xf32>
      %mul3A_2373 = arith.mulf %add3A_2288, %add3A_2332 : vector<16xf32>
      %add3A_2374 = arith.addf %add3A_2368, %mul3A_2373 : vector<16xf32>
      %mul3A_2375 = arith.mulf %add3A_2288, %add3A_2288 : vector<16xf32>
      %add3A_2376 = arith.addf %add3A_2370, %mul3A_2375 : vector<16xf32>
      %mul3A_2377 = arith.mulf %add3A_2332, %add3A_2332 : vector<16xf32>
      %add3A_2378 = arith.addf %add3A_2372, %mul3A_2377 : vector<16xf32>
      %mul3A_2379 = arith.mulf %add3A_2292, %add3A_2338 : vector<16xf32>
      %add3A_2380 = arith.addf %add3A_2374, %mul3A_2379 : vector<16xf32>
      %mul3A_2381 = arith.mulf %add3A_2292, %add3A_2292 : vector<16xf32>
      %add3A_2382 = arith.addf %add3A_2376, %mul3A_2381 : vector<16xf32>
      %mul3A_2383 = arith.mulf %add3A_2338, %add3A_2338 : vector<16xf32>
      %add3A_2384 = arith.addf %add3A_2378, %mul3A_2383 : vector<16xf32>
      %mul3A_2385 = arith.mulf %add3A_2296, %add3A_2344 : vector<16xf32>
      %add3A_2386 = arith.addf %add3A_2380, %mul3A_2385 : vector<16xf32>
      %mul3A_2387 = arith.mulf %add3A_2296, %add3A_2296 : vector<16xf32>
      %add3A_2388 = arith.addf %add3A_2382, %mul3A_2387 : vector<16xf32>
      %mul3A_2389 = arith.mulf %add3A_2344, %add3A_2344 : vector<16xf32>
      %add3A_2390 = arith.addf %add3A_2384, %mul3A_2389 : vector<16xf32>
      %iota3A_2391 = tpu.iota {dimensions = array<i32: 0>} : vector<16xi32>
      %eq3A_2392 = arith.constant 15 : i32
      %eq3A_2393 = vector.broadcast %eq3A_2392 : i32 to vector<16xi32>
      %eq3A_2394 = arith.cmpi eq, %iota3A_2391, %eq3A_2393 : vector<16xi32>
      %broadcast_in_dim3A_2395 = vector.broadcast %add3A_2178 : i32 to vector<16xi32>
      %cumsum3A_2396 = arith.constant true
      %cumsum3A_2397 = vector.broadcast %cumsum3A_2396 : i1 to vector<16xi1>
      %cumsum3A_2398 = tpu.scan <sum>, %add3A_2386 masked %cumsum3A_2397 : vector<16xf32>, vector<16xi1> -> vector<16xf32>
      tpu.vector_store_idx %arg14[%broadcast_in_dim3A_2395], %cumsum3A_2398 masked %eq3A_2394 : memref<128xf32, #tpu.memory_space<vmem>>[vector<16xi32>], vector<16xf32>, vector<16xi1>
      %cumsum3A_2399 = arith.constant true
      %cumsum3A_2400 = vector.broadcast %cumsum3A_2399 : i1 to vector<16xi1>
      %cumsum3A_2401 = tpu.scan <sum>, %add3A_2388 masked %cumsum3A_2400 : vector<16xf32>, vector<16xi1> -> vector<16xf32>
      tpu.vector_store_idx %arg15[%broadcast_in_dim3A_2395], %cumsum3A_2401 masked %eq3A_2394 : memref<128xf32, #tpu.memory_space<vmem>>[vector<16xi32>], vector<16xf32>, vector<16xi1>
      %cumsum3A_2402 = arith.constant true
      %cumsum3A_2403 = vector.broadcast %cumsum3A_2402 : i1 to vector<16xi1>
      %cumsum3A_2404 = tpu.scan <sum>, %add3A_2390 masked %cumsum3A_2403 : vector<16xf32>, vector<16xi1> -> vector<16xf32>
      tpu.vector_store_idx %arg16[%broadcast_in_dim3A_2395], %cumsum3A_2404 masked %eq3A_2394 : memref<128xf32, #tpu.memory_space<vmem>>[vector<16xi32>], vector<16xf32>, vector<16xi1>
    }
    %scan3A_41 = arith.constant 21 : i32
    %dma_wait3A = arith.constant 126 : i32
    %dma_wait3A_42 = arith.constant 0 : i32
    %dma_wait3A_43 = tpu.memref_slice %arg7[%dma_wait3A, %dma_wait3A_42] : memref<128x100xi32, #tpu.memory_space<vmem>> -> memref<1x100xi32, #tpu.memory_space<vmem>>
    %dma_wait3A_44 = tpu.memref_squeeze %dma_wait3A_43 : memref<1x100xi32, #tpu.memory_space<vmem>> -> memref<100xi32, #tpu.memory_space<vmem>>
    %dma_wait3A_45 = arith.constant 0 : i32
    %dma_wait3A_46 = arith.constant 0 : i32
    %dma_wait3A_47 = tpu.memref_slice %arg3[%dma_wait3A_45, %dma_wait3A_46] : memref<100000x128xf32, #tpu.memory_space<hbm>> -> memref<100000x128xf32, #tpu.memory_space<hbm>>
    tpu.wait_indirect_dma semaphore(%arg20 : memref<!tpu.dma_semaphore, #tpu.memory_space<semaphore_mem>>) src(%dma_wait3A_47 : memref<100000x128xf32, #tpu.memory_space<hbm>>) dst(%arg8 : memref<100x128xf32, #tpu.memory_space<vmem>>)
    %get3A = arith.constant 0 : i32
    %get3A_48 = arith.index_cast %get3A : i32 to index
    %get3A_49 = arith.constant 0 : index
    %get3A_50 = tpu.vector_load %arg8[%get3A_48, %get3A_49] {strides = array<i32>} : memref<100x128xf32, #tpu.memory_space<vmem>>, vector<16xf32>,
    %get3A_51 = arith.constant 0 : i32
    %get3A_52 = arith.index_cast %get3A_51 : i32 to index
    %get3A_53 = arith.constant 16 : index
    %get3A_54 = tpu.vector_load %arg8[%get3A_52, %get3A_53] {strides = array<i32>} : memref<100x128xf32, #tpu.memory_space<vmem>>, vector<16xf32>,
    %get3A_55 = arith.constant 0 : i32
    %get3A_56 = arith.index_cast %get3A_55 : i32 to index
    %get3A_57 = arith.constant 32 : index
    %get3A_58 = tpu.vector_load %arg8[%get3A_56, %get3A_57] {strides = array<i32>} : memref<100x128xf32, #tpu.memory_space<vmem>>, vector<16xf32>,
    %get3A_59 = arith.constant 0 : i32
    %get3A_60 = arith.index_cast %get3A_59 : i32 to index
    %get3A_61 = arith.constant 48 : index
    %get3A_62 = tpu.vector_load %arg8[%get3A_60, %get3A_61] {strides = array<i32>} : memref<100x128xf32, #tpu.memory_space<vmem>>, vector<16xf32>,
    %get3A_63 = arith.constant 0 : i32
    %get3A_64 = arith.index_cast %get3A_63 : i32 to index
    %get3A_65 = arith.constant 64 : index
    %get3A_66 = tpu.vector_load %arg8[%get3A_64, %get3A_65] {strides = array<i32>} : memref<100x128xf32, #tpu.memory_space<vmem>>, vector<16xf32>,
    %get3A_67 = arith.constant 0 : i32
    %get3A_68 = arith.index_cast %get3A_67 : i32 to index
    %get3A_69 = arith.constant 80 : index
    %get3A_70 = tpu.vector_load %arg8[%get3A_68, %get3A_69] {strides = array<i32>} : memref<100x128xf32, #tpu.memory_space<vmem>>, vector<16xf32>,
    %get3A_71 = arith.constant 0 : i32
    %get3A_72 = arith.index_cast %get3A_71 : i32 to index
    %get3A_73 = arith.constant 96 : index
    %get3A_74 = tpu.vector_load %arg8[%get3A_72, %get3A_73] {strides = array<i32>} : memref<100x128xf32, #tpu.memory_space<vmem>>, vector<16xf32>,
    %get3A_75 = arith.constant 0 : i32
    %get3A_76 = arith.index_cast %get3A_75 : i32 to index
    %get3A_77 = arith.constant 112 : index
    %get3A_78 = tpu.vector_load %arg8[%get3A_76, %get3A_77] {strides = array<i32>} : memref<100x128xf32, #tpu.memory_space<vmem>>, vector<16xf32>,
    %get3A_79 = arith.constant 50 : i32
    %get3A_80 = arith.index_cast %get3A_79 : i32 to index
    %get3A_81 = arith.constant 0 : index
    %get3A_82 = tpu.vector_load %arg8[%get3A_80, %get3A_81] {strides = array<i32>} : memref<100x128xf32, #tpu.memory_space<vmem>>, vector<16xf32>,
    %get3A_83 = arith.constant 50 : i32
    %get3A_84 = arith.index_cast %get3A_83 : i32 to index
    %get3A_85 = arith.constant 16 : index
    %get3A_86 = tpu.vector_load %arg8[%get3A_84, %get3A_85] {strides = array<i32>} : memref<100x128xf32, #tpu.memory_space<vmem>>, vector<16xf32>,
    %get3A_87 = arith.constant 50 : i32
    %get3A_88 = arith.index_cast %get3A_87 : i32 to index
    %get3A_89 = arith.constant 32 : index
    %get3A_90 = tpu.vector_load %arg8[%get3A_88, %get3A_89] {strides = array<i32>} : memref<100x128xf32, #tpu.memory_space<vmem>>, vector<16xf32>,
    %get3A_91 = arith.constant 50 : i32
    %get3A_92 = arith.index_cast %get3A_91 : i32 to index
    %get3A_93 = arith.constant 48 : index
    %get3A_94 = tpu.vector_load %arg8[%get3A_92, %get3A_93] {strides = array<i32>} : memref<100x128xf32, #tpu.memory_space<vmem>>, vector<16xf32>,
    %get3A_95 = arith.constant 50 : i32
    %get3A_96 = arith.index_cast %get3A_95 : i32 to index
    %get3A_97 = arith.constant 64 : index
    %get3A_98 = tpu.vector_load %arg8[%get3A_96, %get3A_97] {strides = array<i32>} : memref<100x128xf32, #tpu.memory_space<vmem>>, vector<16xf32>,
    %get3A_99 = arith.constant 50 : i32
    %get3A_100 = arith.index_cast %get3A_99 : i32 to index
    %get3A_101 = arith.constant 80 : index
    %get3A_102 = tpu.vector_load %arg8[%get3A_100, %get3A_101] {strides = array<i32>} : memref<100x128xf32, #tpu.memory_space<vmem>>, vector<16xf32>,
    %get3A_103 = arith.constant 50 : i32
    %get3A_104 = arith.index_cast %get3A_103 : i32 to index
    %get3A_105 = arith.constant 96 : index
    %get3A_106 = tpu.vector_load %arg8[%get3A_104, %get3A_105] {strides = array<i32>} : memref<100x128xf32, #tpu.memory_space<vmem>>, vector<16xf32>,
    %get3A_107 = arith.constant 50 : i32
    %get3A_108 = arith.index_cast %get3A_107 : i32 to index
    %get3A_109 = arith.constant 112 : index
    %get3A_110 = tpu.vector_load %arg8[%get3A_108, %get3A_109] {strides = array<i32>} : memref<100x128xf32, #tpu.memory_space<vmem>>, vector<16xf32>,
    %scan3A_111 = arith.constant 1 : i32
    %scan3A_112 = arith.constant 48 : i32
    %scan3A_113 = arith.addi %scan3A_111, %scan3A_112 : i32
    %scan3A_114 = arith.constant 2 : i32
    %scan3A_115:16 = scf.for %scan3A_1037 = %scan3A_111 to %scan3A_113 step %scan3A_114 iter_args(%scan3A_1038 = %get3A_50, %scan3A_1039 = %get3A_54, %scan3A_1040 = %get3A_58, %scan3A_1041 = %get3A_62, %scan3A_1042 = %get3A_66, %scan3A_1043 = %get3A_70, %scan3A_1044 = %get3A_74, %scan3A_1045 = %get3A_78, %scan3A_1046 = %get3A_82, %scan3A_1047 = %get3A_86, %scan3A_1048 = %get3A_90, %scan3A_1049 = %get3A_94, %scan3A_1050 = %get3A_98, %scan3A_1051 = %get3A_102, %scan3A_1052 = %get3A_106, %scan3A_1053 = %get3A_110) -> (vector<16xf32>, vector<16xf32>, vector<16xf32>, vector<16xf32>, vector<16xf32>, vector<16xf32>, vector<16xf32>, vector<16xf32>, vector<16xf32>, vector<16xf32>, vector<16xf32>, vector<16xf32>, vector<16xf32>, vector<16xf32>, vector<16xf32>, vector<16xf32>)  : i32 {
      %get3A_1054 = arith.index_cast %scan3A_1037 : i32 to index
      %get3A_1055 = arith.constant 0 : index
      %get3A_1056 = tpu.vector_load %arg8[%get3A_1054, %get3A_1055] {strides = array<i32>} : memref<100x128xf32, #tpu.memory_space<vmem>>, vector<16xf32>,
      %add3A_1057 = arith.addf %scan3A_1038, %get3A_1056 : vector<16xf32>
      %get3A_1058 = arith.index_cast %scan3A_1037 : i32 to index
      %get3A_1059 = arith.constant 16 : index
      %get3A_1060 = tpu.vector_load %arg8[%get3A_1058, %get3A_1059] {strides = array<i32>} : memref<100x128xf32, #tpu.memory_space<vmem>>, vector<16xf32>,
      %add3A_1061 = arith.addf %scan3A_1039, %get3A_1060 : vector<16xf32>
      %get3A_1062 = arith.index_cast %scan3A_1037 : i32 to index
      %get3A_1063 = arith.constant 32 : index
      %get3A_1064 = tpu.vector_load %arg8[%get3A_1062, %get3A_1063] {strides = array<i32>} : memref<100x128xf32, #tpu.memory_space<vmem>>, vector<16xf32>,
      %add3A_1065 = arith.addf %scan3A_1040, %get3A_1064 : vector<16xf32>
      %get3A_1066 = arith.index_cast %scan3A_1037 : i32 to index
      %get3A_1067 = arith.constant 48 : index
      %get3A_1068 = tpu.vector_load %arg8[%get3A_1066, %get3A_1067] {strides = array<i32>} : memref<100x128xf32, #tpu.memory_space<vmem>>, vector<16xf32>,
      %add3A_1069 = arith.addf %scan3A_1041, %get3A_1068 : vector<16xf32>
      %get3A_1070 = arith.index_cast %scan3A_1037 : i32 to index
      %get3A_1071 = arith.constant 64 : index
      %get3A_1072 = tpu.vector_load %arg8[%get3A_1070, %get3A_1071] {strides = array<i32>} : memref<100x128xf32, #tpu.memory_space<vmem>>, vector<16xf32>,
      %add3A_1073 = arith.addf %scan3A_1042, %get3A_1072 : vector<16xf32>
      %get3A_1074 = arith.index_cast %scan3A_1037 : i32 to index
      %get3A_1075 = arith.constant 80 : index
      %get3A_1076 = tpu.vector_load %arg8[%get3A_1074, %get3A_1075] {strides = array<i32>} : memref<100x128xf32, #tpu.memory_space<vmem>>, vector<16xf32>,
      %add3A_1077 = arith.addf %scan3A_1043, %get3A_1076 : vector<16xf32>
      %get3A_1078 = arith.index_cast %scan3A_1037 : i32 to index
      %get3A_1079 = arith.constant 96 : index
      %get3A_1080 = tpu.vector_load %arg8[%get3A_1078, %get3A_1079] {strides = array<i32>} : memref<100x128xf32, #tpu.memory_space<vmem>>, vector<16xf32>,
      %add3A_1081 = arith.addf %scan3A_1044, %get3A_1080 : vector<16xf32>
      %get3A_1082 = arith.index_cast %scan3A_1037 : i32 to index
      %get3A_1083 = arith.constant 112 : index
      %get3A_1084 = tpu.vector_load %arg8[%get3A_1082, %get3A_1083] {strides = array<i32>} : memref<100x128xf32, #tpu.memory_space<vmem>>, vector<16xf32>,
      %add3A_1085 = arith.addf %scan3A_1045, %get3A_1084 : vector<16xf32>
      %add3A_1086 = arith.constant 50 : i32
      %add3A_1087 = arith.addi %add3A_1086, %scan3A_1037 : i32
      %get3A_1088 = arith.index_cast %add3A_1087 : i32 to index
      %get3A_1089 = arith.constant 0 : index
      %get3A_1090 = tpu.vector_load %arg8[%get3A_1088, %get3A_1089] {strides = array<i32>} : memref<100x128xf32, #tpu.memory_space<vmem>>, vector<16xf32>,
      %add3A_1091 = arith.addf %scan3A_1046, %get3A_1090 : vector<16xf32>
      %add3A_1092 = arith.constant 50 : i32
      %add3A_1093 = arith.addi %add3A_1092, %scan3A_1037 : i32
      %get3A_1094 = arith.index_cast %add3A_1093 : i32 to index
      %get3A_1095 = arith.constant 16 : index
      %get3A_1096 = tpu.vector_load %arg8[%get3A_1094, %get3A_1095] {strides = array<i32>} : memref<100x128xf32, #tpu.memory_space<vmem>>, vector<16xf32>,
      %add3A_1097 = arith.addf %scan3A_1047, %get3A_1096 : vector<16xf32>
      %add3A_1098 = arith.constant 50 : i32
      %add3A_1099 = arith.addi %add3A_1098, %scan3A_1037 : i32
      %get3A_1100 = arith.index_cast %add3A_1099 : i32 to index
      %get3A_1101 = arith.constant 32 : index
      %get3A_1102 = tpu.vector_load %arg8[%get3A_1100, %get3A_1101] {strides = array<i32>} : memref<100x128xf32, #tpu.memory_space<vmem>>, vector<16xf32>,
      %add3A_1103 = arith.addf %scan3A_1048, %get3A_1102 : vector<16xf32>
      %add3A_1104 = arith.constant 50 : i32
      %add3A_1105 = arith.addi %add3A_1104, %scan3A_1037 : i32
      %get3A_1106 = arith.index_cast %add3A_1105 : i32 to index
      %get3A_1107 = arith.constant 48 : index
      %get3A_1108 = tpu.vector_load %arg8[%get3A_1106, %get3A_1107] {strides = array<i32>} : memref<100x128xf32, #tpu.memory_space<vmem>>, vector<16xf32>,
      %add3A_1109 = arith.addf %scan3A_1049, %get3A_1108 : vector<16xf32>
      %add3A_1110 = arith.constant 50 : i32
      %add3A_1111 = arith.addi %add3A_1110, %scan3A_1037 : i32
      %get3A_1112 = arith.index_cast %add3A_1111 : i32 to index
      %get3A_1113 = arith.constant 64 : index
      %get3A_1114 = tpu.vector_load %arg8[%get3A_1112, %get3A_1113] {strides = array<i32>} : memref<100x128xf32, #tpu.memory_space<vmem>>, vector<16xf32>,
      %add3A_1115 = arith.addf %scan3A_1050, %get3A_1114 : vector<16xf32>
      %add3A_1116 = arith.constant 50 : i32
      %add3A_1117 = arith.addi %add3A_1116, %scan3A_1037 : i32
      %get3A_1118 = arith.index_cast %add3A_1117 : i32 to index
      %get3A_1119 = arith.constant 80 : index
      %get3A_1120 = tpu.vector_load %arg8[%get3A_1118, %get3A_1119] {strides = array<i32>} : memref<100x128xf32, #tpu.memory_space<vmem>>, vector<16xf32>,
      %add3A_1121 = arith.addf %scan3A_1051, %get3A_1120 : vector<16xf32>
      %add3A_1122 = arith.constant 50 : i32
      %add3A_1123 = arith.addi %add3A_1122, %scan3A_1037 : i32
      %get3A_1124 = arith.index_cast %add3A_1123 : i32 to index
      %get3A_1125 = arith.constant 96 : index
      %get3A_1126 = tpu.vector_load %arg8[%get3A_1124, %get3A_1125] {strides = array<i32>} : memref<100x128xf32, #tpu.memory_space<vmem>>, vector<16xf32>,
      %add3A_1127 = arith.addf %scan3A_1052, %get3A_1126 : vector<16xf32>
      %add3A_1128 = arith.constant 50 : i32
      %add3A_1129 = arith.addi %add3A_1128, %scan3A_1037 : i32
      %get3A_1130 = arith.index_cast %add3A_1129 : i32 to index
      %get3A_1131 = arith.constant 112 : index
      %get3A_1132 = tpu.vector_load %arg8[%get3A_1130, %get3A_1131] {strides = array<i32>} : memref<100x128xf32, #tpu.memory_space<vmem>>, vector<16xf32>,
      %add3A_1133 = arith.addf %scan3A_1053, %get3A_1132 : vector<16xf32>
      %scan3A_1134 = arith.constant 1 : i32
      %scan3A_1135 = arith.addi %scan3A_1037, %scan3A_1134 : i32
      %get3A_1136 = arith.index_cast %scan3A_1135 : i32 to index
      %get3A_1137 = arith.constant 0 : index
      %get3A_1138 = tpu.vector_load %arg8[%get3A_1136, %get3A_1137] {strides = array<i32>} : memref<100x128xf32, #tpu.memory_space<vmem>>, vector<16xf32>,
      %add3A_1139 = arith.addf %add3A_1057, %get3A_1138 : vector<16xf32>
      %get3A_1140 = arith.index_cast %scan3A_1135 : i32 to index
      %get3A_1141 = arith.constant 16 : index
      %get3A_1142 = tpu.vector_load %arg8[%get3A_1140, %get3A_1141] {strides = array<i32>} : memref<100x128xf32, #tpu.memory_space<vmem>>, vector<16xf32>,
      %add3A_1143 = arith.addf %add3A_1061, %get3A_1142 : vector<16xf32>
      %get3A_1144 = arith.index_cast %scan3A_1135 : i32 to index
      %get3A_1145 = arith.constant 32 : index
      %get3A_1146 = tpu.vector_load %arg8[%get3A_1144, %get3A_1145] {strides = array<i32>} : memref<100x128xf32, #tpu.memory_space<vmem>>, vector<16xf32>,
      %add3A_1147 = arith.addf %add3A_1065, %get3A_1146 : vector<16xf32>
      %get3A_1148 = arith.index_cast %scan3A_1135 : i32 to index
      %get3A_1149 = arith.constant 48 : index
      %get3A_1150 = tpu.vector_load %arg8[%get3A_1148, %get3A_1149] {strides = array<i32>} : memref<100x128xf32, #tpu.memory_space<vmem>>, vector<16xf32>,
      %add3A_1151 = arith.addf %add3A_1069, %get3A_1150 : vector<16xf32>
      %get3A_1152 = arith.index_cast %scan3A_1135 : i32 to index
      %get3A_1153 = arith.constant 64 : index
      %get3A_1154 = tpu.vector_load %arg8[%get3A_1152, %get3A_1153] {strides = array<i32>} : memref<100x128xf32, #tpu.memory_space<vmem>>, vector<16xf32>,
      %add3A_1155 = arith.addf %add3A_1073, %get3A_1154 : vector<16xf32>
      %get3A_1156 = arith.index_cast %scan3A_1135 : i32 to index
      %get3A_1157 = arith.constant 80 : index
      %get3A_1158 = tpu.vector_load %arg8[%get3A_1156, %get3A_1157] {strides = array<i32>} : memref<100x128xf32, #tpu.memory_space<vmem>>, vector<16xf32>,
      %add3A_1159 = arith.addf %add3A_1077, %get3A_1158 : vector<16xf32>
      %get3A_1160 = arith.index_cast %scan3A_1135 : i32 to index
      %get3A_1161 = arith.constant 96 : index
      %get3A_1162 = tpu.vector_load %arg8[%get3A_1160, %get3A_1161] {strides = array<i32>} : memref<100x128xf32, #tpu.memory_space<vmem>>, vector<16xf32>,
      %add3A_1163 = arith.addf %add3A_1081, %get3A_1162 : vector<16xf32>
      %get3A_1164 = arith.index_cast %scan3A_1135 : i32 to index
      %get3A_1165 = arith.constant 112 : index
      %get3A_1166 = tpu.vector_load %arg8[%get3A_1164, %get3A_1165] {strides = array<i32>} : memref<100x128xf32, #tpu.memory_space<vmem>>, vector<16xf32>,
      %add3A_1167 = arith.addf %add3A_1085, %get3A_1166 : vector<16xf32>
      %add3A_1168 = arith.constant 50 : i32
      %add3A_1169 = arith.addi %add3A_1168, %scan3A_1135 : i32
      %get3A_1170 = arith.index_cast %add3A_1169 : i32 to index
      %get3A_1171 = arith.constant 0 : index
      %get3A_1172 = tpu.vector_load %arg8[%get3A_1170, %get3A_1171] {strides = array<i32>} : memref<100x128xf32, #tpu.memory_space<vmem>>, vector<16xf32>,
      %add3A_1173 = arith.addf %add3A_1091, %get3A_1172 : vector<16xf32>
      %add3A_1174 = arith.constant 50 : i32
      %add3A_1175 = arith.addi %add3A_1174, %scan3A_1135 : i32
      %get3A_1176 = arith.index_cast %add3A_1175 : i32 to index
      %get3A_1177 = arith.constant 16 : index
      %get3A_1178 = tpu.vector_load %arg8[%get3A_1176, %get3A_1177] {strides = array<i32>} : memref<100x128xf32, #tpu.memory_space<vmem>>, vector<16xf32>,
      %add3A_1179 = arith.addf %add3A_1097, %get3A_1178 : vector<16xf32>
      %add3A_1180 = arith.constant 50 : i32
      %add3A_1181 = arith.addi %add3A_1180, %scan3A_1135 : i32
      %get3A_1182 = arith.index_cast %add3A_1181 : i32 to index
      %get3A_1183 = arith.constant 32 : index
      %get3A_1184 = tpu.vector_load %arg8[%get3A_1182, %get3A_1183] {strides = array<i32>} : memref<100x128xf32, #tpu.memory_space<vmem>>, vector<16xf32>,
      %add3A_1185 = arith.addf %add3A_1103, %get3A_1184 : vector<16xf32>
      %add3A_1186 = arith.constant 50 : i32
      %add3A_1187 = arith.addi %add3A_1186, %scan3A_1135 : i32
      %get3A_1188 = arith.index_cast %add3A_1187 : i32 to index
      %get3A_1189 = arith.constant 48 : index
      %get3A_1190 = tpu.vector_load %arg8[%get3A_1188, %get3A_1189] {strides = array<i32>} : memref<100x128xf32, #tpu.memory_space<vmem>>, vector<16xf32>,
      %add3A_1191 = arith.addf %add3A_1109, %get3A_1190 : vector<16xf32>
      %add3A_1192 = arith.constant 50 : i32
      %add3A_1193 = arith.addi %add3A_1192, %scan3A_1135 : i32
      %get3A_1194 = arith.index_cast %add3A_1193 : i32 to index
      %get3A_1195 = arith.constant 64 : index
      %get3A_1196 = tpu.vector_load %arg8[%get3A_1194, %get3A_1195] {strides = array<i32>} : memref<100x128xf32, #tpu.memory_space<vmem>>, vector<16xf32>,
      %add3A_1197 = arith.addf %add3A_1115, %get3A_1196 : vector<16xf32>
      %add3A_1198 = arith.constant 50 : i32
      %add3A_1199 = arith.addi %add3A_1198, %scan3A_1135 : i32
      %get3A_1200 = arith.index_cast %add3A_1199 : i32 to index
      %get3A_1201 = arith.constant 80 : index
      %get3A_1202 = tpu.vector_load %arg8[%get3A_1200, %get3A_1201] {strides = array<i32>} : memref<100x128xf32, #tpu.memory_space<vmem>>, vector<16xf32>,
      %add3A_1203 = arith.addf %add3A_1121, %get3A_1202 : vector<16xf32>
      %add3A_1204 = arith.constant 50 : i32
      %add3A_1205 = arith.addi %add3A_1204, %scan3A_1135 : i32
      %get3A_1206 = arith.index_cast %add3A_1205 : i32 to index
      %get3A_1207 = arith.constant 96 : index
      %get3A_1208 = tpu.vector_load %arg8[%get3A_1206, %get3A_1207] {strides = array<i32>} : memref<100x128xf32, #tpu.memory_space<vmem>>, vector<16xf32>,
      %add3A_1209 = arith.addf %add3A_1127, %get3A_1208 : vector<16xf32>
      %add3A_1210 = arith.constant 50 : i32
      %add3A_1211 = arith.addi %add3A_1210, %scan3A_1135 : i32
      %get3A_1212 = arith.index_cast %add3A_1211 : i32 to index
      %get3A_1213 = arith.constant 112 : index
      %get3A_1214 = tpu.vector_load %arg8[%get3A_1212, %get3A_1213] {strides = array<i32>} : memref<100x128xf32, #tpu.memory_space<vmem>>, vector<16xf32>,
      %add3A_1215 = arith.addf %add3A_1133, %get3A_1214 : vector<16xf32>
      scf.yield %add3A_1139, %add3A_1143, %add3A_1147, %add3A_1151, %add3A_1155, %add3A_1159, %add3A_1163, %add3A_1167, %add3A_1173, %add3A_1179, %add3A_1185, %add3A_1191, %add3A_1197, %add3A_1203, %add3A_1209, %add3A_1215 : vector<16xf32>, vector<16xf32>, vector<16xf32>, vector<16xf32>, vector<16xf32>, vector<16xf32>, vector<16xf32>, vector<16xf32>, vector<16xf32>, vector<16xf32>, vector<16xf32>, vector<16xf32>, vector<16xf32>, vector<16xf32>, vector<16xf32>, vector<16xf32>
    }
    %scan3A_116 = arith.constant 48 : i32
    %scan3A_117 = arith.addi %scan3A_111, %scan3A_116 : i32
    %get3A_118 = arith.index_cast %scan3A_117 : i32 to index
    %get3A_119 = arith.constant 0 : index
    %get3A_120 = tpu.vector_load %arg8[%get3A_118, %get3A_119] {strides = array<i32>} : memref<100x128xf32, #tpu.memory_space<vmem>>, vector<16xf32>,
    %add3A_121 = arith.addf %scan3A_115#0, %get3A_120 : vector<16xf32>
    %get3A_122 = arith.index_cast %scan3A_117 : i32 to index
    %get3A_123 = arith.constant 16 : index
    %get3A_124 = tpu.vector_load %arg8[%get3A_122, %get3A_123] {strides = array<i32>} : memref<100x128xf32, #tpu.memory_space<vmem>>, vector<16xf32>,
    %add3A_125 = arith.addf %scan3A_115#1, %get3A_124 : vector<16xf32>
    %get3A_126 = arith.index_cast %scan3A_117 : i32 to index
    %get3A_127 = arith.constant 32 : index
    %get3A_128 = tpu.vector_load %arg8[%get3A_126, %get3A_127] {strides = array<i32>} : memref<100x128xf32, #tpu.memory_space<vmem>>, vector<16xf32>,
    %add3A_129 = arith.addf %scan3A_115#2, %get3A_128 : vector<16xf32>
    %get3A_130 = arith.index_cast %scan3A_117 : i32 to index
    %get3A_131 = arith.constant 48 : index
    %get3A_132 = tpu.vector_load %arg8[%get3A_130, %get3A_131] {strides = array<i32>} : memref<100x128xf32, #tpu.memory_space<vmem>>, vector<16xf32>,
    %add3A_133 = arith.addf %scan3A_115#3, %get3A_132 : vector<16xf32>
    %get3A_134 = arith.index_cast %scan3A_117 : i32 to index
    %get3A_135 = arith.constant 64 : index
    %get3A_136 = tpu.vector_load %arg8[%get3A_134, %get3A_135] {strides = array<i32>} : memref<100x128xf32, #tpu.memory_space<vmem>>, vector<16xf32>,
    %add3A_137 = arith.addf %scan3A_115#4, %get3A_136 : vector<16xf32>
    %get3A_138 = arith.index_cast %scan3A_117 : i32 to index
    %get3A_139 = arith.constant 80 : index
    %get3A_140 = tpu.vector_load %arg8[%get3A_138, %get3A_139] {strides = array<i32>} : memref<100x128xf32, #tpu.memory_space<vmem>>, vector<16xf32>,
    %add3A_141 = arith.addf %scan3A_115#5, %get3A_140 : vector<16xf32>
    %get3A_142 = arith.index_cast %scan3A_117 : i32 to index
    %get3A_143 = arith.constant 96 : index
    %get3A_144 = tpu.vector_load %arg8[%get3A_142, %get3A_143] {strides = array<i32>} : memref<100x128xf32, #tpu.memory_space<vmem>>, vector<16xf32>,
    %add3A_145 = arith.addf %scan3A_115#6, %get3A_144 : vector<16xf32>
    %get3A_146 = arith.index_cast %scan3A_117 : i32 to index
    %get3A_147 = arith.constant 112 : index
    %get3A_148 = tpu.vector_load %arg8[%get3A_146, %get3A_147] {strides = array<i32>} : memref<100x128xf32, #tpu.memory_space<vmem>>, vector<16xf32>,
    %add3A_149 = arith.addf %scan3A_115#7, %get3A_148 : vector<16xf32>
    %add3A_150 = arith.constant 50 : i32
    %add3A_151 = arith.addi %add3A_150, %scan3A_117 : i32
    %get3A_152 = arith.index_cast %add3A_151 : i32 to index
    %get3A_153 = arith.constant 0 : index
    %get3A_154 = tpu.vector_load %arg8[%get3A_152, %get3A_153] {strides = array<i32>} : memref<100x128xf32, #tpu.memory_space<vmem>>, vector<16xf32>,
    %add3A_155 = arith.addf %scan3A_115#8, %get3A_154 : vector<16xf32>
    %add3A_156 = arith.constant 50 : i32
    %add3A_157 = arith.addi %add3A_156, %scan3A_117 : i32
    %get3A_158 = arith.index_cast %add3A_157 : i32 to index
    %get3A_159 = arith.constant 16 : index
    %get3A_160 = tpu.vector_load %arg8[%get3A_158, %get3A_159] {strides = array<i32>} : memref<100x128xf32, #tpu.memory_space<vmem>>, vector<16xf32>,
    %add3A_161 = arith.addf %scan3A_115#9, %get3A_160 : vector<16xf32>
    %add3A_162 = arith.constant 50 : i32
    %add3A_163 = arith.addi %add3A_162, %scan3A_117 : i32
    %get3A_164 = arith.index_cast %add3A_163 : i32 to index
    %get3A_165 = arith.constant 32 : index
    %get3A_166 = tpu.vector_load %arg8[%get3A_164, %get3A_165] {strides = array<i32>} : memref<100x128xf32, #tpu.memory_space<vmem>>, vector<16xf32>,
    %add3A_167 = arith.addf %scan3A_115#10, %get3A_166 : vector<16xf32>
    %add3A_168 = arith.constant 50 : i32
    %add3A_169 = arith.addi %add3A_168, %scan3A_117 : i32
    %get3A_170 = arith.index_cast %add3A_169 : i32 to index
    %get3A_171 = arith.constant 48 : index
    %get3A_172 = tpu.vector_load %arg8[%get3A_170, %get3A_171] {strides = array<i32>} : memref<100x128xf32, #tpu.memory_space<vmem>>, vector<16xf32>,
    %add3A_173 = arith.addf %scan3A_115#11, %get3A_172 : vector<16xf32>
    %add3A_174 = arith.constant 50 : i32
    %add3A_175 = arith.addi %add3A_174, %scan3A_117 : i32
    %get3A_176 = arith.index_cast %add3A_175 : i32 to index
    %get3A_177 = arith.constant 64 : index
    %get3A_178 = tpu.vector_load %arg8[%get3A_176, %get3A_177] {strides = array<i32>} : memref<100x128xf32, #tpu.memory_space<vmem>>, vector<16xf32>,
    %add3A_179 = arith.addf %scan3A_115#12, %get3A_178 : vector<16xf32>
    %add3A_180 = arith.constant 50 : i32
    %add3A_181 = arith.addi %add3A_180, %scan3A_117 : i32
    %get3A_182 = arith.index_cast %add3A_181 : i32 to index
    %get3A_183 = arith.constant 80 : index
    %get3A_184 = tpu.vector_load %arg8[%get3A_182, %get3A_183] {strides = array<i32>} : memref<100x128xf32, #tpu.memory_space<vmem>>, vector<16xf32>,
    %add3A_185 = arith.addf %scan3A_115#13, %get3A_184 : vector<16xf32>
    %add3A_186 = arith.constant 50 : i32
    %add3A_187 = arith.addi %add3A_186, %scan3A_117 : i32
    %get3A_188 = arith.index_cast %add3A_187 : i32 to index
    %get3A_189 = arith.constant 96 : index
    %get3A_190 = tpu.vector_load %arg8[%get3A_188, %get3A_189] {strides = array<i32>} : memref<100x128xf32, #tpu.memory_space<vmem>>, vector<16xf32>,
    %add3A_191 = arith.addf %scan3A_115#14, %get3A_190 : vector<16xf32>
    %add3A_192 = arith.constant 50 : i32
    %add3A_193 = arith.addi %add3A_192, %scan3A_117 : i32
    %get3A_194 = arith.index_cast %add3A_193 : i32 to index
    %get3A_195 = arith.constant 112 : index
    %get3A_196 = tpu.vector_load %arg8[%get3A_194, %get3A_195] {strides = array<i32>} : memref<100x128xf32, #tpu.memory_space<vmem>>, vector<16xf32>,
    %add3A_197 = arith.addf %scan3A_115#15, %get3A_196 : vector<16xf32>
    %scan3A_198 = arith.constant 49 : i32
    %mul3A_199 = arith.mulf %add3A_121, %add3A_155 : vector<16xf32>
    %mul3A_200 = arith.mulf %add3A_121, %add3A_121 : vector<16xf32>
    %mul3A_201 = arith.mulf %add3A_155, %add3A_155 : vector<16xf32>
    %mul3A_202 = arith.mulf %add3A_125, %add3A_161 : vector<16xf32>
    %add3A_203 = arith.addf %mul3A_199, %mul3A_202 : vector<16xf32>
    %mul3A_204 = arith.mulf %add3A_125, %add3A_125 : vector<16xf32>
    %add3A_205 = arith.addf %mul3A_200, %mul3A_204 : vector<16xf32>
    %mul3A_206 = arith.mulf %add3A_161, %add3A_161 : vector<16xf32>
    %add3A_207 = arith.addf %mul3A_201, %mul3A_206 : vector<16xf32>
    %mul3A_208 = arith.mulf %add3A_129, %add3A_167 : vector<16xf32>
    %add3A_209 = arith.addf %add3A_203, %mul3A_208 : vector<16xf32>
    %mul3A_210 = arith.mulf %add3A_129, %add3A_129 : vector<16xf32>
    %add3A_211 = arith.addf %add3A_205, %mul3A_210 : vector<16xf32>
    %mul3A_212 = arith.mulf %add3A_167, %add3A_167 : vector<16xf32>
    %add3A_213 = arith.addf %add3A_207, %mul3A_212 : vector<16xf32>
    %mul3A_214 = arith.mulf %add3A_133, %add3A_173 : vector<16xf32>
    %add3A_215 = arith.addf %add3A_209, %mul3A_214 : vector<16xf32>
    %mul3A_216 = arith.mulf %add3A_133, %add3A_133 : vector<16xf32>
    %add3A_217 = arith.addf %add3A_211, %mul3A_216 : vector<16xf32>
    %mul3A_218 = arith.mulf %add3A_173, %add3A_173 : vector<16xf32>
    %add3A_219 = arith.addf %add3A_213, %mul3A_218 : vector<16xf32>
    %mul3A_220 = arith.mulf %add3A_137, %add3A_179 : vector<16xf32>
    %add3A_221 = arith.addf %add3A_215, %mul3A_220 : vector<16xf32>
    %mul3A_222 = arith.mulf %add3A_137, %add3A_137 : vector<16xf32>
    %add3A_223 = arith.addf %add3A_217, %mul3A_222 : vector<16xf32>
    %mul3A_224 = arith.mulf %add3A_179, %add3A_179 : vector<16xf32>
    %add3A_225 = arith.addf %add3A_219, %mul3A_224 : vector<16xf32>
    %mul3A_226 = arith.mulf %add3A_141, %add3A_185 : vector<16xf32>
    %add3A_227 = arith.addf %add3A_221, %mul3A_226 : vector<16xf32>
    %mul3A_228 = arith.mulf %add3A_141, %add3A_141 : vector<16xf32>
    %add3A_229 = arith.addf %add3A_223, %mul3A_228 : vector<16xf32>
    %mul3A_230 = arith.mulf %add3A_185, %add3A_185 : vector<16xf32>
    %add3A_231 = arith.addf %add3A_225, %mul3A_230 : vector<16xf32>
    %mul3A_232 = arith.mulf %add3A_145, %add3A_191 : vector<16xf32>
    %add3A_233 = arith.addf %add3A_227, %mul3A_232 : vector<16xf32>
    %mul3A_234 = arith.mulf %add3A_145, %add3A_145 : vector<16xf32>
    %add3A_235 = arith.addf %add3A_229, %mul3A_234 : vector<16xf32>
    %mul3A_236 = arith.mulf %add3A_191, %add3A_191 : vector<16xf32>
    %add3A_237 = arith.addf %add3A_231, %mul3A_236 : vector<16xf32>
    %mul3A_238 = arith.mulf %add3A_149, %add3A_197 : vector<16xf32>
    %add3A_239 = arith.addf %add3A_233, %mul3A_238 : vector<16xf32>
    %mul3A_240 = arith.mulf %add3A_149, %add3A_149 : vector<16xf32>
    %add3A_241 = arith.addf %add3A_235, %mul3A_240 : vector<16xf32>
    %mul3A_242 = arith.mulf %add3A_197, %add3A_197 : vector<16xf32>
    %add3A_243 = arith.addf %add3A_237, %mul3A_242 : vector<16xf32>
    %iota3A = tpu.iota {dimensions = array<i32: 0>} : vector<16xi32>
    %eq3A = arith.constant 15 : i32
    %eq3A_244 = vector.broadcast %eq3A : i32 to vector<16xi32>
    %eq3A_245 = arith.cmpi eq, %iota3A, %eq3A_244 : vector<16xi32>
    %broadcast_in_dim3A = arith.constant 126 : i32
    %broadcast_in_dim3A_246 = vector.broadcast %broadcast_in_dim3A : i32 to vector<16xi32>
    %cumsum3A = arith.constant true
    %cumsum3A_247 = vector.broadcast %cumsum3A : i1 to vector<16xi1>
    %cumsum3A_248 = tpu.scan <sum>, %add3A_239 masked %cumsum3A_247 : vector<16xf32>, vector<16xi1> -> vector<16xf32>
    tpu.vector_store_idx %arg14[%broadcast_in_dim3A_246], %cumsum3A_248 masked %eq3A_245 : memref<128xf32, #tpu.memory_space<vmem>>[vector<16xi32>], vector<16xf32>, vector<16xi1>
    %cumsum3A_249 = arith.constant true
    %cumsum3A_250 = vector.broadcast %cumsum3A_249 : i1 to vector<16xi1>
    %cumsum3A_251 = tpu.scan <sum>, %add3A_241 masked %cumsum3A_250 : vector<16xf32>, vector<16xi1> -> vector<16xf32>
    tpu.vector_store_idx %arg15[%broadcast_in_dim3A_246], %cumsum3A_251 masked %eq3A_245 : memref<128xf32, #tpu.memory_space<vmem>>[vector<16xi32>], vector<16xf32>, vector<16xi1>
    %cumsum3A_252 = arith.constant true
    %cumsum3A_253 = vector.broadcast %cumsum3A_252 : i1 to vector<16xi1>
    %cumsum3A_254 = tpu.scan <sum>, %add3A_243 masked %cumsum3A_253 : vector<16xf32>, vector<16xi1> -> vector<16xf32>
    tpu.vector_store_idx %arg16[%broadcast_in_dim3A_246], %cumsum3A_254 masked %eq3A_245 : memref<128xf32, #tpu.memory_space<vmem>>[vector<16xi32>], vector<16xf32>, vector<16xi1>
    %dma_wait3A_255 = arith.constant 127 : i32
    %dma_wait3A_256 = arith.constant 0 : i32
    %dma_wait3A_257 = tpu.memref_slice %arg7[%dma_wait3A_255, %dma_wait3A_256] : memref<128x100xi32, #tpu.memory_space<vmem>> -> memref<1x100xi32, #tpu.memory_space<vmem>>
    %dma_wait3A_258 = tpu.memref_squeeze %dma_wait3A_257 : memref<1x100xi32, #tpu.memory_space<vmem>> -> memref<100xi32, #tpu.memory_space<vmem>>
    %dma_wait3A_259 = arith.constant 0 : i32
    %dma_wait3A_260 = arith.constant 0 : i32
    %dma_wait3A_261 = tpu.memref_slice %arg3[%dma_wait3A_259, %dma_wait3A_260] : memref<100000x128xf32, #tpu.memory_space<hbm>> -> memref<100000x128xf32, #tpu.memory_space<hbm>>
    tpu.wait_indirect_dma semaphore(%arg21 : memref<!tpu.dma_semaphore, #tpu.memory_space<semaphore_mem>>) src(%dma_wait3A_261 : memref<100000x128xf32, #tpu.memory_space<hbm>>) dst(%arg9 : memref<100x128xf32, #tpu.memory_space<vmem>>)
    %get3A_262 = arith.constant 0 : i32
    %get3A_263 = arith.index_cast %get3A_262 : i32 to index
    %get3A_264 = arith.constant 0 : index
    %get3A_265 = tpu.vector_load %arg9[%get3A_263, %get3A_264] {strides = array<i32>} : memref<100x128xf32, #tpu.memory_space<vmem>>, vector<16xf32>,
    %get3A_266 = arith.constant 0 : i32
    %get3A_267 = arith.index_cast %get3A_266 : i32 to index
    %get3A_268 = arith.constant 16 : index
    %get3A_269 = tpu.vector_load %arg9[%get3A_267, %get3A_268] {strides = array<i32>} : memref<100x128xf32, #tpu.memory_space<vmem>>, vector<16xf32>,
    %get3A_270 = arith.constant 0 : i32
    %get3A_271 = arith.index_cast %get3A_270 : i32 to index
    %get3A_272 = arith.constant 32 : index
    %get3A_273 = tpu.vector_load %arg9[%get3A_271, %get3A_272] {strides = array<i32>} : memref<100x128xf32, #tpu.memory_space<vmem>>, vector<16xf32>,
    %get3A_274 = arith.constant 0 : i32
    %get3A_275 = arith.index_cast %get3A_274 : i32 to index
    %get3A_276 = arith.constant 48 : index
    %get3A_277 = tpu.vector_load %arg9[%get3A_275, %get3A_276] {strides = array<i32>} : memref<100x128xf32, #tpu.memory_space<vmem>>, vector<16xf32>,
    %get3A_278 = arith.constant 0 : i32
    %get3A_279 = arith.index_cast %get3A_278 : i32 to index
    %get3A_280 = arith.constant 64 : index
    %get3A_281 = tpu.vector_load %arg9[%get3A_279, %get3A_280] {strides = array<i32>} : memref<100x128xf32, #tpu.memory_space<vmem>>, vector<16xf32>,
    %get3A_282 = arith.constant 0 : i32
    %get3A_283 = arith.index_cast %get3A_282 : i32 to index
    %get3A_284 = arith.constant 80 : index
    %get3A_285 = tpu.vector_load %arg9[%get3A_283, %get3A_284] {strides = array<i32>} : memref<100x128xf32, #tpu.memory_space<vmem>>, vector<16xf32>,
    %get3A_286 = arith.constant 0 : i32
    %get3A_287 = arith.index_cast %get3A_286 : i32 to index
    %get3A_288 = arith.constant 96 : index
    %get3A_289 = tpu.vector_load %arg9[%get3A_287, %get3A_288] {strides = array<i32>} : memref<100x128xf32, #tpu.memory_space<vmem>>, vector<16xf32>,
    %get3A_290 = arith.constant 0 : i32
    %get3A_291 = arith.index_cast %get3A_290 : i32 to index
    %get3A_292 = arith.constant 112 : index
    %get3A_293 = tpu.vector_load %arg9[%get3A_291, %get3A_292] {strides = array<i32>} : memref<100x128xf32, #tpu.memory_space<vmem>>, vector<16xf32>,
    %get3A_294 = arith.constant 50 : i32
    %get3A_295 = arith.index_cast %get3A_294 : i32 to index
    %get3A_296 = arith.constant 0 : index
    %get3A_297 = tpu.vector_load %arg9[%get3A_295, %get3A_296] {strides = array<i32>} : memref<100x128xf32, #tpu.memory_space<vmem>>, vector<16xf32>,
    %get3A_298 = arith.constant 50 : i32
    %get3A_299 = arith.index_cast %get3A_298 : i32 to index
    %get3A_300 = arith.constant 16 : index
    %get3A_301 = tpu.vector_load %arg9[%get3A_299, %get3A_300] {strides = array<i32>} : memref<100x128xf32, #tpu.memory_space<vmem>>, vector<16xf32>,
    %get3A_302 = arith.constant 50 : i32
    %get3A_303 = arith.index_cast %get3A_302 : i32 to index
    %get3A_304 = arith.constant 32 : index
    %get3A_305 = tpu.vector_load %arg9[%get3A_303, %get3A_304] {strides = array<i32>} : memref<100x128xf32, #tpu.memory_space<vmem>>, vector<16xf32>,
    %get3A_306 = arith.constant 50 : i32
    %get3A_307 = arith.index_cast %get3A_306 : i32 to index
    %get3A_308 = arith.constant 48 : index
    %get3A_309 = tpu.vector_load %arg9[%get3A_307, %get3A_308] {strides = array<i32>} : memref<100x128xf32, #tpu.memory_space<vmem>>, vector<16xf32>,
    %get3A_310 = arith.constant 50 : i32
    %get3A_311 = arith.index_cast %get3A_310 : i32 to index
    %get3A_312 = arith.constant 64 : index
    %get3A_313 = tpu.vector_load %arg9[%get3A_311, %get3A_312] {strides = array<i32>} : memref<100x128xf32, #tpu.memory_space<vmem>>, vector<16xf32>,
    %get3A_314 = arith.constant 50 : i32
    %get3A_315 = arith.index_cast %get3A_314 : i32 to index
    %get3A_316 = arith.constant 80 : index
    %get3A_317 = tpu.vector_load %arg9[%get3A_315, %get3A_316] {strides = array<i32>} : memref<100x128xf32, #tpu.memory_space<vmem>>, vector<16xf32>,
    %get3A_318 = arith.constant 50 : i32
    %get3A_319 = arith.index_cast %get3A_318 : i32 to index
    %get3A_320 = arith.constant 96 : index
    %get3A_321 = tpu.vector_load %arg9[%get3A_319, %get3A_320] {strides = array<i32>} : memref<100x128xf32, #tpu.memory_space<vmem>>, vector<16xf32>,
    %get3A_322 = arith.constant 50 : i32
    %get3A_323 = arith.index_cast %get3A_322 : i32 to index
    %get3A_324 = arith.constant 112 : index
    %get3A_325 = tpu.vector_load %arg9[%get3A_323, %get3A_324] {strides = array<i32>} : memref<100x128xf32, #tpu.memory_space<vmem>>, vector<16xf32>,
    %scan3A_326 = arith.constant 1 : i32
    %scan3A_327 = arith.constant 48 : i32
    %scan3A_328 = arith.addi %scan3A_326, %scan3A_327 : i32
    %scan3A_329 = arith.constant 2 : i32
    %scan3A_330:16 = scf.for %scan3A_1037 = %scan3A_326 to %scan3A_328 step %scan3A_329 iter_args(%scan3A_1038 = %get3A_265, %scan3A_1039 = %get3A_269, %scan3A_1040 = %get3A_273, %scan3A_1041 = %get3A_277, %scan3A_1042 = %get3A_281, %scan3A_1043 = %get3A_285, %scan3A_1044 = %get3A_289, %scan3A_1045 = %get3A_293, %scan3A_1046 = %get3A_297, %scan3A_1047 = %get3A_301, %scan3A_1048 = %get3A_305, %scan3A_1049 = %get3A_309, %scan3A_1050 = %get3A_313, %scan3A_1051 = %get3A_317, %scan3A_1052 = %get3A_321, %scan3A_1053 = %get3A_325) -> (vector<16xf32>, vector<16xf32>, vector<16xf32>, vector<16xf32>, vector<16xf32>, vector<16xf32>, vector<16xf32>, vector<16xf32>, vector<16xf32>, vector<16xf32>, vector<16xf32>, vector<16xf32>, vector<16xf32>, vector<16xf32>, vector<16xf32>, vector<16xf32>)  : i32 {
      %get3A_1054 = arith.index_cast %scan3A_1037 : i32 to index
      %get3A_1055 = arith.constant 0 : index
      %get3A_1056 = tpu.vector_load %arg9[%get3A_1054, %get3A_1055] {strides = array<i32>} : memref<100x128xf32, #tpu.memory_space<vmem>>, vector<16xf32>,
      %add3A_1057 = arith.addf %scan3A_1038, %get3A_1056 : vector<16xf32>
      %get3A_1058 = arith.index_cast %scan3A_1037 : i32 to index
      %get3A_1059 = arith.constant 16 : index
      %get3A_1060 = tpu.vector_load %arg9[%get3A_1058, %get3A_1059] {strides = array<i32>} : memref<100x128xf32, #tpu.memory_space<vmem>>, vector<16xf32>,
      %add3A_1061 = arith.addf %scan3A_1039, %get3A_1060 : vector<16xf32>
      %get3A_1062 = arith.index_cast %scan3A_1037 : i32 to index
      %get3A_1063 = arith.constant 32 : index
      %get3A_1064 = tpu.vector_load %arg9[%get3A_1062, %get3A_1063] {strides = array<i32>} : memref<100x128xf32, #tpu.memory_space<vmem>>, vector<16xf32>,
      %add3A_1065 = arith.addf %scan3A_1040, %get3A_1064 : vector<16xf32>
      %get3A_1066 = arith.index_cast %scan3A_1037 : i32 to index
      %get3A_1067 = arith.constant 48 : index
      %get3A_1068 = tpu.vector_load %arg9[%get3A_1066, %get3A_1067] {strides = array<i32>} : memref<100x128xf32, #tpu.memory_space<vmem>>, vector<16xf32>,
      %add3A_1069 = arith.addf %scan3A_1041, %get3A_1068 : vector<16xf32>
      %get3A_1070 = arith.index_cast %scan3A_1037 : i32 to index
      %get3A_1071 = arith.constant 64 : index
      %get3A_1072 = tpu.vector_load %arg9[%get3A_1070, %get3A_1071] {strides = array<i32>} : memref<100x128xf32, #tpu.memory_space<vmem>>, vector<16xf32>,
      %add3A_1073 = arith.addf %scan3A_1042, %get3A_1072 : vector<16xf32>
      %get3A_1074 = arith.index_cast %scan3A_1037 : i32 to index
      %get3A_1075 = arith.constant 80 : index
      %get3A_1076 = tpu.vector_load %arg9[%get3A_1074, %get3A_1075] {strides = array<i32>} : memref<100x128xf32, #tpu.memory_space<vmem>>, vector<16xf32>,
      %add3A_1077 = arith.addf %scan3A_1043, %get3A_1076 : vector<16xf32>
      %get3A_1078 = arith.index_cast %scan3A_1037 : i32 to index
      %get3A_1079 = arith.constant 96 : index
      %get3A_1080 = tpu.vector_load %arg9[%get3A_1078, %get3A_1079] {strides = array<i32>} : memref<100x128xf32, #tpu.memory_space<vmem>>, vector<16xf32>,
      %add3A_1081 = arith.addf %scan3A_1044, %get3A_1080 : vector<16xf32>
      %get3A_1082 = arith.index_cast %scan3A_1037 : i32 to index
      %get3A_1083 = arith.constant 112 : index
      %get3A_1084 = tpu.vector_load %arg9[%get3A_1082, %get3A_1083] {strides = array<i32>} : memref<100x128xf32, #tpu.memory_space<vmem>>, vector<16xf32>,
      %add3A_1085 = arith.addf %scan3A_1045, %get3A_1084 : vector<16xf32>
      %add3A_1086 = arith.constant 50 : i32
      %add3A_1087 = arith.addi %add3A_1086, %scan3A_1037 : i32
      %get3A_1088 = arith.index_cast %add3A_1087 : i32 to index
      %get3A_1089 = arith.constant 0 : index
      %get3A_1090 = tpu.vector_load %arg9[%get3A_1088, %get3A_1089] {strides = array<i32>} : memref<100x128xf32, #tpu.memory_space<vmem>>, vector<16xf32>,
      %add3A_1091 = arith.addf %scan3A_1046, %get3A_1090 : vector<16xf32>
      %add3A_1092 = arith.constant 50 : i32
      %add3A_1093 = arith.addi %add3A_1092, %scan3A_1037 : i32
      %get3A_1094 = arith.index_cast %add3A_1093 : i32 to index
      %get3A_1095 = arith.constant 16 : index
      %get3A_1096 = tpu.vector_load %arg9[%get3A_1094, %get3A_1095] {strides = array<i32>} : memref<100x128xf32, #tpu.memory_space<vmem>>, vector<16xf32>,
      %add3A_1097 = arith.addf %scan3A_1047, %get3A_1096 : vector<16xf32>
      %add3A_1098 = arith.constant 50 : i32
      %add3A_1099 = arith.addi %add3A_1098, %scan3A_1037 : i32
      %get3A_1100 = arith.index_cast %add3A_1099 : i32 to index
      %get3A_1101 = arith.constant 32 : index
      %get3A_1102 = tpu.vector_load %arg9[%get3A_1100, %get3A_1101] {strides = array<i32>} : memref<100x128xf32, #tpu.memory_space<vmem>>, vector<16xf32>,
      %add3A_1103 = arith.addf %scan3A_1048, %get3A_1102 : vector<16xf32>
      %add3A_1104 = arith.constant 50 : i32
      %add3A_1105 = arith.addi %add3A_1104, %scan3A_1037 : i32
      %get3A_1106 = arith.index_cast %add3A_1105 : i32 to index
      %get3A_1107 = arith.constant 48 : index
      %get3A_1108 = tpu.vector_load %arg9[%get3A_1106, %get3A_1107] {strides = array<i32>} : memref<100x128xf32, #tpu.memory_space<vmem>>, vector<16xf32>,
      %add3A_1109 = arith.addf %scan3A_1049, %get3A_1108 : vector<16xf32>
      %add3A_1110 = arith.constant 50 : i32
      %add3A_1111 = arith.addi %add3A_1110, %scan3A_1037 : i32
      %get3A_1112 = arith.index_cast %add3A_1111 : i32 to index
      %get3A_1113 = arith.constant 64 : index
      %get3A_1114 = tpu.vector_load %arg9[%get3A_1112, %get3A_1113] {strides = array<i32>} : memref<100x128xf32, #tpu.memory_space<vmem>>, vector<16xf32>,
      %add3A_1115 = arith.addf %scan3A_1050, %get3A_1114 : vector<16xf32>
      %add3A_1116 = arith.constant 50 : i32
      %add3A_1117 = arith.addi %add3A_1116, %scan3A_1037 : i32
      %get3A_1118 = arith.index_cast %add3A_1117 : i32 to index
      %get3A_1119 = arith.constant 80 : index
      %get3A_1120 = tpu.vector_load %arg9[%get3A_1118, %get3A_1119] {strides = array<i32>} : memref<100x128xf32, #tpu.memory_space<vmem>>, vector<16xf32>,
      %add3A_1121 = arith.addf %scan3A_1051, %get3A_1120 : vector<16xf32>
      %add3A_1122 = arith.constant 50 : i32
      %add3A_1123 = arith.addi %add3A_1122, %scan3A_1037 : i32
      %get3A_1124 = arith.index_cast %add3A_1123 : i32 to index
      %get3A_1125 = arith.constant 96 : index
      %get3A_1126 = tpu.vector_load %arg9[%get3A_1124, %get3A_1125] {strides = array<i32>} : memref<100x128xf32, #tpu.memory_space<vmem>>, vector<16xf32>,
      %add3A_1127 = arith.addf %scan3A_1052, %get3A_1126 : vector<16xf32>
      %add3A_1128 = arith.constant 50 : i32
      %add3A_1129 = arith.addi %add3A_1128, %scan3A_1037 : i32
      %get3A_1130 = arith.index_cast %add3A_1129 : i32 to index
      %get3A_1131 = arith.constant 112 : index
      %get3A_1132 = tpu.vector_load %arg9[%get3A_1130, %get3A_1131] {strides = array<i32>} : memref<100x128xf32, #tpu.memory_space<vmem>>, vector<16xf32>,
      %add3A_1133 = arith.addf %scan3A_1053, %get3A_1132 : vector<16xf32>
      %scan3A_1134 = arith.constant 1 : i32
      %scan3A_1135 = arith.addi %scan3A_1037, %scan3A_1134 : i32
      %get3A_1136 = arith.index_cast %scan3A_1135 : i32 to index
      %get3A_1137 = arith.constant 0 : index
      %get3A_1138 = tpu.vector_load %arg9[%get3A_1136, %get3A_1137] {strides = array<i32>} : memref<100x128xf32, #tpu.memory_space<vmem>>, vector<16xf32>,
      %add3A_1139 = arith.addf %add3A_1057, %get3A_1138 : vector<16xf32>
      %get3A_1140 = arith.index_cast %scan3A_1135 : i32 to index
      %get3A_1141 = arith.constant 16 : index
      %get3A_1142 = tpu.vector_load %arg9[%get3A_1140, %get3A_1141] {strides = array<i32>} : memref<100x128xf32, #tpu.memory_space<vmem>>, vector<16xf32>,
      %add3A_1143 = arith.addf %add3A_1061, %get3A_1142 : vector<16xf32>
      %get3A_1144 = arith.index_cast %scan3A_1135 : i32 to index
      %get3A_1145 = arith.constant 32 : index
      %get3A_1146 = tpu.vector_load %arg9[%get3A_1144, %get3A_1145] {strides = array<i32>} : memref<100x128xf32, #tpu.memory_space<vmem>>, vector<16xf32>,
      %add3A_1147 = arith.addf %add3A_1065, %get3A_1146 : vector<16xf32>
      %get3A_1148 = arith.index_cast %scan3A_1135 : i32 to index
      %get3A_1149 = arith.constant 48 : index
      %get3A_1150 = tpu.vector_load %arg9[%get3A_1148, %get3A_1149] {strides = array<i32>} : memref<100x128xf32, #tpu.memory_space<vmem>>, vector<16xf32>,
      %add3A_1151 = arith.addf %add3A_1069, %get3A_1150 : vector<16xf32>
      %get3A_1152 = arith.index_cast %scan3A_1135 : i32 to index
      %get3A_1153 = arith.constant 64 : index
      %get3A_1154 = tpu.vector_load %arg9[%get3A_1152, %get3A_1153] {strides = array<i32>} : memref<100x128xf32, #tpu.memory_space<vmem>>, vector<16xf32>,
      %add3A_1155 = arith.addf %add3A_1073, %get3A_1154 : vector<16xf32>
      %get3A_1156 = arith.index_cast %scan3A_1135 : i32 to index
      %get3A_1157 = arith.constant 80 : index
      %get3A_1158 = tpu.vector_load %arg9[%get3A_1156, %get3A_1157] {strides = array<i32>} : memref<100x128xf32, #tpu.memory_space<vmem>>, vector<16xf32>,
      %add3A_1159 = arith.addf %add3A_1077, %get3A_1158 : vector<16xf32>
      %get3A_1160 = arith.index_cast %scan3A_1135 : i32 to index
      %get3A_1161 = arith.constant 96 : index
      %get3A_1162 = tpu.vector_load %arg9[%get3A_1160, %get3A_1161] {strides = array<i32>} : memref<100x128xf32, #tpu.memory_space<vmem>>, vector<16xf32>,
      %add3A_1163 = arith.addf %add3A_1081, %get3A_1162 : vector<16xf32>
      %get3A_1164 = arith.index_cast %scan3A_1135 : i32 to index
      %get3A_1165 = arith.constant 112 : index
      %get3A_1166 = tpu.vector_load %arg9[%get3A_1164, %get3A_1165] {strides = array<i32>} : memref<100x128xf32, #tpu.memory_space<vmem>>, vector<16xf32>,
      %add3A_1167 = arith.addf %add3A_1085, %get3A_1166 : vector<16xf32>
      %add3A_1168 = arith.constant 50 : i32
      %add3A_1169 = arith.addi %add3A_1168, %scan3A_1135 : i32
      %get3A_1170 = arith.index_cast %add3A_1169 : i32 to index
      %get3A_1171 = arith.constant 0 : index
      %get3A_1172 = tpu.vector_load %arg9[%get3A_1170, %get3A_1171] {strides = array<i32>} : memref<100x128xf32, #tpu.memory_space<vmem>>, vector<16xf32>,
      %add3A_1173 = arith.addf %add3A_1091, %get3A_1172 : vector<16xf32>
      %add3A_1174 = arith.constant 50 : i32
      %add3A_1175 = arith.addi %add3A_1174, %scan3A_1135 : i32
      %get3A_1176 = arith.index_cast %add3A_1175 : i32 to index
      %get3A_1177 = arith.constant 16 : index
      %get3A_1178 = tpu.vector_load %arg9[%get3A_1176, %get3A_1177] {strides = array<i32>} : memref<100x128xf32, #tpu.memory_space<vmem>>, vector<16xf32>,
      %add3A_1179 = arith.addf %add3A_1097, %get3A_1178 : vector<16xf32>
      %add3A_1180 = arith.constant 50 : i32
      %add3A_1181 = arith.addi %add3A_1180, %scan3A_1135 : i32
      %get3A_1182 = arith.index_cast %add3A_1181 : i32 to index
      %get3A_1183 = arith.constant 32 : index
      %get3A_1184 = tpu.vector_load %arg9[%get3A_1182, %get3A_1183] {strides = array<i32>} : memref<100x128xf32, #tpu.memory_space<vmem>>, vector<16xf32>,
      %add3A_1185 = arith.addf %add3A_1103, %get3A_1184 : vector<16xf32>
      %add3A_1186 = arith.constant 50 : i32
      %add3A_1187 = arith.addi %add3A_1186, %scan3A_1135 : i32
      %get3A_1188 = arith.index_cast %add3A_1187 : i32 to index
      %get3A_1189 = arith.constant 48 : index
      %get3A_1190 = tpu.vector_load %arg9[%get3A_1188, %get3A_1189] {strides = array<i32>} : memref<100x128xf32, #tpu.memory_space<vmem>>, vector<16xf32>,
      %add3A_1191 = arith.addf %add3A_1109, %get3A_1190 : vector<16xf32>
      %add3A_1192 = arith.constant 50 : i32
      %add3A_1193 = arith.addi %add3A_1192, %scan3A_1135 : i32
      %get3A_1194 = arith.index_cast %add3A_1193 : i32 to index
      %get3A_1195 = arith.constant 64 : index
      %get3A_1196 = tpu.vector_load %arg9[%get3A_1194, %get3A_1195] {strides = array<i32>} : memref<100x128xf32, #tpu.memory_space<vmem>>, vector<16xf32>,
      %add3A_1197 = arith.addf %add3A_1115, %get3A_1196 : vector<16xf32>
      %add3A_1198 = arith.constant 50 : i32
      %add3A_1199 = arith.addi %add3A_1198, %scan3A_1135 : i32
      %get3A_1200 = arith.index_cast %add3A_1199 : i32 to index
      %get3A_1201 = arith.constant 80 : index
      %get3A_1202 = tpu.vector_load %arg9[%get3A_1200, %get3A_1201] {strides = array<i32>} : memref<100x128xf32, #tpu.memory_space<vmem>>, vector<16xf32>,
      %add3A_1203 = arith.addf %add3A_1121, %get3A_1202 : vector<16xf32>
      %add3A_1204 = arith.constant 50 : i32
      %add3A_1205 = arith.addi %add3A_1204, %scan3A_1135 : i32
      %get3A_1206 = arith.index_cast %add3A_1205 : i32 to index
      %get3A_1207 = arith.constant 96 : index
      %get3A_1208 = tpu.vector_load %arg9[%get3A_1206, %get3A_1207] {strides = array<i32>} : memref<100x128xf32, #tpu.memory_space<vmem>>, vector<16xf32>,
      %add3A_1209 = arith.addf %add3A_1127, %get3A_1208 : vector<16xf32>
      %add3A_1210 = arith.constant 50 : i32
      %add3A_1211 = arith.addi %add3A_1210, %scan3A_1135 : i32
      %get3A_1212 = arith.index_cast %add3A_1211 : i32 to index
      %get3A_1213 = arith.constant 112 : index
      %get3A_1214 = tpu.vector_load %arg9[%get3A_1212, %get3A_1213] {strides = array<i32>} : memref<100x128xf32, #tpu.memory_space<vmem>>, vector<16xf32>,
      %add3A_1215 = arith.addf %add3A_1133, %get3A_1214 : vector<16xf32>
      scf.yield %add3A_1139, %add3A_1143, %add3A_1147, %add3A_1151, %add3A_1155, %add3A_1159, %add3A_1163, %add3A_1167, %add3A_1173, %add3A_1179, %add3A_1185, %add3A_1191, %add3A_1197, %add3A_1203, %add3A_1209, %add3A_1215 : vector<16xf32>, vector<16xf32>, vector<16xf32>, vector<16xf32>, vector<16xf32>, vector<16xf32>, vector<16xf32>, vector<16xf32>, vector<16xf32>, vector<16xf32>, vector<16xf32>, vector<16xf32>, vector<16xf32>, vector<16xf32>, vector<16xf32>, vector<16xf32>
    }
    %scan3A_331 = arith.constant 48 : i32
    %scan3A_332 = arith.addi %scan3A_326, %scan3A_331 : i32
    %get3A_333 = arith.index_cast %scan3A_332 : i32 to index
    %get3A_334 = arith.constant 0 : index
    %get3A_335 = tpu.vector_load %arg9[%get3A_333, %get3A_334] {strides = array<i32>} : memref<100x128xf32, #tpu.memory_space<vmem>>, vector<16xf32>,
    %add3A_336 = arith.addf %scan3A_330#0, %get3A_335 : vector<16xf32>
    %get3A_337 = arith.index_cast %scan3A_332 : i32 to index
    %get3A_338 = arith.constant 16 : index
    %get3A_339 = tpu.vector_load %arg9[%get3A_337, %get3A_338] {strides = array<i32>} : memref<100x128xf32, #tpu.memory_space<vmem>>, vector<16xf32>,
    %add3A_340 = arith.addf %scan3A_330#1, %get3A_339 : vector<16xf32>
    %get3A_341 = arith.index_cast %scan3A_332 : i32 to index
    %get3A_342 = arith.constant 32 : index
    %get3A_343 = tpu.vector_load %arg9[%get3A_341, %get3A_342] {strides = array<i32>} : memref<100x128xf32, #tpu.memory_space<vmem>>, vector<16xf32>,
    %add3A_344 = arith.addf %scan3A_330#2, %get3A_343 : vector<16xf32>
    %get3A_345 = arith.index_cast %scan3A_332 : i32 to index
    %get3A_346 = arith.constant 48 : index
    %get3A_347 = tpu.vector_load %arg9[%get3A_345, %get3A_346] {strides = array<i32>} : memref<100x128xf32, #tpu.memory_space<vmem>>, vector<16xf32>,
    %add3A_348 = arith.addf %scan3A_330#3, %get3A_347 : vector<16xf32>
    %get3A_349 = arith.index_cast %scan3A_332 : i32 to index
    %get3A_350 = arith.constant 64 : index
    %get3A_351 = tpu.vector_load %arg9[%get3A_349, %get3A_350] {strides = array<i32>} : memref<100x128xf32, #tpu.memory_space<vmem>>, vector<16xf32>,
    %add3A_352 = arith.addf %scan3A_330#4, %get3A_351 : vector<16xf32>
    %get3A_353 = arith.index_cast %scan3A_332 : i32 to index
    %get3A_354 = arith.constant 80 : index
    %get3A_355 = tpu.vector_load %arg9[%get3A_353, %get3A_354] {strides = array<i32>} : memref<100x128xf32, #tpu.memory_space<vmem>>, vector<16xf32>,
    %add3A_356 = arith.addf %scan3A_330#5, %get3A_355 : vector<16xf32>
    %get3A_357 = arith.index_cast %scan3A_332 : i32 to index
    %get3A_358 = arith.constant 96 : index
    %get3A_359 = tpu.vector_load %arg9[%get3A_357, %get3A_358] {strides = array<i32>} : memref<100x128xf32, #tpu.memory_space<vmem>>, vector<16xf32>,
    %add3A_360 = arith.addf %scan3A_330#6, %get3A_359 : vector<16xf32>
    %get3A_361 = arith.index_cast %scan3A_332 : i32 to index
    %get3A_362 = arith.constant 112 : index
    %get3A_363 = tpu.vector_load %arg9[%get3A_361, %get3A_362] {strides = array<i32>} : memref<100x128xf32, #tpu.memory_space<vmem>>, vector<16xf32>,
    %add3A_364 = arith.addf %scan3A_330#7, %get3A_363 : vector<16xf32>
    %add3A_365 = arith.constant 50 : i32
    %add3A_366 = arith.addi %add3A_365, %scan3A_332 : i32
    %get3A_367 = arith.index_cast %add3A_366 : i32 to index
    %get3A_368 = arith.constant 0 : index
    %get3A_369 = tpu.vector_load %arg9[%get3A_367, %get3A_368] {strides = array<i32>} : memref<100x128xf32, #tpu.memory_space<vmem>>, vector<16xf32>,
    %add3A_370 = arith.addf %scan3A_330#8, %get3A_369 : vector<16xf32>
    %add3A_371 = arith.constant 50 : i32
    %add3A_372 = arith.addi %add3A_371, %scan3A_332 : i32
    %get3A_373 = arith.index_cast %add3A_372 : i32 to index
    %get3A_374 = arith.constant 16 : index
    %get3A_375 = tpu.vector_load %arg9[%get3A_373, %get3A_374] {strides = array<i32>} : memref<100x128xf32, #tpu.memory_space<vmem>>, vector<16xf32>,
    %add3A_376 = arith.addf %scan3A_330#9, %get3A_375 : vector<16xf32>
    %add3A_377 = arith.constant 50 : i32
    %add3A_378 = arith.addi %add3A_377, %scan3A_332 : i32
    %get3A_379 = arith.index_cast %add3A_378 : i32 to index
    %get3A_380 = arith.constant 32 : index
    %get3A_381 = tpu.vector_load %arg9[%get3A_379, %get3A_380] {strides = array<i32>} : memref<100x128xf32, #tpu.memory_space<vmem>>, vector<16xf32>,
    %add3A_382 = arith.addf %scan3A_330#10, %get3A_381 : vector<16xf32>
    %add3A_383 = arith.constant 50 : i32
    %add3A_384 = arith.addi %add3A_383, %scan3A_332 : i32
    %get3A_385 = arith.index_cast %add3A_384 : i32 to index
    %get3A_386 = arith.constant 48 : index
    %get3A_387 = tpu.vector_load %arg9[%get3A_385, %get3A_386] {strides = array<i32>} : memref<100x128xf32, #tpu.memory_space<vmem>>, vector<16xf32>,
    %add3A_388 = arith.addf %scan3A_330#11, %get3A_387 : vector<16xf32>
    %add3A_389 = arith.constant 50 : i32
    %add3A_390 = arith.addi %add3A_389, %scan3A_332 : i32
    %get3A_391 = arith.index_cast %add3A_390 : i32 to index
    %get3A_392 = arith.constant 64 : index
    %get3A_393 = tpu.vector_load %arg9[%get3A_391, %get3A_392] {strides = array<i32>} : memref<100x128xf32, #tpu.memory_space<vmem>>, vector<16xf32>,
    %add3A_394 = arith.addf %scan3A_330#12, %get3A_393 : vector<16xf32>
    %add3A_395 = arith.constant 50 : i32
    %add3A_396 = arith.addi %add3A_395, %scan3A_332 : i32
    %get3A_397 = arith.index_cast %add3A_396 : i32 to index
    %get3A_398 = arith.constant 80 : index
    %get3A_399 = tpu.vector_load %arg9[%get3A_397, %get3A_398] {strides = array<i32>} : memref<100x128xf32, #tpu.memory_space<vmem>>, vector<16xf32>,
    %add3A_400 = arith.addf %scan3A_330#13, %get3A_399 : vector<16xf32>
    %add3A_401 = arith.constant 50 : i32
    %add3A_402 = arith.addi %add3A_401, %scan3A_332 : i32
    %get3A_403 = arith.index_cast %add3A_402 : i32 to index
    %get3A_404 = arith.constant 96 : index
    %get3A_405 = tpu.vector_load %arg9[%get3A_403, %get3A_404] {strides = array<i32>} : memref<100x128xf32, #tpu.memory_space<vmem>>, vector<16xf32>,
    %add3A_406 = arith.addf %scan3A_330#14, %get3A_405 : vector<16xf32>
    %add3A_407 = arith.constant 50 : i32
    %add3A_408 = arith.addi %add3A_407, %scan3A_332 : i32
    %get3A_409 = arith.index_cast %add3A_408 : i32 to index
    %get3A_410 = arith.constant 112 : index
    %get3A_411 = tpu.vector_load %arg9[%get3A_409, %get3A_410] {strides = array<i32>} : memref<100x128xf32, #tpu.memory_space<vmem>>, vector<16xf32>,
    %add3A_412 = arith.addf %scan3A_330#15, %get3A_411 : vector<16xf32>
    %scan3A_413 = arith.constant 49 : i32
    %mul3A_414 = arith.mulf %add3A_336, %add3A_370 : vector<16xf32>
    %mul3A_415 = arith.mulf %add3A_336, %add3A_336 : vector<16xf32>
    %mul3A_416 = arith.mulf %add3A_370, %add3A_370 : vector<16xf32>
    %mul3A_417 = arith.mulf %add3A_340, %add3A_376 : vector<16xf32>
    %add3A_418 = arith.addf %mul3A_414, %mul3A_417 : vector<16xf32>
    %mul3A_419 = arith.mulf %add3A_340, %add3A_340 : vector<16xf32>
    %add3A_420 = arith.addf %mul3A_415, %mul3A_419 : vector<16xf32>
    %mul3A_421 = arith.mulf %add3A_376, %add3A_376 : vector<16xf32>
    %add3A_422 = arith.addf %mul3A_416, %mul3A_421 : vector<16xf32>
    %mul3A_423 = arith.mulf %add3A_344, %add3A_382 : vector<16xf32>
    %add3A_424 = arith.addf %add3A_418, %mul3A_423 : vector<16xf32>
    %mul3A_425 = arith.mulf %add3A_344, %add3A_344 : vector<16xf32>
    %add3A_426 = arith.addf %add3A_420, %mul3A_425 : vector<16xf32>
    %mul3A_427 = arith.mulf %add3A_382, %add3A_382 : vector<16xf32>
    %add3A_428 = arith.addf %add3A_422, %mul3A_427 : vector<16xf32>
    %mul3A_429 = arith.mulf %add3A_348, %add3A_388 : vector<16xf32>
    %add3A_430 = arith.addf %add3A_424, %mul3A_429 : vector<16xf32>
    %mul3A_431 = arith.mulf %add3A_348, %add3A_348 : vector<16xf32>
    %add3A_432 = arith.addf %add3A_426, %mul3A_431 : vector<16xf32>
    %mul3A_433 = arith.mulf %add3A_388, %add3A_388 : vector<16xf32>
    %add3A_434 = arith.addf %add3A_428, %mul3A_433 : vector<16xf32>
    %mul3A_435 = arith.mulf %add3A_352, %add3A_394 : vector<16xf32>
    %add3A_436 = arith.addf %add3A_430, %mul3A_435 : vector<16xf32>
    %mul3A_437 = arith.mulf %add3A_352, %add3A_352 : vector<16xf32>
    %add3A_438 = arith.addf %add3A_432, %mul3A_437 : vector<16xf32>
    %mul3A_439 = arith.mulf %add3A_394, %add3A_394 : vector<16xf32>
    %add3A_440 = arith.addf %add3A_434, %mul3A_439 : vector<16xf32>
    %mul3A_441 = arith.mulf %add3A_356, %add3A_400 : vector<16xf32>
    %add3A_442 = arith.addf %add3A_436, %mul3A_441 : vector<16xf32>
    %mul3A_443 = arith.mulf %add3A_356, %add3A_356 : vector<16xf32>
    %add3A_444 = arith.addf %add3A_438, %mul3A_443 : vector<16xf32>
    %mul3A_445 = arith.mulf %add3A_400, %add3A_400 : vector<16xf32>
    %add3A_446 = arith.addf %add3A_440, %mul3A_445 : vector<16xf32>
    %mul3A_447 = arith.mulf %add3A_360, %add3A_406 : vector<16xf32>
    %add3A_448 = arith.addf %add3A_442, %mul3A_447 : vector<16xf32>
    %mul3A_449 = arith.mulf %add3A_360, %add3A_360 : vector<16xf32>
    %add3A_450 = arith.addf %add3A_444, %mul3A_449 : vector<16xf32>
    %mul3A_451 = arith.mulf %add3A_406, %add3A_406 : vector<16xf32>
    %add3A_452 = arith.addf %add3A_446, %mul3A_451 : vector<16xf32>
    %mul3A_453 = arith.mulf %add3A_364, %add3A_412 : vector<16xf32>
    %add3A_454 = arith.addf %add3A_448, %mul3A_453 : vector<16xf32>
    %mul3A_455 = arith.mulf %add3A_364, %add3A_364 : vector<16xf32>
    %add3A_456 = arith.addf %add3A_450, %mul3A_455 : vector<16xf32>
    %mul3A_457 = arith.mulf %add3A_412, %add3A_412 : vector<16xf32>
    %add3A_458 = arith.addf %add3A_452, %mul3A_457 : vector<16xf32>
    %iota3A_459 = tpu.iota {dimensions = array<i32: 0>} : vector<16xi32>
    %eq3A_460 = arith.constant 15 : i32
    %eq3A_461 = vector.broadcast %eq3A_460 : i32 to vector<16xi32>
    %eq3A_462 = arith.cmpi eq, %iota3A_459, %eq3A_461 : vector<16xi32>
    %broadcast_in_dim3A_463 = arith.constant 127 : i32
    %broadcast_in_dim3A_464 = vector.broadcast %broadcast_in_dim3A_463 : i32 to vector<16xi32>
    %cumsum3A_465 = arith.constant true
    %cumsum3A_466 = vector.broadcast %cumsum3A_465 : i1 to vector<16xi1>
    %cumsum3A_467 = tpu.scan <sum>, %add3A_454 masked %cumsum3A_466 : vector<16xf32>, vector<16xi1> -> vector<16xf32>
    tpu.vector_store_idx %arg14[%broadcast_in_dim3A_464], %cumsum3A_467 masked %eq3A_462 : memref<128xf32, #tpu.memory_space<vmem>>[vector<16xi32>], vector<16xf32>, vector<16xi1>
    %cumsum3A_468 = arith.constant true
    %cumsum3A_469 = vector.broadcast %cumsum3A_468 : i1 to vector<16xi1>
    %cumsum3A_470 = tpu.scan <sum>, %add3A_456 masked %cumsum3A_469 : vector<16xf32>, vector<16xi1> -> vector<16xf32>
    tpu.vector_store_idx %arg15[%broadcast_in_dim3A_464], %cumsum3A_470 masked %eq3A_462 : memref<128xf32, #tpu.memory_space<vmem>>[vector<16xi32>], vector<16xf32>, vector<16xi1>
    %cumsum3A_471 = arith.constant true
    %cumsum3A_472 = vector.broadcast %cumsum3A_471 : i1 to vector<16xi1>
    %cumsum3A_473 = tpu.scan <sum>, %add3A_458 masked %cumsum3A_472 : vector<16xf32>, vector<16xi1> -> vector<16xf32>
    tpu.vector_store_idx %arg16[%broadcast_in_dim3A_464], %cumsum3A_473 masked %eq3A_462 : memref<128xf32, #tpu.memory_space<vmem>>[vector<16xi32>], vector<16xf32>, vector<16xi1>
    %get3A_474 = arith.constant 0 : index
    %get3A_475 = tpu.vector_load %arg19[%get3A_474] {strides = array<i32>} : memref<16xf32, #tpu.memory_space<vmem>>, vector<16xf32>,
    %slice3A = vector.extract_strided_slice %get3A_475 {offsets = [0], sizes = [1], strides = [1]} : vector<16xf32> to vector<1xf32>
    %squeeze3A = vector.extract %slice3A[0] : f32 from vector<1xf32>
    %slice3A_476 = vector.extract_strided_slice %get3A_475 {offsets = [1], sizes = [1], strides = [1]} : vector<16xf32> to vector<1xf32>
    %squeeze3A_477 = vector.extract %slice3A_476[0] : f32 from vector<1xf32>
    %slice3A_478 = vector.extract_strided_slice %get3A_475 {offsets = [2], sizes = [1], strides = [1]} : vector<16xf32> to vector<1xf32>
    %squeeze3A_479 = vector.extract %slice3A_478[0] : f32 from vector<1xf32>
    %slice3A_480 = vector.extract_strided_slice %get3A_475 {offsets = [3], sizes = [1], strides = [1]} : vector<16xf32> to vector<1xf32>
    %squeeze3A_481 = vector.extract %slice3A_480[0] : f32 from vector<1xf32>
    %get3A_482 = arith.constant 0 : index
    %get3A_483 = tpu.vector_load %arg14[%get3A_482] {strides = array<i32>} : memref<128xf32, #tpu.memory_space<vmem>>, vector<16xf32>,
    %mul3A_484 = arith.constant 4.000000e-04 : f32
    %mul3A_485 = vector.broadcast %mul3A_484 : f32 to vector<16xf32>
    %mul3A_486 = arith.mulf %get3A_483, %mul3A_485 : vector<16xf32>
    %get3A_487 = arith.constant 0 : index
    %get3A_488 = tpu.vector_load %arg15[%get3A_487] {strides = array<i32>} : memref<128xf32, #tpu.memory_space<vmem>>, vector<16xf32>,
    %mul3A_489 = arith.constant 4.000000e-04 : f32
    %mul3A_490 = vector.broadcast %mul3A_489 : f32 to vector<16xf32>
    %mul3A_491 = arith.mulf %get3A_488, %mul3A_490 : vector<16xf32>
    %max3A = arith.constant 1.000000e-16 : f32
    %max3A_492 = vector.broadcast %max3A : f32 to vector<16xf32>
    %max3A_493 = arith.maximumf %mul3A_491, %max3A_492 : vector<16xf32>
    %get3A_494 = arith.constant 0 : index
    %get3A_495 = tpu.vector_load %arg16[%get3A_494] {strides = array<i32>} : memref<128xf32, #tpu.memory_space<vmem>>, vector<16xf32>,
    %mul3A_496 = arith.constant 4.000000e-04 : f32
    %mul3A_497 = vector.broadcast %mul3A_496 : f32 to vector<16xf32>
    %mul3A_498 = arith.mulf %get3A_495, %mul3A_497 : vector<16xf32>
    %max3A_499 = arith.constant 1.000000e-16 : f32
    %max3A_500 = vector.broadcast %max3A_499 : f32 to vector<16xf32>
    %max3A_501 = arith.maximumf %mul3A_498, %max3A_500 : vector<16xf32>
    %mul3A_502 = arith.mulf %max3A_493, %max3A_501 : vector<16xf32>
    %bitcast_convert_type3A = tpu.bitcast %mul3A_502 : vector<16xf32> -> vector<16xi32>
    %shift_right_arithmetic3A = arith.constant 1 : i32
    %shift_right_arithmetic3A_503 = vector.broadcast %shift_right_arithmetic3A : i32 to vector<16xi32>
    %shift_right_arithmetic3A_504 = arith.shrsi %bitcast_convert_type3A, %shift_right_arithmetic3A_503 : vector<16xi32>
    %sub3A = arith.constant 1597463007 : i32
    %sub3A_505 = vector.broadcast %sub3A : i32 to vector<16xi32>
    %sub3A_506 = arith.subi %sub3A_505, %shift_right_arithmetic3A_504 : vector<16xi32>
    %bitcast_convert_type3A_507 = tpu.bitcast %sub3A_506 : vector<16xi32> -> vector<16xf32>
    %mul3A_508 = arith.constant 5.000000e-01 : f32
    %mul3A_509 = vector.broadcast %mul3A_508 : f32 to vector<16xf32>
    %mul3A_510 = arith.mulf %mul3A_509, %mul3A_502 : vector<16xf32>
    %mul3A_511 = arith.mulf %mul3A_510, %bitcast_convert_type3A_507 : vector<16xf32>
    %mul3A_512 = arith.mulf %mul3A_511, %bitcast_convert_type3A_507 : vector<16xf32>
    %sub3A_513 = arith.constant 1.500000e+00 : f32
    %sub3A_514 = vector.broadcast %sub3A_513 : f32 to vector<16xf32>
    %sub3A_515 = arith.subf %sub3A_514, %mul3A_512 : vector<16xf32>
    %mul3A_516 = arith.mulf %bitcast_convert_type3A_507, %sub3A_515 : vector<16xf32>
    %mul3A_517 = arith.constant 5.000000e-01 : f32
    %mul3A_518 = vector.broadcast %mul3A_517 : f32 to vector<16xf32>
    %mul3A_519 = arith.mulf %mul3A_518, %mul3A_502 : vector<16xf32>
    %mul3A_520 = arith.mulf %mul3A_519, %mul3A_516 : vector<16xf32>
    %mul3A_521 = arith.mulf %mul3A_520, %mul3A_516 : vector<16xf32>
    %sub3A_522 = arith.constant 1.500000e+00 : f32
    %sub3A_523 = vector.broadcast %sub3A_522 : f32 to vector<16xf32>
    %sub3A_524 = arith.subf %sub3A_523, %mul3A_521 : vector<16xf32>
    %mul3A_525 = arith.mulf %mul3A_516, %sub3A_524 : vector<16xf32>
    %mul3A_526 = arith.constant 5.000000e-01 : f32
    %mul3A_527 = vector.broadcast %mul3A_526 : f32 to vector<16xf32>
    %mul3A_528 = arith.mulf %mul3A_527, %mul3A_502 : vector<16xf32>
    %mul3A_529 = arith.mulf %mul3A_528, %mul3A_525 : vector<16xf32>
    %mul3A_530 = arith.mulf %mul3A_529, %mul3A_525 : vector<16xf32>
    %sub3A_531 = arith.constant 1.500000e+00 : f32
    %sub3A_532 = vector.broadcast %sub3A_531 : f32 to vector<16xf32>
    %sub3A_533 = arith.subf %sub3A_532, %mul3A_530 : vector<16xf32>
    %mul3A_534 = arith.mulf %mul3A_525, %sub3A_533 : vector<16xf32>
    %mul3A_535 = arith.mulf %mul3A_486, %mul3A_534 : vector<16xf32>
    %mul3A_536 = vector.broadcast %squeeze3A : f32 to vector<16xf32>
    %mul3A_537 = arith.mulf %mul3A_535, %mul3A_536 : vector<16xf32>
    %add3A_538 = vector.broadcast %squeeze3A_479 : f32 to vector<16xf32>
    %add3A_539 = arith.addf %mul3A_537, %add3A_538 : vector<16xf32>
    %swap3A = arith.constant 0 : index
    %swap3A_540 = tpu.vector_load %arg17[%swap3A] {strides = array<i32>} : memref<128xf32, #tpu.memory_space<vmem>>, vector<16xf32>,
    tpu.vector_store %arg17[%swap3A], %add3A_539 {strides = array<i32>} : memref<128xf32, #tpu.memory_space<vmem>>, vector<16xf32>,
    %mul3A_541 = vector.broadcast %squeeze3A_477 : f32 to vector<16xf32>
    %mul3A_542 = arith.mulf %mul3A_535, %mul3A_541 : vector<16xf32>
    %add3A_543 = vector.broadcast %squeeze3A_481 : f32 to vector<16xf32>
    %add3A_544 = arith.addf %mul3A_542, %add3A_543 : vector<16xf32>
    %swap3A_545 = arith.constant 0 : index
    %swap3A_546 = tpu.vector_load %arg18[%swap3A_545] {strides = array<i32>} : memref<128xf32, #tpu.memory_space<vmem>>, vector<16xf32>,
    tpu.vector_store %arg18[%swap3A_545], %add3A_544 {strides = array<i32>} : memref<128xf32, #tpu.memory_space<vmem>>, vector<16xf32>,
    %get3A_547 = arith.constant 16 : index
    %get3A_548 = tpu.vector_load %arg14[%get3A_547] {strides = array<i32>} : memref<128xf32, #tpu.memory_space<vmem>>, vector<16xf32>,
    %mul3A_549 = arith.constant 4.000000e-04 : f32
    %mul3A_550 = vector.broadcast %mul3A_549 : f32 to vector<16xf32>
    %mul3A_551 = arith.mulf %get3A_548, %mul3A_550 : vector<16xf32>
    %get3A_552 = arith.constant 16 : index
    %get3A_553 = tpu.vector_load %arg15[%get3A_552] {strides = array<i32>} : memref<128xf32, #tpu.memory_space<vmem>>, vector<16xf32>,
    %mul3A_554 = arith.constant 4.000000e-04 : f32
    %mul3A_555 = vector.broadcast %mul3A_554 : f32 to vector<16xf32>
    %mul3A_556 = arith.mulf %get3A_553, %mul3A_555 : vector<16xf32>
    %max3A_557 = arith.constant 1.000000e-16 : f32
    %max3A_558 = vector.broadcast %max3A_557 : f32 to vector<16xf32>
    %max3A_559 = arith.maximumf %mul3A_556, %max3A_558 : vector<16xf32>
    %get3A_560 = arith.constant 16 : index
    %get3A_561 = tpu.vector_load %arg16[%get3A_560] {strides = array<i32>} : memref<128xf32, #tpu.memory_space<vmem>>, vector<16xf32>,
    %mul3A_562 = arith.constant 4.000000e-04 : f32
    %mul3A_563 = vector.broadcast %mul3A_562 : f32 to vector<16xf32>
    %mul3A_564 = arith.mulf %get3A_561, %mul3A_563 : vector<16xf32>
    %max3A_565 = arith.constant 1.000000e-16 : f32
    %max3A_566 = vector.broadcast %max3A_565 : f32 to vector<16xf32>
    %max3A_567 = arith.maximumf %mul3A_564, %max3A_566 : vector<16xf32>
    %mul3A_568 = arith.mulf %max3A_559, %max3A_567 : vector<16xf32>
    %bitcast_convert_type3A_569 = tpu.bitcast %mul3A_568 : vector<16xf32> -> vector<16xi32>
    %shift_right_arithmetic3A_570 = arith.constant 1 : i32
    %shift_right_arithmetic3A_571 = vector.broadcast %shift_right_arithmetic3A_570 : i32 to vector<16xi32>
    %shift_right_arithmetic3A_572 = arith.shrsi %bitcast_convert_type3A_569, %shift_right_arithmetic3A_571 : vector<16xi32>
    %sub3A_573 = arith.constant 1597463007 : i32
    %sub3A_574 = vector.broadcast %sub3A_573 : i32 to vector<16xi32>
    %sub3A_575 = arith.subi %sub3A_574, %shift_right_arithmetic3A_572 : vector<16xi32>
    %bitcast_convert_type3A_576 = tpu.bitcast %sub3A_575 : vector<16xi32> -> vector<16xf32>
    %mul3A_577 = arith.constant 5.000000e-01 : f32
    %mul3A_578 = vector.broadcast %mul3A_577 : f32 to vector<16xf32>
    %mul3A_579 = arith.mulf %mul3A_578, %mul3A_568 : vector<16xf32>
    %mul3A_580 = arith.mulf %mul3A_579, %bitcast_convert_type3A_576 : vector<16xf32>
    %mul3A_581 = arith.mulf %mul3A_580, %bitcast_convert_type3A_576 : vector<16xf32>
    %sub3A_582 = arith.constant 1.500000e+00 : f32
    %sub3A_583 = vector.broadcast %sub3A_582 : f32 to vector<16xf32>
    %sub3A_584 = arith.subf %sub3A_583, %mul3A_581 : vector<16xf32>
    %mul3A_585 = arith.mulf %bitcast_convert_type3A_576, %sub3A_584 : vector<16xf32>
    %mul3A_586 = arith.constant 5.000000e-01 : f32
    %mul3A_587 = vector.broadcast %mul3A_586 : f32 to vector<16xf32>
    %mul3A_588 = arith.mulf %mul3A_587, %mul3A_568 : vector<16xf32>
    %mul3A_589 = arith.mulf %mul3A_588, %mul3A_585 : vector<16xf32>
    %mul3A_590 = arith.mulf %mul3A_589, %mul3A_585 : vector<16xf32>
    %sub3A_591 = arith.constant 1.500000e+00 : f32
    %sub3A_592 = vector.broadcast %sub3A_591 : f32 to vector<16xf32>
    %sub3A_593 = arith.subf %sub3A_592, %mul3A_590 : vector<16xf32>
    %mul3A_594 = arith.mulf %mul3A_585, %sub3A_593 : vector<16xf32>
    %mul3A_595 = arith.constant 5.000000e-01 : f32
    %mul3A_596 = vector.broadcast %mul3A_595 : f32 to vector<16xf32>
    %mul3A_597 = arith.mulf %mul3A_596, %mul3A_568 : vector<16xf32>
    %mul3A_598 = arith.mulf %mul3A_597, %mul3A_594 : vector<16xf32>
    %mul3A_599 = arith.mulf %mul3A_598, %mul3A_594 : vector<16xf32>
    %sub3A_600 = arith.constant 1.500000e+00 : f32
    %sub3A_601 = vector.broadcast %sub3A_600 : f32 to vector<16xf32>
    %sub3A_602 = arith.subf %sub3A_601, %mul3A_599 : vector<16xf32>
    %mul3A_603 = arith.mulf %mul3A_594, %sub3A_602 : vector<16xf32>
    %mul3A_604 = arith.mulf %mul3A_551, %mul3A_603 : vector<16xf32>
    %mul3A_605 = vector.broadcast %squeeze3A : f32 to vector<16xf32>
    %mul3A_606 = arith.mulf %mul3A_604, %mul3A_605 : vector<16xf32>
    %add3A_607 = vector.broadcast %squeeze3A_479 : f32 to vector<16xf32>
    %add3A_608 = arith.addf %mul3A_606, %add3A_607 : vector<16xf32>
    %swap3A_609 = arith.constant 16 : index
    %swap3A_610 = tpu.vector_load %arg17[%swap3A_609] {strides = array<i32>} : memref<128xf32, #tpu.memory_space<vmem>>, vector<16xf32>,
    tpu.vector_store %arg17[%swap3A_609], %add3A_608 {strides = array<i32>} : memref<128xf32, #tpu.memory_space<vmem>>, vector<16xf32>,
    %mul3A_611 = vector.broadcast %squeeze3A_477 : f32 to vector<16xf32>
    %mul3A_612 = arith.mulf %mul3A_604, %mul3A_611 : vector<16xf32>
    %add3A_613 = vector.broadcast %squeeze3A_481 : f32 to vector<16xf32>
    %add3A_614 = arith.addf %mul3A_612, %add3A_613 : vector<16xf32>
    %swap3A_615 = arith.constant 16 : index
    %swap3A_616 = tpu.vector_load %arg18[%swap3A_615] {strides = array<i32>} : memref<128xf32, #tpu.memory_space<vmem>>, vector<16xf32>,
    tpu.vector_store %arg18[%swap3A_615], %add3A_614 {strides = array<i32>} : memref<128xf32, #tpu.memory_space<vmem>>, vector<16xf32>,
    %get3A_617 = arith.constant 32 : index
    %get3A_618 = tpu.vector_load %arg14[%get3A_617] {strides = array<i32>} : memref<128xf32, #tpu.memory_space<vmem>>, vector<16xf32>,
    %mul3A_619 = arith.constant 4.000000e-04 : f32
    %mul3A_620 = vector.broadcast %mul3A_619 : f32 to vector<16xf32>
    %mul3A_621 = arith.mulf %get3A_618, %mul3A_620 : vector<16xf32>
    %get3A_622 = arith.constant 32 : index
    %get3A_623 = tpu.vector_load %arg15[%get3A_622] {strides = array<i32>} : memref<128xf32, #tpu.memory_space<vmem>>, vector<16xf32>,
    %mul3A_624 = arith.constant 4.000000e-04 : f32
    %mul3A_625 = vector.broadcast %mul3A_624 : f32 to vector<16xf32>
    %mul3A_626 = arith.mulf %get3A_623, %mul3A_625 : vector<16xf32>
    %max3A_627 = arith.constant 1.000000e-16 : f32
    %max3A_628 = vector.broadcast %max3A_627 : f32 to vector<16xf32>
    %max3A_629 = arith.maximumf %mul3A_626, %max3A_628 : vector<16xf32>
    %get3A_630 = arith.constant 32 : index
    %get3A_631 = tpu.vector_load %arg16[%get3A_630] {strides = array<i32>} : memref<128xf32, #tpu.memory_space<vmem>>, vector<16xf32>,
    %mul3A_632 = arith.constant 4.000000e-04 : f32
    %mul3A_633 = vector.broadcast %mul3A_632 : f32 to vector<16xf32>
    %mul3A_634 = arith.mulf %get3A_631, %mul3A_633 : vector<16xf32>
    %max3A_635 = arith.constant 1.000000e-16 : f32
    %max3A_636 = vector.broadcast %max3A_635 : f32 to vector<16xf32>
    %max3A_637 = arith.maximumf %mul3A_634, %max3A_636 : vector<16xf32>
    %mul3A_638 = arith.mulf %max3A_629, %max3A_637 : vector<16xf32>
    %bitcast_convert_type3A_639 = tpu.bitcast %mul3A_638 : vector<16xf32> -> vector<16xi32>
    %shift_right_arithmetic3A_640 = arith.constant 1 : i32
    %shift_right_arithmetic3A_641 = vector.broadcast %shift_right_arithmetic3A_640 : i32 to vector<16xi32>
    %shift_right_arithmetic3A_642 = arith.shrsi %bitcast_convert_type3A_639, %shift_right_arithmetic3A_641 : vector<16xi32>
    %sub3A_643 = arith.constant 1597463007 : i32
    %sub3A_644 = vector.broadcast %sub3A_643 : i32 to vector<16xi32>
    %sub3A_645 = arith.subi %sub3A_644, %shift_right_arithmetic3A_642 : vector<16xi32>
    %bitcast_convert_type3A_646 = tpu.bitcast %sub3A_645 : vector<16xi32> -> vector<16xf32>
    %mul3A_647 = arith.constant 5.000000e-01 : f32
    %mul3A_648 = vector.broadcast %mul3A_647 : f32 to vector<16xf32>
    %mul3A_649 = arith.mulf %mul3A_648, %mul3A_638 : vector<16xf32>
    %mul3A_650 = arith.mulf %mul3A_649, %bitcast_convert_type3A_646 : vector<16xf32>
    %mul3A_651 = arith.mulf %mul3A_650, %bitcast_convert_type3A_646 : vector<16xf32>
    %sub3A_652 = arith.constant 1.500000e+00 : f32
    %sub3A_653 = vector.broadcast %sub3A_652 : f32 to vector<16xf32>
    %sub3A_654 = arith.subf %sub3A_653, %mul3A_651 : vector<16xf32>
    %mul3A_655 = arith.mulf %bitcast_convert_type3A_646, %sub3A_654 : vector<16xf32>
    %mul3A_656 = arith.constant 5.000000e-01 : f32
    %mul3A_657 = vector.broadcast %mul3A_656 : f32 to vector<16xf32>
    %mul3A_658 = arith.mulf %mul3A_657, %mul3A_638 : vector<16xf32>
    %mul3A_659 = arith.mulf %mul3A_658, %mul3A_655 : vector<16xf32>
    %mul3A_660 = arith.mulf %mul3A_659, %mul3A_655 : vector<16xf32>
    %sub3A_661 = arith.constant 1.500000e+00 : f32
    %sub3A_662 = vector.broadcast %sub3A_661 : f32 to vector<16xf32>
    %sub3A_663 = arith.subf %sub3A_662, %mul3A_660 : vector<16xf32>
    %mul3A_664 = arith.mulf %mul3A_655, %sub3A_663 : vector<16xf32>
    %mul3A_665 = arith.constant 5.000000e-01 : f32
    %mul3A_666 = vector.broadcast %mul3A_665 : f32 to vector<16xf32>
    %mul3A_667 = arith.mulf %mul3A_666, %mul3A_638 : vector<16xf32>
    %mul3A_668 = arith.mulf %mul3A_667, %mul3A_664 : vector<16xf32>
    %mul3A_669 = arith.mulf %mul3A_668, %mul3A_664 : vector<16xf32>
    %sub3A_670 = arith.constant 1.500000e+00 : f32
    %sub3A_671 = vector.broadcast %sub3A_670 : f32 to vector<16xf32>
    %sub3A_672 = arith.subf %sub3A_671, %mul3A_669 : vector<16xf32>
    %mul3A_673 = arith.mulf %mul3A_664, %sub3A_672 : vector<16xf32>
    %mul3A_674 = arith.mulf %mul3A_621, %mul3A_673 : vector<16xf32>
    %mul3A_675 = vector.broadcast %squeeze3A : f32 to vector<16xf32>
    %mul3A_676 = arith.mulf %mul3A_674, %mul3A_675 : vector<16xf32>
    %add3A_677 = vector.broadcast %squeeze3A_479 : f32 to vector<16xf32>
    %add3A_678 = arith.addf %mul3A_676, %add3A_677 : vector<16xf32>
    %swap3A_679 = arith.constant 32 : index
    %swap3A_680 = tpu.vector_load %arg17[%swap3A_679] {strides = array<i32>} : memref<128xf32, #tpu.memory_space<vmem>>, vector<16xf32>,
    tpu.vector_store %arg17[%swap3A_679], %add3A_678 {strides = array<i32>} : memref<128xf32, #tpu.memory_space<vmem>>, vector<16xf32>,
    %mul3A_681 = vector.broadcast %squeeze3A_477 : f32 to vector<16xf32>
    %mul3A_682 = arith.mulf %mul3A_674, %mul3A_681 : vector<16xf32>
    %add3A_683 = vector.broadcast %squeeze3A_481 : f32 to vector<16xf32>
    %add3A_684 = arith.addf %mul3A_682, %add3A_683 : vector<16xf32>
    %swap3A_685 = arith.constant 32 : index
    %swap3A_686 = tpu.vector_load %arg18[%swap3A_685] {strides = array<i32>} : memref<128xf32, #tpu.memory_space<vmem>>, vector<16xf32>,
    tpu.vector_store %arg18[%swap3A_685], %add3A_684 {strides = array<i32>} : memref<128xf32, #tpu.memory_space<vmem>>, vector<16xf32>,
    %get3A_687 = arith.constant 48 : index
    %get3A_688 = tpu.vector_load %arg14[%get3A_687] {strides = array<i32>} : memref<128xf32, #tpu.memory_space<vmem>>, vector<16xf32>,
    %mul3A_689 = arith.constant 4.000000e-04 : f32
    %mul3A_690 = vector.broadcast %mul3A_689 : f32 to vector<16xf32>
    %mul3A_691 = arith.mulf %get3A_688, %mul3A_690 : vector<16xf32>
    %get3A_692 = arith.constant 48 : index
    %get3A_693 = tpu.vector_load %arg15[%get3A_692] {strides = array<i32>} : memref<128xf32, #tpu.memory_space<vmem>>, vector<16xf32>,
    %mul3A_694 = arith.constant 4.000000e-04 : f32
    %mul3A_695 = vector.broadcast %mul3A_694 : f32 to vector<16xf32>
    %mul3A_696 = arith.mulf %get3A_693, %mul3A_695 : vector<16xf32>
    %max3A_697 = arith.constant 1.000000e-16 : f32
    %max3A_698 = vector.broadcast %max3A_697 : f32 to vector<16xf32>
    %max3A_699 = arith.maximumf %mul3A_696, %max3A_698 : vector<16xf32>
    %get3A_700 = arith.constant 48 : index
    %get3A_701 = tpu.vector_load %arg16[%get3A_700] {strides = array<i32>} : memref<128xf32, #tpu.memory_space<vmem>>, vector<16xf32>,
    %mul3A_702 = arith.constant 4.000000e-04 : f32
    %mul3A_703 = vector.broadcast %mul3A_702 : f32 to vector<16xf32>
    %mul3A_704 = arith.mulf %get3A_701, %mul3A_703 : vector<16xf32>
    %max3A_705 = arith.constant 1.000000e-16 : f32
    %max3A_706 = vector.broadcast %max3A_705 : f32 to vector<16xf32>
    %max3A_707 = arith.maximumf %mul3A_704, %max3A_706 : vector<16xf32>
    %mul3A_708 = arith.mulf %max3A_699, %max3A_707 : vector<16xf32>
    %bitcast_convert_type3A_709 = tpu.bitcast %mul3A_708 : vector<16xf32> -> vector<16xi32>
    %shift_right_arithmetic3A_710 = arith.constant 1 : i32
    %shift_right_arithmetic3A_711 = vector.broadcast %shift_right_arithmetic3A_710 : i32 to vector<16xi32>
    %shift_right_arithmetic3A_712 = arith.shrsi %bitcast_convert_type3A_709, %shift_right_arithmetic3A_711 : vector<16xi32>
    %sub3A_713 = arith.constant 1597463007 : i32
    %sub3A_714 = vector.broadcast %sub3A_713 : i32 to vector<16xi32>
    %sub3A_715 = arith.subi %sub3A_714, %shift_right_arithmetic3A_712 : vector<16xi32>
    %bitcast_convert_type3A_716 = tpu.bitcast %sub3A_715 : vector<16xi32> -> vector<16xf32>
    %mul3A_717 = arith.constant 5.000000e-01 : f32
    %mul3A_718 = vector.broadcast %mul3A_717 : f32 to vector<16xf32>
    %mul3A_719 = arith.mulf %mul3A_718, %mul3A_708 : vector<16xf32>
    %mul3A_720 = arith.mulf %mul3A_719, %bitcast_convert_type3A_716 : vector<16xf32>
    %mul3A_721 = arith.mulf %mul3A_720, %bitcast_convert_type3A_716 : vector<16xf32>
    %sub3A_722 = arith.constant 1.500000e+00 : f32
    %sub3A_723 = vector.broadcast %sub3A_722 : f32 to vector<16xf32>
    %sub3A_724 = arith.subf %sub3A_723, %mul3A_721 : vector<16xf32>
    %mul3A_725 = arith.mulf %bitcast_convert_type3A_716, %sub3A_724 : vector<16xf32>
    %mul3A_726 = arith.constant 5.000000e-01 : f32
    %mul3A_727 = vector.broadcast %mul3A_726 : f32 to vector<16xf32>
    %mul3A_728 = arith.mulf %mul3A_727, %mul3A_708 : vector<16xf32>
    %mul3A_729 = arith.mulf %mul3A_728, %mul3A_725 : vector<16xf32>
    %mul3A_730 = arith.mulf %mul3A_729, %mul3A_725 : vector<16xf32>
    %sub3A_731 = arith.constant 1.500000e+00 : f32
    %sub3A_732 = vector.broadcast %sub3A_731 : f32 to vector<16xf32>
    %sub3A_733 = arith.subf %sub3A_732, %mul3A_730 : vector<16xf32>
    %mul3A_734 = arith.mulf %mul3A_725, %sub3A_733 : vector<16xf32>
    %mul3A_735 = arith.constant 5.000000e-01 : f32
    %mul3A_736 = vector.broadcast %mul3A_735 : f32 to vector<16xf32>
    %mul3A_737 = arith.mulf %mul3A_736, %mul3A_708 : vector<16xf32>
    %mul3A_738 = arith.mulf %mul3A_737, %mul3A_734 : vector<16xf32>
    %mul3A_739 = arith.mulf %mul3A_738, %mul3A_734 : vector<16xf32>
    %sub3A_740 = arith.constant 1.500000e+00 : f32
    %sub3A_741 = vector.broadcast %sub3A_740 : f32 to vector<16xf32>
    %sub3A_742 = arith.subf %sub3A_741, %mul3A_739 : vector<16xf32>
    %mul3A_743 = arith.mulf %mul3A_734, %sub3A_742 : vector<16xf32>
    %mul3A_744 = arith.mulf %mul3A_691, %mul3A_743 : vector<16xf32>
    %mul3A_745 = vector.broadcast %squeeze3A : f32 to vector<16xf32>
    %mul3A_746 = arith.mulf %mul3A_744, %mul3A_745 : vector<16xf32>
    %add3A_747 = vector.broadcast %squeeze3A_479 : f32 to vector<16xf32>
    %add3A_748 = arith.addf %mul3A_746, %add3A_747 : vector<16xf32>
    %swap3A_749 = arith.constant 48 : index
    %swap3A_750 = tpu.vector_load %arg17[%swap3A_749] {strides = array<i32>} : memref<128xf32, #tpu.memory_space<vmem>>, vector<16xf32>,
    tpu.vector_store %arg17[%swap3A_749], %add3A_748 {strides = array<i32>} : memref<128xf32, #tpu.memory_space<vmem>>, vector<16xf32>,
    %mul3A_751 = vector.broadcast %squeeze3A_477 : f32 to vector<16xf32>
    %mul3A_752 = arith.mulf %mul3A_744, %mul3A_751 : vector<16xf32>
    %add3A_753 = vector.broadcast %squeeze3A_481 : f32 to vector<16xf32>
    %add3A_754 = arith.addf %mul3A_752, %add3A_753 : vector<16xf32>
    %swap3A_755 = arith.constant 48 : index
    %swap3A_756 = tpu.vector_load %arg18[%swap3A_755] {strides = array<i32>} : memref<128xf32, #tpu.memory_space<vmem>>, vector<16xf32>,
    tpu.vector_store %arg18[%swap3A_755], %add3A_754 {strides = array<i32>} : memref<128xf32, #tpu.memory_space<vmem>>, vector<16xf32>,
    %get3A_757 = arith.constant 64 : index
    %get3A_758 = tpu.vector_load %arg14[%get3A_757] {strides = array<i32>} : memref<128xf32, #tpu.memory_space<vmem>>, vector<16xf32>,
    %mul3A_759 = arith.constant 4.000000e-04 : f32
    %mul3A_760 = vector.broadcast %mul3A_759 : f32 to vector<16xf32>
    %mul3A_761 = arith.mulf %get3A_758, %mul3A_760 : vector<16xf32>
    %get3A_762 = arith.constant 64 : index
    %get3A_763 = tpu.vector_load %arg15[%get3A_762] {strides = array<i32>} : memref<128xf32, #tpu.memory_space<vmem>>, vector<16xf32>,
    %mul3A_764 = arith.constant 4.000000e-04 : f32
    %mul3A_765 = vector.broadcast %mul3A_764 : f32 to vector<16xf32>
    %mul3A_766 = arith.mulf %get3A_763, %mul3A_765 : vector<16xf32>
    %max3A_767 = arith.constant 1.000000e-16 : f32
    %max3A_768 = vector.broadcast %max3A_767 : f32 to vector<16xf32>
    %max3A_769 = arith.maximumf %mul3A_766, %max3A_768 : vector<16xf32>
    %get3A_770 = arith.constant 64 : index
    %get3A_771 = tpu.vector_load %arg16[%get3A_770] {strides = array<i32>} : memref<128xf32, #tpu.memory_space<vmem>>, vector<16xf32>,
    %mul3A_772 = arith.constant 4.000000e-04 : f32
    %mul3A_773 = vector.broadcast %mul3A_772 : f32 to vector<16xf32>
    %mul3A_774 = arith.mulf %get3A_771, %mul3A_773 : vector<16xf32>
    %max3A_775 = arith.constant 1.000000e-16 : f32
    %max3A_776 = vector.broadcast %max3A_775 : f32 to vector<16xf32>
    %max3A_777 = arith.maximumf %mul3A_774, %max3A_776 : vector<16xf32>
    %mul3A_778 = arith.mulf %max3A_769, %max3A_777 : vector<16xf32>
    %bitcast_convert_type3A_779 = tpu.bitcast %mul3A_778 : vector<16xf32> -> vector<16xi32>
    %shift_right_arithmetic3A_780 = arith.constant 1 : i32
    %shift_right_arithmetic3A_781 = vector.broadcast %shift_right_arithmetic3A_780 : i32 to vector<16xi32>
    %shift_right_arithmetic3A_782 = arith.shrsi %bitcast_convert_type3A_779, %shift_right_arithmetic3A_781 : vector<16xi32>
    %sub3A_783 = arith.constant 1597463007 : i32
    %sub3A_784 = vector.broadcast %sub3A_783 : i32 to vector<16xi32>
    %sub3A_785 = arith.subi %sub3A_784, %shift_right_arithmetic3A_782 : vector<16xi32>
    %bitcast_convert_type3A_786 = tpu.bitcast %sub3A_785 : vector<16xi32> -> vector<16xf32>
    %mul3A_787 = arith.constant 5.000000e-01 : f32
    %mul3A_788 = vector.broadcast %mul3A_787 : f32 to vector<16xf32>
    %mul3A_789 = arith.mulf %mul3A_788, %mul3A_778 : vector<16xf32>
    %mul3A_790 = arith.mulf %mul3A_789, %bitcast_convert_type3A_786 : vector<16xf32>
    %mul3A_791 = arith.mulf %mul3A_790, %bitcast_convert_type3A_786 : vector<16xf32>
    %sub3A_792 = arith.constant 1.500000e+00 : f32
    %sub3A_793 = vector.broadcast %sub3A_792 : f32 to vector<16xf32>
    %sub3A_794 = arith.subf %sub3A_793, %mul3A_791 : vector<16xf32>
    %mul3A_795 = arith.mulf %bitcast_convert_type3A_786, %sub3A_794 : vector<16xf32>
    %mul3A_796 = arith.constant 5.000000e-01 : f32
    %mul3A_797 = vector.broadcast %mul3A_796 : f32 to vector<16xf32>
    %mul3A_798 = arith.mulf %mul3A_797, %mul3A_778 : vector<16xf32>
    %mul3A_799 = arith.mulf %mul3A_798, %mul3A_795 : vector<16xf32>
    %mul3A_800 = arith.mulf %mul3A_799, %mul3A_795 : vector<16xf32>
    %sub3A_801 = arith.constant 1.500000e+00 : f32
    %sub3A_802 = vector.broadcast %sub3A_801 : f32 to vector<16xf32>
    %sub3A_803 = arith.subf %sub3A_802, %mul3A_800 : vector<16xf32>
    %mul3A_804 = arith.mulf %mul3A_795, %sub3A_803 : vector<16xf32>
    %mul3A_805 = arith.constant 5.000000e-01 : f32
    %mul3A_806 = vector.broadcast %mul3A_805 : f32 to vector<16xf32>
    %mul3A_807 = arith.mulf %mul3A_806, %mul3A_778 : vector<16xf32>
    %mul3A_808 = arith.mulf %mul3A_807, %mul3A_804 : vector<16xf32>
    %mul3A_809 = arith.mulf %mul3A_808, %mul3A_804 : vector<16xf32>
    %sub3A_810 = arith.constant 1.500000e+00 : f32
    %sub3A_811 = vector.broadcast %sub3A_810 : f32 to vector<16xf32>
    %sub3A_812 = arith.subf %sub3A_811, %mul3A_809 : vector<16xf32>
    %mul3A_813 = arith.mulf %mul3A_804, %sub3A_812 : vector<16xf32>
    %mul3A_814 = arith.mulf %mul3A_761, %mul3A_813 : vector<16xf32>
    %mul3A_815 = vector.broadcast %squeeze3A : f32 to vector<16xf32>
    %mul3A_816 = arith.mulf %mul3A_814, %mul3A_815 : vector<16xf32>
    %add3A_817 = vector.broadcast %squeeze3A_479 : f32 to vector<16xf32>
    %add3A_818 = arith.addf %mul3A_816, %add3A_817 : vector<16xf32>
    %swap3A_819 = arith.constant 64 : index
    %swap3A_820 = tpu.vector_load %arg17[%swap3A_819] {strides = array<i32>} : memref<128xf32, #tpu.memory_space<vmem>>, vector<16xf32>,
    tpu.vector_store %arg17[%swap3A_819], %add3A_818 {strides = array<i32>} : memref<128xf32, #tpu.memory_space<vmem>>, vector<16xf32>,
    %mul3A_821 = vector.broadcast %squeeze3A_477 : f32 to vector<16xf32>
    %mul3A_822 = arith.mulf %mul3A_814, %mul3A_821 : vector<16xf32>
    %add3A_823 = vector.broadcast %squeeze3A_481 : f32 to vector<16xf32>
    %add3A_824 = arith.addf %mul3A_822, %add3A_823 : vector<16xf32>
    %swap3A_825 = arith.constant 64 : index
    %swap3A_826 = tpu.vector_load %arg18[%swap3A_825] {strides = array<i32>} : memref<128xf32, #tpu.memory_space<vmem>>, vector<16xf32>,
    tpu.vector_store %arg18[%swap3A_825], %add3A_824 {strides = array<i32>} : memref<128xf32, #tpu.memory_space<vmem>>, vector<16xf32>,
    %get3A_827 = arith.constant 80 : index
    %get3A_828 = tpu.vector_load %arg14[%get3A_827] {strides = array<i32>} : memref<128xf32, #tpu.memory_space<vmem>>, vector<16xf32>,
    %mul3A_829 = arith.constant 4.000000e-04 : f32
    %mul3A_830 = vector.broadcast %mul3A_829 : f32 to vector<16xf32>
    %mul3A_831 = arith.mulf %get3A_828, %mul3A_830 : vector<16xf32>
    %get3A_832 = arith.constant 80 : index
    %get3A_833 = tpu.vector_load %arg15[%get3A_832] {strides = array<i32>} : memref<128xf32, #tpu.memory_space<vmem>>, vector<16xf32>,
    %mul3A_834 = arith.constant 4.000000e-04 : f32
    %mul3A_835 = vector.broadcast %mul3A_834 : f32 to vector<16xf32>
    %mul3A_836 = arith.mulf %get3A_833, %mul3A_835 : vector<16xf32>
    %max3A_837 = arith.constant 1.000000e-16 : f32
    %max3A_838 = vector.broadcast %max3A_837 : f32 to vector<16xf32>
    %max3A_839 = arith.maximumf %mul3A_836, %max3A_838 : vector<16xf32>
    %get3A_840 = arith.constant 80 : index
    %get3A_841 = tpu.vector_load %arg16[%get3A_840] {strides = array<i32>} : memref<128xf32, #tpu.memory_space<vmem>>, vector<16xf32>,
    %mul3A_842 = arith.constant 4.000000e-04 : f32
    %mul3A_843 = vector.broadcast %mul3A_842 : f32 to vector<16xf32>
    %mul3A_844 = arith.mulf %get3A_841, %mul3A_843 : vector<16xf32>
    %max3A_845 = arith.constant 1.000000e-16 : f32
    %max3A_846 = vector.broadcast %max3A_845 : f32 to vector<16xf32>
    %max3A_847 = arith.maximumf %mul3A_844, %max3A_846 : vector<16xf32>
    %mul3A_848 = arith.mulf %max3A_839, %max3A_847 : vector<16xf32>
    %bitcast_convert_type3A_849 = tpu.bitcast %mul3A_848 : vector<16xf32> -> vector<16xi32>
    %shift_right_arithmetic3A_850 = arith.constant 1 : i32
    %shift_right_arithmetic3A_851 = vector.broadcast %shift_right_arithmetic3A_850 : i32 to vector<16xi32>
    %shift_right_arithmetic3A_852 = arith.shrsi %bitcast_convert_type3A_849, %shift_right_arithmetic3A_851 : vector<16xi32>
    %sub3A_853 = arith.constant 1597463007 : i32
    %sub3A_854 = vector.broadcast %sub3A_853 : i32 to vector<16xi32>
    %sub3A_855 = arith.subi %sub3A_854, %shift_right_arithmetic3A_852 : vector<16xi32>
    %bitcast_convert_type3A_856 = tpu.bitcast %sub3A_855 : vector<16xi32> -> vector<16xf32>
    %mul3A_857 = arith.constant 5.000000e-01 : f32
    %mul3A_858 = vector.broadcast %mul3A_857 : f32 to vector<16xf32>
    %mul3A_859 = arith.mulf %mul3A_858, %mul3A_848 : vector<16xf32>
    %mul3A_860 = arith.mulf %mul3A_859, %bitcast_convert_type3A_856 : vector<16xf32>
    %mul3A_861 = arith.mulf %mul3A_860, %bitcast_convert_type3A_856 : vector<16xf32>
    %sub3A_862 = arith.constant 1.500000e+00 : f32
    %sub3A_863 = vector.broadcast %sub3A_862 : f32 to vector<16xf32>
    %sub3A_864 = arith.subf %sub3A_863, %mul3A_861 : vector<16xf32>
    %mul3A_865 = arith.mulf %bitcast_convert_type3A_856, %sub3A_864 : vector<16xf32>
    %mul3A_866 = arith.constant 5.000000e-01 : f32
    %mul3A_867 = vector.broadcast %mul3A_866 : f32 to vector<16xf32>
    %mul3A_868 = arith.mulf %mul3A_867, %mul3A_848 : vector<16xf32>
    %mul3A_869 = arith.mulf %mul3A_868, %mul3A_865 : vector<16xf32>
    %mul3A_870 = arith.mulf %mul3A_869, %mul3A_865 : vector<16xf32>
    %sub3A_871 = arith.constant 1.500000e+00 : f32
    %sub3A_872 = vector.broadcast %sub3A_871 : f32 to vector<16xf32>
    %sub3A_873 = arith.subf %sub3A_872, %mul3A_870 : vector<16xf32>
    %mul3A_874 = arith.mulf %mul3A_865, %sub3A_873 : vector<16xf32>
    %mul3A_875 = arith.constant 5.000000e-01 : f32
    %mul3A_876 = vector.broadcast %mul3A_875 : f32 to vector<16xf32>
    %mul3A_877 = arith.mulf %mul3A_876, %mul3A_848 : vector<16xf32>
    %mul3A_878 = arith.mulf %mul3A_877, %mul3A_874 : vector<16xf32>
    %mul3A_879 = arith.mulf %mul3A_878, %mul3A_874 : vector<16xf32>
    %sub3A_880 = arith.constant 1.500000e+00 : f32
    %sub3A_881 = vector.broadcast %sub3A_880 : f32 to vector<16xf32>
    %sub3A_882 = arith.subf %sub3A_881, %mul3A_879 : vector<16xf32>
    %mul3A_883 = arith.mulf %mul3A_874, %sub3A_882 : vector<16xf32>
    %mul3A_884 = arith.mulf %mul3A_831, %mul3A_883 : vector<16xf32>
    %mul3A_885 = vector.broadcast %squeeze3A : f32 to vector<16xf32>
    %mul3A_886 = arith.mulf %mul3A_884, %mul3A_885 : vector<16xf32>
    %add3A_887 = vector.broadcast %squeeze3A_479 : f32 to vector<16xf32>
    %add3A_888 = arith.addf %mul3A_886, %add3A_887 : vector<16xf32>
    %swap3A_889 = arith.constant 80 : index
    %swap3A_890 = tpu.vector_load %arg17[%swap3A_889] {strides = array<i32>} : memref<128xf32, #tpu.memory_space<vmem>>, vector<16xf32>,
    tpu.vector_store %arg17[%swap3A_889], %add3A_888 {strides = array<i32>} : memref<128xf32, #tpu.memory_space<vmem>>, vector<16xf32>,
    %mul3A_891 = vector.broadcast %squeeze3A_477 : f32 to vector<16xf32>
    %mul3A_892 = arith.mulf %mul3A_884, %mul3A_891 : vector<16xf32>
    %add3A_893 = vector.broadcast %squeeze3A_481 : f32 to vector<16xf32>
    %add3A_894 = arith.addf %mul3A_892, %add3A_893 : vector<16xf32>
    %swap3A_895 = arith.constant 80 : index
    %swap3A_896 = tpu.vector_load %arg18[%swap3A_895] {strides = array<i32>} : memref<128xf32, #tpu.memory_space<vmem>>, vector<16xf32>,
    tpu.vector_store %arg18[%swap3A_895], %add3A_894 {strides = array<i32>} : memref<128xf32, #tpu.memory_space<vmem>>, vector<16xf32>,
    %get3A_897 = arith.constant 96 : index
    %get3A_898 = tpu.vector_load %arg14[%get3A_897] {strides = array<i32>} : memref<128xf32, #tpu.memory_space<vmem>>, vector<16xf32>,
    %mul3A_899 = arith.constant 4.000000e-04 : f32
    %mul3A_900 = vector.broadcast %mul3A_899 : f32 to vector<16xf32>
    %mul3A_901 = arith.mulf %get3A_898, %mul3A_900 : vector<16xf32>
    %get3A_902 = arith.constant 96 : index
    %get3A_903 = tpu.vector_load %arg15[%get3A_902] {strides = array<i32>} : memref<128xf32, #tpu.memory_space<vmem>>, vector<16xf32>,
    %mul3A_904 = arith.constant 4.000000e-04 : f32
    %mul3A_905 = vector.broadcast %mul3A_904 : f32 to vector<16xf32>
    %mul3A_906 = arith.mulf %get3A_903, %mul3A_905 : vector<16xf32>
    %max3A_907 = arith.constant 1.000000e-16 : f32
    %max3A_908 = vector.broadcast %max3A_907 : f32 to vector<16xf32>
    %max3A_909 = arith.maximumf %mul3A_906, %max3A_908 : vector<16xf32>
    %get3A_910 = arith.constant 96 : index
    %get3A_911 = tpu.vector_load %arg16[%get3A_910] {strides = array<i32>} : memref<128xf32, #tpu.memory_space<vmem>>, vector<16xf32>,
    %mul3A_912 = arith.constant 4.000000e-04 : f32
    %mul3A_913 = vector.broadcast %mul3A_912 : f32 to vector<16xf32>
    %mul3A_914 = arith.mulf %get3A_911, %mul3A_913 : vector<16xf32>
    %max3A_915 = arith.constant 1.000000e-16 : f32
    %max3A_916 = vector.broadcast %max3A_915 : f32 to vector<16xf32>
    %max3A_917 = arith.maximumf %mul3A_914, %max3A_916 : vector<16xf32>
    %mul3A_918 = arith.mulf %max3A_909, %max3A_917 : vector<16xf32>
    %bitcast_convert_type3A_919 = tpu.bitcast %mul3A_918 : vector<16xf32> -> vector<16xi32>
    %shift_right_arithmetic3A_920 = arith.constant 1 : i32
    %shift_right_arithmetic3A_921 = vector.broadcast %shift_right_arithmetic3A_920 : i32 to vector<16xi32>
    %shift_right_arithmetic3A_922 = arith.shrsi %bitcast_convert_type3A_919, %shift_right_arithmetic3A_921 : vector<16xi32>
    %sub3A_923 = arith.constant 1597463007 : i32
    %sub3A_924 = vector.broadcast %sub3A_923 : i32 to vector<16xi32>
    %sub3A_925 = arith.subi %sub3A_924, %shift_right_arithmetic3A_922 : vector<16xi32>
    %bitcast_convert_type3A_926 = tpu.bitcast %sub3A_925 : vector<16xi32> -> vector<16xf32>
    %mul3A_927 = arith.constant 5.000000e-01 : f32
    %mul3A_928 = vector.broadcast %mul3A_927 : f32 to vector<16xf32>
    %mul3A_929 = arith.mulf %mul3A_928, %mul3A_918 : vector<16xf32>
    %mul3A_930 = arith.mulf %mul3A_929, %bitcast_convert_type3A_926 : vector<16xf32>
    %mul3A_931 = arith.mulf %mul3A_930, %bitcast_convert_type3A_926 : vector<16xf32>
    %sub3A_932 = arith.constant 1.500000e+00 : f32
    %sub3A_933 = vector.broadcast %sub3A_932 : f32 to vector<16xf32>
    %sub3A_934 = arith.subf %sub3A_933, %mul3A_931 : vector<16xf32>
    %mul3A_935 = arith.mulf %bitcast_convert_type3A_926, %sub3A_934 : vector<16xf32>
    %mul3A_936 = arith.constant 5.000000e-01 : f32
    %mul3A_937 = vector.broadcast %mul3A_936 : f32 to vector<16xf32>
    %mul3A_938 = arith.mulf %mul3A_937, %mul3A_918 : vector<16xf32>
    %mul3A_939 = arith.mulf %mul3A_938, %mul3A_935 : vector<16xf32>
    %mul3A_940 = arith.mulf %mul3A_939, %mul3A_935 : vector<16xf32>
    %sub3A_941 = arith.constant 1.500000e+00 : f32
    %sub3A_942 = vector.broadcast %sub3A_941 : f32 to vector<16xf32>
    %sub3A_943 = arith.subf %sub3A_942, %mul3A_940 : vector<16xf32>
    %mul3A_944 = arith.mulf %mul3A_935, %sub3A_943 : vector<16xf32>
    %mul3A_945 = arith.constant 5.000000e-01 : f32
    %mul3A_946 = vector.broadcast %mul3A_945 : f32 to vector<16xf32>
    %mul3A_947 = arith.mulf %mul3A_946, %mul3A_918 : vector<16xf32>
    %mul3A_948 = arith.mulf %mul3A_947, %mul3A_944 : vector<16xf32>
    %mul3A_949 = arith.mulf %mul3A_948, %mul3A_944 : vector<16xf32>
    %sub3A_950 = arith.constant 1.500000e+00 : f32
    %sub3A_951 = vector.broadcast %sub3A_950 : f32 to vector<16xf32>
    %sub3A_952 = arith.subf %sub3A_951, %mul3A_949 : vector<16xf32>
    %mul3A_953 = arith.mulf %mul3A_944, %sub3A_952 : vector<16xf32>
    %mul3A_954 = arith.mulf %mul3A_901, %mul3A_953 : vector<16xf32>
    %mul3A_955 = vector.broadcast %squeeze3A : f32 to vector<16xf32>
    %mul3A_956 = arith.mulf %mul3A_954, %mul3A_955 : vector<16xf32>
    %add3A_957 = vector.broadcast %squeeze3A_479 : f32 to vector<16xf32>
    %add3A_958 = arith.addf %mul3A_956, %add3A_957 : vector<16xf32>
    %swap3A_959 = arith.constant 96 : index
    %swap3A_960 = tpu.vector_load %arg17[%swap3A_959] {strides = array<i32>} : memref<128xf32, #tpu.memory_space<vmem>>, vector<16xf32>,
    tpu.vector_store %arg17[%swap3A_959], %add3A_958 {strides = array<i32>} : memref<128xf32, #tpu.memory_space<vmem>>, vector<16xf32>,
    %mul3A_961 = vector.broadcast %squeeze3A_477 : f32 to vector<16xf32>
    %mul3A_962 = arith.mulf %mul3A_954, %mul3A_961 : vector<16xf32>
    %add3A_963 = vector.broadcast %squeeze3A_481 : f32 to vector<16xf32>
    %add3A_964 = arith.addf %mul3A_962, %add3A_963 : vector<16xf32>
    %swap3A_965 = arith.constant 96 : index
    %swap3A_966 = tpu.vector_load %arg18[%swap3A_965] {strides = array<i32>} : memref<128xf32, #tpu.memory_space<vmem>>, vector<16xf32>,
    tpu.vector_store %arg18[%swap3A_965], %add3A_964 {strides = array<i32>} : memref<128xf32, #tpu.memory_space<vmem>>, vector<16xf32>,
    %get3A_967 = arith.constant 112 : index
    %get3A_968 = tpu.vector_load %arg14[%get3A_967] {strides = array<i32>} : memref<128xf32, #tpu.memory_space<vmem>>, vector<16xf32>,
    %mul3A_969 = arith.constant 4.000000e-04 : f32
    %mul3A_970 = vector.broadcast %mul3A_969 : f32 to vector<16xf32>
    %mul3A_971 = arith.mulf %get3A_968, %mul3A_970 : vector<16xf32>
    %get3A_972 = arith.constant 112 : index
    %get3A_973 = tpu.vector_load %arg15[%get3A_972] {strides = array<i32>} : memref<128xf32, #tpu.memory_space<vmem>>, vector<16xf32>,
    %mul3A_974 = arith.constant 4.000000e-04 : f32
    %mul3A_975 = vector.broadcast %mul3A_974 : f32 to vector<16xf32>
    %mul3A_976 = arith.mulf %get3A_973, %mul3A_975 : vector<16xf32>
    %max3A_977 = arith.constant 1.000000e-16 : f32
    %max3A_978 = vector.broadcast %max3A_977 : f32 to vector<16xf32>
    %max3A_979 = arith.maximumf %mul3A_976, %max3A_978 : vector<16xf32>
    %get3A_980 = arith.constant 112 : index
    %get3A_981 = tpu.vector_load %arg16[%get3A_980] {strides = array<i32>} : memref<128xf32, #tpu.memory_space<vmem>>, vector<16xf32>,
    %mul3A_982 = arith.constant 4.000000e-04 : f32
    %mul3A_983 = vector.broadcast %mul3A_982 : f32 to vector<16xf32>
    %mul3A_984 = arith.mulf %get3A_981, %mul3A_983 : vector<16xf32>
    %max3A_985 = arith.constant 1.000000e-16 : f32
    %max3A_986 = vector.broadcast %max3A_985 : f32 to vector<16xf32>
    %max3A_987 = arith.maximumf %mul3A_984, %max3A_986 : vector<16xf32>
    %mul3A_988 = arith.mulf %max3A_979, %max3A_987 : vector<16xf32>
    %bitcast_convert_type3A_989 = tpu.bitcast %mul3A_988 : vector<16xf32> -> vector<16xi32>
    %shift_right_arithmetic3A_990 = arith.constant 1 : i32
    %shift_right_arithmetic3A_991 = vector.broadcast %shift_right_arithmetic3A_990 : i32 to vector<16xi32>
    %shift_right_arithmetic3A_992 = arith.shrsi %bitcast_convert_type3A_989, %shift_right_arithmetic3A_991 : vector<16xi32>
    %sub3A_993 = arith.constant 1597463007 : i32
    %sub3A_994 = vector.broadcast %sub3A_993 : i32 to vector<16xi32>
    %sub3A_995 = arith.subi %sub3A_994, %shift_right_arithmetic3A_992 : vector<16xi32>
    %bitcast_convert_type3A_996 = tpu.bitcast %sub3A_995 : vector<16xi32> -> vector<16xf32>
    %mul3A_997 = arith.constant 5.000000e-01 : f32
    %mul3A_998 = vector.broadcast %mul3A_997 : f32 to vector<16xf32>
    %mul3A_999 = arith.mulf %mul3A_998, %mul3A_988 : vector<16xf32>
    %mul3A_1000 = arith.mulf %mul3A_999, %bitcast_convert_type3A_996 : vector<16xf32>
    %mul3A_1001 = arith.mulf %mul3A_1000, %bitcast_convert_type3A_996 : vector<16xf32>
    %sub3A_1002 = arith.constant 1.500000e+00 : f32
    %sub3A_1003 = vector.broadcast %sub3A_1002 : f32 to vector<16xf32>
    %sub3A_1004 = arith.subf %sub3A_1003, %mul3A_1001 : vector<16xf32>
    %mul3A_1005 = arith.mulf %bitcast_convert_type3A_996, %sub3A_1004 : vector<16xf32>
    %mul3A_1006 = arith.constant 5.000000e-01 : f32
    %mul3A_1007 = vector.broadcast %mul3A_1006 : f32 to vector<16xf32>
    %mul3A_1008 = arith.mulf %mul3A_1007, %mul3A_988 : vector<16xf32>
    %mul3A_1009 = arith.mulf %mul3A_1008, %mul3A_1005 : vector<16xf32>
    %mul3A_1010 = arith.mulf %mul3A_1009, %mul3A_1005 : vector<16xf32>
    %sub3A_1011 = arith.constant 1.500000e+00 : f32
    %sub3A_1012 = vector.broadcast %sub3A_1011 : f32 to vector<16xf32>
    %sub3A_1013 = arith.subf %sub3A_1012, %mul3A_1010 : vector<16xf32>
    %mul3A_1014 = arith.mulf %mul3A_1005, %sub3A_1013 : vector<16xf32>
    %mul3A_1015 = arith.constant 5.000000e-01 : f32
    %mul3A_1016 = vector.broadcast %mul3A_1015 : f32 to vector<16xf32>
    %mul3A_1017 = arith.mulf %mul3A_1016, %mul3A_988 : vector<16xf32>
    %mul3A_1018 = arith.mulf %mul3A_1017, %mul3A_1014 : vector<16xf32>
    %mul3A_1019 = arith.mulf %mul3A_1018, %mul3A_1014 : vector<16xf32>
    %sub3A_1020 = arith.constant 1.500000e+00 : f32
    %sub3A_1021 = vector.broadcast %sub3A_1020 : f32 to vector<16xf32>
    %sub3A_1022 = arith.subf %sub3A_1021, %mul3A_1019 : vector<16xf32>
    %mul3A_1023 = arith.mulf %mul3A_1014, %sub3A_1022 : vector<16xf32>
    %mul3A_1024 = arith.mulf %mul3A_971, %mul3A_1023 : vector<16xf32>
    %mul3A_1025 = vector.broadcast %squeeze3A : f32 to vector<16xf32>
    %mul3A_1026 = arith.mulf %mul3A_1024, %mul3A_1025 : vector<16xf32>
    %add3A_1027 = vector.broadcast %squeeze3A_479 : f32 to vector<16xf32>
    %add3A_1028 = arith.addf %mul3A_1026, %add3A_1027 : vector<16xf32>
    %swap3A_1029 = arith.constant 112 : index
    %swap3A_1030 = tpu.vector_load %arg17[%swap3A_1029] {strides = array<i32>} : memref<128xf32, #tpu.memory_space<vmem>>, vector<16xf32>,
    tpu.vector_store %arg17[%swap3A_1029], %add3A_1028 {strides = array<i32>} : memref<128xf32, #tpu.memory_space<vmem>>, vector<16xf32>,
    %mul3A_1031 = vector.broadcast %squeeze3A_477 : f32 to vector<16xf32>
    %mul3A_1032 = arith.mulf %mul3A_1024, %mul3A_1031 : vector<16xf32>
    %add3A_1033 = vector.broadcast %squeeze3A_481 : f32 to vector<16xf32>
    %add3A_1034 = arith.addf %mul3A_1032, %add3A_1033 : vector<16xf32>
    %swap3A_1035 = arith.constant 112 : index
    %swap3A_1036 = tpu.vector_load %arg18[%swap3A_1035] {strides = array<i32>} : memref<128xf32, #tpu.memory_space<vmem>>, vector<16xf32>,
    tpu.vector_store %arg18[%swap3A_1035], %add3A_1034 {strides = array<i32>} : memref<128xf32, #tpu.memory_space<vmem>>, vector<16xf32>,
    "tpu.region"() ({
      %run_scoped3A = tpu.sem_alloc : memref<!tpu.dma_semaphore, #tpu.memory_space<semaphore_mem>>
      %dma_start3A_1037 = tpu.memref_slice %arg5[%mul3A_2] : memref<4096xf32, #tpu.memory_space<hbm>> -> memref<128xf32, #tpu.memory_space<hbm>>
      %dma_start3A_1038 = tpu.memref_slice %arg5[%mul3A_2] : memref<4096xf32, #tpu.memory_space<hbm>> -> memref<128xf32, #tpu.memory_space<hbm>>
      tpu.enqueue_dma source(%arg17 : memref<128xf32, #tpu.memory_space<vmem>>) target(%dma_start3A_1038 : memref<128xf32, #tpu.memory_space<hbm>>) target_semaphore(%run_scoped3A : memref<!tpu.dma_semaphore, #tpu.memory_space<semaphore_mem>>)
      %dma_wait3A_1039 = tpu.memref_slice %arg5[%mul3A_2] : memref<4096xf32, #tpu.memory_space<hbm>> -> memref<128xf32, #tpu.memory_space<hbm>>
      %dma_wait3A_1040 = tpu.memref_slice %arg5[%mul3A_2] : memref<4096xf32, #tpu.memory_space<hbm>> -> memref<128xf32, #tpu.memory_space<hbm>>
      tpu.wait_dma2 semaphore(%run_scoped3A : memref<!tpu.dma_semaphore, #tpu.memory_space<semaphore_mem>>) src(%arg17 : memref<128xf32, #tpu.memory_space<vmem>>) dst(%dma_wait3A_1040 : memref<128xf32, #tpu.memory_space<hbm>>)
      tpu.yield
    }) : () -> ()
    "tpu.region"() ({
      %run_scoped3A = tpu.sem_alloc : memref<!tpu.dma_semaphore, #tpu.memory_space<semaphore_mem>>
      %dma_start3A_1037 = tpu.memref_slice %arg6[%mul3A_2] : memref<4096xf32, #tpu.memory_space<hbm>> -> memref<128xf32, #tpu.memory_space<hbm>>
      %dma_start3A_1038 = tpu.memref_slice %arg6[%mul3A_2] : memref<4096xf32, #tpu.memory_space<hbm>> -> memref<128xf32, #tpu.memory_space<hbm>>
      tpu.enqueue_dma source(%arg18 : memref<128xf32, #tpu.memory_space<vmem>>) target(%dma_start3A_1038 : memref<128xf32, #tpu.memory_space<hbm>>) target_semaphore(%run_scoped3A : memref<!tpu.dma_semaphore, #tpu.memory_space<semaphore_mem>>)
      %dma_wait3A_1039 = tpu.memref_slice %arg6[%mul3A_2] : memref<4096xf32, #tpu.memory_space<hbm>> -> memref<128xf32, #tpu.memory_space<hbm>>
      %dma_wait3A_1040 = tpu.memref_slice %arg6[%mul3A_2] : memref<4096xf32, #tpu.memory_space<hbm>> -> memref<128xf32, #tpu.memory_space<hbm>>
      tpu.wait_dma2 semaphore(%run_scoped3A : memref<!tpu.dma_semaphore, #tpu.memory_space<semaphore_mem>>) src(%arg18 : memref<128xf32, #tpu.memory_space<vmem>>) dst(%dma_wait3A_1040 : memref<128xf32, #tpu.memory_space<hbm>>)
      tpu.yield
    }) : () -> ()
    return
  }
}

</mosaic_0001>

<sc_bundles>
// kernel: kernel.3.cloned.1.call-start
scs
__scs_entry_jumppad:
0x0: {  	(pc) =	sbr.rel $0x88, $3  }
0x1: {  	(tag) =	ssettag $0x0;
	lr =	simm.s32 $0x1  }
0x2: {  	[smem:$0x3F9C] =	sst lr;
	_ =	strace $0xD0000000  }
0x3: {  	_ = 	snop  }
0x4: {  	_ = 	snop  }
0x5: {  	_ = 	snop  }
0x6: {  	_ = 	snop  }
0x7: {  	_ = 	snop  }
__scs_overlays_trampoline_lowered:
0x8: {  	[smem:$0x3FAB] =	sst s0  }
0x9: {  	[smem:$0x3FAC] =	sst s1  }
0xa: {  	[smem:$0x3FAD] =	sst s2  }
0xb: {  	[smem:$0x3FAE] =	sst s3  }
0xc: {  	[smem:$0x3FAF] =	sst s4  }
0xd: {  	[smem:$0x3FB0] =	sst s5  }
0xe: {  	[smem:$0x3FB1] =	sst s6  }
0xf: {  	[smem:$0x3FB2] =	sst s7  }
0x10: {  	[smem:$0x3FB3] =	sst s8  }
0x11: {  	[smem:$0x3FB4] =	sst s9;
	s0 =	simm.s32 @!p0 $0x0  }
0x12: {  	s1 =	sld [smem:$0x3F9A];
	s0 =	simm.s32 @p0 $0x1  }
0x13: {  	[smem:$0x3FB5] =	sst s0;
	s0 =	simm.s32 @!p1 $0x0  }
0x14: {  	s2 =	sld [smem:$0x3F99];
	s0 =	simm.s32 @p1 $0x1  }
0x15: {  	[smem:$0x3FB6] =	sst s0;
	s0 =	simm.s32 @!p2 $0x0  }
0x16: {  	s3 =	sld [smem:$0x3FDB];
	s0 =	simm.s32 @p2 $0x1  }
0x17: {  	s4 =	simm.s32 $0x1BF5;
	[smem:$0x3FB8] =	sst s0  }
0x18: {  	s0 =	sld [smem:$0x3F9B];
	_ =	swait.ge [sflag:s4], $0x0  }
0x19: {  	s7 =	sld [smem:$0x3F9C]  }
0x1a: {  	s8 =	sadd.s32 $0xFFFFE003, lr  }
0x1b: {  	s9 =	sadd.s32 $0xFFFFFEF7, lr;
	s5 =	simm.s32 $0xFFFFFFFF;
	p2 =	slt.u32 s8, $0xFFFFF086  }
0x1c: {  	p1 =	slt.u32 s9, $0xF7A;
	s5 =	simm.s32 @!p2 $0x0  }
0x1d: {  	s5 =	simm.s32 @p1 $0x1;
	p0 =	seq.s32 s7, s2  }
0x1e: {  	s7 =	smul.u32 @!p0 $0xF7A, s2;
	p2 =	seq.s32 @!p0 s5, $0x0  }
0x1f: {  	s9 =	smul.u32 $0xF7A, s1;
	s8 =	simm.s32 @!p0 $0x1BF5;
	p2 =	por !p2, p0  }
0x20: {  	[sflag:s8] =	ssyncset.s32 @!p0 $0xFFFFF086;
	s6 =	sadd.s32 @!p0 s3, s7;
	s7 =	simm.s32 @!p0 $0x108  }
0x21: {  	s3 =	sadd.s32 s3, s9;
	s6 =	sadd.s32 @!p0 $0x88, s6;
	s7 =	simm.s32 @p2 $0x1082  }
0x22: {  	[simem:s7], [sflag:s8] =	dma.local @!p0 [hbm:s6], $0xF7A  }
0x23: {  	s9 =	sor.u32 $0xD0000000, s2;
	s6 =	simm.s32 $0x108;
	_ =	swait.ge @!p0 [sflag:s8], $0x0  }
0x24: {  	s3 =	sadd.s32 $0x88, s3;
	s6 =	simm.s32 @!p1 $0x1082;
	[sflag:s4] =	ssyncset.s32 $0xFFFFF086  }
0x25: {  	[simem:s6], [sflag:s4] =	dma.local [hbm:s3], $0xF7A  }
0x26: {  	[smem:$0x3F9C] =	sst s1;
	(tag) =	ssettag s2;
	_ =	strace s9  }
0x27: {  	s1 =	sld [smem:$0x3FAC]  }
0x28: {  	s2 =	sld [smem:$0x3FAD]  }
0x29: {  	s4 =	sld [smem:$0x3FAF]  }
0x2a: {  	p0 =	seq.s32 s5, $0x0;
	s5 =	sld [smem:$0x3FB0]  }
0x2b: {  	s6 =	sld [smem:$0x3FB1]  }
0x2c: {  	s7 =	sld [smem:$0x3FB2]  }
0x2d: {  	s3 =	simm.s32 $0x108;
	s8 =	sld [smem:$0x3FB3]  }
0x2e: {  	s3 =	simm.s32 @!p0 $0x1082;
	s9 =	sld [smem:$0x3FB4]  }
0x2f: {  	lr =	sadd.s32 s0, s3;
	s0 =	sld [smem:$0x3FAB]  }
0x30: {  	s3 =	sld [smem:$0x3FAE]  }
0x31: {  	[smem:$0x3FB7] =	sst s10  }
0x32: {  	s10 =	sld [smem:$0x3FB5];
	_ =	sdelay $0x3  }
0x33: {  	p0 =	seq.s32 s10, $0x1;
	s10 =	sld [smem:$0x3FB7];
	_ =	sdelay $0x3  }
0x34: {  	[smem:$0x3FB7] =	sst s10  }
0x35: {  	s10 =	sld [smem:$0x3FB6];
	_ =	sdelay $0x3  }
0x36: {  	p1 =	seq.s32 s10, $0x1;
	s10 =	sld [smem:$0x3FB7];
	_ =	sdelay $0x3  }
0x37: {  	[smem:$0x3FB7] =	sst s10  }
0x38: {  	s10 =	sld [smem:$0x3FB8]  }
0x39: {  	_ = 	snop;
	(pc) =	sbr.ind lr, $3  }
0x3a: {  	_ = 	snop  }
0x3b: {  	_ = 	snop  }
0x3c: {  	p2 =	seq.s32 s10, $0x1;
	s10 =	sld [smem:$0x3FB7]  }
0x3d: {  	_ =	shalt  }
0x3e: {  	_ =	shalt  }
0x3f: {  	_ =	shalt  }
0x40: {  	_ =	shalt  }
0x41: {  	_ =	shalt  }
0x42: {  	_ =	shalt  }
0x43: {  	_ =	shalt  }
0x44: {  	_ =	shalt  }
0x45: {  	_ =	shalt  }
0x46: {  	_ =	shalt  }
0x47: {  	_ =	shalt  }
0x48: {  	_ =	shalt  }
0x49: {  	_ =	shalt  }
0x4a: {  	_ =	shalt  }
0x4b: {  	_ =	shalt  }
0x4c: {  	_ =	shalt  }
0x4d: {  	_ =	shalt  }
0x4e: {  	_ =	shalt  }
0x4f: {  	_ =	shalt  }
0x50: {  	_ =	shalt  }
0x51: {  	_ =	shalt  }
0x52: {  	_ =	shalt  }
0x53: {  	_ =	shalt  }
0x54: {  	_ =	shalt  }
0x55: {  	_ =	shalt  }
0x56: {  	_ =	shalt  }
0x57: {  	_ =	shalt  }
0x58: {  	_ =	shalt  }
0x59: {  	_ =	shalt  }
0x5a: {  	_ =	shalt  }
0x5b: {  	_ =	shalt  }
0x5c: {  	_ =	shalt  }
0x5d: {  	_ =	shalt  }
0x5e: {  	_ =	shalt  }
0x5f: {  	_ =	shalt  }
0x60: {  	_ =	shalt  }
0x61: {  	_ =	shalt  }
0x62: {  	_ =	shalt  }
0x63: {  	_ =	shalt  }
0x64: {  	_ =	shalt  }
0x65: {  	_ =	shalt  }
0x66: {  	_ =	shalt  }
0x67: {  	_ =	shalt  }
0x68: {  	_ =	shalt  }
0x69: {  	_ =	shalt  }
0x6a: {  	_ =	shalt  }
0x6b: {  	_ =	shalt  }
0x6c: {  	_ =	shalt  }
0x6d: {  	_ =	shalt  }
0x6e: {  	_ =	shalt  }
0x6f: {  	_ =	shalt  }
0x70: {  	_ =	shalt  }
0x71: {  	_ =	shalt  }
0x72: {  	_ =	shalt  }
0x73: {  	_ =	shalt  }
0x74: {  	_ =	shalt  }
0x75: {  	_ =	shalt  }
0x76: {  	_ =	shalt  }
0x77: {  	_ =	shalt  }
0x78: {  	_ =	shalt  }
0x79: {  	_ =	shalt  }
0x7a: {  	_ =	shalt  }
0x7b: {  	_ =	shalt  }
0x7c: {  	_ =	shalt  }
0x7d: {  	_ =	shalt  }
0x7e: {  	_ =	shalt  }
0x7f: {  	_ =	shalt  }
0x80: {  	_ =	shalt  }
0x81: {  	_ =	shalt  }
0x82: {  	_ =	shalt  }
0x83: {  	_ =	shalt  }
0x84: {  	_ =	shalt  }
0x85: {  	_ =	shalt  }
0x86: {  	_ =	shalt  }
0x87: {  	_ =	shalt  }
.Lfunc_end0:
.L_simem_size_0:
called_computation_lowered:
.L_overlay_start_0:
0x88: {  	s2 =	sld [smem:$0x3FD9]  }
0x89: {  	s3 =	sld [smem:$0x3FFE];
	_ =	sdelay $0x1  }
0x8a: {  	s1 =	srdreg.scid  }
0x8b: {  	s0 =	sand.u32 $0x1, s1  }
0x8c: {  	s17 =	sshll.u32 s0, $0xA;
	s2 =	sadd.s32 s3, s2  }
0x8d: {  	s2 =	sadd.s32 s2, s17  }
0x8e: {  	[smem:$0x3FC3] =	sst s2  }
0x8f: {  	_ = 	snop  }
0x90: {  	s2 =	sld [smem:$0x3FC7]  }
0x91: {  	s18 =	sld [smem:$0x3FD0];
	(tm) =	ssettm $0x1  }
0x92: {  	s4 =	sld [smem:$0x3FFB];
	_ =	sdelay $0x3  }
0x93: {  	_ =	strace s4  }
0x94: {  	s4 =	sld [smem:$0x3FFC];
	_ =	sdelay $0x3  }
0x95: {  	_ =	strace s4  }
0x96: {  	s4 =	sld [smem:$0x3FFD];
	_ =	sdelay $0x3  }
0x97: {  	_ =	strace s4  }
0x98: {  	_ =	strace $0x8FFFFFFF  }
0x99: {  	s19 =	sld [smem:$0x3FDB];
	_ =	sdelay $0x1  }
0x9a: {  	s5 =	simm.s32 $_scs_section_size  }
0x9b: {  	s6 =	simm.s32 $_size__tile_overlayer_lowered;
	s7 =	simm.s32 $_tile_overlayer_lowered  }
0x9c: {  	s22 =	simm.s32 $0x1BFF;
	s21 =	sshll.u32 s7, $0x1;
	s4 =	sadd.s32 s5, s19  }
0x9d: {  	s8 =	simm.s32 $0x0;
	s20 =	sshll.u32 s6, $0x1;
	s6 =	sadd.s32 s21, s4  }
0x9e: {  	[timem:s8], [sflag:s22] =	dma.local [hbm:s6], s20  }
0x9f: {  	_ =	swait.ge [sflag:s22], s20  }
0xa0: {  	s5 =	ssub.s32 $0x0, s20;
	[sflag:s22] =	ssyncset.done $0x0  }
0xa1: {  	[sflag:s22] =	ssyncadd.s32 s5;
	_ =	sdelay $0x1  }
0xa2: {  	s23 =	simm.s32 $0x1B8B  }
0xa3: {  	_ =	swait.ge [sflag:s23], $0x1  }
0xa4: {  	[sflag:s23] =	ssyncset.done $0x0  }
0xa5: {  	s25 =	simm.s32 $0x1B8E;
	s24 =	sld [smem:$0x3FFE];
	[sflag:s23] =	ssyncadd.s32 $0xFFFFFFFF  }
0xa6: {  	s26 =	simm.s32 $execute0_lowered;
	[smem:$0x3FD2] =	sst s25  }
0xa7: {  	s6 =	sshll.u32 s26, $0x1;
	_ =	strace $0x80000046;
	[dreg:$0x1] =	wrdreg $0xFFFFFFFF  }
0xa8: {  	s28 =	simm.s32 $_size_execute0_lowered;
	s4 =	sadd.s32 s4, s6;
	[dreg:$0x0] =	wrdreg $0x0  }
0xa9: {  	s6 =	sshll.u32 s28, $0x1;
	[dreg:$0x2] =	wrdreg s4  }
0xaa: {  	[dreg:$0x3] =	wrdreg s6  }
0xab: {  	[dreg:$0x4] =	wrdreg $0xC0  }
0xac: {  	_ =	task [dreg:s8], $0x5FFFF  }
0xad: {  	[dreg:$0x1] =	wrdreg $0xFFFFFFFF  }
0xae: {  	[dreg:$0x0] =	wrdreg $0x60  }
0xaf: {  	[dreg:$0x2] =	wrdreg s24  }
0xb0: {  	[dreg:$0x3] =	wrdreg s2  }
0xb1: {  	[dreg:$0x4] =	wrdreg s18  }
0xb2: {  	[dreg:$0x5] =	wrdreg $0x9  }
0xb3: {  	_ =	task.clear_ibuf [dreg:s8], $0x6FFFF;
	_ =	strace $0x90000046  }
0xb4: {  	s29 =	simm.s32 $0x9;
	_ =	strace $0x80000048  }
0xb5: {  	_ =	swait.ge [sflag:s29], $0x1  }
0xb6: {  	[sflag:s29] =	ssyncadd.s32 $0xFFFFFFFF  }
0xb7: {  	_ =	strace $0x90000048  }
0xb8: {  	_ =	sfence  }
0xb9: {  	s30 =	sld [smem:$0x0];
	_ =	sdelay $0x2  }
0xba: {  	s31 =	sshll.u32 s1, $0xD;
	s1 =	sshrl.u32 s1, $0x2  }
0xbb: {  	s3 =	sand.u32 $0x4000, s31;
	s1 =	sadd.s32 s1, s30  }
0xbc: {  	s0 =	sor.u32 s3, s0;
	s1 =	sshll.u32 s1, $0x11  }
0xbd: {  	s0 =	sor.u32 s1, s0  }
0xbe: {  	s0 =	sadd.s32 $0x8F2B, s0  }
0xbf: {  	[sflag:s0] =	ssyncadd.remote.s32 $0x1  }
0xc0: {  	_ =	sfence.sel $0xFFFF  }
0xc1: {  	[dreg:$0x0] =	wrdreg $0xFFFFFFFF;
	(pc) =	sbr.abs _section_cstart, $3  }
0xc2: {  	[dreg:$0x1] =	wrdreg $0xFFFFFFFF  }
0xc3: {  	_ =	task.clear_ibuf [dreg:s8], $0x2FFFF;
	_ =	strace $0x9FFFFFFF  }
0xc4: {  	(tm) =	ssettm $0x7FFFFFFF  }
0xc5: {  	_ =	shalt  }
tec
execute0_lowered:
.L_overlay_start_1:
0x0: {  	(tag) =	ssettag $0x1  }
0x1: {  	s0 =	rddreg [dreg:$0x0]  }
0x2: {  	s1 =	rddreg [dreg:$0x1];
	s2 =	srdreg.scid;
	s4 =	simm.s32 $0x0  }
0x3: {  	s3 =	stileid.u32;
	s9 =	simm.s32 $0x7;
	s11 =	simm.s32 $0x64  }
0x4: {  	s12 =	simm.s32 $0x4000;
	s14 =	simm.s32 $0x7400;
	s20 =	simm.s32 $0x11000  }
0x5: {  	s21 =	simm.s32 $0x1;
	s22 =	simm.s32 $0x14400;
	s23 =	simm.s32 $0x17800  }
0x6: {  	s24 =	simm.s32 $0x17880;
	s25 =	simm.s32 $0x17900;
	s28 =	simm.s32 $0x3  }
0x7: {  	s29 =	simm.s32 $0x4;
	s30 =	simm.s32 $0x5;
	s2 =	sand.u32 $0x1, s2  }
0x8: {  	s31 =	simm.s32 $0x6;
	s3 =	sshll.u32 s3, $0x8;
	s5 =	sshll.u32 s2, $0x7  }
0x9: {  	[smem:$0x7FF] =	sst s4;
	s2 =	ssub.s32 $0x2, s2;
	s3 =	sor.u32 s5, s3  }
0xa: {  	_ =	strace $0x80000047;
	s26 =	sshrl.u32 s2, $0x1;
	s5 =	sshll.u32 s3, $0x4  }
0xb: {  	s3 =	sshrl.u32 s3, $0x3;
	s2 =	ssub.s32 s2, s26;
	s26 =	simm.s32 $0x2  }
0xc: {  	s5 =	sadd.s32 s5, s0;
	s0 =	sadd.s32 s3, s0;
	s8 =	smax.u32 s2, $0x1  }
0xd: {  	s2 =	simm.s32 $0x17A00;
	s3 =	simm.s32 $0x0;
	s5 =	sadd.s32 $0xE00, s5  }
0xe: {  	vm0 =	vcmask $0x3F3C;
	v0 =	vimm.s32 $0x7E;
	v1 =	vimm.s32 $0x7F;
	s6 =	sadd.s32 $0x10E00, s0;
	s7 =	sadd.s32 $0x11000, s0;
	s0 =	simm.s32 $0x17980  }
.LBB2_1:
0xf: {  	[tilespmem:s4], [sflag:$0x7] =	stream.linear.gather [hbm4b:s5+s4], $0x4000, $0x38;
	[tilespmem:$0x17B00] =	vst v63  }
0x10: {  	_ =	swait.ge [sflag:s9], $0x4000  }
0x11: {  	[sflag:s9] =	ssyncset.done $0x0  }
0x12: {  	[sflag:s9] =	ssyncadd.s32 $0xFFFFC000  }
0x13: {  	s13 =	simm.s32 $0x17A80;
	s10 =	rddreg [dreg:$0x2]  }
0x14: {  	[tilespmem:s13], [sflag:$0x7] =	stream.linear.gather [hbm4b:s10+s4], $0x80, $0x38;
	[tilespmem:$0x17B00] =	vst v63  }
0x15: {  	_ =	swait.ge [sflag:s9], $0x80  }
0x16: {  	[sflag:s9] =	ssyncset.done $0x0  }
0x17: {  	[sflag:s9] =	ssyncadd.s32 $0xFFFFFF80  }
0x18: {  	[tilespmem:s12], [sflag:$0x1] =	stream.indirect.gather [hbm4b:s1+s11], $0x80, s4, s11, $0xb8;
	[tilespmem:$0x17B00] =	vst v63  }
0x19: {  	s13 =	simm.s32 $0x80  }
0x1a: {  	[tilespmem:s14], [sflag:$0x2] =	stream.indirect.gather [hbm4b:s1+s11], $0x80, s13, s11, $0xb8;
	[tilespmem:$0x17B00] =	vst v63  }
0x1b: {  	s15 =	simm.s32 $0x100;
	s16 =	simm.s32 $0xA800  }
0x1c: {  	[tilespmem:s16], [sflag:$0x3] =	stream.indirect.gather [hbm4b:s1+s11], $0x80, s15, s11, $0xb8;
	[tilespmem:$0x17B00] =	vst v63  }
0x1d: {  	s17 =	simm.s32 $0x180;
	s18 =	simm.s32 $0xDC00  }
0x1e: {  	[tilespmem:s18], [sflag:$0x4] =	stream.indirect.gather [hbm4b:s1+s11], $0x80, s17, s11, $0xb8;
	[tilespmem:$0x17B00] =	vst v63  }
0x1f: {  	s19 =	simm.s32 $0x200;
	s10 =	simm.s32 $0x0  }
0x20: {  	[tilespmem:s20], [sflag:$0x5] =	stream.indirect.gather [hbm4b:s1+s11], $0x80, s19, s11, $0xb8;
	[tilespmem:$0x17B00] =	vst v63  }
.LBB2_2:
0x21: {  	s15 =	smul.u32 $0x6, s10;
	_ =	sdelay $0x1  }
0x22: {  	_ =	swait.ge [sflag:s21], $0x3200;
	s13 =	sadd.s32 $0x5, s15  }
0x23: {  	[sflag:s21] =	ssyncset.done $0x0;
	s16 =	sshll.u32 s13, $0x7  }
0x24: {  	[sflag:s21] =	ssyncadd.s32 $0xFFFFCE00;
	s16 =	sand.u32 $0x3FFFFF80, s16  }
0x25: {  	[tilespmem:s22], [sflag:$0x6] =	stream.indirect.gather [hbm4b:s1+s11], $0x80, s16, s11, $0xb8;
	[tilespmem:$0x17B00] =	vst v63  }
0x26: {  	v6 =	vld [tilespmem:$0x4000]  }
0x27: {  	v7 =	vld [tilespmem:$0x4010]  }
0x28: {  	v8 =	vld [tilespmem:$0x4020]  }
0x29: {  	v9 =	vld [tilespmem:$0x4030]  }
0x2a: {  	v12 =	vld [tilespmem:$0x4040]  }
0x2b: {  	v13 =	vld [tilespmem:$0x4050]  }
0x2c: {  	v14 =	vld [tilespmem:$0x4060]  }
0x2d: {  	v15 =	vld [tilespmem:$0x4070]  }
0x2e: {  	v16 =	vld [tilespmem:$0x5900]  }
0x2f: {  	v17 =	vld [tilespmem:$0x5910]  }
0x30: {  	v23 =	vld [tilespmem:$0x5920]  }
0x31: {  	v25 =	vld [tilespmem:$0x5930]  }
0x32: {  	v5 =	vld [tilespmem:$0x5940]  }
0x33: {  	v2 =	vld [tilespmem:$0x5950]  }
0x34: {  	v3 =	vld [tilespmem:$0x5960]  }
0x35: {  	s17 =	simm.s32 $0x5A70;
	v4 =	vld [tilespmem:$0x5970]  }
0x36: {  	v20 =	vld [tilespmem:s17+$0xFFFFE690]  }
0x37: {  	v21 =	vld [tilespmem:s17+$0xFFFFE6A0]  }
0x38: {  	v22 =	vld [tilespmem:s17+$0xFFFFE6B0]  }
0x39: {  	v24 =	vld [tilespmem:s17+$0xFFFFE6C0]  }
0x3a: {  	v26 =	vld [tilespmem:s17+$0xFFFFE6D0]  }
0x3b: {  	v27 =	vld [tilespmem:s17+$0xFFFFE6E0]  }
0x3c: {  	v28 =	vld [tilespmem:s17+$0xFFFFE6F0]  }
0x3d: {  	v29 =	vld [tilespmem:s17+$0xFFFFE700]  }
0x3e: {  	v30 =	vld [tilespmem:s17+$0xFFFFFF90]  }
0x3f: {  	v31 =	vld [tilespmem:s17+$0xFFFFFFA0]  }
0x40: {  	v18 =	vld [tilespmem:s17+$0xFFFFFFB0]  }
0x41: {  	v19 =	vld [tilespmem:s17+$0xFFFFFFC0]  }
0x42: {  	v32 =	vld [tilespmem:s17+$0xFFFFE610]  }
0x43: {  	v33 =	vld [tilespmem:s17+$0xFFFFE620]  }
0x44: {  	v34 =	vld [tilespmem:s17+$0xFFFFE630]  }
0x45: {  	v35 =	vld [tilespmem:s17+$0xFFFFE640]  }
0x46: {  	v36 =	vld [tilespmem:s17+$0xFFFFE650]  }
0x47: {  	v37 =	vld [tilespmem:s17+$0xFFFFE660]  }
0x48: {  	v59 =	vld [tilespmem:s17+$0xFFFFE680]  }
0x49: {  	v62 =	vld [tilespmem:s17+$0xFFFFFF10]  }
0x4a: {  	v10 =	vld [tilespmem:s17+$0xFFFFFFD0]  }
0x4b: {  	v11 =	vld [tilespmem:s17+$0xFFFFFFE0];
	v6 =	vadd.f32 v32, v6;
	v7 =	vadd.f32 v33, v7  }
0x4c: {  	v38 =	vld [tilespmem:s17+$0xFFFFE670];
	v60 =	vadd.f32 v34, v8;
	v61 =	vadd.f32 v35, v9  }
0x4d: {  	v39 =	vld [tilespmem:s17+$0xFFFFFF20];
	v12 =	vadd.f32 v36, v12;
	v13 =	vadd.f32 v37, v13  }
0x4e: {  	v40 =	vld [tilespmem:s17+$0xFFFFFF30];
	v32 =	vadd.f32 v59, v15;
	v16 =	vadd.f32 v62, v16  }
0x4f: {  	v63 =	vld [tilespmem:s17+$0xFFFFFF40];
	v8 =	vadd.f32 v20, v6;
	v6 =	vadd.f32 v21, v7  }
0x50: {  	v9 =	vadd.f32 v22, v60;
	v7 =	vadd.f32 v24, v61;
	v20 =	vld [tilespmem:s17+$0xFFFFFF50]  }
0x51: {  	v24 =	vadd.f32 v38, v14;
	v21 =	vld [tilespmem:s17+$0xFFFFFF60];
	v15 =	vadd.f32 v26, v12  }
0x52: {  	v14 =	vadd.f32 v27, v13;
	v22 =	vld [tilespmem:s17+$0xFFFFFF70];
	v12 =	vadd.f32 v29, v32  }
0x53: {  	v13 =	vadd.f32 v28, v24;
	v28 =	vadd.f32 v39, v17;
	v24 =	vld [tilespmem:s17+$0xFFFFFF80]  }
0x54: {  	v27 =	vadd.f32 v40, v23;
	v26 =	vadd.f32 v63, v25;
	v23 =	vld [tilespmem:s17+$0xFFFFFFF0]  }
0x55: {  	s16 =	simm.s32 $0x1;
	v25 =	vld [tilespmem:s17+$0x0];
	v17 =	vadd.f32 v30, v16;
	s17 =	simm.s32 $0x5B70;
	v16 =	vadd.f32 v31, v28  }
.LBB2_3:
0x56: {  	v28 =	vld [tilespmem:s17+$0xFFFFE690];
	v27 =	vadd.f32 v18, v27;
	v26 =	vadd.f32 v19, v26  }
0x57: {  	v5 =	vadd.f32 v20, v5;
	v2 =	vadd.f32 v21, v2;
	v29 =	vld [tilespmem:s17+$0xFFFFE6A0]  }
0x58: {  	v3 =	vadd.f32 v22, v3;
	v20 =	vld [tilespmem:s17+$0xFFFFE6B0];
	v4 =	vadd.f32 v24, v4  }
0x59: {  	v5 =	vadd.f32 v10, v5;
	v2 =	vadd.f32 v11, v2;
	v21 =	vld [tilespmem:s17+$0xFFFFE6C0]  }
0x5a: {  	v3 =	vadd.f32 v23, v3;
	v22 =	vld [tilespmem:s17+$0xFFFFE6D0];
	v4 =	vadd.f32 v25, v4  }
0x5b: {  	v23 =	vld [tilespmem:s17+$0xFFFFE6E0]  }
0x5c: {  	v24 =	vld [tilespmem:s17+$0xFFFFE6F0]  }
0x5d: {  	v25 =	vld [tilespmem:s17+$0xFFFFE700]  }
0x5e: {  	v30 =	vld [tilespmem:s17+$0xFFFFFF90]  }
0x5f: {  	v31 =	vld [tilespmem:s17+$0xFFFFFFA0]  }
0x60: {  	v18 =	vld [tilespmem:s17+$0xFFFFFFB0]  }
0x61: {  	v19 =	vld [tilespmem:s17+$0xFFFFFFC0]  }
0x62: {  	v10 =	vld [tilespmem:s17+$0xFFFFFFD0]  }
0x63: {  	v11 =	vld [tilespmem:s17+$0xFFFFFFE0]  }
0x64: {  	v32 =	vld [tilespmem:s17+$0xFFFFE610]  }
0x65: {  	v33 =	vld [tilespmem:s17+$0xFFFFE620]  }
0x66: {  	v34 =	vld [tilespmem:s17+$0xFFFFE630]  }
0x67: {  	v35 =	vld [tilespmem:s17+$0xFFFFE640]  }
0x68: {  	v36 =	vld [tilespmem:s17+$0xFFFFE650]  }
0x69: {  	v37 =	vld [tilespmem:s17+$0xFFFFE660]  }
0x6a: {  	v38 =	vld [tilespmem:s17+$0xFFFFE670]  }
0x6b: {  	v8 =	vadd.f32 v32, v8;
	v6 =	vadd.f32 v33, v6;
	v32 =	vld [tilespmem:s17+$0xFFFFE680]  }
0x6c: {  	v9 =	vadd.f32 v34, v9;
	v7 =	vadd.f32 v35, v7;
	v33 =	vld [tilespmem:s17+$0xFFFFFF10]  }
0x6d: {  	v8 =	vadd.f32 v28, v8;
	v6 =	vadd.f32 v29, v6;
	v34 =	vld [tilespmem:s17+$0xFFFFFF20]  }
0x6e: {  	v9 =	vadd.f32 v20, v9;
	v28 =	vld [tilespmem:s17+$0xFFFFFF30];
	v7 =	vadd.f32 v21, v7  }
0x6f: {  	s16 =	sadd.s32 $0x2, s16;
	v15 =	vadd.f32 v36, v15;
	v14 =	vadd.f32 v37, v14;
	v29 =	vld [tilespmem:s17+$0xFFFFFF40]  }
0x70: {  	p0 =	slt.u32 s16, $0x2F;
	v13 =	vadd.f32 v38, v13;
	v12 =	vadd.f32 v32, v12;
	v20 =	vld [tilespmem:s17+$0xFFFFFF50]  }
.Ltmp0:
0x71: {  	v15 =	vadd.f32 v22, v15;
	v14 =	vadd.f32 v23, v14;
	v21 =	vld [tilespmem:s17+$0xFFFFFF60];
	(pc) =	sbr.rel @p0 .LBB2_3-.Ltmp0, $4  }
0x72: {  	v13 =	vadd.f32 v24, v13;
	v22 =	vld [tilespmem:s17+$0xFFFFFF70];
	v12 =	vadd.f32 v25, v12  }
0x73: {  	v17 =	vadd.f32 v33, v17;
	v16 =	vadd.f32 v34, v16;
	v24 =	vld [tilespmem:s17+$0xFFFFFF80]  }
0x74: {  	v27 =	vadd.f32 v28, v27;
	v26 =	vadd.f32 v29, v26;
	v23 =	vld [tilespmem:s17+$0xFFFFFFF0]  }
0x75: {  	v17 =	vadd.f32 v30, v17;
	v16 =	vadd.f32 v31, v16;
	v25 =	vld [tilespmem:s17+$0x0];
	s17 =	sadd.s32 $0x100, s17  }
0x76: {  	v28 =	vld [tilespmem:$0x5880]  }
0x77: {  	v29 =	vld [tilespmem:$0x5890]  }
0x78: {  	v30 =	vld [tilespmem:$0x58A0]  }
0x79: {  	v31 =	vld [tilespmem:$0x58B0]  }
0x7a: {  	v18 =	vadd.f32 v18, v27;
	v27 =	vld [tilespmem:$0x58C0]  }
0x7b: {  	v19 =	vadd.f32 v19, v26;
	v5 =	vadd.f32 v20, v5;
	v20 =	vld [tilespmem:$0x58D0]  }
0x7c: {  	v2 =	vadd.f32 v21, v2;
	v21 =	vld [tilespmem:$0x58E0];
	v3 =	vadd.f32 v22, v3  }
0x7d: {  	v4 =	vadd.f32 v24, v4;
	v5 =	vadd.f32 v10, v5;
	v10 =	vld [tilespmem:$0x7180]  }
0x7e: {  	v2 =	vadd.f32 v11, v2;
	v11 =	vld [tilespmem:$0x7190];
	v3 =	vadd.f32 v23, v3  }
0x7f: {  	v22 =	vld [tilespmem:$0x58F0];
	v4 =	vadd.f32 v25, v4;
	v8 =	vadd.f32 v28, v8  }
0x80: {  	v23 =	vld [tilespmem:$0x71A0];
	v6 =	vadd.f32 v29, v6;
	v9 =	vadd.f32 v30, v9  }
0x81: {  	v24 =	vld [tilespmem:$0x71B0];
	v7 =	vadd.f32 v31, v7;
	v15 =	vadd.f32 v27, v15  }
0x82: {  	v14 =	vadd.f32 v20, v14;
	v10 =	vadd.f32 v10, v17;
	v17 =	vld [tilespmem:$0x71C0]  }
0x83: {  	v13 =	vadd.f32 v21, v13;
	v11 =	vadd.f32 v11, v16  }
0x84: {  	v12 =	vadd.f32 v22, v12;
	v16 =	vmul.f32 v10, v8;
	v8 =	vmul.f32 v8, v8  }
0x85: {  	v20 =	vld [tilespmem:$0x71D0];
	v18 =	vadd.f32 v23, v18;
	v10 =	vmul.f32 v10, v10;
	v21 =	vmul.f32 v11, v6  }
0x86: {  	v19 =	vadd.f32 v24, v19;
	v6 =	vmul.f32 v6, v6;
	v11 =	vmul.f32 v11, v11  }
0x87: {  	v16 =	vadd.f32 v21, v16;
	v5 =	vadd.f32 v17, v5;
	v17 =	vmul.f32 v18, v9  }
0x88: {  	v21 =	vld [tilespmem:$0x71E0];
	v6 =	vadd.f32 v6, v8;
	v8 =	vadd.f32 v11, v10;
	v9 =	vmul.f32 v9, v9  }
0x89: {  	v11 =	vmul.f32 v18, v18;
	v10 =	vadd.f32 v17, v16;
	v16 =	vmul.f32 v19, v7  }
0x8a: {  	v2 =	vadd.f32 v20, v2;
	v6 =	vadd.f32 v9, v6;
	v7 =	vmul.f32 v7, v7  }
0x8b: {  	v8 =	vadd.f32 v11, v8;
	v11 =	vmul.f32 v19, v19;
	v9 =	vld [tilespmem:$0x71F0];
	v10 =	vadd.f32 v16, v10  }
0x8c: {  	v6 =	vadd.f32 v7, v6;
	v7 =	vmul.f32 v5, v15;
	v15 =	vmul.f32 v15, v15  }
0x8d: {  	v8 =	vadd.f32 v11, v8;
	v3 =	vadd.f32 v21, v3;
	v5 =	vmul.f32 v5, v5  }
0x8e: {  	v7 =	vadd.f32 v7, v10;
	v6 =	vadd.f32 v15, v6;
	v10 =	vmul.f32 v2, v14  }
0x8f: {  	v5 =	vadd.f32 v5, v8;
	v8 =	vmul.f32 v14, v14;
	v2 =	vmul.f32 v2, v2  }
0x90: {  	v4 =	vadd.f32 v9, v4;
	v9 =	vmul.f32 v3, v13;
	v7 =	vadd.f32 v10, v7  }
0x91: {  	v6 =	vadd.f32 v8, v6;
	v2 =	vadd.f32 v2, v5;
	v5 =	vmul.f32 v13, v13  }
0x92: {  	v3 =	vmul.f32 v3, v3;
	v8 =	vmul.f32 v4, v12;
	v7 =	vadd.f32 v9, v7  }
0x93: {  	v5 =	vadd.f32 v5, v6;
	v6 =	vmul.f32 v12, v12  }
0x94: {  	v4 =	vmul.f32 v4, v4;
	v2 =	vadd.f32 v3, v2;
	v3 =	vadd.f32 v8, v7  }
0x95: {  	v5 =	vadd.f32 v6, v5  }
0x96: {  	v2 =	vadd.f32 v4, v2;
	(xrf2) =	vadd.scan.msk.f32 $0xffff, v3  }
0x97: {  	(xrf2) =	vadd.scan.msk.f32 $0xffff, v5  }
0x98: {  	(xrf2) =	vadd.scan.msk.f32 $0xffff, v2  }
0x99: {  	v2 =	vmov s15  }
0x9a: {  	v2 =	vand.u32 $0xFFFFFFFE, v2  }
0x9b: {  	v2 =	vbroadcast v2, $0x0;
	_ =	sdelay $0x4  }
0x9c: {  	v3, _, _ =	vpop (xrf2)  }
0x9d: {  	v4, _, _ =	vpop (xrf2);
	[tilespmem:v2+s23+$0x0] =	vst.idx.msk vm0, v3  }
0x9e: {  	[tilespmem:v2+s24+$0x0] =	vst.idx.msk vm0, v4;
	v3, _, _ =	vpop (xrf2)  }
0x9f: {  	s16 =	smul.u32 $0xC00, s10;
	[tilespmem:v2+s25+$0x0] =	vst.idx.msk vm0, v3  }
0xa0: {  	_ =	swait.ge [sflag:s26], $0x3200  }
0xa1: {  	s16 =	sshra.s32 s16, $0x2;
	[sflag:s26] =	ssyncset.done $0x0  }
0xa2: {  	s17 =	sadd.s32 $0x300, s16;
	[sflag:s26] =	ssyncadd.s32 $0xFFFFCE00  }
0xa3: {  	[tilespmem:s12], [sflag:$0x1] =	stream.indirect.gather [hbm4b:s1+s11], $0x80, s17, s11, $0xb8;
	[tilespmem:$0x17B00] =	vst v63  }
0xa4: {  	v6 =	vld [tilespmem:$0x7400]  }
0xa5: {  	v7 =	vld [tilespmem:$0x7410]  }
0xa6: {  	v8 =	vld [tilespmem:$0x7420]  }
0xa7: {  	v9 =	vld [tilespmem:$0x7430]  }
0xa8: {  	v12 =	vld [tilespmem:$0x7440]  }
0xa9: {  	v13 =	vld [tilespmem:$0x7450]  }
0xaa: {  	v14 =	vld [tilespmem:$0x7460]  }
0xab: {  	v15 =	vld [tilespmem:$0x7470]  }
0xac: {  	v16 =	vld [tilespmem:$0x8D00]  }
0xad: {  	v17 =	vld [tilespmem:$0x8D10]  }
0xae: {  	v23 =	vld [tilespmem:$0x8D20]  }
0xaf: {  	v25 =	vld [tilespmem:$0x8D30]  }
0xb0: {  	v5 =	vld [tilespmem:$0x8D40]  }
0xb1: {  	v2 =	vld [tilespmem:$0x8D50]  }
0xb2: {  	v3 =	vld [tilespmem:$0x8D60]  }
0xb3: {  	s18 =	simm.s32 $0x8E70;
	v4 =	vld [tilespmem:$0x8D70]  }
0xb4: {  	v20 =	vld [tilespmem:s18+$0xFFFFE690]  }
0xb5: {  	v21 =	vld [tilespmem:s18+$0xFFFFE6A0]  }
0xb6: {  	v22 =	vld [tilespmem:s18+$0xFFFFE6B0]  }
0xb7: {  	v24 =	vld [tilespmem:s18+$0xFFFFE6C0]  }
0xb8: {  	v26 =	vld [tilespmem:s18+$0xFFFFE6D0]  }
0xb9: {  	v27 =	vld [tilespmem:s18+$0xFFFFE6E0]  }
0xba: {  	v28 =	vld [tilespmem:s18+$0xFFFFE6F0]  }
0xbb: {  	v29 =	vld [tilespmem:s18+$0xFFFFE700]  }
0xbc: {  	v57 =	vld [tilespmem:s18+$0xFFFFFF90]  }
0xbd: {  	v58 =	vld [tilespmem:s18+$0xFFFFFFA0]  }
0xbe: {  	v18 =	vld [tilespmem:s18+$0xFFFFFFB0]  }
0xbf: {  	v19 =	vld [tilespmem:s18+$0xFFFFFFC0]  }
0xc0: {  	v32 =	vld [tilespmem:s18+$0xFFFFE610]  }
0xc1: {  	v33 =	vld [tilespmem:s18+$0xFFFFE620]  }
0xc2: {  	v34 =	vld [tilespmem:s18+$0xFFFFE630]  }
0xc3: {  	v35 =	vld [tilespmem:s18+$0xFFFFE640]  }
0xc4: {  	v36 =	vld [tilespmem:s18+$0xFFFFE650]  }
0xc5: {  	v37 =	vld [tilespmem:s18+$0xFFFFE660]  }
0xc6: {  	v59 =	vld [tilespmem:s18+$0xFFFFE680]  }
0xc7: {  	v62 =	vld [tilespmem:s18+$0xFFFFFF10]  }
0xc8: {  	v10 =	vld [tilespmem:s18+$0xFFFFFFD0]  }
0xc9: {  	v11 =	vld [tilespmem:s18+$0xFFFFFFE0];
	v6 =	vadd.f32 v32, v6;
	v7 =	vadd.f32 v33, v7  }
0xca: {  	v38 =	vld [tilespmem:s18+$0xFFFFE670];
	v60 =	vadd.f32 v34, v8;
	v61 =	vadd.f32 v35, v9  }
0xcb: {  	v39 =	vld [tilespmem:s18+$0xFFFFFF20];
	v12 =	vadd.f32 v36, v12;
	v13 =	vadd.f32 v37, v13  }
0xcc: {  	v40 =	vld [tilespmem:s18+$0xFFFFFF30];
	v32 =	vadd.f32 v59, v15;
	v16 =	vadd.f32 v62, v16  }
0xcd: {  	v63 =	vld [tilespmem:s18+$0xFFFFFF40];
	v8 =	vadd.f32 v20, v6;
	v6 =	vadd.f32 v21, v7  }
0xce: {  	v9 =	vadd.f32 v22, v60;
	v7 =	vadd.f32 v24, v61;
	v20 =	vld [tilespmem:s18+$0xFFFFFF50]  }
0xcf: {  	v24 =	vadd.f32 v38, v14;
	v21 =	vld [tilespmem:s18+$0xFFFFFF60];
	v15 =	vadd.f32 v26, v12  }
0xd0: {  	v14 =	vadd.f32 v27, v13;
	v22 =	vld [tilespmem:s18+$0xFFFFFF70];
	v12 =	vadd.f32 v29, v32  }
0xd1: {  	v13 =	vadd.f32 v28, v24;
	v28 =	vadd.f32 v39, v17;
	v24 =	vld [tilespmem:s18+$0xFFFFFF80]  }
0xd2: {  	v27 =	vadd.f32 v40, v23;
	v26 =	vadd.f32 v63, v25;
	v23 =	vld [tilespmem:s18+$0xFFFFFFF0]  }
0xd3: {  	s17 =	simm.s32 $0x1;
	v25 =	vld [tilespmem:s18+$0x0];
	v17 =	vadd.f32 v57, v16;
	s18 =	simm.s32 $0x8F70;
	v16 =	vadd.f32 v58, v28  }
.LBB2_5:
0xd4: {  	v28 =	vld [tilespmem:s18+$0xFFFFE690];
	v27 =	vadd.f32 v18, v27;
	v26 =	vadd.f32 v19, v26  }
0xd5: {  	v5 =	vadd.f32 v20, v5;
	v2 =	vadd.f32 v21, v2;
	v29 =	vld [tilespmem:s18+$0xFFFFE6A0]  }
0xd6: {  	v3 =	vadd.f32 v22, v3;
	v20 =	vld [tilespmem:s18+$0xFFFFE6B0];
	v4 =	vadd.f32 v24, v4  }
0xd7: {  	v5 =	vadd.f32 v10, v5;
	v2 =	vadd.f32 v11, v2;
	v21 =	vld [tilespmem:s18+$0xFFFFE6C0]  }
0xd8: {  	v3 =	vadd.f32 v23, v3;
	v22 =	vld [tilespmem:s18+$0xFFFFE6D0];
	v4 =	vadd.f32 v25, v4  }
0xd9: {  	v23 =	vld [tilespmem:s18+$0xFFFFE6E0]  }
0xda: {  	v24 =	vld [tilespmem:s18+$0xFFFFE6F0]  }
0xdb: {  	v25 =	vld [tilespmem:s18+$0xFFFFE700]  }
0xdc: {  	v30 =	vld [tilespmem:s18+$0xFFFFFF90]  }
0xdd: {  	v31 =	vld [tilespmem:s18+$0xFFFFFFA0]  }
0xde: {  	v18 =	vld [tilespmem:s18+$0xFFFFFFB0]  }
0xdf: {  	v19 =	vld [tilespmem:s18+$0xFFFFFFC0]  }
0xe0: {  	v10 =	vld [tilespmem:s18+$0xFFFFFFD0]  }
0xe1: {  	v11 =	vld [tilespmem:s18+$0xFFFFFFE0]  }
0xe2: {  	v32 =	vld [tilespmem:s18+$0xFFFFE610]  }
0xe3: {  	v33 =	vld [tilespmem:s18+$0xFFFFE620]  }
0xe4: {  	v34 =	vld [tilespmem:s18+$0xFFFFE630]  }
0xe5: {  	v35 =	vld [tilespmem:s18+$0xFFFFE640]  }
0xe6: {  	v36 =	vld [tilespmem:s18+$0xFFFFE650]  }
0xe7: {  	v37 =	vld [tilespmem:s18+$0xFFFFE660]  }
0xe8: {  	v38 =	vld [tilespmem:s18+$0xFFFFE670]  }
0xe9: {  	v8 =	vadd.f32 v32, v8;
	v6 =	vadd.f32 v33, v6;
	v32 =	vld [tilespmem:s18+$0xFFFFE680]  }
0xea: {  	v9 =	vadd.f32 v34, v9;
	v7 =	vadd.f32 v35, v7;
	v33 =	vld [tilespmem:s18+$0xFFFFFF10]  }
0xeb: {  	v8 =	vadd.f32 v28, v8;
	v6 =	vadd.f32 v29, v6;
	v34 =	vld [tilespmem:s18+$0xFFFFFF20]  }
0xec: {  	v9 =	vadd.f32 v20, v9;
	v28 =	vld [tilespmem:s18+$0xFFFFFF30];
	v7 =	vadd.f32 v21, v7  }
0xed: {  	s17 =	sadd.s32 $0x2, s17;
	v15 =	vadd.f32 v36, v15;
	v14 =	vadd.f32 v37, v14;
	v29 =	vld [tilespmem:s18+$0xFFFFFF40]  }
0xee: {  	p0 =	slt.u32 s17, $0x2F;
	v13 =	vadd.f32 v38, v13;
	v12 =	vadd.f32 v32, v12;
	v20 =	vld [tilespmem:s18+$0xFFFFFF50]  }
.Ltmp1:
0xef: {  	v15 =	vadd.f32 v22, v15;
	v14 =	vadd.f32 v23, v14;
	v21 =	vld [tilespmem:s18+$0xFFFFFF60];
	(pc) =	sbr.rel @p0 .LBB2_5-.Ltmp1, $4  }
0xf0: {  	v13 =	vadd.f32 v24, v13;
	v22 =	vld [tilespmem:s18+$0xFFFFFF70];
	v12 =	vadd.f32 v25, v12  }
0xf1: {  	v17 =	vadd.f32 v33, v17;
	v16 =	vadd.f32 v34, v16;
	v24 =	vld [tilespmem:s18+$0xFFFFFF80]  }
0xf2: {  	v27 =	vadd.f32 v28, v27;
	v26 =	vadd.f32 v29, v26;
	v23 =	vld [tilespmem:s18+$0xFFFFFFF0]  }
0xf3: {  	v17 =	vadd.f32 v30, v17;
	v16 =	vadd.f32 v31, v16;
	v25 =	vld [tilespmem:s18+$0x0];
	s18 =	sadd.s32 $0x100, s18  }
0xf4: {  	v28 =	vld [tilespmem:$0x8C80]  }
0xf5: {  	v29 =	vld [tilespmem:$0x8C90]  }
0xf6: {  	v30 =	vld [tilespmem:$0x8CA0]  }
0xf7: {  	v31 =	vld [tilespmem:$0x8CB0]  }
0xf8: {  	v18 =	vadd.f32 v18, v27;
	v27 =	vld [tilespmem:$0x8CC0]  }
0xf9: {  	v19 =	vadd.f32 v19, v26;
	v5 =	vadd.f32 v20, v5;
	v20 =	vld [tilespmem:$0x8CD0]  }
0xfa: {  	v2 =	vadd.f32 v21, v2;
	v21 =	vld [tilespmem:$0x8CE0];
	v3 =	vadd.f32 v22, v3  }
0xfb: {  	v4 =	vadd.f32 v24, v4;
	v5 =	vadd.f32 v10, v5;
	v10 =	vld [tilespmem:$0xA580]  }
0xfc: {  	v2 =	vadd.f32 v11, v2;
	v11 =	vld [tilespmem:$0xA590];
	v3 =	vadd.f32 v23, v3  }
0xfd: {  	v22 =	vld [tilespmem:$0x8CF0];
	v4 =	vadd.f32 v25, v4;
	v8 =	vadd.f32 v28, v8  }
0xfe: {  	v23 =	vld [tilespmem:$0xA5A0];
	v6 =	vadd.f32 v29, v6;
	v9 =	vadd.f32 v30, v9  }
0xff: {  	v24 =	vld [tilespmem:$0xA5B0];
	v7 =	vadd.f32 v31, v7;
	v15 =	vadd.f32 v27, v15  }
0x100: {  	v14 =	vadd.f32 v20, v14;
	v10 =	vadd.f32 v10, v17;
	v17 =	vld [tilespmem:$0xA5C0]  }
0x101: {  	v13 =	vadd.f32 v21, v13;
	v11 =	vadd.f32 v11, v16  }
0x102: {  	v12 =	vadd.f32 v22, v12;
	v16 =	vmul.f32 v10, v8;
	v8 =	vmul.f32 v8, v8  }
0x103: {  	v20 =	vld [tilespmem:$0xA5D0];
	v18 =	vadd.f32 v23, v18;
	v10 =	vmul.f32 v10, v10;
	v21 =	vmul.f32 v11, v6  }
0x104: {  	v19 =	vadd.f32 v24, v19;
	v6 =	vmul.f32 v6, v6;
	v11 =	vmul.f32 v11, v11  }
0x105: {  	v16 =	vadd.f32 v21, v16;
	v5 =	vadd.f32 v17, v5;
	v17 =	vmul.f32 v18, v9  }
0x106: {  	v21 =	vld [tilespmem:$0xA5E0];
	v6 =	vadd.f32 v6, v8;
	v8 =	vadd.f32 v11, v10;
	v9 =	vmul.f32 v9, v9  }
0x107: {  	v11 =	vmul.f32 v18, v18;
	v10 =	vadd.f32 v17, v16;
	v16 =	vmul.f32 v19, v7  }
0x108: {  	v2 =	vadd.f32 v20, v2;
	v6 =	vadd.f32 v9, v6;
	v7 =	vmul.f32 v7, v7  }
0x109: {  	v8 =	vadd.f32 v11, v8;
	v11 =	vmul.f32 v19, v19;
	v9 =	vld [tilespmem:$0xA5F0];
	v10 =	vadd.f32 v16, v10  }
0x10a: {  	v6 =	vadd.f32 v7, v6;
	v7 =	vmul.f32 v5, v15;
	v15 =	vmul.f32 v15, v15  }
0x10b: {  	v8 =	vadd.f32 v11, v8;
	v3 =	vadd.f32 v21, v3;
	v5 =	vmul.f32 v5, v5  }
0x10c: {  	v7 =	vadd.f32 v7, v10;
	v6 =	vadd.f32 v15, v6;
	v10 =	vmul.f32 v2, v14  }
0x10d: {  	v5 =	vadd.f32 v5, v8;
	v8 =	vmul.f32 v14, v14;
	v2 =	vmul.f32 v2, v2  }
0x10e: {  	v4 =	vadd.f32 v9, v4;
	v9 =	vmul.f32 v3, v13;
	v7 =	vadd.f32 v10, v7  }
0x10f: {  	v6 =	vadd.f32 v8, v6;
	v2 =	vadd.f32 v2, v5;
	v5 =	vmul.f32 v13, v13  }
0x110: {  	v3 =	vmul.f32 v3, v3;
	v8 =	vmul.f32 v4, v12;
	v7 =	vadd.f32 v9, v7  }
0x111: {  	v5 =	vadd.f32 v5, v6;
	v6 =	vmul.f32 v12, v12  }
0x112: {  	v4 =	vmul.f32 v4, v4;
	v2 =	vadd.f32 v3, v2;
	v3 =	vadd.f32 v8, v7  }
0x113: {  	v5 =	vadd.f32 v6, v5  }
0x114: {  	v2 =	vadd.f32 v4, v2;
	(xrf2) =	vadd.scan.msk.f32 $0xffff, v3  }
0x115: {  	(xrf2) =	vadd.scan.msk.f32 $0xffff, v5  }
0x116: {  	(xrf2) =	vadd.scan.msk.f32 $0xffff, v2;
	_ =	sdelay $0x2  }
0x117: {  	s17 =	sor.u32 $0x1, s15  }
0x118: {  	v2 =	vmov s17;
	_ =	sdelay $0x3  }
0x119: {  	v3, _, _ =	vpop (xrf2)  }
0x11a: {  	v4, _, _ =	vpop (xrf2);
	[tilespmem:v2+s23+$0x0] =	vst.idx.msk vm0, v3  }
0x11b: {  	[tilespmem:v2+s24+$0x0] =	vst.idx.msk vm0, v4;
	v3, _, _ =	vpop (xrf2)  }
0x11c: {  	[tilespmem:v2+s25+$0x0] =	vst.idx.msk vm0, v3  }
0x11d: {  	_ =	swait.ge [sflag:s28], $0x3200  }
0x11e: {  	[sflag:s28] =	ssyncset.done $0x0  }
0x11f: {  	s19 =	sadd.s32 $0x380, s16;
	[sflag:s28] =	ssyncadd.s32 $0xFFFFCE00  }
0x120: {  	[tilespmem:s14], [sflag:$0x2] =	stream.indirect.gather [hbm4b:s1+s11], $0x80, s19, s11, $0xb8;
	[tilespmem:$0x17B00] =	vst v63  }
0x121: {  	v6 =	vld [tilespmem:$0xA800]  }
0x122: {  	v7 =	vld [tilespmem:$0xA810]  }
0x123: {  	v8 =	vld [tilespmem:$0xA820]  }
0x124: {  	v9 =	vld [tilespmem:$0xA830]  }
0x125: {  	v12 =	vld [tilespmem:$0xA840]  }
0x126: {  	v13 =	vld [tilespmem:$0xA850]  }
0x127: {  	v14 =	vld [tilespmem:$0xA860]  }
0x128: {  	v15 =	vld [tilespmem:$0xA870]  }
0x129: {  	v16 =	vld [tilespmem:$0xC100]  }
0x12a: {  	v17 =	vld [tilespmem:$0xC110]  }
0x12b: {  	v23 =	vld [tilespmem:$0xC120]  }
0x12c: {  	v25 =	vld [tilespmem:$0xC130]  }
0x12d: {  	v5 =	vld [tilespmem:$0xC140]  }
0x12e: {  	v2 =	vld [tilespmem:$0xC150]  }
0x12f: {  	v3 =	vld [tilespmem:$0xC160]  }
0x130: {  	s18 =	simm.s32 $0xC270;
	v4 =	vld [tilespmem:$0xC170]  }
0x131: {  	v20 =	vld [tilespmem:s18+$0xFFFFE690]  }
0x132: {  	v21 =	vld [tilespmem:s18+$0xFFFFE6A0]  }
0x133: {  	v22 =	vld [tilespmem:s18+$0xFFFFE6B0]  }
0x134: {  	v24 =	vld [tilespmem:s18+$0xFFFFE6C0]  }
0x135: {  	v26 =	vld [tilespmem:s18+$0xFFFFE6D0]  }
0x136: {  	v27 =	vld [tilespmem:s18+$0xFFFFE6E0]  }
0x137: {  	v28 =	vld [tilespmem:s18+$0xFFFFE6F0]  }
0x138: {  	v29 =	vld [tilespmem:s18+$0xFFFFE700]  }
0x139: {  	v57 =	vld [tilespmem:s18+$0xFFFFFF90]  }
0x13a: {  	v58 =	vld [tilespmem:s18+$0xFFFFFFA0]  }
0x13b: {  	v18 =	vld [tilespmem:s18+$0xFFFFFFB0]  }
0x13c: {  	v19 =	vld [tilespmem:s18+$0xFFFFFFC0]  }
0x13d: {  	v32 =	vld [tilespmem:s18+$0xFFFFE610]  }
0x13e: {  	v33 =	vld [tilespmem:s18+$0xFFFFE620]  }
0x13f: {  	v34 =	vld [tilespmem:s18+$0xFFFFE630]  }
0x140: {  	v35 =	vld [tilespmem:s18+$0xFFFFE640]  }
0x141: {  	v36 =	vld [tilespmem:s18+$0xFFFFE650]  }
0x142: {  	v37 =	vld [tilespmem:s18+$0xFFFFE660]  }
0x143: {  	v59 =	vld [tilespmem:s18+$0xFFFFE680]  }
0x144: {  	v62 =	vld [tilespmem:s18+$0xFFFFFF10]  }
0x145: {  	v10 =	vld [tilespmem:s18+$0xFFFFFFD0]  }
0x146: {  	v11 =	vld [tilespmem:s18+$0xFFFFFFE0];
	v6 =	vadd.f32 v32, v6;
	v7 =	vadd.f32 v33, v7  }
0x147: {  	v38 =	vld [tilespmem:s18+$0xFFFFE670];
	v60 =	vadd.f32 v34, v8;
	v61 =	vadd.f32 v35, v9  }
0x148: {  	v39 =	vld [tilespmem:s18+$0xFFFFFF20];
	v12 =	vadd.f32 v36, v12;
	v13 =	vadd.f32 v37, v13  }
0x149: {  	v40 =	vld [tilespmem:s18+$0xFFFFFF30];
	v32 =	vadd.f32 v59, v15;
	v16 =	vadd.f32 v62, v16  }
0x14a: {  	v63 =	vld [tilespmem:s18+$0xFFFFFF40];
	v8 =	vadd.f32 v20, v6;
	v6 =	vadd.f32 v21, v7  }
0x14b: {  	v9 =	vadd.f32 v22, v60;
	v7 =	vadd.f32 v24, v61;
	v20 =	vld [tilespmem:s18+$0xFFFFFF50]  }
0x14c: {  	v24 =	vadd.f32 v38, v14;
	v21 =	vld [tilespmem:s18+$0xFFFFFF60];
	v15 =	vadd.f32 v26, v12  }
0x14d: {  	v14 =	vadd.f32 v27, v13;
	v22 =	vld [tilespmem:s18+$0xFFFFFF70];
	v12 =	vadd.f32 v29, v32  }
0x14e: {  	v13 =	vadd.f32 v28, v24;
	v28 =	vadd.f32 v39, v17;
	v24 =	vld [tilespmem:s18+$0xFFFFFF80]  }
0x14f: {  	v27 =	vadd.f32 v40, v23;
	v26 =	vadd.f32 v63, v25;
	v23 =	vld [tilespmem:s18+$0xFFFFFFF0]  }
0x150: {  	s17 =	simm.s32 $0x1;
	v25 =	vld [tilespmem:s18+$0x0];
	v17 =	vadd.f32 v57, v16;
	s18 =	simm.s32 $0xC370;
	v16 =	vadd.f32 v58, v28  }
.LBB2_7:
0x151: {  	v28 =	vld [tilespmem:s18+$0xFFFFE690];
	v27 =	vadd.f32 v18, v27;
	v26 =	vadd.f32 v19, v26  }
0x152: {  	v5 =	vadd.f32 v20, v5;
	v2 =	vadd.f32 v21, v2;
	v29 =	vld [tilespmem:s18+$0xFFFFE6A0]  }
0x153: {  	v3 =	vadd.f32 v22, v3;
	v20 =	vld [tilespmem:s18+$0xFFFFE6B0];
	v4 =	vadd.f32 v24, v4  }
0x154: {  	v5 =	vadd.f32 v10, v5;
	v2 =	vadd.f32 v11, v2;
	v21 =	vld [tilespmem:s18+$0xFFFFE6C0]  }
0x155: {  	v3 =	vadd.f32 v23, v3;
	v22 =	vld [tilespmem:s18+$0xFFFFE6D0];
	v4 =	vadd.f32 v25, v4  }
0x156: {  	v23 =	vld [tilespmem:s18+$0xFFFFE6E0]  }
0x157: {  	v24 =	vld [tilespmem:s18+$0xFFFFE6F0]  }
0x158: {  	v25 =	vld [tilespmem:s18+$0xFFFFE700]  }
0x159: {  	v30 =	vld [tilespmem:s18+$0xFFFFFF90]  }
0x15a: {  	v31 =	vld [tilespmem:s18+$0xFFFFFFA0]  }
0x15b: {  	v18 =	vld [tilespmem:s18+$0xFFFFFFB0]  }
0x15c: {  	v19 =	vld [tilespmem:s18+$0xFFFFFFC0]  }
0x15d: {  	v10 =	vld [tilespmem:s18+$0xFFFFFFD0]  }
0x15e: {  	v11 =	vld [tilespmem:s18+$0xFFFFFFE0]  }
0x15f: {  	v32 =	vld [tilespmem:s18+$0xFFFFE610]  }
0x160: {  	v33 =	vld [tilespmem:s18+$0xFFFFE620]  }
0x161: {  	v34 =	vld [tilespmem:s18+$0xFFFFE630]  }
0x162: {  	v35 =	vld [tilespmem:s18+$0xFFFFE640]  }
0x163: {  	v36 =	vld [tilespmem:s18+$0xFFFFE650]  }
0x164: {  	v37 =	vld [tilespmem:s18+$0xFFFFE660]  }
0x165: {  	v38 =	vld [tilespmem:s18+$0xFFFFE670]  }
0x166: {  	v8 =	vadd.f32 v32, v8;
	v6 =	vadd.f32 v33, v6;
	v32 =	vld [tilespmem:s18+$0xFFFFE680]  }
0x167: {  	v9 =	vadd.f32 v34, v9;
	v7 =	vadd.f32 v35, v7;
	v33 =	vld [tilespmem:s18+$0xFFFFFF10]  }
0x168: {  	v8 =	vadd.f32 v28, v8;
	v6 =	vadd.f32 v29, v6;
	v34 =	vld [tilespmem:s18+$0xFFFFFF20]  }
0x169: {  	v9 =	vadd.f32 v20, v9;
	v28 =	vld [tilespmem:s18+$0xFFFFFF30];
	v7 =	vadd.f32 v21, v7  }
0x16a: {  	s17 =	sadd.s32 $0x2, s17;
	v15 =	vadd.f32 v36, v15;
	v14 =	vadd.f32 v37, v14;
	v29 =	vld [tilespmem:s18+$0xFFFFFF40]  }
0x16b: {  	p0 =	slt.u32 s17, $0x2F;
	v13 =	vadd.f32 v38, v13;
	v12 =	vadd.f32 v32, v12;
	v20 =	vld [tilespmem:s18+$0xFFFFFF50]  }
.Ltmp2:
0x16c: {  	v15 =	vadd.f32 v22, v15;
	v14 =	vadd.f32 v23, v14;
	v21 =	vld [tilespmem:s18+$0xFFFFFF60];
	(pc) =	sbr.rel @p0 .LBB2_7-.Ltmp2, $4  }
0x16d: {  	v13 =	vadd.f32 v24, v13;
	v22 =	vld [tilespmem:s18+$0xFFFFFF70];
	v12 =	vadd.f32 v25, v12  }
0x16e: {  	v17 =	vadd.f32 v33, v17;
	v16 =	vadd.f32 v34, v16;
	v24 =	vld [tilespmem:s18+$0xFFFFFF80]  }
0x16f: {  	v27 =	vadd.f32 v28, v27;
	v26 =	vadd.f32 v29, v26;
	v23 =	vld [tilespmem:s18+$0xFFFFFFF0]  }
0x170: {  	v17 =	vadd.f32 v30, v17;
	v16 =	vadd.f32 v31, v16;
	v25 =	vld [tilespmem:s18+$0x0];
	s18 =	sadd.s32 $0x100, s18  }
0x171: {  	v28 =	vld [tilespmem:$0xC080]  }
0x172: {  	v29 =	vld [tilespmem:$0xC090]  }
0x173: {  	v30 =	vld [tilespmem:$0xC0A0]  }
0x174: {  	v31 =	vld [tilespmem:$0xC0B0]  }
0x175: {  	v18 =	vadd.f32 v18, v27;
	v27 =	vld [tilespmem:$0xC0C0]  }
0x176: {  	v19 =	vadd.f32 v19, v26;
	v5 =	vadd.f32 v20, v5;
	v20 =	vld [tilespmem:$0xC0D0]  }
0x177: {  	v2 =	vadd.f32 v21, v2;
	v21 =	vld [tilespmem:$0xC0E0];
	v3 =	vadd.f32 v22, v3  }
0x178: {  	v4 =	vadd.f32 v24, v4;
	v5 =	vadd.f32 v10, v5;
	v10 =	vld [tilespmem:$0xD980]  }
0x179: {  	v2 =	vadd.f32 v11, v2;
	v11 =	vld [tilespmem:$0xD990];
	v3 =	vadd.f32 v23, v3  }
0x17a: {  	v22 =	vld [tilespmem:$0xC0F0];
	v4 =	vadd.f32 v25, v4;
	v8 =	vadd.f32 v28, v8  }
0x17b: {  	v23 =	vld [tilespmem:$0xD9A0];
	v6 =	vadd.f32 v29, v6;
	v9 =	vadd.f32 v30, v9  }
0x17c: {  	v24 =	vld [tilespmem:$0xD9B0];
	v7 =	vadd.f32 v31, v7;
	v15 =	vadd.f32 v27, v15  }
0x17d: {  	v14 =	vadd.f32 v20, v14;
	v10 =	vadd.f32 v10, v17;
	v17 =	vld [tilespmem:$0xD9C0]  }
0x17e: {  	v13 =	vadd.f32 v21, v13;
	v11 =	vadd.f32 v11, v16  }
0x17f: {  	v12 =	vadd.f32 v22, v12;
	v16 =	vmul.f32 v10, v8;
	v8 =	vmul.f32 v8, v8  }
0x180: {  	v20 =	vld [tilespmem:$0xD9D0];
	v18 =	vadd.f32 v23, v18;
	v10 =	vmul.f32 v10, v10;
	v21 =	vmul.f32 v11, v6  }
0x181: {  	v19 =	vadd.f32 v24, v19;
	v6 =	vmul.f32 v6, v6;
	v11 =	vmul.f32 v11, v11  }
0x182: {  	v16 =	vadd.f32 v21, v16;
	v5 =	vadd.f32 v17, v5;
	v17 =	vmul.f32 v18, v9  }
0x183: {  	v21 =	vld [tilespmem:$0xD9E0];
	v6 =	vadd.f32 v6, v8;
	v8 =	vadd.f32 v11, v10;
	v9 =	vmul.f32 v9, v9  }
0x184: {  	v11 =	vmul.f32 v18, v18;
	v10 =	vadd.f32 v17, v16;
	v16 =	vmul.f32 v19, v7  }
0x185: {  	v2 =	vadd.f32 v20, v2;
	v6 =	vadd.f32 v9, v6;
	v7 =	vmul.f32 v7, v7  }
0x186: {  	v8 =	vadd.f32 v11, v8;
	v11 =	vmul.f32 v19, v19;
	v9 =	vld [tilespmem:$0xD9F0];
	v10 =	vadd.f32 v16, v10  }
0x187: {  	v6 =	vadd.f32 v7, v6;
	v7 =	vmul.f32 v5, v15;
	v15 =	vmul.f32 v15, v15  }
0x188: {  	v8 =	vadd.f32 v11, v8;
	v3 =	vadd.f32 v21, v3;
	v5 =	vmul.f32 v5, v5  }
0x189: {  	v7 =	vadd.f32 v7, v10;
	v6 =	vadd.f32 v15, v6;
	v10 =	vmul.f32 v2, v14  }
0x18a: {  	v5 =	vadd.f32 v5, v8;
	v8 =	vmul.f32 v14, v14;
	v2 =	vmul.f32 v2, v2  }
0x18b: {  	v4 =	vadd.f32 v9, v4;
	v9 =	vmul.f32 v3, v13;
	v7 =	vadd.f32 v10, v7  }
0x18c: {  	v6 =	vadd.f32 v8, v6;
	v2 =	vadd.f32 v2, v5;
	v5 =	vmul.f32 v13, v13  }
0x18d: {  	v3 =	vmul.f32 v3, v3;
	v8 =	vmul.f32 v4, v12;
	v7 =	vadd.f32 v9, v7  }
0x18e: {  	v5 =	vadd.f32 v5, v6;
	v6 =	vmul.f32 v12, v12  }
0x18f: {  	v4 =	vmul.f32 v4, v4;
	v2 =	vadd.f32 v3, v2;
	v3 =	vadd.f32 v8, v7  }
0x190: {  	v5 =	vadd.f32 v6, v5  }
0x191: {  	v2 =	vadd.f32 v4, v2;
	(xrf2) =	vadd.scan.msk.f32 $0xffff, v3  }
0x192: {  	(xrf2) =	vadd.scan.msk.f32 $0xffff, v5  }
0x193: {  	s17 =	sadd.s32 $0x2, s15;
	(xrf2) =	vadd.scan.msk.f32 $0xffff, v2  }
0x194: {  	v2 =	vmov s17  }
0x195: {  	v2 =	vand.u32 $0xFFFFFFFE, v2  }
0x196: {  	v2 =	vbroadcast v2, $0x0;
	_ =	sdelay $0x4  }
0x197: {  	v3, _, _ =	vpop (xrf2)  }
0x198: {  	v4, _, _ =	vpop (xrf2);
	[tilespmem:v2+s23+$0x0] =	vst.idx.msk vm0, v3  }
0x199: {  	[tilespmem:v2+s24+$0x0] =	vst.idx.msk vm0, v4;
	v3, _, _ =	vpop (xrf2)  }
0x19a: {  	[tilespmem:v2+s25+$0x0] =	vst.idx.msk vm0, v3  }
0x19b: {  	p0 =	seq.s32 s10, $0x14;
	_ =	swait.ge [sflag:s29], $0x3200  }
0x19c: {  	s18 =	simm.s32 @!p0 $0x64;
	[sflag:s29] =	ssyncset.done $0x0  }
0x19d: {  	s19 =	simm.s32 @!p0 $0xA800;
	s17 =	sadd.s32 @!p0 $0x400, s16;
	[sflag:s29] =	ssyncadd.s32 $0xFFFFCE00  }
0x19e: {  	[tilespmem:s19], [sflag:$0x3] =	stream.indirect.gather @!p0 [hbm4b:s1+s18], $0x80, s17, s18, $0xb8;
	[tilespmem:$0x17B00] =	vst v63  }
0x19f: {  	v6 =	vld [tilespmem:$0xDC00]  }
0x1a0: {  	v7 =	vld [tilespmem:$0xDC10]  }
0x1a1: {  	v8 =	vld [tilespmem:$0xDC20]  }
0x1a2: {  	v9 =	vld [tilespmem:$0xDC30]  }
0x1a3: {  	v12 =	vld [tilespmem:$0xDC40]  }
0x1a4: {  	v13 =	vld [tilespmem:$0xDC50]  }
0x1a5: {  	v14 =	vld [tilespmem:$0xDC60]  }
0x1a6: {  	v15 =	vld [tilespmem:$0xDC70]  }
0x1a7: {  	v16 =	vld [tilespmem:$0xF500]  }
0x1a8: {  	v19 =	vld [tilespmem:$0xF510]  }
0x1a9: {  	v23 =	vld [tilespmem:$0xF520]  }
0x1aa: {  	v25 =	vld [tilespmem:$0xF530]  }
0x1ab: {  	v5 =	vld [tilespmem:$0xF540]  }
0x1ac: {  	v2 =	vld [tilespmem:$0xF550]  }
0x1ad: {  	v3 =	vld [tilespmem:$0xF560]  }
0x1ae: {  	s19 =	simm.s32 $0xF670;
	v4 =	vld [tilespmem:$0xF570]  }
0x1af: {  	v20 =	vld [tilespmem:s19+$0xFFFFE690]  }
0x1b0: {  	v21 =	vld [tilespmem:s19+$0xFFFFE6A0]  }
0x1b1: {  	v22 =	vld [tilespmem:s19+$0xFFFFE6B0]  }
0x1b2: {  	v24 =	vld [tilespmem:s19+$0xFFFFE6C0]  }
0x1b3: {  	v26 =	vld [tilespmem:s19+$0xFFFFE6D0]  }
0x1b4: {  	v27 =	vld [tilespmem:s19+$0xFFFFE6E0]  }
0x1b5: {  	v28 =	vld [tilespmem:s19+$0xFFFFE6F0]  }
0x1b6: {  	v29 =	vld [tilespmem:s19+$0xFFFFE700]  }
0x1b7: {  	v57 =	vld [tilespmem:s19+$0xFFFFFF90]  }
0x1b8: {  	v58 =	vld [tilespmem:s19+$0xFFFFFFA0]  }
0x1b9: {  	v17 =	vld [tilespmem:s19+$0xFFFFFFB0]  }
0x1ba: {  	v18 =	vld [tilespmem:s19+$0xFFFFFFC0]  }
0x1bb: {  	v32 =	vld [tilespmem:s19+$0xFFFFE610]  }
0x1bc: {  	v33 =	vld [tilespmem:s19+$0xFFFFE620]  }
0x1bd: {  	v34 =	vld [tilespmem:s19+$0xFFFFE630]  }
0x1be: {  	v35 =	vld [tilespmem:s19+$0xFFFFE640]  }
0x1bf: {  	v36 =	vld [tilespmem:s19+$0xFFFFE650]  }
0x1c0: {  	v37 =	vld [tilespmem:s19+$0xFFFFE660]  }
0x1c1: {  	v59 =	vld [tilespmem:s19+$0xFFFFE680]  }
0x1c2: {  	v62 =	vld [tilespmem:s19+$0xFFFFFF10]  }
0x1c3: {  	v10 =	vld [tilespmem:s19+$0xFFFFFFD0]  }
0x1c4: {  	v11 =	vld [tilespmem:s19+$0xFFFFFFE0];
	v6 =	vadd.f32 v32, v6;
	v7 =	vadd.f32 v33, v7  }
0x1c5: {  	v38 =	vld [tilespmem:s19+$0xFFFFE670];
	v60 =	vadd.f32 v34, v8;
	v61 =	vadd.f32 v35, v9  }
0x1c6: {  	v39 =	vld [tilespmem:s19+$0xFFFFFF20];
	v12 =	vadd.f32 v36, v12;
	v13 =	vadd.f32 v37, v13  }
0x1c7: {  	v40 =	vld [tilespmem:s19+$0xFFFFFF30];
	v32 =	vadd.f32 v59, v15;
	v16 =	vadd.f32 v62, v16  }
0x1c8: {  	v63 =	vld [tilespmem:s19+$0xFFFFFF40];
	v8 =	vadd.f32 v20, v6;
	v6 =	vadd.f32 v21, v7  }
0x1c9: {  	v9 =	vadd.f32 v22, v60;
	v7 =	vadd.f32 v24, v61;
	v20 =	vld [tilespmem:s19+$0xFFFFFF50]  }
0x1ca: {  	v24 =	vadd.f32 v38, v14;
	v21 =	vld [tilespmem:s19+$0xFFFFFF60];
	v15 =	vadd.f32 v26, v12  }
0x1cb: {  	v14 =	vadd.f32 v27, v13;
	v22 =	vld [tilespmem:s19+$0xFFFFFF70];
	v12 =	vadd.f32 v29, v32  }
0x1cc: {  	v13 =	vadd.f32 v28, v24;
	v28 =	vadd.f32 v39, v19;
	v24 =	vld [tilespmem:s19+$0xFFFFFF80]  }
0x1cd: {  	v27 =	vadd.f32 v40, v23;
	v26 =	vadd.f32 v63, v25;
	v23 =	vld [tilespmem:s19+$0xFFFFFFF0]  }
0x1ce: {  	s17 =	sadd.s32 $0x3, s15;
	s18 =	simm.s32 $0x1;
	v25 =	vld [tilespmem:s19+$0x0];
	v19 =	vadd.f32 v57, v16;
	s19 =	simm.s32 $0xF770;
	v16 =	vadd.f32 v58, v28  }
.LBB2_9:
0x1cf: {  	v28 =	vld [tilespmem:s19+$0xFFFFE690];
	v27 =	vadd.f32 v17, v27;
	v26 =	vadd.f32 v18, v26  }
0x1d0: {  	v5 =	vadd.f32 v20, v5;
	v2 =	vadd.f32 v21, v2;
	v29 =	vld [tilespmem:s19+$0xFFFFE6A0]  }
0x1d1: {  	v3 =	vadd.f32 v22, v3;
	v20 =	vld [tilespmem:s19+$0xFFFFE6B0];
	v4 =	vadd.f32 v24, v4  }
0x1d2: {  	v5 =	vadd.f32 v10, v5;
	v2 =	vadd.f32 v11, v2;
	v21 =	vld [tilespmem:s19+$0xFFFFE6C0]  }
0x1d3: {  	v3 =	vadd.f32 v23, v3;
	v22 =	vld [tilespmem:s19+$0xFFFFE6D0];
	v4 =	vadd.f32 v25, v4  }
0x1d4: {  	v23 =	vld [tilespmem:s19+$0xFFFFE6E0]  }
0x1d5: {  	v24 =	vld [tilespmem:s19+$0xFFFFE6F0]  }
0x1d6: {  	v25 =	vld [tilespmem:s19+$0xFFFFE700]  }
0x1d7: {  	v30 =	vld [tilespmem:s19+$0xFFFFFF90]  }
0x1d8: {  	v31 =	vld [tilespmem:s19+$0xFFFFFFA0]  }
0x1d9: {  	v17 =	vld [tilespmem:s19+$0xFFFFFFB0]  }
0x1da: {  	v18 =	vld [tilespmem:s19+$0xFFFFFFC0]  }
0x1db: {  	v10 =	vld [tilespmem:s19+$0xFFFFFFD0]  }
0x1dc: {  	v11 =	vld [tilespmem:s19+$0xFFFFFFE0]  }
0x1dd: {  	v32 =	vld [tilespmem:s19+$0xFFFFE610]  }
0x1de: {  	v33 =	vld [tilespmem:s19+$0xFFFFE620]  }
0x1df: {  	v34 =	vld [tilespmem:s19+$0xFFFFE630]  }
0x1e0: {  	v35 =	vld [tilespmem:s19+$0xFFFFE640]  }
0x1e1: {  	v36 =	vld [tilespmem:s19+$0xFFFFE650]  }
0x1e2: {  	v37 =	vld [tilespmem:s19+$0xFFFFE660]  }
0x1e3: {  	v38 =	vld [tilespmem:s19+$0xFFFFE670]  }
0x1e4: {  	v8 =	vadd.f32 v32, v8;
	v6 =	vadd.f32 v33, v6;
	v32 =	vld [tilespmem:s19+$0xFFFFE680]  }
0x1e5: {  	v9 =	vadd.f32 v34, v9;
	v7 =	vadd.f32 v35, v7;
	v33 =	vld [tilespmem:s19+$0xFFFFFF10]  }
0x1e6: {  	v8 =	vadd.f32 v28, v8;
	v6 =	vadd.f32 v29, v6;
	v34 =	vld [tilespmem:s19+$0xFFFFFF20]  }
0x1e7: {  	v9 =	vadd.f32 v20, v9;
	v28 =	vld [tilespmem:s19+$0xFFFFFF30];
	v7 =	vadd.f32 v21, v7  }
0x1e8: {  	s18 =	sadd.s32 $0x2, s18;
	v15 =	vadd.f32 v36, v15;
	v14 =	vadd.f32 v37, v14;
	v29 =	vld [tilespmem:s19+$0xFFFFFF40]  }
0x1e9: {  	p1 =	slt.u32 s18, $0x2F;
	v13 =	vadd.f32 v38, v13;
	v12 =	vadd.f32 v32, v12;
	v20 =	vld [tilespmem:s19+$0xFFFFFF50]  }
.Ltmp3:
0x1ea: {  	v15 =	vadd.f32 v22, v15;
	v14 =	vadd.f32 v23, v14;
	v21 =	vld [tilespmem:s19+$0xFFFFFF60];
	(pc) =	sbr.rel @p1 .LBB2_9-.Ltmp3, $4  }
0x1eb: {  	v13 =	vadd.f32 v24, v13;
	v22 =	vld [tilespmem:s19+$0xFFFFFF70];
	v12 =	vadd.f32 v25, v12  }
0x1ec: {  	v19 =	vadd.f32 v33, v19;
	v16 =	vadd.f32 v34, v16;
	v24 =	vld [tilespmem:s19+$0xFFFFFF80]  }
0x1ed: {  	v27 =	vadd.f32 v28, v27;
	v26 =	vadd.f32 v29, v26;
	v23 =	vld [tilespmem:s19+$0xFFFFFFF0]  }
0x1ee: {  	v19 =	vadd.f32 v30, v19;
	v16 =	vadd.f32 v31, v16;
	v25 =	vld [tilespmem:s19+$0x0];
	s19 =	sadd.s32 $0x100, s19  }
0x1ef: {  	v28 =	vld [tilespmem:$0xF480]  }
0x1f0: {  	v29 =	vld [tilespmem:$0xF490]  }
0x1f1: {  	v30 =	vld [tilespmem:$0xF4A0]  }
0x1f2: {  	v31 =	vld [tilespmem:$0xF4B0]  }
0x1f3: {  	v17 =	vadd.f32 v17, v27;
	v27 =	vld [tilespmem:$0xF4C0]  }
0x1f4: {  	v18 =	vadd.f32 v18, v26;
	v5 =	vadd.f32 v20, v5;
	v20 =	vld [tilespmem:$0xF4D0]  }
0x1f5: {  	v2 =	vadd.f32 v21, v2;
	v21 =	vld [tilespmem:$0xF4E0];
	v3 =	vadd.f32 v22, v3  }
0x1f6: {  	v4 =	vadd.f32 v24, v4;
	v5 =	vadd.f32 v10, v5;
	v10 =	vld [tilespmem:$0x10D80]  }
0x1f7: {  	v2 =	vadd.f32 v11, v2;
	v11 =	vld [tilespmem:$0x10D90];
	v3 =	vadd.f32 v23, v3  }
0x1f8: {  	v22 =	vld [tilespmem:$0xF4F0];
	v4 =	vadd.f32 v25, v4;
	v8 =	vadd.f32 v28, v8  }
0x1f9: {  	v23 =	vld [tilespmem:$0x10DA0];
	v6 =	vadd.f32 v29, v6;
	v9 =	vadd.f32 v30, v9  }
0x1fa: {  	v24 =	vld [tilespmem:$0x10DB0];
	v7 =	vadd.f32 v31, v7;
	v15 =	vadd.f32 v27, v15  }
0x1fb: {  	v14 =	vadd.f32 v20, v14;
	v10 =	vadd.f32 v10, v19;
	v19 =	vld [tilespmem:$0x10DC0]  }
0x1fc: {  	v13 =	vadd.f32 v21, v13;
	v11 =	vadd.f32 v11, v16  }
0x1fd: {  	v12 =	vadd.f32 v22, v12;
	v16 =	vmul.f32 v10, v8;
	v8 =	vmul.f32 v8, v8  }
0x1fe: {  	v20 =	vld [tilespmem:$0x10DD0];
	v17 =	vadd.f32 v23, v17;
	v10 =	vmul.f32 v10, v10;
	v21 =	vmul.f32 v11, v6  }
0x1ff: {  	v18 =	vadd.f32 v24, v18;
	v6 =	vmul.f32 v6, v6;
	v11 =	vmul.f32 v11, v11  }
0x200: {  	v16 =	vadd.f32 v21, v16;
	v5 =	vadd.f32 v19, v5;
	v19 =	vmul.f32 v17, v9  }
0x201: {  	v21 =	vld [tilespmem:$0x10DE0];
	v6 =	vadd.f32 v6, v8;
	v8 =	vadd.f32 v11, v10;
	v9 =	vmul.f32 v9, v9  }
0x202: {  	v11 =	vmul.f32 v17, v17;
	v10 =	vadd.f32 v19, v16;
	v16 =	vmul.f32 v18, v7  }
0x203: {  	v2 =	vadd.f32 v20, v2;
	v6 =	vadd.f32 v9, v6;
	v7 =	vmul.f32 v7, v7  }
0x204: {  	v8 =	vadd.f32 v11, v8;
	v11 =	vmul.f32 v18, v18;
	v9 =	vld [tilespmem:$0x10DF0];
	v10 =	vadd.f32 v16, v10  }
0x205: {  	v6 =	vadd.f32 v7, v6;
	v7 =	vmul.f32 v5, v15;
	v15 =	vmul.f32 v15, v15  }
0x206: {  	v8 =	vadd.f32 v11, v8;
	v3 =	vadd.f32 v21, v3;
	v5 =	vmul.f32 v5, v5  }
0x207: {  	v7 =	vadd.f32 v7, v10;
	v6 =	vadd.f32 v15, v6;
	v10 =	vmul.f32 v2, v14  }
0x208: {  	v5 =	vadd.f32 v5, v8;
	v8 =	vmul.f32 v14, v14;
	v2 =	vmul.f32 v2, v2  }
0x209: {  	v4 =	vadd.f32 v9, v4;
	v9 =	vmul.f32 v3, v13;
	v7 =	vadd.f32 v10, v7  }
0x20a: {  	v6 =	vadd.f32 v8, v6;
	v2 =	vadd.f32 v2, v5;
	v5 =	vmul.f32 v13, v13  }
0x20b: {  	v3 =	vmul.f32 v3, v3;
	v8 =	vmul.f32 v4, v12;
	v7 =	vadd.f32 v9, v7  }
0x20c: {  	v5 =	vadd.f32 v5, v6;
	v6 =	vmul.f32 v12, v12  }
0x20d: {  	v4 =	vmul.f32 v4, v4;
	v2 =	vadd.f32 v3, v2;
	v3 =	vadd.f32 v8, v7  }
0x20e: {  	v5 =	vadd.f32 v6, v5  }
0x20f: {  	v2 =	vadd.f32 v4, v2;
	(xrf2) =	vadd.scan.msk.f32 $0xffff, v3  }
0x210: {  	(xrf2) =	vadd.scan.msk.f32 $0xffff, v5  }
0x211: {  	(xrf2) =	vadd.scan.msk.f32 $0xffff, v2;
	_ =	sdelay $0x3  }
0x212: {  	v2 =	vmov s17;
	_ =	sdelay $0x3  }
0x213: {  	v3, _, _ =	vpop (xrf2)  }
0x214: {  	v4, _, _ =	vpop (xrf2);
	[tilespmem:v2+s23+$0x0] =	vst.idx.msk vm0, v3  }
0x215: {  	[tilespmem:v2+s24+$0x0] =	vst.idx.msk vm0, v4;
	v3, _, _ =	vpop (xrf2)  }
0x216: {  	[tilespmem:v2+s25+$0x0] =	vst.idx.msk vm0, v3  }
0x217: {  	_ =	swait.ge [sflag:s30], $0x3200  }
0x218: {  	s18 =	simm.s32 @!p0 $0x64;
	[sflag:s30] =	ssyncset.done $0x0  }
0x219: {  	s19 =	simm.s32 @!p0 $0xDC00;
	s17 =	sadd.s32 @!p0 $0x480, s16;
	[sflag:s30] =	ssyncadd.s32 $0xFFFFCE00  }
0x21a: {  	[tilespmem:s19], [sflag:$0x4] =	stream.indirect.gather @!p0 [hbm4b:s1+s18], $0x80, s17, s18, $0xb8;
	[tilespmem:$0x17B00] =	vst v63  }
0x21b: {  	v6 =	vld [tilespmem:$0x11000]  }
0x21c: {  	v7 =	vld [tilespmem:$0x11010]  }
0x21d: {  	v8 =	vld [tilespmem:$0x11020]  }
0x21e: {  	v9 =	vld [tilespmem:$0x11030]  }
0x21f: {  	v12 =	vld [tilespmem:$0x11040]  }
0x220: {  	v13 =	vld [tilespmem:$0x11050]  }
0x221: {  	v14 =	vld [tilespmem:$0x11060]  }
0x222: {  	v15 =	vld [tilespmem:$0x11070]  }
0x223: {  	v16 =	vld [tilespmem:$0x12900]  }
0x224: {  	v19 =	vld [tilespmem:$0x12910]  }
0x225: {  	v23 =	vld [tilespmem:$0x12920]  }
0x226: {  	v25 =	vld [tilespmem:$0x12930]  }
0x227: {  	v5 =	vld [tilespmem:$0x12940]  }
0x228: {  	v2 =	vld [tilespmem:$0x12950]  }
0x229: {  	v3 =	vld [tilespmem:$0x12960]  }
0x22a: {  	s19 =	simm.s32 $0x12A70;
	v4 =	vld [tilespmem:$0x12970]  }
0x22b: {  	v20 =	vld [tilespmem:s19+$0xFFFFE690]  }
0x22c: {  	v21 =	vld [tilespmem:s19+$0xFFFFE6A0]  }
0x22d: {  	v22 =	vld [tilespmem:s19+$0xFFFFE6B0]  }
0x22e: {  	v24 =	vld [tilespmem:s19+$0xFFFFE6C0]  }
0x22f: {  	v26 =	vld [tilespmem:s19+$0xFFFFE6D0]  }
0x230: {  	v27 =	vld [tilespmem:s19+$0xFFFFE6E0]  }
0x231: {  	v28 =	vld [tilespmem:s19+$0xFFFFE6F0]  }
0x232: {  	v29 =	vld [tilespmem:s19+$0xFFFFE700]  }
0x233: {  	v57 =	vld [tilespmem:s19+$0xFFFFFF90]  }
0x234: {  	v58 =	vld [tilespmem:s19+$0xFFFFFFA0]  }
0x235: {  	v17 =	vld [tilespmem:s19+$0xFFFFFFB0]  }
0x236: {  	v18 =	vld [tilespmem:s19+$0xFFFFFFC0]  }
0x237: {  	v32 =	vld [tilespmem:s19+$0xFFFFE610]  }
0x238: {  	v33 =	vld [tilespmem:s19+$0xFFFFE620]  }
0x239: {  	v34 =	vld [tilespmem:s19+$0xFFFFE630]  }
0x23a: {  	v35 =	vld [tilespmem:s19+$0xFFFFE640]  }
0x23b: {  	v36 =	vld [tilespmem:s19+$0xFFFFE650]  }
0x23c: {  	v37 =	vld [tilespmem:s19+$0xFFFFE660]  }
0x23d: {  	v59 =	vld [tilespmem:s19+$0xFFFFE680]  }
0x23e: {  	v62 =	vld [tilespmem:s19+$0xFFFFFF10]  }
0x23f: {  	v10 =	vld [tilespmem:s19+$0xFFFFFFD0]  }
0x240: {  	v11 =	vld [tilespmem:s19+$0xFFFFFFE0];
	v6 =	vadd.f32 v32, v6;
	v7 =	vadd.f32 v33, v7  }
0x241: {  	v38 =	vld [tilespmem:s19+$0xFFFFE670];
	v60 =	vadd.f32 v34, v8;
	v61 =	vadd.f32 v35, v9  }
0x242: {  	v39 =	vld [tilespmem:s19+$0xFFFFFF20];
	v12 =	vadd.f32 v36, v12;
	v13 =	vadd.f32 v37, v13  }
0x243: {  	v40 =	vld [tilespmem:s19+$0xFFFFFF30];
	v32 =	vadd.f32 v59, v15;
	v16 =	vadd.f32 v62, v16  }
0x244: {  	v63 =	vld [tilespmem:s19+$0xFFFFFF40];
	v8 =	vadd.f32 v20, v6;
	v6 =	vadd.f32 v21, v7  }
0x245: {  	v9 =	vadd.f32 v22, v60;
	v7 =	vadd.f32 v24, v61;
	v20 =	vld [tilespmem:s19+$0xFFFFFF50]  }
0x246: {  	v24 =	vadd.f32 v38, v14;
	v21 =	vld [tilespmem:s19+$0xFFFFFF60];
	v15 =	vadd.f32 v26, v12  }
0x247: {  	v14 =	vadd.f32 v27, v13;
	v22 =	vld [tilespmem:s19+$0xFFFFFF70];
	v12 =	vadd.f32 v29, v32  }
0x248: {  	v13 =	vadd.f32 v28, v24;
	v28 =	vadd.f32 v39, v19;
	v24 =	vld [tilespmem:s19+$0xFFFFFF80]  }
0x249: {  	v27 =	vadd.f32 v40, v23;
	v26 =	vadd.f32 v63, v25;
	v23 =	vld [tilespmem:s19+$0xFFFFFFF0]  }
0x24a: {  	s15 =	sadd.s32 $0x4, s15;
	s17 =	simm.s32 $0x1;
	s18 =	simm.s32 $0x12B70;
	v25 =	vld [tilespmem:s19+$0x0];
	v19 =	vadd.f32 v57, v16;
	v16 =	vadd.f32 v58, v28  }
.LBB2_11:
0x24b: {  	v28 =	vld [tilespmem:s18+$0xFFFFE690];
	v27 =	vadd.f32 v17, v27;
	v26 =	vadd.f32 v18, v26  }
0x24c: {  	v5 =	vadd.f32 v20, v5;
	v2 =	vadd.f32 v21, v2;
	v29 =	vld [tilespmem:s18+$0xFFFFE6A0]  }
0x24d: {  	v3 =	vadd.f32 v22, v3;
	v20 =	vld [tilespmem:s18+$0xFFFFE6B0];
	v4 =	vadd.f32 v24, v4  }
0x24e: {  	v5 =	vadd.f32 v10, v5;
	v2 =	vadd.f32 v11, v2;
	v21 =	vld [tilespmem:s18+$0xFFFFE6C0]  }
0x24f: {  	v3 =	vadd.f32 v23, v3;
	v22 =	vld [tilespmem:s18+$0xFFFFE6D0];
	v4 =	vadd.f32 v25, v4  }
0x250: {  	v23 =	vld [tilespmem:s18+$0xFFFFE6E0]  }
0x251: {  	v24 =	vld [tilespmem:s18+$0xFFFFE6F0]  }
0x252: {  	v25 =	vld [tilespmem:s18+$0xFFFFE700]  }
0x253: {  	v30 =	vld [tilespmem:s18+$0xFFFFFF90]  }
0x254: {  	v31 =	vld [tilespmem:s18+$0xFFFFFFA0]  }
0x255: {  	v17 =	vld [tilespmem:s18+$0xFFFFFFB0]  }
0x256: {  	v18 =	vld [tilespmem:s18+$0xFFFFFFC0]  }
0x257: {  	v10 =	vld [tilespmem:s18+$0xFFFFFFD0]  }
0x258: {  	v11 =	vld [tilespmem:s18+$0xFFFFFFE0]  }
0x259: {  	v32 =	vld [tilespmem:s18+$0xFFFFE610]  }
0x25a: {  	v33 =	vld [tilespmem:s18+$0xFFFFE620]  }
0x25b: {  	v34 =	vld [tilespmem:s18+$0xFFFFE630]  }
0x25c: {  	v35 =	vld [tilespmem:s18+$0xFFFFE640]  }
0x25d: {  	v36 =	vld [tilespmem:s18+$0xFFFFE650]  }
0x25e: {  	v37 =	vld [tilespmem:s18+$0xFFFFE660]  }
0x25f: {  	v38 =	vld [tilespmem:s18+$0xFFFFE670]  }
0x260: {  	v8 =	vadd.f32 v32, v8;
	v6 =	vadd.f32 v33, v6;
	v32 =	vld [tilespmem:s18+$0xFFFFE680]  }
0x261: {  	v9 =	vadd.f32 v34, v9;
	v7 =	vadd.f32 v35, v7;
	v33 =	vld [tilespmem:s18+$0xFFFFFF10]  }
0x262: {  	v8 =	vadd.f32 v28, v8;
	v6 =	vadd.f32 v29, v6;
	v34 =	vld [tilespmem:s18+$0xFFFFFF20]  }
0x263: {  	v9 =	vadd.f32 v20, v9;
	v28 =	vld [tilespmem:s18+$0xFFFFFF30];
	v7 =	vadd.f32 v21, v7  }
0x264: {  	s17 =	sadd.s32 $0x2, s17;
	v15 =	vadd.f32 v36, v15;
	v14 =	vadd.f32 v37, v14;
	v29 =	vld [tilespmem:s18+$0xFFFFFF40]  }
0x265: {  	p1 =	slt.u32 s17, $0x2F;
	v13 =	vadd.f32 v38, v13;
	v12 =	vadd.f32 v32, v12;
	v20 =	vld [tilespmem:s18+$0xFFFFFF50]  }
.Ltmp4:
0x266: {  	v15 =	vadd.f32 v22, v15;
	v14 =	vadd.f32 v23, v14;
	v21 =	vld [tilespmem:s18+$0xFFFFFF60];
	(pc) =	sbr.rel @p1 .LBB2_11-.Ltmp4, $4  }
0x267: {  	v13 =	vadd.f32 v24, v13;
	v22 =	vld [tilespmem:s18+$0xFFFFFF70];
	v12 =	vadd.f32 v25, v12  }
0x268: {  	v19 =	vadd.f32 v33, v19;
	v16 =	vadd.f32 v34, v16;
	v24 =	vld [tilespmem:s18+$0xFFFFFF80]  }
0x269: {  	v27 =	vadd.f32 v28, v27;
	v26 =	vadd.f32 v29, v26;
	v23 =	vld [tilespmem:s18+$0xFFFFFFF0]  }
0x26a: {  	v19 =	vadd.f32 v30, v19;
	v16 =	vadd.f32 v31, v16;
	v25 =	vld [tilespmem:s18+$0x0];
	s18 =	sadd.s32 $0x100, s18  }
0x26b: {  	v28 =	vld [tilespmem:$0x12880]  }
0x26c: {  	v29 =	vld [tilespmem:$0x12890]  }
0x26d: {  	v30 =	vld [tilespmem:$0x128A0]  }
0x26e: {  	v31 =	vld [tilespmem:$0x128B0]  }
0x26f: {  	v17 =	vadd.f32 v17, v27;
	v27 =	vld [tilespmem:$0x128C0]  }
0x270: {  	v18 =	vadd.f32 v18, v26;
	v5 =	vadd.f32 v20, v5;
	v20 =	vld [tilespmem:$0x128D0]  }
0x271: {  	v2 =	vadd.f32 v21, v2;
	v21 =	vld [tilespmem:$0x128E0];
	v3 =	vadd.f32 v22, v3  }
0x272: {  	v4 =	vadd.f32 v24, v4;
	v5 =	vadd.f32 v10, v5;
	v10 =	vld [tilespmem:$0x14180]  }
0x273: {  	v2 =	vadd.f32 v11, v2;
	v11 =	vld [tilespmem:$0x14190];
	v3 =	vadd.f32 v23, v3  }
0x274: {  	v22 =	vld [tilespmem:$0x128F0];
	v4 =	vadd.f32 v25, v4;
	v8 =	vadd.f32 v28, v8  }
0x275: {  	v23 =	vld [tilespmem:$0x141A0];
	v6 =	vadd.f32 v29, v6;
	v9 =	vadd.f32 v30, v9  }
0x276: {  	v24 =	vld [tilespmem:$0x141B0];
	v7 =	vadd.f32 v31, v7;
	v15 =	vadd.f32 v27, v15  }
0x277: {  	v14 =	vadd.f32 v20, v14;
	v10 =	vadd.f32 v10, v19;
	v19 =	vld [tilespmem:$0x141C0]  }
0x278: {  	v13 =	vadd.f32 v21, v13;
	v11 =	vadd.f32 v11, v16  }
0x279: {  	v12 =	vadd.f32 v22, v12;
	v16 =	vmul.f32 v10, v8;
	v8 =	vmul.f32 v8, v8  }
0x27a: {  	v20 =	vld [tilespmem:$0x141D0];
	v17 =	vadd.f32 v23, v17;
	v10 =	vmul.f32 v10, v10;
	v21 =	vmul.f32 v11, v6  }
0x27b: {  	v18 =	vadd.f32 v24, v18;
	v6 =	vmul.f32 v6, v6;
	v11 =	vmul.f32 v11, v11  }
0x27c: {  	v16 =	vadd.f32 v21, v16;
	v5 =	vadd.f32 v19, v5;
	v19 =	vmul.f32 v17, v9  }
0x27d: {  	v21 =	vld [tilespmem:$0x141E0];
	v6 =	vadd.f32 v6, v8;
	v8 =	vadd.f32 v11, v10;
	v9 =	vmul.f32 v9, v9  }
0x27e: {  	v11 =	vmul.f32 v17, v17;
	v10 =	vadd.f32 v19, v16;
	v16 =	vmul.f32 v18, v7  }
0x27f: {  	v2 =	vadd.f32 v20, v2;
	v6 =	vadd.f32 v9, v6;
	v7 =	vmul.f32 v7, v7  }
0x280: {  	v8 =	vadd.f32 v11, v8;
	v11 =	vmul.f32 v18, v18;
	v9 =	vld [tilespmem:$0x141F0];
	v10 =	vadd.f32 v16, v10  }
0x281: {  	v6 =	vadd.f32 v7, v6;
	v7 =	vmul.f32 v5, v15;
	v15 =	vmul.f32 v15, v15  }
0x282: {  	v8 =	vadd.f32 v11, v8;
	v3 =	vadd.f32 v21, v3;
	v5 =	vmul.f32 v5, v5  }
0x283: {  	v7 =	vadd.f32 v7, v10;
	v6 =	vadd.f32 v15, v6;
	v10 =	vmul.f32 v2, v14  }
0x284: {  	v5 =	vadd.f32 v5, v8;
	v8 =	vmul.f32 v14, v14;
	v2 =	vmul.f32 v2, v2  }
0x285: {  	v4 =	vadd.f32 v9, v4;
	v9 =	vmul.f32 v3, v13;
	v7 =	vadd.f32 v10, v7  }
0x286: {  	v6 =	vadd.f32 v8, v6;
	v2 =	vadd.f32 v2, v5;
	v5 =	vmul.f32 v13, v13  }
0x287: {  	v3 =	vmul.f32 v3, v3;
	v8 =	vmul.f32 v4, v12;
	v7 =	vadd.f32 v9, v7  }
0x288: {  	v5 =	vadd.f32 v5, v6;
	v6 =	vmul.f32 v12, v12  }
0x289: {  	v4 =	vmul.f32 v4, v4;
	v2 =	vadd.f32 v3, v2;
	v3 =	vadd.f32 v8, v7  }
0x28a: {  	v5 =	vadd.f32 v6, v5  }
0x28b: {  	v2 =	vadd.f32 v4, v2;
	(xrf2) =	vadd.scan.msk.f32 $0xffff, v3  }
0x28c: {  	(xrf2) =	vadd.scan.msk.f32 $0xffff, v5  }
0x28d: {  	(xrf2) =	vadd.scan.msk.f32 $0xffff, v2  }
0x28e: {  	v2 =	vmov s15  }
0x28f: {  	v2 =	vand.u32 $0xFFFFFFFE, v2  }
0x290: {  	v2 =	vbroadcast v2, $0x0;
	_ =	sdelay $0x4  }
0x291: {  	v3, _, _ =	vpop (xrf2)  }
0x292: {  	v4, _, _ =	vpop (xrf2);
	[tilespmem:v2+s23+$0x0] =	vst.idx.msk vm0, v3  }
0x293: {  	[tilespmem:v2+s24+$0x0] =	vst.idx.msk vm0, v4;
	v3, _, _ =	vpop (xrf2)  }
0x294: {  	[tilespmem:v2+s25+$0x0] =	vst.idx.msk vm0, v3  }
0x295: {  	_ =	swait.ge [sflag:s31], $0x3200  }
0x296: {  	s17 =	simm.s32 @!p0 $0x11000;
	[sflag:s31] =	ssyncset.done $0x0  }
0x297: {  	s15 =	sadd.s32 @!p0 $0x500, s16;
	s16 =	simm.s32 @!p0 $0x64;
	[sflag:s31] =	ssyncadd.s32 $0xFFFFCE00  }
0x298: {  	[tilespmem:s17], [sflag:$0x5] =	stream.indirect.gather @!p0 [hbm4b:s1+s16], $0x80, s15, s16, $0xb8;
	[tilespmem:$0x17B00] =	vst v63  }
0x299: {  	v6 =	vld [tilespmem:$0x14400]  }
0x29a: {  	v7 =	vld [tilespmem:$0x14410]  }
0x29b: {  	v8 =	vld [tilespmem:$0x14420]  }
0x29c: {  	v9 =	vld [tilespmem:$0x14430]  }
0x29d: {  	v12 =	vld [tilespmem:$0x14440]  }
0x29e: {  	v13 =	vld [tilespmem:$0x14450]  }
0x29f: {  	v14 =	vld [tilespmem:$0x14460]  }
0x2a0: {  	v15 =	vld [tilespmem:$0x14470]  }
0x2a1: {  	v16 =	vld [tilespmem:$0x15D00]  }
0x2a2: {  	v17 =	vld [tilespmem:$0x15D10]  }
0x2a3: {  	v23 =	vld [tilespmem:$0x15D20]  }
0x2a4: {  	v25 =	vld [tilespmem:$0x15D30]  }
0x2a5: {  	v5 =	vld [tilespmem:$0x15D40]  }
0x2a6: {  	v2 =	vld [tilespmem:$0x15D50]  }
0x2a7: {  	v3 =	vld [tilespmem:$0x15D60]  }
0x2a8: {  	s19 =	simm.s32 $0x15E70;
	v4 =	vld [tilespmem:$0x15D70]  }
0x2a9: {  	v20 =	vld [tilespmem:s19+$0xFFFFE690]  }
0x2aa: {  	v21 =	vld [tilespmem:s19+$0xFFFFE6A0]  }
0x2ab: {  	v22 =	vld [tilespmem:s19+$0xFFFFE6B0]  }
0x2ac: {  	v24 =	vld [tilespmem:s19+$0xFFFFE6C0]  }
0x2ad: {  	v26 =	vld [tilespmem:s19+$0xFFFFE6D0]  }
0x2ae: {  	v27 =	vld [tilespmem:s19+$0xFFFFE6E0]  }
0x2af: {  	v28 =	vld [tilespmem:s19+$0xFFFFE6F0]  }
0x2b0: {  	v29 =	vld [tilespmem:s19+$0xFFFFE700]  }
0x2b1: {  	v57 =	vld [tilespmem:s19+$0xFFFFFF90]  }
0x2b2: {  	v58 =	vld [tilespmem:s19+$0xFFFFFFA0]  }
0x2b3: {  	v18 =	vld [tilespmem:s19+$0xFFFFFFB0]  }
0x2b4: {  	v19 =	vld [tilespmem:s19+$0xFFFFFFC0]  }
0x2b5: {  	v32 =	vld [tilespmem:s19+$0xFFFFE610]  }
0x2b6: {  	v33 =	vld [tilespmem:s19+$0xFFFFE620]  }
0x2b7: {  	v34 =	vld [tilespmem:s19+$0xFFFFE630]  }
0x2b8: {  	v35 =	vld [tilespmem:s19+$0xFFFFE640]  }
0x2b9: {  	v36 =	vld [tilespmem:s19+$0xFFFFE650]  }
0x2ba: {  	v37 =	vld [tilespmem:s19+$0xFFFFE660]  }
0x2bb: {  	v59 =	vld [tilespmem:s19+$0xFFFFE680]  }
0x2bc: {  	v62 =	vld [tilespmem:s19+$0xFFFFFF10]  }
0x2bd: {  	v10 =	vld [tilespmem:s19+$0xFFFFFFD0]  }
0x2be: {  	v11 =	vld [tilespmem:s19+$0xFFFFFFE0];
	v6 =	vadd.f32 v32, v6;
	v7 =	vadd.f32 v33, v7  }
0x2bf: {  	v38 =	vld [tilespmem:s19+$0xFFFFE670];
	v60 =	vadd.f32 v34, v8;
	v61 =	vadd.f32 v35, v9  }
0x2c0: {  	v39 =	vld [tilespmem:s19+$0xFFFFFF20];
	v12 =	vadd.f32 v36, v12;
	v13 =	vadd.f32 v37, v13  }
0x2c1: {  	v40 =	vld [tilespmem:s19+$0xFFFFFF30];
	v32 =	vadd.f32 v59, v15;
	v16 =	vadd.f32 v62, v16  }
0x2c2: {  	v63 =	vld [tilespmem:s19+$0xFFFFFF40];
	v8 =	vadd.f32 v20, v6;
	v6 =	vadd.f32 v21, v7  }
0x2c3: {  	v9 =	vadd.f32 v22, v60;
	v7 =	vadd.f32 v24, v61;
	v20 =	vld [tilespmem:s19+$0xFFFFFF50]  }
0x2c4: {  	v24 =	vadd.f32 v38, v14;
	v21 =	vld [tilespmem:s19+$0xFFFFFF60];
	v15 =	vadd.f32 v26, v12  }
0x2c5: {  	v14 =	vadd.f32 v27, v13;
	v22 =	vld [tilespmem:s19+$0xFFFFFF70];
	v12 =	vadd.f32 v29, v32  }
0x2c6: {  	v13 =	vadd.f32 v28, v24;
	v28 =	vadd.f32 v39, v17;
	v24 =	vld [tilespmem:s19+$0xFFFFFF80]  }
0x2c7: {  	v27 =	vadd.f32 v40, v23;
	v26 =	vadd.f32 v63, v25;
	v23 =	vld [tilespmem:s19+$0xFFFFFFF0]  }
0x2c8: {  	s15 =	simm.s32 $0x1;
	s16 =	simm.s32 $0x15F70;
	v25 =	vld [tilespmem:s19+$0x0];
	v17 =	vadd.f32 v57, v16;
	v16 =	vadd.f32 v58, v28  }
.LBB2_13:
0x2c9: {  	v28 =	vld [tilespmem:s16+$0xFFFFE690];
	v27 =	vadd.f32 v18, v27;
	v26 =	vadd.f32 v19, v26  }
0x2ca: {  	v5 =	vadd.f32 v20, v5;
	v2 =	vadd.f32 v21, v2;
	v29 =	vld [tilespmem:s16+$0xFFFFE6A0]  }
0x2cb: {  	v3 =	vadd.f32 v22, v3;
	v20 =	vld [tilespmem:s16+$0xFFFFE6B0];
	v4 =	vadd.f32 v24, v4  }
0x2cc: {  	v5 =	vadd.f32 v10, v5;
	v2 =	vadd.f32 v11, v2;
	v21 =	vld [tilespmem:s16+$0xFFFFE6C0]  }
0x2cd: {  	v3 =	vadd.f32 v23, v3;
	v22 =	vld [tilespmem:s16+$0xFFFFE6D0];
	v4 =	vadd.f32 v25, v4  }
0x2ce: {  	v23 =	vld [tilespmem:s16+$0xFFFFE6E0]  }
0x2cf: {  	v24 =	vld [tilespmem:s16+$0xFFFFE6F0]  }
0x2d0: {  	v25 =	vld [tilespmem:s16+$0xFFFFE700]  }
0x2d1: {  	v30 =	vld [tilespmem:s16+$0xFFFFFF90]  }
0x2d2: {  	v31 =	vld [tilespmem:s16+$0xFFFFFFA0]  }
0x2d3: {  	v18 =	vld [tilespmem:s16+$0xFFFFFFB0]  }
0x2d4: {  	v19 =	vld [tilespmem:s16+$0xFFFFFFC0]  }
0x2d5: {  	v10 =	vld [tilespmem:s16+$0xFFFFFFD0]  }
0x2d6: {  	v11 =	vld [tilespmem:s16+$0xFFFFFFE0]  }
0x2d7: {  	v32 =	vld [tilespmem:s16+$0xFFFFE610]  }
0x2d8: {  	v33 =	vld [tilespmem:s16+$0xFFFFE620]  }
0x2d9: {  	v34 =	vld [tilespmem:s16+$0xFFFFE630]  }
0x2da: {  	v35 =	vld [tilespmem:s16+$0xFFFFE640]  }
0x2db: {  	v36 =	vld [tilespmem:s16+$0xFFFFE650]  }
0x2dc: {  	v37 =	vld [tilespmem:s16+$0xFFFFE660]  }
0x2dd: {  	v38 =	vld [tilespmem:s16+$0xFFFFE670]  }
0x2de: {  	v8 =	vadd.f32 v32, v8;
	v6 =	vadd.f32 v33, v6;
	v32 =	vld [tilespmem:s16+$0xFFFFE680]  }
0x2df: {  	v9 =	vadd.f32 v34, v9;
	v7 =	vadd.f32 v35, v7;
	v33 =	vld [tilespmem:s16+$0xFFFFFF10]  }
0x2e0: {  	v8 =	vadd.f32 v28, v8;
	v6 =	vadd.f32 v29, v6;
	v34 =	vld [tilespmem:s16+$0xFFFFFF20]  }
0x2e1: {  	v9 =	vadd.f32 v20, v9;
	v28 =	vld [tilespmem:s16+$0xFFFFFF30];
	v7 =	vadd.f32 v21, v7  }
0x2e2: {  	s15 =	sadd.s32 $0x2, s15;
	v15 =	vadd.f32 v36, v15;
	v14 =	vadd.f32 v37, v14;
	v29 =	vld [tilespmem:s16+$0xFFFFFF40]  }
0x2e3: {  	p0 =	slt.u32 s15, $0x2F;
	v13 =	vadd.f32 v38, v13;
	v12 =	vadd.f32 v32, v12;
	v20 =	vld [tilespmem:s16+$0xFFFFFF50]  }
.Ltmp5:
0x2e4: {  	v15 =	vadd.f32 v22, v15;
	v14 =	vadd.f32 v23, v14;
	v21 =	vld [tilespmem:s16+$0xFFFFFF60];
	(pc) =	sbr.rel @p0 .LBB2_13-.Ltmp5, $4  }
0x2e5: {  	v13 =	vadd.f32 v24, v13;
	v22 =	vld [tilespmem:s16+$0xFFFFFF70];
	v12 =	vadd.f32 v25, v12  }
0x2e6: {  	v17 =	vadd.f32 v33, v17;
	v16 =	vadd.f32 v34, v16;
	v24 =	vld [tilespmem:s16+$0xFFFFFF80]  }
0x2e7: {  	v27 =	vadd.f32 v28, v27;
	v26 =	vadd.f32 v29, v26;
	v23 =	vld [tilespmem:s16+$0xFFFFFFF0]  }
0x2e8: {  	v17 =	vadd.f32 v30, v17;
	v16 =	vadd.f32 v31, v16;
	v25 =	vld [tilespmem:s16+$0x0];
	s16 =	sadd.s32 $0x100, s16  }
0x2e9: {  	v28 =	vld [tilespmem:$0x15C80]  }
0x2ea: {  	v29 =	vld [tilespmem:$0x15C90]  }
0x2eb: {  	v30 =	vld [tilespmem:$0x15CA0]  }
0x2ec: {  	v31 =	vld [tilespmem:$0x15CB0]  }
0x2ed: {  	v36 =	vld [tilespmem:$0x15CC0]  }
0x2ee: {  	v37 =	vld [tilespmem:$0x15CD0]  }
0x2ef: {  	v38 =	vld [tilespmem:$0x15CE0]  }
0x2f0: {  	v18 =	vadd.f32 v18, v27;
	v19 =	vadd.f32 v19, v26;
	v39 =	vld [tilespmem:$0x17580]  }
0x2f1: {  	v5 =	vadd.f32 v20, v5;
	v2 =	vadd.f32 v21, v2;
	v40 =	vld [tilespmem:$0x17590]  }
0x2f2: {  	v41 =	vld [tilespmem:$0x15CF0];
	v3 =	vadd.f32 v22, v3;
	v4 =	vadd.f32 v24, v4  }
0x2f3: {  	v42 =	vld [tilespmem:$0x175A0];
	v5 =	vadd.f32 v10, v5;
	v2 =	vadd.f32 v11, v2  }
0x2f4: {  	v43 =	vld [tilespmem:$0x175B0];
	v3 =	vadd.f32 v23, v3;
	v4 =	vadd.f32 v25, v4  }
0x2f5: {  	v44 =	vld [tilespmem:$0x175C0];
	v8 =	vadd.f32 v28, v8;
	v6 =	vadd.f32 v29, v6  }
0x2f6: {  	v46 =	vld [tilespmem:$0x175D0];
	v9 =	vadd.f32 v30, v9;
	v7 =	vadd.f32 v31, v7  }
0x2f7: {  	v49 =	vld [tilespmem:$0x175E0];
	v15 =	vadd.f32 v36, v15;
	v14 =	vadd.f32 v37, v14  }
0x2f8: {  	v54 =	vld [tilespmem:$0x175F0];
	v10 =	vadd.f32 v39, v17;
	v13 =	vadd.f32 v38, v13  }
0x2f9: {  	v11 =	vadd.f32 v40, v16;
	v12 =	vadd.f32 v41, v12  }
0x2fa: {  	v18 =	vadd.f32 v42, v18;
	v19 =	vadd.f32 v43, v19  }
0x2fb: {  	v5 =	vadd.f32 v44, v5;
	v2 =	vadd.f32 v46, v2;
	v45 =	vmul.f32 v10, v8  }
0x2fc: {  	v3 =	vadd.f32 v49, v3;
	v8 =	vmul.f32 v8, v8;
	v47 =	vmul.f32 v11, v6  }
0x2fd: {  	v4 =	vadd.f32 v54, v4;
	v10 =	vmul.f32 v10, v10;
	v6 =	vmul.f32 v6, v6  }
0x2fe: {  	v11 =	vmul.f32 v11, v11;
	v48 =	vmul.f32 v18, v9;
	v16 =	vadd.f32 v47, v45  }
0x2ff: {  	v9 =	vmul.f32 v9, v9;
	v52 =	vmul.f32 v18, v18;
	v6 =	vadd.f32 v6, v8  }
0x300: {  	v53 =	vmul.f32 v19, v7;
	v50 =	vadd.f32 v11, v10;
	v51 =	vadd.f32 v48, v16  }
0x301: {  	v7 =	vmul.f32 v7, v7;
	v55 =	vmul.f32 v19, v19;
	v6 =	vadd.f32 v9, v6  }
0x302: {  	v56 =	vmul.f32 v5, v15;
	v8 =	vadd.f32 v52, v50;
	v10 =	vadd.f32 v53, v51  }
0x303: {  	v15 =	vmul.f32 v15, v15;
	v5 =	vmul.f32 v5, v5;
	v6 =	vadd.f32 v7, v6  }
0x304: {  	v57 =	vmul.f32 v2, v14;
	v8 =	vadd.f32 v55, v8;
	v7 =	vadd.f32 v56, v10  }
0x305: {  	v58 =	vmul.f32 v14, v14;
	v2 =	vmul.f32 v2, v2;
	v6 =	vadd.f32 v15, v6  }
0x306: {  	v59 =	vmul.f32 v3, v13;
	v5 =	vadd.f32 v5, v8;
	v7 =	vadd.f32 v57, v7  }
0x307: {  	v60 =	vmul.f32 v13, v13;
	v3 =	vmul.f32 v3, v3;
	v6 =	vadd.f32 v58, v6  }
0x308: {  	v61 =	vmul.f32 v4, v12;
	v2 =	vadd.f32 v2, v5;
	v7 =	vadd.f32 v59, v7  }
0x309: {  	v62 =	vmul.f32 v12, v12;
	v5 =	vadd.f32 v60, v6  }
0x30a: {  	v4 =	vmul.f32 v4, v4;
	v2 =	vadd.f32 v3, v2;
	v3 =	vadd.f32 v61, v7  }
0x30b: {  	v5 =	vadd.f32 v62, v5  }
0x30c: {  	v2 =	vadd.f32 v4, v2;
	(xrf2) =	vadd.scan.msk.f32 $0xffff, v3  }
0x30d: {  	(xrf2) =	vadd.scan.msk.f32 $0xffff, v5  }
0x30e: {  	(xrf2) =	vadd.scan.msk.f32 $0xffff, v2;
	_ =	sdelay $0x3  }
0x30f: {  	v2 =	vmov s13  }
0x310: {  	s10 =	sadd.s32 $0x1, s10  }
0x311: {  	p0 =	sne.s32 s10, $0x15  }
.Ltmp6:
0x312: {  	_ = 	snop;
	(pc) =	sbr.rel @p0 .LBB2_2-.Ltmp6, $4  }
0x313: {  	v3, _, _ =	vpop (xrf2)  }
0x314: {  	v63, _, _ =	vpop (xrf2);
	[tilespmem:v2+s23+$0x0] =	vst.idx.msk vm0, v3  }
0x315: {  	[tilespmem:v2+s24+$0x0] =	vst.idx.msk vm0, v63;
	v3, _, _ =	vpop (xrf2)  }
0x316: {  	[tilespmem:v2+s25+$0x0] =	vst.idx.msk vm0, v3  }
0x317: {  	_ =	swait.ge [sflag:s21], $0x3200  }
0x318: {  	[sflag:s21] =	ssyncset.done $0x0  }
0x319: {  	[sflag:s21] =	ssyncadd.s32 $0xFFFFCE00  }
0x31a: {  	v6 =	vld [tilespmem:$0x4000]  }
0x31b: {  	v7 =	vld [tilespmem:$0x4010]  }
0x31c: {  	v8 =	vld [tilespmem:$0x4020]  }
0x31d: {  	v9 =	vld [tilespmem:$0x4030]  }
0x31e: {  	v12 =	vld [tilespmem:$0x4040]  }
0x31f: {  	v13 =	vld [tilespmem:$0x4050]  }
0x320: {  	v14 =	vld [tilespmem:$0x4060]  }
0x321: {  	v15 =	vld [tilespmem:$0x4070]  }
0x322: {  	v16 =	vld [tilespmem:$0x5900]  }
0x323: {  	v17 =	vld [tilespmem:$0x5910]  }
0x324: {  	v23 =	vld [tilespmem:$0x5920]  }
0x325: {  	v25 =	vld [tilespmem:$0x5930]  }
0x326: {  	v5 =	vld [tilespmem:$0x5940]  }
0x327: {  	v2 =	vld [tilespmem:$0x5950]  }
0x328: {  	v3 =	vld [tilespmem:$0x5960]  }
0x329: {  	s13 =	simm.s32 $0x5A70;
	v4 =	vld [tilespmem:$0x5970]  }
0x32a: {  	v20 =	vld [tilespmem:s13+$0xFFFFE690]  }
0x32b: {  	v21 =	vld [tilespmem:s13+$0xFFFFE6A0]  }
0x32c: {  	v22 =	vld [tilespmem:s13+$0xFFFFE6B0]  }
0x32d: {  	v24 =	vld [tilespmem:s13+$0xFFFFE6C0]  }
0x32e: {  	v26 =	vld [tilespmem:s13+$0xFFFFE6D0]  }
0x32f: {  	v27 =	vld [tilespmem:s13+$0xFFFFE6E0]  }
0x330: {  	v28 =	vld [tilespmem:s13+$0xFFFFE6F0]  }
0x331: {  	v29 =	vld [tilespmem:s13+$0xFFFFE700]  }
0x332: {  	v30 =	vld [tilespmem:s13+$0xFFFFFF90]  }
0x333: {  	v31 =	vld [tilespmem:s13+$0xFFFFFFA0]  }
0x334: {  	v18 =	vld [tilespmem:s13+$0xFFFFFFB0]  }
0x335: {  	v19 =	vld [tilespmem:s13+$0xFFFFFFC0]  }
0x336: {  	v32 =	vld [tilespmem:s13+$0xFFFFE610]  }
0x337: {  	v33 =	vld [tilespmem:s13+$0xFFFFE620]  }
0x338: {  	v34 =	vld [tilespmem:s13+$0xFFFFE630]  }
0x339: {  	v35 =	vld [tilespmem:s13+$0xFFFFE640]  }
0x33a: {  	v36 =	vld [tilespmem:s13+$0xFFFFE650]  }
0x33b: {  	v37 =	vld [tilespmem:s13+$0xFFFFE660]  }
0x33c: {  	v59 =	vld [tilespmem:s13+$0xFFFFE680]  }
0x33d: {  	v62 =	vld [tilespmem:s13+$0xFFFFFF10]  }
0x33e: {  	v10 =	vld [tilespmem:s13+$0xFFFFFFD0]  }
0x33f: {  	v11 =	vld [tilespmem:s13+$0xFFFFFFE0];
	v6 =	vadd.f32 v32, v6;
	v7 =	vadd.f32 v33, v7  }
0x340: {  	v38 =	vld [tilespmem:s13+$0xFFFFE670];
	v60 =	vadd.f32 v34, v8;
	v61 =	vadd.f32 v35, v9  }
0x341: {  	v39 =	vld [tilespmem:s13+$0xFFFFFF20];
	v12 =	vadd.f32 v36, v12;
	v13 =	vadd.f32 v37, v13  }
0x342: {  	v40 =	vld [tilespmem:s13+$0xFFFFFF30];
	v32 =	vadd.f32 v59, v15;
	v16 =	vadd.f32 v62, v16  }
0x343: {  	v63 =	vld [tilespmem:s13+$0xFFFFFF40];
	v8 =	vadd.f32 v20, v6;
	v6 =	vadd.f32 v21, v7  }
0x344: {  	v9 =	vadd.f32 v22, v60;
	v7 =	vadd.f32 v24, v61;
	v20 =	vld [tilespmem:s13+$0xFFFFFF50]  }
0x345: {  	v24 =	vadd.f32 v38, v14;
	v21 =	vld [tilespmem:s13+$0xFFFFFF60];
	v15 =	vadd.f32 v26, v12  }
0x346: {  	v14 =	vadd.f32 v27, v13;
	v22 =	vld [tilespmem:s13+$0xFFFFFF70];
	v12 =	vadd.f32 v29, v32  }
0x347: {  	v13 =	vadd.f32 v28, v24;
	v28 =	vadd.f32 v39, v17;
	v24 =	vld [tilespmem:s13+$0xFFFFFF80]  }
0x348: {  	v27 =	vadd.f32 v40, v23;
	v26 =	vadd.f32 v63, v25;
	v23 =	vld [tilespmem:s13+$0xFFFFFFF0]  }
0x349: {  	s10 =	simm.s32 $0x1;
	v25 =	vld [tilespmem:s13+$0x0];
	v17 =	vadd.f32 v30, v16;
	s13 =	simm.s32 $0x5B70;
	v16 =	vadd.f32 v31, v28  }
.LBB2_16:
0x34a: {  	v28 =	vld [tilespmem:s13+$0xFFFFE690];
	v27 =	vadd.f32 v18, v27;
	v26 =	vadd.f32 v19, v26  }
0x34b: {  	v5 =	vadd.f32 v20, v5;
	v2 =	vadd.f32 v21, v2;
	v29 =	vld [tilespmem:s13+$0xFFFFE6A0]  }
0x34c: {  	v3 =	vadd.f32 v22, v3;
	v20 =	vld [tilespmem:s13+$0xFFFFE6B0];
	v4 =	vadd.f32 v24, v4  }
0x34d: {  	v5 =	vadd.f32 v10, v5;
	v2 =	vadd.f32 v11, v2;
	v21 =	vld [tilespmem:s13+$0xFFFFE6C0]  }
0x34e: {  	v3 =	vadd.f32 v23, v3;
	v22 =	vld [tilespmem:s13+$0xFFFFE6D0];
	v4 =	vadd.f32 v25, v4  }
0x34f: {  	v23 =	vld [tilespmem:s13+$0xFFFFE6E0]  }
0x350: {  	v24 =	vld [tilespmem:s13+$0xFFFFE6F0]  }
0x351: {  	v25 =	vld [tilespmem:s13+$0xFFFFE700]  }
0x352: {  	v30 =	vld [tilespmem:s13+$0xFFFFFF90]  }
0x353: {  	v31 =	vld [tilespmem:s13+$0xFFFFFFA0]  }
0x354: {  	v18 =	vld [tilespmem:s13+$0xFFFFFFB0]  }
0x355: {  	v19 =	vld [tilespmem:s13+$0xFFFFFFC0]  }
0x356: {  	v10 =	vld [tilespmem:s13+$0xFFFFFFD0]  }
0x357: {  	v11 =	vld [tilespmem:s13+$0xFFFFFFE0]  }
0x358: {  	v32 =	vld [tilespmem:s13+$0xFFFFE610]  }
0x359: {  	v33 =	vld [tilespmem:s13+$0xFFFFE620]  }
0x35a: {  	v34 =	vld [tilespmem:s13+$0xFFFFE630]  }
0x35b: {  	v35 =	vld [tilespmem:s13+$0xFFFFE640]  }
0x35c: {  	v36 =	vld [tilespmem:s13+$0xFFFFE650]  }
0x35d: {  	v37 =	vld [tilespmem:s13+$0xFFFFE660]  }
0x35e: {  	v38 =	vld [tilespmem:s13+$0xFFFFE670]  }
0x35f: {  	v8 =	vadd.f32 v32, v8;
	v6 =	vadd.f32 v33, v6;
	v32 =	vld [tilespmem:s13+$0xFFFFE680]  }
0x360: {  	v9 =	vadd.f32 v34, v9;
	v7 =	vadd.f32 v35, v7;
	v33 =	vld [tilespmem:s13+$0xFFFFFF10]  }
0x361: {  	v8 =	vadd.f32 v28, v8;
	v6 =	vadd.f32 v29, v6;
	v34 =	vld [tilespmem:s13+$0xFFFFFF20]  }
0x362: {  	v9 =	vadd.f32 v20, v9;
	v28 =	vld [tilespmem:s13+$0xFFFFFF30];
	v7 =	vadd.f32 v21, v7  }
0x363: {  	s10 =	sadd.s32 $0x2, s10;
	v15 =	vadd.f32 v36, v15;
	v14 =	vadd.f32 v37, v14;
	v29 =	vld [tilespmem:s13+$0xFFFFFF40]  }
0x364: {  	p0 =	slt.u32 s10, $0x2F;
	v13 =	vadd.f32 v38, v13;
	v12 =	vadd.f32 v32, v12;
	v20 =	vld [tilespmem:s13+$0xFFFFFF50]  }
.Ltmp7:
0x365: {  	v15 =	vadd.f32 v22, v15;
	v14 =	vadd.f32 v23, v14;
	v21 =	vld [tilespmem:s13+$0xFFFFFF60];
	(pc) =	sbr.rel @p0 .LBB2_16-.Ltmp7, $4  }
0x366: {  	v13 =	vadd.f32 v24, v13;
	v22 =	vld [tilespmem:s13+$0xFFFFFF70];
	v12 =	vadd.f32 v25, v12  }
0x367: {  	v17 =	vadd.f32 v33, v17;
	v16 =	vadd.f32 v34, v16;
	v24 =	vld [tilespmem:s13+$0xFFFFFF80]  }
0x368: {  	v27 =	vadd.f32 v28, v27;
	v26 =	vadd.f32 v29, v26;
	v23 =	vld [tilespmem:s13+$0xFFFFFFF0]  }
0x369: {  	v17 =	vadd.f32 v30, v17;
	v16 =	vadd.f32 v31, v16;
	v25 =	vld [tilespmem:s13+$0x0];
	s13 =	sadd.s32 $0x100, s13  }
0x36a: {  	v28 =	vld [tilespmem:$0x5880]  }
0x36b: {  	v29 =	vld [tilespmem:$0x5890]  }
0x36c: {  	v30 =	vld [tilespmem:$0x58A0]  }
0x36d: {  	v31 =	vld [tilespmem:$0x58B0]  }
0x36e: {  	v18 =	vadd.f32 v18, v27;
	v27 =	vld [tilespmem:$0x58C0]  }
0x36f: {  	v19 =	vadd.f32 v19, v26;
	v5 =	vadd.f32 v20, v5;
	v20 =	vld [tilespmem:$0x58D0]  }
0x370: {  	v2 =	vadd.f32 v21, v2;
	v21 =	vld [tilespmem:$0x58E0];
	v3 =	vadd.f32 v22, v3  }
0x371: {  	v4 =	vadd.f32 v24, v4;
	v5 =	vadd.f32 v10, v5;
	v10 =	vld [tilespmem:$0x7180]  }
0x372: {  	v2 =	vadd.f32 v11, v2;
	v11 =	vld [tilespmem:$0x7190];
	v3 =	vadd.f32 v23, v3  }
0x373: {  	v22 =	vld [tilespmem:$0x58F0];
	v4 =	vadd.f32 v25, v4;
	v8 =	vadd.f32 v28, v8  }
0x374: {  	v23 =	vld [tilespmem:$0x71A0];
	v6 =	vadd.f32 v29, v6;
	v9 =	vadd.f32 v30, v9  }
0x375: {  	v24 =	vld [tilespmem:$0x71B0];
	v7 =	vadd.f32 v31, v7;
	v15 =	vadd.f32 v27, v15  }
0x376: {  	v14 =	vadd.f32 v20, v14;
	v10 =	vadd.f32 v10, v17;
	v17 =	vld [tilespmem:$0x71C0]  }
0x377: {  	v13 =	vadd.f32 v21, v13;
	v11 =	vadd.f32 v11, v16  }
0x378: {  	v12 =	vadd.f32 v22, v12;
	v16 =	vmul.f32 v10, v8;
	v8 =	vmul.f32 v8, v8  }
0x379: {  	v20 =	vld [tilespmem:$0x71D0];
	v18 =	vadd.f32 v23, v18;
	v10 =	vmul.f32 v10, v10;
	v21 =	vmul.f32 v11, v6  }
0x37a: {  	v19 =	vadd.f32 v24, v19;
	v6 =	vmul.f32 v6, v6;
	v11 =	vmul.f32 v11, v11  }
0x37b: {  	v16 =	vadd.f32 v21, v16;
	v5 =	vadd.f32 v17, v5;
	v17 =	vmul.f32 v18, v9  }
0x37c: {  	v21 =	vld [tilespmem:$0x71E0];
	v6 =	vadd.f32 v6, v8;
	v8 =	vadd.f32 v11, v10;
	v9 =	vmul.f32 v9, v9  }
0x37d: {  	v11 =	vmul.f32 v18, v18;
	v10 =	vadd.f32 v17, v16;
	v16 =	vmul.f32 v19, v7  }
0x37e: {  	v2 =	vadd.f32 v20, v2;
	v6 =	vadd.f32 v9, v6;
	v7 =	vmul.f32 v7, v7  }
0x37f: {  	v8 =	vadd.f32 v11, v8;
	v11 =	vmul.f32 v19, v19;
	v9 =	vld [tilespmem:$0x71F0];
	v10 =	vadd.f32 v16, v10  }
0x380: {  	v6 =	vadd.f32 v7, v6;
	v7 =	vmul.f32 v5, v15;
	v15 =	vmul.f32 v15, v15  }
0x381: {  	v8 =	vadd.f32 v11, v8;
	v3 =	vadd.f32 v21, v3;
	v5 =	vmul.f32 v5, v5  }
0x382: {  	v7 =	vadd.f32 v7, v10;
	v6 =	vadd.f32 v15, v6;
	v10 =	vmul.f32 v2, v14  }
0x383: {  	v5 =	vadd.f32 v5, v8;
	v8 =	vmul.f32 v14, v14;
	v2 =	vmul.f32 v2, v2  }
0x384: {  	v4 =	vadd.f32 v9, v4;
	v9 =	vmul.f32 v3, v13;
	v7 =	vadd.f32 v10, v7  }
0x385: {  	v6 =	vadd.f32 v8, v6;
	v2 =	vadd.f32 v2, v5;
	v5 =	vmul.f32 v13, v13  }
0x386: {  	v3 =	vmul.f32 v3, v3;
	v8 =	vmul.f32 v4, v12;
	v7 =	vadd.f32 v9, v7  }
0x387: {  	v5 =	vadd.f32 v5, v6;
	v6 =	vmul.f32 v12, v12  }
0x388: {  	v4 =	vmul.f32 v4, v4;
	v2 =	vadd.f32 v3, v2;
	v3 =	vadd.f32 v8, v7  }
0x389: {  	v5 =	vadd.f32 v6, v5  }
0x38a: {  	v2 =	vadd.f32 v4, v2;
	(xrf2) =	vadd.scan.msk.f32 $0xffff, v3  }
0x38b: {  	(xrf2) =	vadd.scan.msk.f32 $0xffff, v5  }
0x38c: {  	(xrf2) =	vadd.scan.msk.f32 $0xffff, v2;
	_ =	sdelay $0x7  }
0x38d: {  	v2, _, _ =	vpop (xrf2)  }
0x38e: {  	v3, _, _ =	vpop (xrf2);
	[tilespmem:v0+s23+$0x0] =	vst.idx.msk vm0, v2  }
0x38f: {  	[tilespmem:v0+s24+$0x0] =	vst.idx.msk vm0, v3;
	v2, _, _ =	vpop (xrf2)  }
0x390: {  	[tilespmem:v0+s25+$0x0] =	vst.idx.msk vm0, v2  }
0x391: {  	_ =	swait.ge [sflag:s26], $0x3200  }
0x392: {  	[sflag:s26] =	ssyncset.done $0x0  }
0x393: {  	[sflag:s26] =	ssyncadd.s32 $0xFFFFCE00  }
0x394: {  	v6 =	vld [tilespmem:$0x7400]  }
0x395: {  	v7 =	vld [tilespmem:$0x7410]  }
0x396: {  	v8 =	vld [tilespmem:$0x7420]  }
0x397: {  	v9 =	vld [tilespmem:$0x7430]  }
0x398: {  	v12 =	vld [tilespmem:$0x7440]  }
0x399: {  	v13 =	vld [tilespmem:$0x7450]  }
0x39a: {  	v14 =	vld [tilespmem:$0x7460]  }
0x39b: {  	v15 =	vld [tilespmem:$0x7470]  }
0x39c: {  	v16 =	vld [tilespmem:$0x8D00]  }
0x39d: {  	v17 =	vld [tilespmem:$0x8D10]  }
0x39e: {  	v23 =	vld [tilespmem:$0x8D20]  }
0x39f: {  	v25 =	vld [tilespmem:$0x8D30]  }
0x3a0: {  	v5 =	vld [tilespmem:$0x8D40]  }
0x3a1: {  	v2 =	vld [tilespmem:$0x8D50]  }
0x3a2: {  	v3 =	vld [tilespmem:$0x8D60]  }
0x3a3: {  	s13 =	simm.s32 $0x8E70;
	v4 =	vld [tilespmem:$0x8D70]  }
0x3a4: {  	v20 =	vld [tilespmem:s13+$0xFFFFE690]  }
0x3a5: {  	v21 =	vld [tilespmem:s13+$0xFFFFE6A0]  }
0x3a6: {  	v22 =	vld [tilespmem:s13+$0xFFFFE6B0]  }
0x3a7: {  	v24 =	vld [tilespmem:s13+$0xFFFFE6C0]  }
0x3a8: {  	v26 =	vld [tilespmem:s13+$0xFFFFE6D0]  }
0x3a9: {  	v27 =	vld [tilespmem:s13+$0xFFFFE6E0]  }
0x3aa: {  	v28 =	vld [tilespmem:s13+$0xFFFFE6F0]  }
0x3ab: {  	v29 =	vld [tilespmem:s13+$0xFFFFE700]  }
0x3ac: {  	v57 =	vld [tilespmem:s13+$0xFFFFFF90]  }
0x3ad: {  	v58 =	vld [tilespmem:s13+$0xFFFFFFA0]  }
0x3ae: {  	v18 =	vld [tilespmem:s13+$0xFFFFFFB0]  }
0x3af: {  	v19 =	vld [tilespmem:s13+$0xFFFFFFC0]  }
0x3b0: {  	v32 =	vld [tilespmem:s13+$0xFFFFE610]  }
0x3b1: {  	v33 =	vld [tilespmem:s13+$0xFFFFE620]  }
0x3b2: {  	v34 =	vld [tilespmem:s13+$0xFFFFE630]  }
0x3b3: {  	v35 =	vld [tilespmem:s13+$0xFFFFE640]  }
0x3b4: {  	v36 =	vld [tilespmem:s13+$0xFFFFE650]  }
0x3b5: {  	v37 =	vld [tilespmem:s13+$0xFFFFE660]  }
0x3b6: {  	v59 =	vld [tilespmem:s13+$0xFFFFE680]  }
0x3b7: {  	v62 =	vld [tilespmem:s13+$0xFFFFFF10]  }
0x3b8: {  	v10 =	vld [tilespmem:s13+$0xFFFFFFD0]  }
0x3b9: {  	v11 =	vld [tilespmem:s13+$0xFFFFFFE0];
	v6 =	vadd.f32 v32, v6;
	v7 =	vadd.f32 v33, v7  }
0x3ba: {  	v38 =	vld [tilespmem:s13+$0xFFFFE670];
	v60 =	vadd.f32 v34, v8;
	v61 =	vadd.f32 v35, v9  }
0x3bb: {  	v39 =	vld [tilespmem:s13+$0xFFFFFF20];
	v12 =	vadd.f32 v36, v12;
	v13 =	vadd.f32 v37, v13  }
0x3bc: {  	v40 =	vld [tilespmem:s13+$0xFFFFFF30];
	v32 =	vadd.f32 v59, v15;
	v16 =	vadd.f32 v62, v16  }
0x3bd: {  	v63 =	vld [tilespmem:s13+$0xFFFFFF40];
	v8 =	vadd.f32 v20, v6;
	v6 =	vadd.f32 v21, v7  }
0x3be: {  	v9 =	vadd.f32 v22, v60;
	v7 =	vadd.f32 v24, v61;
	v20 =	vld [tilespmem:s13+$0xFFFFFF50]  }
0x3bf: {  	v24 =	vadd.f32 v38, v14;
	v21 =	vld [tilespmem:s13+$0xFFFFFF60];
	v15 =	vadd.f32 v26, v12  }
0x3c0: {  	v14 =	vadd.f32 v27, v13;
	v22 =	vld [tilespmem:s13+$0xFFFFFF70];
	v12 =	vadd.f32 v29, v32  }
0x3c1: {  	v13 =	vadd.f32 v28, v24;
	v28 =	vadd.f32 v39, v17;
	v24 =	vld [tilespmem:s13+$0xFFFFFF80]  }
0x3c2: {  	v27 =	vadd.f32 v40, v23;
	v26 =	vadd.f32 v63, v25;
	v23 =	vld [tilespmem:s13+$0xFFFFFFF0]  }
0x3c3: {  	s10 =	simm.s32 $0x1;
	v25 =	vld [tilespmem:s13+$0x0];
	v17 =	vadd.f32 v57, v16;
	s13 =	simm.s32 $0x8F70;
	v16 =	vadd.f32 v58, v28  }
.LBB2_18:
0x3c4: {  	v28 =	vld [tilespmem:s13+$0xFFFFE690];
	v27 =	vadd.f32 v18, v27;
	v26 =	vadd.f32 v19, v26  }
0x3c5: {  	v5 =	vadd.f32 v20, v5;
	v2 =	vadd.f32 v21, v2;
	v29 =	vld [tilespmem:s13+$0xFFFFE6A0]  }
0x3c6: {  	v3 =	vadd.f32 v22, v3;
	v20 =	vld [tilespmem:s13+$0xFFFFE6B0];
	v4 =	vadd.f32 v24, v4  }
0x3c7: {  	v5 =	vadd.f32 v10, v5;
	v2 =	vadd.f32 v11, v2;
	v21 =	vld [tilespmem:s13+$0xFFFFE6C0]  }
0x3c8: {  	v3 =	vadd.f32 v23, v3;
	v22 =	vld [tilespmem:s13+$0xFFFFE6D0];
	v4 =	vadd.f32 v25, v4  }
0x3c9: {  	v23 =	vld [tilespmem:s13+$0xFFFFE6E0]  }
0x3ca: {  	v24 =	vld [tilespmem:s13+$0xFFFFE6F0]  }
0x3cb: {  	v25 =	vld [tilespmem:s13+$0xFFFFE700]  }
0x3cc: {  	v30 =	vld [tilespmem:s13+$0xFFFFFF90]  }
0x3cd: {  	v31 =	vld [tilespmem:s13+$0xFFFFFFA0]  }
0x3ce: {  	v18 =	vld [tilespmem:s13+$0xFFFFFFB0]  }
0x3cf: {  	v19 =	vld [tilespmem:s13+$0xFFFFFFC0]  }
0x3d0: {  	v10 =	vld [tilespmem:s13+$0xFFFFFFD0]  }
0x3d1: {  	v11 =	vld [tilespmem:s13+$0xFFFFFFE0]  }
0x3d2: {  	v32 =	vld [tilespmem:s13+$0xFFFFE610]  }
0x3d3: {  	v33 =	vld [tilespmem:s13+$0xFFFFE620]  }
0x3d4: {  	v34 =	vld [tilespmem:s13+$0xFFFFE630]  }
0x3d5: {  	v35 =	vld [tilespmem:s13+$0xFFFFE640]  }
0x3d6: {  	v36 =	vld [tilespmem:s13+$0xFFFFE650]  }
0x3d7: {  	v37 =	vld [tilespmem:s13+$0xFFFFE660]  }
0x3d8: {  	v38 =	vld [tilespmem:s13+$0xFFFFE670]  }
0x3d9: {  	v8 =	vadd.f32 v32, v8;
	v6 =	vadd.f32 v33, v6;
	v32 =	vld [tilespmem:s13+$0xFFFFE680]  }
0x3da: {  	v9 =	vadd.f32 v34, v9;
	v7 =	vadd.f32 v35, v7;
	v33 =	vld [tilespmem:s13+$0xFFFFFF10]  }
0x3db: {  	v8 =	vadd.f32 v28, v8;
	v6 =	vadd.f32 v29, v6;
	v34 =	vld [tilespmem:s13+$0xFFFFFF20]  }
0x3dc: {  	v9 =	vadd.f32 v20, v9;
	v28 =	vld [tilespmem:s13+$0xFFFFFF30];
	v7 =	vadd.f32 v21, v7  }
0x3dd: {  	s10 =	sadd.s32 $0x2, s10;
	v15 =	vadd.f32 v36, v15;
	v14 =	vadd.f32 v37, v14;
	v29 =	vld [tilespmem:s13+$0xFFFFFF40]  }
0x3de: {  	p0 =	slt.u32 s10, $0x2F;
	v13 =	vadd.f32 v38, v13;
	v12 =	vadd.f32 v32, v12;
	v20 =	vld [tilespmem:s13+$0xFFFFFF50]  }
.Ltmp8:
0x3df: {  	v15 =	vadd.f32 v22, v15;
	v14 =	vadd.f32 v23, v14;
	v21 =	vld [tilespmem:s13+$0xFFFFFF60];
	(pc) =	sbr.rel @p0 .LBB2_18-.Ltmp8, $4  }
0x3e0: {  	v13 =	vadd.f32 v24, v13;
	v22 =	vld [tilespmem:s13+$0xFFFFFF70];
	v12 =	vadd.f32 v25, v12  }
0x3e1: {  	v17 =	vadd.f32 v33, v17;
	v16 =	vadd.f32 v34, v16;
	v24 =	vld [tilespmem:s13+$0xFFFFFF80]  }
0x3e2: {  	v27 =	vadd.f32 v28, v27;
	v26 =	vadd.f32 v29, v26;
	v23 =	vld [tilespmem:s13+$0xFFFFFFF0]  }
0x3e3: {  	v17 =	vadd.f32 v30, v17;
	v16 =	vadd.f32 v31, v16;
	v25 =	vld [tilespmem:s13+$0x0];
	s13 =	sadd.s32 $0x100, s13  }
0x3e4: {  	v28 =	vld [tilespmem:$0x8C80]  }
0x3e5: {  	v29 =	vld [tilespmem:$0x8C90]  }
0x3e6: {  	v30 =	vld [tilespmem:$0x8CA0]  }
0x3e7: {  	v31 =	vld [tilespmem:$0x8CB0]  }
0x3e8: {  	v38 =	vld [tilespmem:$0x8CC0]  }
0x3e9: {  	v39 =	vld [tilespmem:$0x8CD0]  }
0x3ea: {  	v40 =	vld [tilespmem:$0x8CE0]  }
0x3eb: {  	v18 =	vadd.f32 v18, v27;
	v19 =	vadd.f32 v19, v26;
	v41 =	vld [tilespmem:$0xA580]  }
0x3ec: {  	v5 =	vadd.f32 v20, v5;
	v2 =	vadd.f32 v21, v2;
	v42 =	vld [tilespmem:$0xA590]  }
0x3ed: {  	v43 =	vld [tilespmem:$0x8CF0];
	v3 =	vadd.f32 v22, v3;
	v4 =	vadd.f32 v24, v4  }
0x3ee: {  	v44 =	vld [tilespmem:$0xA5A0];
	v5 =	vadd.f32 v10, v5;
	v2 =	vadd.f32 v11, v2  }
0x3ef: {  	v45 =	vld [tilespmem:$0xA5B0];
	v3 =	vadd.f32 v23, v3;
	v4 =	vadd.f32 v25, v4  }
0x3f0: {  	v46 =	vld [tilespmem:$0xA5C0];
	v8 =	vadd.f32 v28, v8;
	v6 =	vadd.f32 v29, v6  }
0x3f1: {  	v48 =	vld [tilespmem:$0xA5D0];
	v9 =	vadd.f32 v30, v9;
	v7 =	vadd.f32 v31, v7  }
0x3f2: {  	v51 =	vld [tilespmem:$0xA5E0];
	v15 =	vadd.f32 v38, v15;
	v14 =	vadd.f32 v39, v14  }
0x3f3: {  	v56 =	vld [tilespmem:$0xA5F0];
	v10 =	vadd.f32 v41, v17;
	v13 =	vadd.f32 v40, v13  }
0x3f4: {  	v11 =	vadd.f32 v42, v16;
	v12 =	vadd.f32 v43, v12  }
0x3f5: {  	v18 =	vadd.f32 v44, v18;
	v19 =	vadd.f32 v45, v19  }
0x3f6: {  	v5 =	vadd.f32 v46, v5;
	v2 =	vadd.f32 v48, v2;
	v47 =	vmul.f32 v10, v8  }
0x3f7: {  	v3 =	vadd.f32 v51, v3;
	v8 =	vmul.f32 v8, v8;
	v49 =	vmul.f32 v11, v6  }
0x3f8: {  	v4 =	vadd.f32 v56, v4;
	v10 =	vmul.f32 v10, v10;
	v6 =	vmul.f32 v6, v6  }
0x3f9: {  	v11 =	vmul.f32 v11, v11;
	v50 =	vmul.f32 v18, v9;
	v16 =	vadd.f32 v49, v47  }
0x3fa: {  	v9 =	vmul.f32 v9, v9;
	v54 =	vmul.f32 v18, v18;
	v6 =	vadd.f32 v6, v8  }
0x3fb: {  	v55 =	vmul.f32 v19, v7;
	v52 =	vadd.f32 v11, v10;
	v53 =	vadd.f32 v50, v16  }
0x3fc: {  	v7 =	vmul.f32 v7, v7;
	v57 =	vmul.f32 v19, v19;
	v6 =	vadd.f32 v9, v6  }
0x3fd: {  	v58 =	vmul.f32 v5, v15;
	v8 =	vadd.f32 v54, v52;
	v10 =	vadd.f32 v55, v53  }
0x3fe: {  	v15 =	vmul.f32 v15, v15;
	v5 =	vmul.f32 v5, v5;
	v6 =	vadd.f32 v7, v6  }
0x3ff: {  	v59 =	vmul.f32 v2, v14;
	v8 =	vadd.f32 v57, v8;
	v7 =	vadd.f32 v58, v10  }
0x400: {  	v60 =	vmul.f32 v14, v14;
	v2 =	vmul.f32 v2, v2;
	v6 =	vadd.f32 v15, v6  }
0x401: {  	v61 =	vmul.f32 v3, v13;
	v5 =	vadd.f32 v5, v8;
	v7 =	vadd.f32 v59, v7  }
0x402: {  	v62 =	vmul.f32 v13, v13;
	v3 =	vmul.f32 v3, v3;
	v6 =	vadd.f32 v60, v6  }
0x403: {  	v63 =	vmul.f32 v4, v12;
	v2 =	vadd.f32 v2, v5;
	v7 =	vadd.f32 v61, v7  }
0x404: {  	v11 =	vmul.f32 v12, v12;
	v5 =	vadd.f32 v62, v6  }
0x405: {  	v4 =	vmul.f32 v4, v4;
	v2 =	vadd.f32 v3, v2;
	v3 =	vadd.f32 v63, v7  }
0x406: {  	v5 =	vadd.f32 v11, v5  }
0x407: {  	v2 =	vadd.f32 v4, v2;
	(xrf2) =	vadd.scan.msk.f32 $0xffff, v3  }
0x408: {  	(xrf2) =	vadd.scan.msk.f32 $0xffff, v5  }
0x409: {  	(xrf2) =	vadd.scan.msk.f32 $0xffff, v2;
	_ =	sdelay $0x7  }
0x40a: {  	v2, _, _ =	vpop (xrf2)  }
0x40b: {  	v3, _, _ =	vpop (xrf2);
	[tilespmem:v1+s23+$0x0] =	vst.idx.msk vm0, v2  }
0x40c: {  	[tilespmem:v1+s24+$0x0] =	vst.idx.msk vm0, v3;
	v2, _, _ =	vpop (xrf2)  }
0x40d: {  	[tilespmem:v1+s25+$0x0] =	vst.idx.msk vm0, v2  }
0x40e: {  	v2 =	vld [tilespmem:$0x17880]  }
0x40f: {  	v3 =	vld [tilespmem:$0x17900];
	_ =	sdelay $0x4  }
0x410: {  	v2 =	vmul.f32 $3.999999900e-04, v2;
	v3 =	vmul.f32 $3.999999900e-04, v3;
	_ =	sdelay $0x1  }
0x411: {  	v2 =	vmax.f32 v2, $1.000000020e-16;
	v3 =	vmax.f32 v3, $1.000000020e-16  }
0x412: {  	v13 =	vld [tilespmem:$0x17890];
	v2 =	vmul.f32 v3, v2  }
0x413: {  	v14 =	vld [tilespmem:$0x17910]  }
0x414: {  	v15 =	vld [tilespmem:$0x178A0];
	v3 =	vshra.s32 v2, $0x1;
	v2 =	vmul.f32 $5.000000000e-01, v2  }
0x415: {  	v16 =	vld [tilespmem:$0x17920];
	v3 =	vsub.s32 $0x5F3759DF, v3  }
0x416: {  	v27 =	vld [tilespmem:$0x17800];
	v12 =	vmul.f32 v3, v2;
	_ =	sdelay $0x1  }
0x417: {  	v29 =	vld [tilespmem:$0x178B0];
	v4 =	vmul.f32 v3, v12  }
0x418: {  	v30 =	vld [tilespmem:$0x17930];
	v17 =	vmul.f32 $3.999999900e-04, v13  }
0x419: {  	v18 =	vmul.f32 $3.999999900e-04, v14;
	v7 =	vmul.f32 $3.999999900e-04, v15;
	v4 =	vsub.f32 $1.500000000e+00, v4  }
0x41a: {  	v8 =	vmul.f32 $3.999999900e-04, v16;
	v9 =	vmul.f32 $3.999999900e-04, v27  }
0x41b: {  	v38 =	vld [tilespmem:$0x17810];
	v5 =	vmax.f32 v18, $1.000000020e-16;
	v3 =	vmul.f32 v3, v4;
	v4 =	vmax.f32 v17, $1.000000020e-16  }
0x41c: {  	v33 =	vmul.f32 $3.999999900e-04, v29;
	v4 =	vmul.f32 v5, v4  }
0x41d: {  	v39 =	vld [tilespmem:$0x17820];
	v34 =	vmul.f32 $3.999999900e-04, v30;
	v21 =	vmax.f32 v7, $1.000000020e-16;
	v19 =	vmul.f32 v3, v2  }
0x41e: {  	v44 =	vld [tilespmem:$0x17940];
	v22 =	vmax.f32 v8, $1.000000020e-16;
	v23 =	vshra.s32 v4, $0x1;
	v4 =	vmul.f32 $5.000000000e-01, v4  }
0x41f: {  	v55 =	vld [tilespmem:$0x178E0];
	v6 =	vmul.f32 v22, v21;
	v20 =	vmul.f32 v19, v3;
	v24 =	vsub.s32 $0x5F3759DF, v23  }
0x420: {  	v14 =	vmul.f32 $3.999999900e-04, v38;
	v8 =	vmul.f32 v24, v4  }
0x421: {  	v57 =	vld [tilespmem:$0x17960];
	v25 =	vshra.s32 v6, $0x1;
	v6 =	vmul.f32 $5.000000000e-01, v6;
	v5 =	vsub.f32 $1.500000000e+00, v20  }
0x422: {  	v47 =	vmul.f32 $3.999999900e-04, v39;
	v26 =	vsub.s32 $0x5F3759DF, v25;
	v8 =	vmul.f32 v24, v8  }
0x423: {  	v28 =	vmul.f32 v26, v6;
	v3 =	vmul.f32 v5, v3  }
0x424: {  	v50 =	vmul.f32 $3.999999900e-04, v44;
	v16 =	vmul.f32 $3.999999900e-04, v55;
	v8 =	vsub.f32 $1.500000000e+00, v8  }
0x425: {  	v42 =	vld [tilespmem:$0x178C0];
	v10 =	vmul.f32 v26, v28;
	v2 =	vmul.f32 v3, v2  }
0x426: {  	v15 =	vmul.f32 $3.999999900e-04, v57;
	v7 =	vmul.f32 v24, v8  }
0x427: {  	v62 =	vld [tilespmem:$0x17970];
	v54 =	vmax.f32 v50, $1.000000020e-16;
	v31 =	vsub.f32 $1.500000000e+00, v10;
	v2 =	vmul.f32 v2, v3  }
0x428: {  	v16 =	vmax.f32 v16, $1.000000020e-16;
	v15 =	vmax.f32 v15, $1.000000020e-16;
	v50 =	vld [tilespmem:$0x17870];
	v32 =	vmul.f32 v7, v4  }
0x429: {  	v15 =	vmul.f32 v15, v16;
	v5 =	vmul.f32 v26, v31;
	v2 =	vsub.f32 $1.500000000e+00, v2  }
0x42a: {  	v51 =	vld [tilespmem:$0x178D0];
	v49 =	vmul.f32 $3.999999900e-04, v42;
	v11 =	vmax.f32 v34, $1.000000020e-16;
	v10 =	vmul.f32 v32, v7  }
0x42b: {  	v27 =	vshra.s32 v15, $0x1;
	v2 =	vmul.f32 v2, v3;
	v3 =	vmul.f32 v5, v6  }
0x42c: {  	v15 =	vmul.f32 $5.000000000e-01, v15;
	v25 =	vmul.f32 $3.999999900e-04, v62;
	v10 =	vsub.f32 $1.500000000e+00, v10  }
0x42d: {  	v55 =	vmul.f32 $3.999999900e-04, v50;
	v8 =	vmax.f32 v33, $1.000000020e-16;
	v3 =	vmul.f32 v3, v5  }
0x42e: {  	v8 =	vmul.f32 v11, v8;
	v7 =	vmul.f32 v10, v7  }
0x42f: {  	v35 =	vld [tilespmem:$0x17A80];
	v17 =	vmul.f32 $3.999999900e-04, v51;
	v23 =	vsub.s32 $0x5F3759DF, v27;
	v3 =	vsub.f32 $1.500000000e+00, v3  }
0x430: {  	v60 =	vld [tilespmem:$0x178F0];
	v11 =	vshra.s32 v8, $0x1;
	v8 =	vmul.f32 $5.000000000e-01, v8;
	v4 =	vmul.f32 v7, v4  }
0x431: {  	v28 =	vmul.f32 v23, v15;
	v36 =	vsub.s32 $0x5F3759DF, v11;
	v37 =	vmul.f32 v3, v5  }
0x432: {  	v3 =	vmul.f32 v36, v8;
	v41 =	vmul.f32 v4, v7  }
0x433: {  	v9 =	vmul.f32 v2, v9;
	v5 =	vmul.f32 v37, v6  }
0x434: {  	v2 =	vbroadcast v35, $0x0;
	v40 =	vmul.f32 v36, v3;
	v45 =	vsub.f32 $1.500000000e+00, v41  }
0x435: {  	v24 =	vmul.f32 $3.999999900e-04, v60;
	v43 =	vmul.f32 v5, v37  }
0x436: {  	v13 =	vmul.f32 v9, v2;
	v6 =	vsub.f32 $1.500000000e+00, v40;
	v7 =	vmul.f32 v45, v7  }
0x437: {  	v52 =	vld [tilespmem:$0x17950];
	v4 =	vbroadcast v35, $0x2;
	v3 =	vbroadcast v35, $0x1;
	v46 =	vsub.f32 $1.500000000e+00, v43  }
0x438: {  	v38 =	vld [tilespmem:$0x17840];
	v53 =	vmax.f32 v49, $1.000000020e-16;
	v6 =	vmul.f32 v36, v6;
	v7 =	vmul.f32 v7, v14  }
0x439: {  	v14 =	vmul.f32 v54, v53;
	v11 =	vmul.f32 v46, v37  }
0x43a: {  	v41 =	vld [tilespmem:$0x17850];
	v9 =	vmul.f32 v9, v3;
	v48 =	vmul.f32 v6, v8  }
0x43b: {  	v59 =	vshra.s32 v14, $0x1;
	v14 =	vmul.f32 $5.000000000e-01, v14;
	v10 =	vmul.f32 v11, v47  }
0x43c: {  	v17 =	vmax.f32 v17, $1.000000020e-16;
	v12 =	vmul.f32 v48, v6;
	v11 =	vmul.f32 $3.999999900e-04, v52  }
0x43d: {  	v5 =	vbroadcast v35, $0x3;
	v43 =	vmul.f32 $3.999999900e-04, v38;
	v20 =	vsub.s32 $0x5F3759DF, v59  }
0x43e: {  	v61 =	vmul.f32 v20, v14;
	v12 =	vsub.f32 $1.500000000e+00, v12;
	v11 =	vmax.f32 v11, $1.000000020e-16  }
0x43f: {  	v45 =	vmul.f32 $3.999999900e-04, v41;
	v11 =	vmul.f32 v11, v17  }
0x440: {  	v21 =	vmax.f32 v25, $1.000000020e-16;
	v6 =	vmul.f32 v12, v6;
	v12 =	vmul.f32 v20, v61  }
0x441: {  	v56 =	vmul.f32 v7, v2;
	v17 =	vshra.s32 v11, $0x1;
	v11 =	vmul.f32 $5.000000000e-01, v11  }
0x442: {  	v63 =	vsub.s32 $0x5F3759DF, v17;
	v12 =	vsub.f32 $1.500000000e+00, v12;
	v17 =	vmax.f32 v24, $1.000000020e-16  }
0x443: {  	v26 =	vmul.f32 v63, v11;
	v17 =	vmul.f32 v21, v17  }
0x444: {  	v12 =	vmul.f32 v20, v12;
	v20 =	vmul.f32 v23, v28  }
0x445: {  	v22 =	vmul.f32 v63, v26;
	v30 =	vshra.s32 v17, $0x1;
	v17 =	vmul.f32 $5.000000000e-01, v17  }
0x446: {  	v7 =	vmul.f32 v7, v3;
	v24 =	vsub.s32 $0x5F3759DF, v30;
	v20 =	vsub.f32 $1.500000000e+00, v20  }
0x447: {  	v8 =	vmul.f32 v6, v8;
	v22 =	vsub.f32 $1.500000000e+00, v22;
	v32 =	vmul.f32 v24, v17  }
0x448: {  	v31 =	vmul.f32 v12, v14;
	v20 =	vmul.f32 v23, v20  }
0x449: {  	v29 =	vld [tilespmem:$0x17830];
	v16 =	vmul.f32 v63, v22;
	v22 =	vmul.f32 v24, v32  }
0x44a: {  	v25 =	vmul.f32 v31, v12;
	v35 =	vmul.f32 v20, v15  }
0x44b: {  	v8 =	vmul.f32 v8, v6;
	v33 =	vmul.f32 v16, v11;
	v22 =	vsub.f32 $1.500000000e+00, v22  }
0x44c: {  	v58 =	vmul.f32 v10, v2;
	v25 =	vsub.f32 $1.500000000e+00, v25;
	v37 =	vmul.f32 v35, v20  }
0x44d: {  	v8 =	vsub.f32 $1.500000000e+00, v8;
	v34 =	vmul.f32 v33, v16;
	v22 =	vmul.f32 v24, v22  }
0x44e: {  	v21 =	vmul.f32 $3.999999900e-04, v29;
	v12 =	vmul.f32 v25, v12;
	v40 =	vsub.f32 $1.500000000e+00, v37  }
0x44f: {  	v6 =	vmul.f32 v8, v6;
	v36 =	vsub.f32 $1.500000000e+00, v34;
	v39 =	vmul.f32 v22, v17  }
0x450: {  	v14 =	vmul.f32 v12, v14;
	v20 =	vmul.f32 v40, v20  }
0x451: {  	v13 =	vadd.f32 v13, v4;
	v8 =	vmul.f32 v36, v16;
	v16 =	vmul.f32 v39, v22  }
0x452: {  	v44 =	vld [tilespmem:$0x17860];
	v9 =	vadd.f32 v9, v5;
	v14 =	vmul.f32 v14, v12;
	v15 =	vmul.f32 v20, v15  }
0x453: {  	v10 =	vmul.f32 v10, v3;
	v11 =	vmul.f32 v8, v11;
	v16 =	vsub.f32 $1.500000000e+00, v16  }
0x454: {  	v6 =	vmul.f32 v6, v21;
	v14 =	vsub.f32 $1.500000000e+00, v14;
	v15 =	vmul.f32 v15, v20  }
0x455: {  	v18 =	vadd.f32 v56, v4;
	v11 =	vmul.f32 v11, v8;
	v16 =	vmul.f32 v16, v22  }
0x456: {  	v42 =	vmul.f32 v6, v2;
	v12 =	vmul.f32 v14, v12;
	v49 =	vsub.f32 $1.500000000e+00, v15  }
0x457: {  	[tilespmem:$0x17980] =	vst v13;
	v14 =	vmul.f32 $3.999999900e-04, v44;
	v11 =	vsub.f32 $1.500000000e+00, v11;
	v47 =	vmul.f32 v16, v17  }
0x458: {  	[tilespmem:$0x17A00] =	vst v9;
	v7 =	vadd.f32 v7, v5;
	v48 =	vmul.f32 v12, v43;
	v12 =	vmul.f32 v49, v20  }
0x459: {  	[tilespmem:$0x17990] =	vst v18;
	v46 =	vadd.f32 v58, v4;
	v8 =	vmul.f32 v11, v8;
	v11 =	vmul.f32 v47, v16  }
0x45a: {  	[tilespmem:$0x17A10] =	vst v7;
	v10 =	vadd.f32 v10, v5;
	v6 =	vmul.f32 v6, v3;
	v51 =	vadd.f32 v42, v4  }
0x45b: {  	[tilespmem:$0x179A0] =	vst v46;
	v52 =	vmul.f32 v48, v2;
	v12 =	vmul.f32 v12, v14;
	v11 =	vsub.f32 $1.500000000e+00, v11  }
0x45c: {  	[tilespmem:$0x17A20] =	vst v10;
	v6 =	vadd.f32 v6, v5;
	v9 =	vmul.f32 v48, v3;
	v8 =	vmul.f32 v8, v45  }
0x45d: {  	[tilespmem:$0x179B0] =	vst v51;
	v54 =	vadd.f32 v52, v4;
	v58 =	vmul.f32 v12, v2;
	v11 =	vmul.f32 v11, v16  }
0x45e: {  	[tilespmem:$0x17A30] =	vst v6;
	v56 =	vadd.f32 v9, v5;
	v61 =	vmul.f32 v12, v3  }
0x45f: {  	[tilespmem:$0x179C0] =	vst v54;
	v53 =	vmul.f32 v8, v2;
	v62 =	vadd.f32 v58, v4;
	v59 =	vmul.f32 v11, v55  }
0x460: {  	[tilespmem:$0x17A40] =	vst v56;
	v8 =	vmul.f32 v8, v3;
	v63 =	vadd.f32 v61, v5  }
0x461: {  	v57 =	vadd.f32 v53, v4;
	[tilespmem:$0x179E0] =	vst v62;
	v2 =	vmul.f32 v59, v2  }
0x462: {  	v60 =	vadd.f32 v8, v5;
	[tilespmem:$0x17A60] =	vst v63;
	v3 =	vmul.f32 v59, v3  }
0x463: {  	[tilespmem:$0x179D0] =	vst v57;
	v2 =	vadd.f32 v2, v4  }
0x464: {  	[tilespmem:$0x17A50] =	vst v60;
	v3 =	vadd.f32 v3, v5  }
0x465: {  	[tilespmem:$0x179F0] =	vst v2  }
0x466: {  	[tilespmem:$0x17A70] =	vst v3  }
0x467: {  	[hbm4b:s6+s4] =	stream.linear.scatter [tilespmem:s0], [sflag:$0x7], $0x80, $0x38;
	[tilespmem:$0x17B00] =	vst v63  }
0x468: {  	s3 =	sadd.s32 $0x1, s3;
	_ =	swait.ge [sflag:s9], $0x80  }
0x469: {  	p0 =	sne.s32 s3, s8;
	[sflag:s9] =	ssyncset.done $0x0  }
.Ltmp9:
0x46a: {  	[sflag:s9] =	ssyncadd.s32 $0xFFFFFF80;
	(pc) =	sbr.rel @p0 .LBB2_1-.Ltmp9, $4  }
0x46b: {  	[hbm4b:s7+s4] =	stream.linear.scatter [tilespmem:s2], [sflag:$0x7], $0x80, $0x38;
	[tilespmem:$0x17B00] =	vst v63  }
0x46c: {  	_ =	swait.ge [sflag:s9], $0x80  }
0x46d: {  	[sflag:s9] =	ssyncset.done $0x0  }
0x46e: {  	[sflag:s9] =	ssyncadd.s32 $0xFFFFFF80  }
0x46f: {  	_ =	sfence.sel $0x180000  }
0x470: {  	[bflag:$0x0] =	sbarrier.arrive $0xFFFF  }
0x471: {  	_ =	strace $0x90000047  }
0x472: {  	s0 =	stileid.u32;
	[bflag:$0x2] =	sbarrier.arrive $0xFFFF  }
0x473: {  	p0 =	sne.s32 s0, $0x0;
	s0 =	rddreg [dreg:$0x3]  }
0x474: {  	s0 =	sadd.s32 @!p0 $0x100000, s0  }
0x475: {  	[sflag:s0] =	ssyncadd.tile.s32 @!p0 $0x1;
	_ =	shalt  }
.Lfunc_end2:
_tile_overlayer_lowered:
.L_overlay_start_2:
0x476: {  	(tag) =	ssettag $0x2  }
0x477: {  	s0 =	rddreg [dreg:$0x0];
	s2 =	stileid.u32  }
0x478: {  	s1 =	rddreg [dreg:$0x1];
	p0 =	sne.s32 s2, $0x0  }
0x479: {  	s3 =	rddreg [dreg:$0x2];
	[bflag:$0x3] =	sbarrier.arrive $0xFFFF;
	s2 =	simm.s32 @!p0 $0x1C07  }
0x47a: {  	[timem:s3], [sflag:s2] =	dma.local @!p0 [hbm:s0], s1  }
0x47b: {  	s0 =	simm.s32 @!p0 $0x7  }
0x47c: {  	_ =	swait.ge @!p0 [sflag:s0], s1  }
0x47d: {  	s1 =	ssub.s32 @!p0 $0x0, s1;
	[sflag:s0] =	ssyncset.done @!p0 $0x0  }
0x47e: {  	[sflag:s0] =	ssyncadd.s32 @!p0 s1  }
0x47f: {  	[bflag:$0x3] =	sbarrier.arrive $0xFFFF  }
0x480: {  	_ =	shalt  }

</sc_bundles>
